<compile_context>
chip_gen: v7x
topology: tpu7x:2x2x1
jax: 0.10.2.dev20260603
libtpu: 0.0.44.dev20260713+nightly
codegen_flags: <defaults>
</compile_context>

<pallas_src>
import jax
import jax.numpy as jnp
from jax import lax
from jax.experimental import pallas as pl
from jax.experimental.pallas import tpu as pltpu
from jax.experimental.pallas import tpu_sc as plsc

_M = 1024
_N = 4
_TOT = _M * _N
_K = 128
_GAMMA = 0.5
_EPS = 0.5
_BSZ = 16
_NT = 16
_CHUNK = _TOT // _NT
_GPT = _M // _NT
_NV = _CHUNK // 16
_BIG = 3.4e38


def _za_body(x_ref, wa_ref, ba_ref, out_ref):
    acc = lax.dot_general(x_ref[...], wa_ref[...],
                          (((1,), (1,)), ((), ())),
                          preferred_element_type=jnp.float32)
    out_ref[...] = acc + ba_ref[...]


def _pred_body(y_ref, wd_ref, bd_ref, out_ref):
    acc = lax.dot_general(y_ref[...], wd_ref[...],
                          (((1,), (1,)), ((), ())),
                          preferred_element_type=jnp.float32)
    out_ref[...] = acc + bd_ref[...]


def _tanh_via_exp(v):
    return 1.0 - 2.0 / (jnp.exp(2.0 * v) + 1.0)


def _sc_body(za_hbm, wg_hbm, bb_hbm,
             y_hbm, xb_hbm, phi_hbm, psi_hbm,
             za_v, bb_v, u_v, psi_v, phi_v, sig_v,
             sstar_v, lam_v, jstar_v, yrow_v, jj_v, dv_v, dphi_v,
             lamall_v, jall_v, dvall_v,
             cidx_v, cidxb_v, cdv_v, rowsa_v, rowsb_v, red_v, tmp_v,
             sh_red, sh_lam, sh_j, sh_dv,
             *dma_sems):
    wid = lax.axis_index("s")
    lanes = lax.iota(jnp.int32, 16)
    zeros16 = jnp.zeros((16,), jnp.float32)

    pltpu.sync_copy(bb_hbm.at[wid], bb_v)
    pltpu.sync_copy(za_hbm.at[wid], za_v)
    for k in range(_NV):
        u_v[pl.ds(k * 16, 16)] = zeros16
        psi_v[pl.ds(k * 16, 16)] = zeros16
        phi_v[pl.ds(k * 16, 16)] = zeros16
    for k in range(_K // 16):
        cidx_v[pl.ds(k * 16, 16)] = jnp.zeros((16,), jnp.int32)

    def step(i, s_carry):
        s = s_carry
        alpha = jnp.where(s == 0.0, jnp.float32(1.0), s)
        inv_a = 1.0 / (jnp.full((16,), 1.0) * alpha)

        mnv = jnp.full((16,), _BIG)
        for k in range(_NV):
            zav = za_v[pl.ds(i * _CHUNK + k * 16, 16)]
            sg = (zav + u_v[pl.ds(k * 16, 16)] * inv_a
                  + bb_v[pl.ds(k * 16, 16)])
            sig_v[pl.ds(k * 16, 16)] = sg
            mnv = jnp.minimum(mnv, sg)
        tmp_v[...] = mnv
        pltpu.sync_copy(tmp_v, sh_red.at[wid])
        plsc.subcore_barrier()

        pltpu.sync_copy(sh_red, red_v)
        gm = jnp.full((16,), _BIG)
        for t in range(_NT):
            gm = jnp.minimum(gm, red_v[t])
        gmin = jnp.min(gm)

        for k in range(_GPT // 16):
            base = (k * 16 + lanes) * 4
            best = jnp.full((16,), -_BIG)
            beststar = zeros16
            bestj = jnp.zeros((16,), jnp.int32)
            for n in range(_N):
                sgn = plsc.load_gather(sig_v, [base + n])
                phn = plsc.load_gather(phi_v, [base + n])
                pin = (1.0 - phn) * (sgn - gmin + 1.0)
                upd = pin > best
                best = jnp.where(upd, pin, best)
                beststar = jnp.where(upd, sgn, beststar)
                bestj = jnp.where(upd, base + n, bestj)
            lam_v[pl.ds(k * 16, 16)] = best
            sstar_v[pl.ds(k * 16, 16)] = beststar
            jstar_v[pl.ds(k * 16, 16)] = bestj
        pltpu.sync_copy(lam_v, sh_lam.at[pl.ds(wid * _GPT, _GPT)])
        plsc.subcore_barrier()

        pltpu.sync_copy(sh_lam, lamall_v)

        def bit_iter(bi, t_acc):
            cand = t_acc | (jnp.int32(1) << (30 - bi))

            def cnt_iter(k, cv):
                b = plsc.bitcast(lamall_v[pl.ds(k * 16, 16)], jnp.int32)
                return cv + jnp.where(b >= cand, 1.0, 0.0)

            cv = lax.fori_loop(0, _M // 16, cnt_iter, zeros16, unroll=8)
            return jnp.where(jnp.sum(cv) >= jnp.float32(_K), cand, t_acc)

        thr = lax.fori_loop(0, 31, bit_iter, jnp.int32(0))

        for k in range(_GPT // 16):
            sl = pl.ds(k * 16, 16)
            sel = plsc.bitcast(lam_v[sl], jnp.int32) >= thr
            self_f = jnp.where(sel, 1.0, 0.0)
            yv = _tanh_via_exp(sstar_v[sl]) * self_f
            yrow_v[sl] = jnp.maximum(yv, 0.0)
            jst = jstar_v[sl]
            psj = plsc.load_gather(psi_v, [jst])
            phj = plsc.load_gather(phi_v, [jst])
            dv_v[sl] = jnp.maximum(yv - psj * _EPS, 0.0)
            dphi_v[sl] = jnp.maximum(yv - phj * _GAMMA, 0.0)
            jj_v[sl] = jst + wid * _CHUNK
        pltpu.sync_copy(jj_v, sh_j.at[pl.ds(wid * _GPT, _GPT)])
        pltpu.sync_copy(dv_v, sh_dv.at[pl.ds(wid * _GPT, _GPT)])

        for k in range(_NV):
            sl = pl.ds(k * 16, 16)
            psi_v[sl] = psi_v[sl] * _EPS
            phi_v[sl] = phi_v[sl] * _GAMMA
        for k in range(_GPT // 16):
            sl = pl.ds(k * 16, 16)
            jst = jstar_v[sl]
            plsc.addupdate_scatter(psi_v, [jst], dv_v[sl])
            plsc.addupdate_scatter(phi_v, [jst], dphi_v[sl])
        plsc.subcore_barrier()

        pltpu.sync_copy(sh_j, jall_v)
        pltpu.sync_copy(sh_dv, dvall_v)
        for k in range(_K // 16):
            cdv_v[pl.ds(k * 16, 16)] = zeros16

        def comp_iter(k, carry):
            cntf, sumd = carry
            dv = dvall_v[pl.ds(k * 16, 16)]
            jv = jall_v[pl.ds(k * 16, 16)]
            m = dv > 0.0
            mi = jnp.where(m, 1, 0).astype(jnp.int32)
            pos = cntf.astype(jnp.int32) + plsc.cumsum(mi) - 1
            gidx = jv * (2 * _NT) + 2 * wid
            plsc.store_scatter(cidx_v, [pos], gidx, mask=m)
            plsc.store_scatter(cdv_v, [pos], dv, mask=m)
            return (cntf + jnp.sum(jnp.where(m, 1.0, 0.0)),
                    sumd + jnp.sum(dv))

        _, sumd = lax.fori_loop(0, _M // 16, comp_iter,
                                (jnp.float32(0.0), jnp.float32(0.0)))

        for k in range(_K // 16):
            cidxb_v[pl.ds(k * 16, 16)] = (
                cidx_v[pl.ds(k * 16, 16)] + jnp.int32(1))
        nch = _K // 32
        descs = []
        for ch in range(nch):
            descs.append((
                pltpu.async_copy(wg_hbm.at[cidx_v.at[pl.ds(ch * 32, 32)]],
                                 rowsa_v.at[pl.ds(ch * 32, 32)],
                                 dma_sems[2 * ch]),
                pltpu.async_copy(wg_hbm.at[cidxb_v.at[pl.ds(ch * 32, 32)]],
                                 rowsb_v.at[pl.ds(ch * 32, 32)],
                                 dma_sems[2 * ch + 1]),
            ))

        def acc_iter(r, accs):
            wv = plsc.load_gather(cdv_v, [jnp.full((16,), r, jnp.int32)])
            new = [accs[k] + wv * rowsa_v[r, pl.ds(k * 16, 16)]
                   for k in range(_NV // 2)]
            new += [accs[_NV // 2 + k] + wv * rowsb_v[r, pl.ds(k * 16, 16)]
                    for k in range(_NV // 2)]
            return tuple(new)

        accs = tuple(u_v[pl.ds(k * 16, 16)] * _EPS for k in range(_NV // 2))
        accs = accs + tuple(
            u_v[pl.ds((_NV // 2 + k) * 16, 16)] * _EPS
            for k in range(_NV // 2))
        for ch in range(nch):
            descs[ch][0].wait()
            descs[ch][1].wait()
            accs = lax.fori_loop(ch * 32, (ch + 1) * 32, acc_iter, accs,
                                 unroll=2)
        for k in range(_NV):
            u_v[pl.ds(k * 16, 16)] = accs[k]

        pltpu.sync_copy(yrow_v, y_hbm.at[i, wid])
        return _EPS * s + sumd

    s_fin = lax.fori_loop(0, _BSZ, step, jnp.float32(0.0))

    alpha_f = jnp.where(s_fin == 0.0, jnp.float32(1.0), s_fin)
    inv_f = 1.0 / (jnp.full((16,), 1.0) * alpha_f)
    for k in range(_NV):
        sig_v[pl.ds(k * 16, 16)] = psi_v[pl.ds(k * 16, 16)] * inv_f
    pltpu.sync_copy(sig_v, xb_hbm.at[wid])
    pltpu.sync_copy(phi_v, phi_hbm.at[wid])
    pltpu.sync_copy(psi_v, psi_hbm.at[wid])


def _run_sc(za_t, wg, bb_t):
    mesh = plsc.VectorSubcoreMesh(core_axis_name="c", subcore_axis_name="s",
                                  num_cores=1, num_subcores=_NT)
    f = pl.kernel(
        _sc_body,
        out_type=(
            jax.ShapeDtypeStruct((_BSZ, _NT, _GPT), jnp.float32),
            jax.ShapeDtypeStruct((_NT, _CHUNK), jnp.float32),
            jax.ShapeDtypeStruct((_NT, _CHUNK), jnp.float32),
            jax.ShapeDtypeStruct((_NT, _CHUNK), jnp.float32),
        ),
        mesh=mesh,
        compiler_params=pltpu.CompilerParams(
            needs_layout_passes=False, use_tc_tiling_on_sc=False),
        scratch_types=[
            pltpu.VMEM((_BSZ * _CHUNK,), jnp.float32),
            pltpu.VMEM((_CHUNK,), jnp.float32),
            pltpu.VMEM((_CHUNK,), jnp.float32),
            pltpu.VMEM((_CHUNK,), jnp.float32),
            pltpu.VMEM((_CHUNK,), jnp.float32),
            pltpu.VMEM((_CHUNK,), jnp.float32),
            pltpu.VMEM((_GPT,), jnp.float32),
            pltpu.VMEM((_GPT,), jnp.float32),
            pltpu.VMEM((_GPT,), jnp.int32),
            pltpu.VMEM((_GPT,), jnp.float32),
            pltpu.VMEM((_GPT,), jnp.int32),
            pltpu.VMEM((_GPT,), jnp.float32),
            pltpu.VMEM((_GPT,), jnp.float32),
            pltpu.VMEM((_M,), jnp.float32),
            pltpu.VMEM((_M,), jnp.int32),
            pltpu.VMEM((_M,), jnp.float32),
            pltpu.VMEM((_K,), jnp.int32),
            pltpu.VMEM((_K,), jnp.int32),
            pltpu.VMEM((_K,), jnp.float32),
            pltpu.VMEM((_K, _CHUNK // 2), jnp.float32),
            pltpu.VMEM((_K, _CHUNK // 2), jnp.float32),
            pltpu.VMEM((_NT, 16), jnp.float32),
            pltpu.VMEM((16,), jnp.float32),
            pltpu.VMEM_SHARED((_NT, 16), jnp.float32),
            pltpu.VMEM_SHARED((_M,), jnp.float32),
            pltpu.VMEM_SHARED((_M,), jnp.int32),
            pltpu.VMEM_SHARED((_M,), jnp.float32),
            pltpu.SemaphoreType.DMA,
            pltpu.SemaphoreType.DMA,
            pltpu.SemaphoreType.DMA,
            pltpu.SemaphoreType.DMA,
            pltpu.SemaphoreType.DMA,
            pltpu.SemaphoreType.DMA,
            pltpu.SemaphoreType.DMA,
            pltpu.SemaphoreType.DMA,
        ],
    )
    return f(za_t, wg, bb_t)


def kernel(batch_x, W_a, b_a, W_b, b_b, W_d, b_d):
    za = pl.pallas_call(
        _za_body,
        out_shape=jax.ShapeDtypeStruct((_BSZ, _M), jnp.float32),
    )(batch_x, W_a, b_a.reshape(1, _M))

    wg = W_b.T.reshape(_TOT * _NT * 2, _CHUNK // 2)
    za4 = jnp.repeat(za, _N, axis=1)
    za_t = (za4.reshape(_BSZ, _NT, _CHUNK).transpose(1, 0, 2)
            .reshape(_NT, _BSZ * _CHUNK))
    bb_t = b_b.reshape(_NT, _CHUNK)

    y_out, xb_out, phi_out, psi_out = _run_sc(za_t, wg, bb_t)

    preds = pl.pallas_call(
        _pred_body,
        out_shape=jax.ShapeDtypeStruct((_BSZ, 1024), jnp.float32),
    )(y_out.reshape(_BSZ, _M), W_d, b_d.reshape(1, 1024))

    xb = xb_out.reshape(_TOT)
    phi = phi_out.reshape(_M, _N)
    psi = psi_out.reshape(_M, _N)
    return preds, xb, phi, psi

# --- scband reference (transcript-rebuilt; emitter-appended) ---
"""Pipeline reference for scband-rsmlayer-47734266528347 (READ-ONLY COPY).

The authoritative reference and input builder live on the scoring server;
editing this copy changes nothing except your own understanding.
"""

import jax, jax.numpy as jnp
import numpy as np

D_IN = 1024
M = 1024
N = 4
K = 25 if False else 128
GAMMA = 0.5
EPS = 0.5
TOTAL = M * N


def _uniform(key, shape, fan_in):
    bound = 1.0 / np.sqrt(fan_in)
    return jax.random.uniform(key, shape, dtype=jnp.float32, minval=-bound, maxval=bound)


def setup_inputs(seed: int = 0) -> dict:
    key = jax.random.key(seed)
    ks = jax.random.split(key, 8)
    batch_x = jax.random.normal(ks[0], (16, D_IN), dtype=jnp.float32)
    W_a = _uniform(ks[1], (M, D_IN), D_IN)
    b_a = _uniform(ks[2], (M,), D_IN)
    W_b = _uniform(ks[3], (TOTAL, TOTAL), TOTAL)
    b_b = _uniform(ks[4], (TOTAL,), TOTAL)
    W_d = _uniform(ks[5], (D_IN, M), M)
    b_d = _uniform(ks[6], (D_IN,), M)
    return {"batch_x": batch_x, "W_a": W_a, "b_a": b_a, "W_b": W_b, "b_b": b_b, "W_d": W_d, "b_d": b_d}


def _topk_mask_vec(a, k):
    # 1 for top-k elements of 1D vector a, 0 otherwise (scatter of ones at topk indices)
    _, idx = jax.lax.top_k(a, k)
    return jnp.zeros_like(a).at[idx].set(1.0)


def reference(batch_x, W_a, b_a, W_b, b_b, W_d, b_d):
    x_b = jnp.zeros((TOTAL,), dtype=batch_x.dtype)
    phi = jnp.zeros((M, N), dtype=batch_x.dtype)
    psi = jnp.zeros((M, N), dtype=batch_x.dtype)
    preds = []
    bsz = batch_x.shape[0]
    for i in range(bsz):
        x = batch_x[i].reshape(-1)
        # _fc_weighted_ave: z_a broadcast over n cells per group + z_b per cell
        z_a = W_a @ x + b_a                       # (M,)
        sigma = jnp.tile(z_a[:, None], (1, N))    # (M, N)
        sigma = sigma + (W_b @ x_b + b_b).reshape(M, N)
        # _inhibited_masking_and_prediction
        pi = (1.0 - phi) * (sigma - sigma.min() + 1.0)
        lambda_i = pi.max(axis=1)                 # group max (M,)
        # topk_mask(pi, 1, dim=1): one-hot of per-row argmax
        M_pi = jax.nn.one_hot(jnp.argmax(pi, axis=1), N, dtype=sigma.dtype)
        # topk_mask(lambda_i, k, dim=0) broadcast to (M, N)
        M_lambda = jnp.tile(_topk_mask_vec(lambda_i, K)[:, None], (1, N))
        y = jnp.tanh(M_pi * M_lambda * sigma)
        x_a_pred = W_d @ y.max(axis=1) + b_d
        # _update_memory_and_inhibition
        psi = jnp.maximum(psi * EPS, y)
        phi = jnp.maximum(phi * GAMMA, y)
        alpha = psi.sum()
        alpha = jnp.where(alpha == 0.0, jnp.ones_like(alpha), alpha)
        x_b = (psi / alpha).reshape(-1)
        # per-step detach of carried state
        x_b = jax.lax.stop_gradient(x_b)
        phi = jax.lax.stop_gradient(phi)
        psi = jax.lax.stop_gradient(psi)
        preds.append(x_a_pred)
    return jnp.stack(preds), x_b, phi, psi

if __name__ == "__main__":
    import jax
    _d = setup_inputs()
    print(jax.jit(kernel)(*tuple(_d.values())))

</pallas_src>

<mosaic_0001>
#map = affine_map<(d0, d1) -> (0, 0)>
#map1 = affine_map<(d0, d1) -> (0, 0, 0)>
module attributes {stable_mosaic.version = 14 : i64} {
  func.func @_sc_body(%arg0: i32, %arg1: i32, %arg2: memref<16x4096xf32, #tpu.memory_space<hbm>>, %arg3: memref<131072x128xf32, #tpu.memory_space<hbm>>, %arg4: memref<16x256xf32, #tpu.memory_space<hbm>>, %arg5: memref<16x16x64xf32, #tpu.memory_space<hbm>>, %arg6: memref<16x256xf32, #tpu.memory_space<hbm>>, %arg7: memref<16x256xf32, #tpu.memory_space<hbm>>, %arg8: memref<16x256xf32, #tpu.memory_space<hbm>>, %arg9: memref<4096xf32, #tpu.memory_space<vmem>>, %arg10: memref<256xf32, #tpu.memory_space<vmem>>, %arg11: memref<256xf32, #tpu.memory_space<vmem>>, %arg12: memref<256xf32, #tpu.memory_space<vmem>>, %arg13: memref<256xf32, #tpu.memory_space<vmem>>, %arg14: memref<256xf32, #tpu.memory_space<vmem>>, %arg15: memref<64xf32, #tpu.memory_space<vmem>>, %arg16: memref<64xf32, #tpu.memory_space<vmem>>, %arg17: memref<64xi32, #tpu.memory_space<vmem>>, %arg18: memref<64xf32, #tpu.memory_space<vmem>>, %arg19: memref<64xi32, #tpu.memory_space<vmem>>, %arg20: memref<64xf32, #tpu.memory_space<vmem>>, %arg21: memref<64xf32, #tpu.memory_space<vmem>>, %arg22: memref<1024xf32, #tpu.memory_space<vmem>>, %arg23: memref<1024xi32, #tpu.memory_space<vmem>>, %arg24: memref<1024xf32, #tpu.memory_space<vmem>>, %arg25: memref<128xi32, #tpu.memory_space<vmem>>, %arg26: memref<128xi32, #tpu.memory_space<vmem>>, %arg27: memref<128xf32, #tpu.memory_space<vmem>>, %arg28: memref<128x128xf32, #tpu.memory_space<vmem>>, %arg29: memref<128x128xf32, #tpu.memory_space<vmem>>, %arg30: memref<16x16xf32, #tpu.memory_space<vmem>>, %arg31: memref<16xf32, #tpu.memory_space<vmem>>, %arg32: memref<16x16xf32, #tpu.memory_space<vmem_shared>>, %arg33: memref<1024xf32, #tpu.memory_space<vmem_shared>>, %arg34: memref<1024xi32, #tpu.memory_space<vmem_shared>>, %arg35: memref<1024xf32, #tpu.memory_space<vmem_shared>>, %arg36: memref<!tpu.dma_semaphore, #tpu.memory_space<semaphore_mem>>, %arg37: memref<!tpu.dma_semaphore, #tpu.memory_space<semaphore_mem>>, %arg38: memref<!tpu.dma_semaphore, #tpu.memory_space<semaphore_mem>>, %arg39: memref<!tpu.dma_semaphore, #tpu.memory_space<semaphore_mem>>, %arg40: memref<!tpu.dma_semaphore, #tpu.memory_space<semaphore_mem>>, %arg41: memref<!tpu.dma_semaphore, #tpu.memory_space<semaphore_mem>>, %arg42: memref<!tpu.dma_semaphore, #tpu.memory_space<semaphore_mem>>, %arg43: memref<!tpu.dma_semaphore, #tpu.memory_space<semaphore_mem>>) attributes {dimension_semantics = [#tpu.dimension_semantics<core_parallel>, #tpu.dimension_semantics<subcore_parallel>], iteration_bounds = array<i64: 1, 16>, scalar_prefetch = 0 : i64, scratch_operands = 35 : i64, tpu.core_type = #tpu.core_type<sc_vector_subcore>, window_params = [{transform_indices = #map}, {transform_indices = #map}, {transform_indices = #map}, {transform_indices = #map1}, {transform_indices = #map}, {transform_indices = #map}, {transform_indices = #map}]} {
    %iota3A = tpu.iota {dimensions = array<i32: 0>} : vector<16xi32>
    %broadcast_in_dim3A = arith.constant 0.000000e+00 : f32
    %broadcast_in_dim3A_0 = vector.broadcast %broadcast_in_dim3A : f32 to vector<16xf32>
    "tpu.region"() ({
      %run_scoped3A = tpu.sem_alloc : memref<!tpu.dma_semaphore, #tpu.memory_space<semaphore_mem>>
      %dma_start3A = arith.constant 0 : i32
      %dma_start3A_219 = tpu.memref_slice %arg4[%arg1, %dma_start3A] : memref<16x256xf32, #tpu.memory_space<hbm>> -> memref<1x256xf32, #tpu.memory_space<hbm>>
      %dma_start3A_220 = tpu.memref_squeeze %dma_start3A_219 : memref<1x256xf32, #tpu.memory_space<hbm>> -> memref<256xf32, #tpu.memory_space<hbm>>
      %dma_start3A_221 = arith.constant 0 : i32
      %dma_start3A_222 = tpu.memref_slice %arg4[%arg1, %dma_start3A_221] : memref<16x256xf32, #tpu.memory_space<hbm>> -> memref<1x256xf32, #tpu.memory_space<hbm>>
      %dma_start3A_223 = tpu.memref_squeeze %dma_start3A_222 : memref<1x256xf32, #tpu.memory_space<hbm>> -> memref<256xf32, #tpu.memory_space<hbm>>
      tpu.enqueue_dma source(%dma_start3A_223 : memref<256xf32, #tpu.memory_space<hbm>>) target(%arg10 : memref<256xf32, #tpu.memory_space<vmem>>) target_semaphore(%run_scoped3A : memref<!tpu.dma_semaphore, #tpu.memory_space<semaphore_mem>>)
      %dma_wait3A = arith.constant 0 : i32
      %dma_wait3A_224 = tpu.memref_slice %arg4[%arg1, %dma_wait3A] : memref<16x256xf32, #tpu.memory_space<hbm>> -> memref<1x256xf32, #tpu.memory_space<hbm>>
      %dma_wait3A_225 = tpu.memref_squeeze %dma_wait3A_224 : memref<1x256xf32, #tpu.memory_space<hbm>> -> memref<256xf32, #tpu.memory_space<hbm>>
      %dma_wait3A_226 = arith.constant 0 : i32
      %dma_wait3A_227 = tpu.memref_slice %arg4[%arg1, %dma_wait3A_226] : memref<16x256xf32, #tpu.memory_space<hbm>> -> memref<1x256xf32, #tpu.memory_space<hbm>>
      %dma_wait3A_228 = tpu.memref_squeeze %dma_wait3A_227 : memref<1x256xf32, #tpu.memory_space<hbm>> -> memref<256xf32, #tpu.memory_space<hbm>>
      tpu.wait_dma2 semaphore(%run_scoped3A : memref<!tpu.dma_semaphore, #tpu.memory_space<semaphore_mem>>) src(%dma_wait3A_228 : memref<256xf32, #tpu.memory_space<hbm>>) dst(%arg10 : memref<256xf32, #tpu.memory_space<vmem>>)
      tpu.yield
    }) : () -> ()
    "tpu.region"() ({
      %run_scoped3A = tpu.sem_alloc : memref<!tpu.dma_semaphore, #tpu.memory_space<semaphore_mem>>
      %dma_start3A = arith.constant 0 : i32
      %dma_start3A_219 = tpu.memref_slice %arg2[%arg1, %dma_start3A] : memref<16x4096xf32, #tpu.memory_space<hbm>> -> memref<1x4096xf32, #tpu.memory_space<hbm>>
      %dma_start3A_220 = tpu.memref_squeeze %dma_start3A_219 : memref<1x4096xf32, #tpu.memory_space<hbm>> -> memref<4096xf32, #tpu.memory_space<hbm>>
      %dma_start3A_221 = arith.constant 0 : i32
      %dma_start3A_222 = tpu.memref_slice %arg2[%arg1, %dma_start3A_221] : memref<16x4096xf32, #tpu.memory_space<hbm>> -> memref<1x4096xf32, #tpu.memory_space<hbm>>
      %dma_start3A_223 = tpu.memref_squeeze %dma_start3A_222 : memref<1x4096xf32, #tpu.memory_space<hbm>> -> memref<4096xf32, #tpu.memory_space<hbm>>
      tpu.enqueue_dma source(%dma_start3A_223 : memref<4096xf32, #tpu.memory_space<hbm>>) target(%arg9 : memref<4096xf32, #tpu.memory_space<vmem>>) target_semaphore(%run_scoped3A : memref<!tpu.dma_semaphore, #tpu.memory_space<semaphore_mem>>)
      %dma_wait3A = arith.constant 0 : i32
      %dma_wait3A_224 = tpu.memref_slice %arg2[%arg1, %dma_wait3A] : memref<16x4096xf32, #tpu.memory_space<hbm>> -> memref<1x4096xf32, #tpu.memory_space<hbm>>
      %dma_wait3A_225 = tpu.memref_squeeze %dma_wait3A_224 : memref<1x4096xf32, #tpu.memory_space<hbm>> -> memref<4096xf32, #tpu.memory_space<hbm>>
      %dma_wait3A_226 = arith.constant 0 : i32
      %dma_wait3A_227 = tpu.memref_slice %arg2[%arg1, %dma_wait3A_226] : memref<16x4096xf32, #tpu.memory_space<hbm>> -> memref<1x4096xf32, #tpu.memory_space<hbm>>
      %dma_wait3A_228 = tpu.memref_squeeze %dma_wait3A_227 : memref<1x4096xf32, #tpu.memory_space<hbm>> -> memref<4096xf32, #tpu.memory_space<hbm>>
      tpu.wait_dma2 semaphore(%run_scoped3A : memref<!tpu.dma_semaphore, #tpu.memory_space<semaphore_mem>>) src(%dma_wait3A_228 : memref<4096xf32, #tpu.memory_space<hbm>>) dst(%arg9 : memref<4096xf32, #tpu.memory_space<vmem>>)
      tpu.yield
    }) : () -> ()
    %swap3A = arith.constant 0 : index
    %swap3A_1 = tpu.vector_load %arg11[%swap3A] {strides = array<i32>} : memref<256xf32, #tpu.memory_space<vmem>>, vector<16xf32>,
    tpu.vector_store %arg11[%swap3A], %broadcast_in_dim3A_0 {strides = array<i32>} : memref<256xf32, #tpu.memory_space<vmem>>, vector<16xf32>,
    %swap3A_2 = arith.constant 0 : index
    %swap3A_3 = tpu.vector_load %arg12[%swap3A_2] {strides = array<i32>} : memref<256xf32, #tpu.memory_space<vmem>>, vector<16xf32>,
    tpu.vector_store %arg12[%swap3A_2], %broadcast_in_dim3A_0 {strides = array<i32>} : memref<256xf32, #tpu.memory_space<vmem>>, vector<16xf32>,
    %swap3A_4 = arith.constant 0 : index
    %swap3A_5 = tpu.vector_load %arg13[%swap3A_4] {strides = array<i32>} : memref<256xf32, #tpu.memory_space<vmem>>, vector<16xf32>,
    tpu.vector_store %arg13[%swap3A_4], %broadcast_in_dim3A_0 {strides = array<i32>} : memref<256xf32, #tpu.memory_space<vmem>>, vector<16xf32>,
    %swap3A_6 = arith.constant 16 : index
    %swap3A_7 = tpu.vector_load %arg11[%swap3A_6] {strides = array<i32>} : memref<256xf32, #tpu.memory_space<vmem>>, vector<16xf32>,
    tpu.vector_store %arg11[%swap3A_6], %broadcast_in_dim3A_0 {strides = array<i32>} : memref<256xf32, #tpu.memory_space<vmem>>, vector<16xf32>,
    %swap3A_8 = arith.constant 16 : index
    %swap3A_9 = tpu.vector_load %arg12[%swap3A_8] {strides = array<i32>} : memref<256xf32, #tpu.memory_space<vmem>>, vector<16xf32>,
    tpu.vector_store %arg12[%swap3A_8], %broadcast_in_dim3A_0 {strides = array<i32>} : memref<256xf32, #tpu.memory_space<vmem>>, vector<16xf32>,
    %swap3A_10 = arith.constant 16 : index
    %swap3A_11 = tpu.vector_load %arg13[%swap3A_10] {strides = array<i32>} : memref<256xf32, #tpu.memory_space<vmem>>, vector<16xf32>,
    tpu.vector_store %arg13[%swap3A_10], %broadcast_in_dim3A_0 {strides = array<i32>} : memref<256xf32, #tpu.memory_space<vmem>>, vector<16xf32>,
    %swap3A_12 = arith.constant 32 : index
    %swap3A_13 = tpu.vector_load %arg11[%swap3A_12] {strides = array<i32>} : memref<256xf32, #tpu.memory_space<vmem>>, vector<16xf32>,
    tpu.vector_store %arg11[%swap3A_12], %broadcast_in_dim3A_0 {strides = array<i32>} : memref<256xf32, #tpu.memory_space<vmem>>, vector<16xf32>,
    %swap3A_14 = arith.constant 32 : index
    %swap3A_15 = tpu.vector_load %arg12[%swap3A_14] {strides = array<i32>} : memref<256xf32, #tpu.memory_space<vmem>>, vector<16xf32>,
    tpu.vector_store %arg12[%swap3A_14], %broadcast_in_dim3A_0 {strides = array<i32>} : memref<256xf32, #tpu.memory_space<vmem>>, vector<16xf32>,
    %swap3A_16 = arith.constant 32 : index
    %swap3A_17 = tpu.vector_load %arg13[%swap3A_16] {strides = array<i32>} : memref<256xf32, #tpu.memory_space<vmem>>, vector<16xf32>,
    tpu.vector_store %arg13[%swap3A_16], %broadcast_in_dim3A_0 {strides = array<i32>} : memref<256xf32, #tpu.memory_space<vmem>>, vector<16xf32>,
    %swap3A_18 = arith.constant 48 : index
    %swap3A_19 = tpu.vector_load %arg11[%swap3A_18] {strides = array<i32>} : memref<256xf32, #tpu.memory_space<vmem>>, vector<16xf32>,
    tpu.vector_store %arg11[%swap3A_18], %broadcast_in_dim3A_0 {strides = array<i32>} : memref<256xf32, #tpu.memory_space<vmem>>, vector<16xf32>,
    %swap3A_20 = arith.constant 48 : index
    %swap3A_21 = tpu.vector_load %arg12[%swap3A_20] {strides = array<i32>} : memref<256xf32, #tpu.memory_space<vmem>>, vector<16xf32>,
    tpu.vector_store %arg12[%swap3A_20], %broadcast_in_dim3A_0 {strides = array<i32>} : memref<256xf32, #tpu.memory_space<vmem>>, vector<16xf32>,
    %swap3A_22 = arith.constant 48 : index
    %swap3A_23 = tpu.vector_load %arg13[%swap3A_22] {strides = array<i32>} : memref<256xf32, #tpu.memory_space<vmem>>, vector<16xf32>,
    tpu.vector_store %arg13[%swap3A_22], %broadcast_in_dim3A_0 {strides = array<i32>} : memref<256xf32, #tpu.memory_space<vmem>>, vector<16xf32>,
    %swap3A_24 = arith.constant 64 : index
    %swap3A_25 = tpu.vector_load %arg11[%swap3A_24] {strides = array<i32>} : memref<256xf32, #tpu.memory_space<vmem>>, vector<16xf32>,
    tpu.vector_store %arg11[%swap3A_24], %broadcast_in_dim3A_0 {strides = array<i32>} : memref<256xf32, #tpu.memory_space<vmem>>, vector<16xf32>,
    %swap3A_26 = arith.constant 64 : index
    %swap3A_27 = tpu.vector_load %arg12[%swap3A_26] {strides = array<i32>} : memref<256xf32, #tpu.memory_space<vmem>>, vector<16xf32>,
    tpu.vector_store %arg12[%swap3A_26], %broadcast_in_dim3A_0 {strides = array<i32>} : memref<256xf32, #tpu.memory_space<vmem>>, vector<16xf32>,
    %swap3A_28 = arith.constant 64 : index
    %swap3A_29 = tpu.vector_load %arg13[%swap3A_28] {strides = array<i32>} : memref<256xf32, #tpu.memory_space<vmem>>, vector<16xf32>,
    tpu.vector_store %arg13[%swap3A_28], %broadcast_in_dim3A_0 {strides = array<i32>} : memref<256xf32, #tpu.memory_space<vmem>>, vector<16xf32>,
    %swap3A_30 = arith.constant 80 : index
    %swap3A_31 = tpu.vector_load %arg11[%swap3A_30] {strides = array<i32>} : memref<256xf32, #tpu.memory_space<vmem>>, vector<16xf32>,
    tpu.vector_store %arg11[%swap3A_30], %broadcast_in_dim3A_0 {strides = array<i32>} : memref<256xf32, #tpu.memory_space<vmem>>, vector<16xf32>,
    %swap3A_32 = arith.constant 80 : index
    %swap3A_33 = tpu.vector_load %arg12[%swap3A_32] {strides = array<i32>} : memref<256xf32, #tpu.memory_space<vmem>>, vector<16xf32>,
    tpu.vector_store %arg12[%swap3A_32], %broadcast_in_dim3A_0 {strides = array<i32>} : memref<256xf32, #tpu.memory_space<vmem>>, vector<16xf32>,
    %swap3A_34 = arith.constant 80 : index
    %swap3A_35 = tpu.vector_load %arg13[%swap3A_34] {strides = array<i32>} : memref<256xf32, #tpu.memory_space<vmem>>, vector<16xf32>,
    tpu.vector_store %arg13[%swap3A_34], %broadcast_in_dim3A_0 {strides = array<i32>} : memref<256xf32, #tpu.memory_space<vmem>>, vector<16xf32>,
    %swap3A_36 = arith.constant 96 : index
    %swap3A_37 = tpu.vector_load %arg11[%swap3A_36] {strides = array<i32>} : memref<256xf32, #tpu.memory_space<vmem>>, vector<16xf32>,
    tpu.vector_store %arg11[%swap3A_36], %broadcast_in_dim3A_0 {strides = array<i32>} : memref<256xf32, #tpu.memory_space<vmem>>, vector<16xf32>,
    %swap3A_38 = arith.constant 96 : index
    %swap3A_39 = tpu.vector_load %arg12[%swap3A_38] {strides = array<i32>} : memref<256xf32, #tpu.memory_space<vmem>>, vector<16xf32>,
    tpu.vector_store %arg12[%swap3A_38], %broadcast_in_dim3A_0 {strides = array<i32>} : memref<256xf32, #tpu.memory_space<vmem>>, vector<16xf32>,
    %swap3A_40 = arith.constant 96 : index
    %swap3A_41 = tpu.vector_load %arg13[%swap3A_40] {strides = array<i32>} : memref<256xf32, #tpu.memory_space<vmem>>, vector<16xf32>,
    tpu.vector_store %arg13[%swap3A_40], %broadcast_in_dim3A_0 {strides = array<i32>} : memref<256xf32, #tpu.memory_space<vmem>>, vector<16xf32>,
    %swap3A_42 = arith.constant 112 : index
    %swap3A_43 = tpu.vector_load %arg11[%swap3A_42] {strides = array<i32>} : memref<256xf32, #tpu.memory_space<vmem>>, vector<16xf32>,
    tpu.vector_store %arg11[%swap3A_42], %broadcast_in_dim3A_0 {strides = array<i32>} : memref<256xf32, #tpu.memory_space<vmem>>, vector<16xf32>,
    %swap3A_44 = arith.constant 112 : index
    %swap3A_45 = tpu.vector_load %arg12[%swap3A_44] {strides = array<i32>} : memref<256xf32, #tpu.memory_space<vmem>>, vector<16xf32>,
    tpu.vector_store %arg12[%swap3A_44], %broadcast_in_dim3A_0 {strides = array<i32>} : memref<256xf32, #tpu.memory_space<vmem>>, vector<16xf32>,
    %swap3A_46 = arith.constant 112 : index
    %swap3A_47 = tpu.vector_load %arg13[%swap3A_46] {strides = array<i32>} : memref<256xf32, #tpu.memory_space<vmem>>, vector<16xf32>,
    tpu.vector_store %arg13[%swap3A_46], %broadcast_in_dim3A_0 {strides = array<i32>} : memref<256xf32, #tpu.memory_space<vmem>>, vector<16xf32>,
    %swap3A_48 = arith.constant 128 : index
    %swap3A_49 = tpu.vector_load %arg11[%swap3A_48] {strides = array<i32>} : memref<256xf32, #tpu.memory_space<vmem>>, vector<16xf32>,
    tpu.vector_store %arg11[%swap3A_48], %broadcast_in_dim3A_0 {strides = array<i32>} : memref<256xf32, #tpu.memory_space<vmem>>, vector<16xf32>,
    %swap3A_50 = arith.constant 128 : index
    %swap3A_51 = tpu.vector_load %arg12[%swap3A_50] {strides = array<i32>} : memref<256xf32, #tpu.memory_space<vmem>>, vector<16xf32>,
    tpu.vector_store %arg12[%swap3A_50], %broadcast_in_dim3A_0 {strides = array<i32>} : memref<256xf32, #tpu.memory_space<vmem>>, vector<16xf32>,
    %swap3A_52 = arith.constant 128 : index
    %swap3A_53 = tpu.vector_load %arg13[%swap3A_52] {strides = array<i32>} : memref<256xf32, #tpu.memory_space<vmem>>, vector<16xf32>,
    tpu.vector_store %arg13[%swap3A_52], %broadcast_in_dim3A_0 {strides = array<i32>} : memref<256xf32, #tpu.memory_space<vmem>>, vector<16xf32>,
    %swap3A_54 = arith.constant 144 : index
    %swap3A_55 = tpu.vector_load %arg11[%swap3A_54] {strides = array<i32>} : memref<256xf32, #tpu.memory_space<vmem>>, vector<16xf32>,
    tpu.vector_store %arg11[%swap3A_54], %broadcast_in_dim3A_0 {strides = array<i32>} : memref<256xf32, #tpu.memory_space<vmem>>, vector<16xf32>,
    %swap3A_56 = arith.constant 144 : index
    %swap3A_57 = tpu.vector_load %arg12[%swap3A_56] {strides = array<i32>} : memref<256xf32, #tpu.memory_space<vmem>>, vector<16xf32>,
    tpu.vector_store %arg12[%swap3A_56], %broadcast_in_dim3A_0 {strides = array<i32>} : memref<256xf32, #tpu.memory_space<vmem>>, vector<16xf32>,
    %swap3A_58 = arith.constant 144 : index
    %swap3A_59 = tpu.vector_load %arg13[%swap3A_58] {strides = array<i32>} : memref<256xf32, #tpu.memory_space<vmem>>, vector<16xf32>,
    tpu.vector_store %arg13[%swap3A_58], %broadcast_in_dim3A_0 {strides = array<i32>} : memref<256xf32, #tpu.memory_space<vmem>>, vector<16xf32>,
    %swap3A_60 = arith.constant 160 : index
    %swap3A_61 = tpu.vector_load %arg11[%swap3A_60] {strides = array<i32>} : memref<256xf32, #tpu.memory_space<vmem>>, vector<16xf32>,
    tpu.vector_store %arg11[%swap3A_60], %broadcast_in_dim3A_0 {strides = array<i32>} : memref<256xf32, #tpu.memory_space<vmem>>, vector<16xf32>,
    %swap3A_62 = arith.constant 160 : index
    %swap3A_63 = tpu.vector_load %arg12[%swap3A_62] {strides = array<i32>} : memref<256xf32, #tpu.memory_space<vmem>>, vector<16xf32>,
    tpu.vector_store %arg12[%swap3A_62], %broadcast_in_dim3A_0 {strides = array<i32>} : memref<256xf32, #tpu.memory_space<vmem>>, vector<16xf32>,
    %swap3A_64 = arith.constant 160 : index
    %swap3A_65 = tpu.vector_load %arg13[%swap3A_64] {strides = array<i32>} : memref<256xf32, #tpu.memory_space<vmem>>, vector<16xf32>,
    tpu.vector_store %arg13[%swap3A_64], %broadcast_in_dim3A_0 {strides = array<i32>} : memref<256xf32, #tpu.memory_space<vmem>>, vector<16xf32>,
    %swap3A_66 = arith.constant 176 : index
    %swap3A_67 = tpu.vector_load %arg11[%swap3A_66] {strides = array<i32>} : memref<256xf32, #tpu.memory_space<vmem>>, vector<16xf32>,
    tpu.vector_store %arg11[%swap3A_66], %broadcast_in_dim3A_0 {strides = array<i32>} : memref<256xf32, #tpu.memory_space<vmem>>, vector<16xf32>,
    %swap3A_68 = arith.constant 176 : index
    %swap3A_69 = tpu.vector_load %arg12[%swap3A_68] {strides = array<i32>} : memref<256xf32, #tpu.memory_space<vmem>>, vector<16xf32>,
    tpu.vector_store %arg12[%swap3A_68], %broadcast_in_dim3A_0 {strides = array<i32>} : memref<256xf32, #tpu.memory_space<vmem>>, vector<16xf32>,
    %swap3A_70 = arith.constant 176 : index
    %swap3A_71 = tpu.vector_load %arg13[%swap3A_70] {strides = array<i32>} : memref<256xf32, #tpu.memory_space<vmem>>, vector<16xf32>,
    tpu.vector_store %arg13[%swap3A_70], %broadcast_in_dim3A_0 {strides = array<i32>} : memref<256xf32, #tpu.memory_space<vmem>>, vector<16xf32>,
    %swap3A_72 = arith.constant 192 : index
    %swap3A_73 = tpu.vector_load %arg11[%swap3A_72] {strides = array<i32>} : memref<256xf32, #tpu.memory_space<vmem>>, vector<16xf32>,
    tpu.vector_store %arg11[%swap3A_72], %broadcast_in_dim3A_0 {strides = array<i32>} : memref<256xf32, #tpu.memory_space<vmem>>, vector<16xf32>,
    %swap3A_74 = arith.constant 192 : index
    %swap3A_75 = tpu.vector_load %arg12[%swap3A_74] {strides = array<i32>} : memref<256xf32, #tpu.memory_space<vmem>>, vector<16xf32>,
    tpu.vector_store %arg12[%swap3A_74], %broadcast_in_dim3A_0 {strides = array<i32>} : memref<256xf32, #tpu.memory_space<vmem>>, vector<16xf32>,
    %swap3A_76 = arith.constant 192 : index
    %swap3A_77 = tpu.vector_load %arg13[%swap3A_76] {strides = array<i32>} : memref<256xf32, #tpu.memory_space<vmem>>, vector<16xf32>,
    tpu.vector_store %arg13[%swap3A_76], %broadcast_in_dim3A_0 {strides = array<i32>} : memref<256xf32, #tpu.memory_space<vmem>>, vector<16xf32>,
    %swap3A_78 = arith.constant 208 : index
    %swap3A_79 = tpu.vector_load %arg11[%swap3A_78] {strides = array<i32>} : memref<256xf32, #tpu.memory_space<vmem>>, vector<16xf32>,
    tpu.vector_store %arg11[%swap3A_78], %broadcast_in_dim3A_0 {strides = array<i32>} : memref<256xf32, #tpu.memory_space<vmem>>, vector<16xf32>,
    %swap3A_80 = arith.constant 208 : index
    %swap3A_81 = tpu.vector_load %arg12[%swap3A_80] {strides = array<i32>} : memref<256xf32, #tpu.memory_space<vmem>>, vector<16xf32>,
    tpu.vector_store %arg12[%swap3A_80], %broadcast_in_dim3A_0 {strides = array<i32>} : memref<256xf32, #tpu.memory_space<vmem>>, vector<16xf32>,
    %swap3A_82 = arith.constant 208 : index
    %swap3A_83 = tpu.vector_load %arg13[%swap3A_82] {strides = array<i32>} : memref<256xf32, #tpu.memory_space<vmem>>, vector<16xf32>,
    tpu.vector_store %arg13[%swap3A_82], %broadcast_in_dim3A_0 {strides = array<i32>} : memref<256xf32, #tpu.memory_space<vmem>>, vector<16xf32>,
    %swap3A_84 = arith.constant 224 : index
    %swap3A_85 = tpu.vector_load %arg11[%swap3A_84] {strides = array<i32>} : memref<256xf32, #tpu.memory_space<vmem>>, vector<16xf32>,
    tpu.vector_store %arg11[%swap3A_84], %broadcast_in_dim3A_0 {strides = array<i32>} : memref<256xf32, #tpu.memory_space<vmem>>, vector<16xf32>,
    %swap3A_86 = arith.constant 224 : index
    %swap3A_87 = tpu.vector_load %arg12[%swap3A_86] {strides = array<i32>} : memref<256xf32, #tpu.memory_space<vmem>>, vector<16xf32>,
    tpu.vector_store %arg12[%swap3A_86], %broadcast_in_dim3A_0 {strides = array<i32>} : memref<256xf32, #tpu.memory_space<vmem>>, vector<16xf32>,
    %swap3A_88 = arith.constant 224 : index
    %swap3A_89 = tpu.vector_load %arg13[%swap3A_88] {strides = array<i32>} : memref<256xf32, #tpu.memory_space<vmem>>, vector<16xf32>,
    tpu.vector_store %arg13[%swap3A_88], %broadcast_in_dim3A_0 {strides = array<i32>} : memref<256xf32, #tpu.memory_space<vmem>>, vector<16xf32>,
    %swap3A_90 = arith.constant 240 : index
    %swap3A_91 = tpu.vector_load %arg11[%swap3A_90] {strides = array<i32>} : memref<256xf32, #tpu.memory_space<vmem>>, vector<16xf32>,
    tpu.vector_store %arg11[%swap3A_90], %broadcast_in_dim3A_0 {strides = array<i32>} : memref<256xf32, #tpu.memory_space<vmem>>, vector<16xf32>,
    %swap3A_92 = arith.constant 240 : index
    %swap3A_93 = tpu.vector_load %arg12[%swap3A_92] {strides = array<i32>} : memref<256xf32, #tpu.memory_space<vmem>>, vector<16xf32>,
    tpu.vector_store %arg12[%swap3A_92], %broadcast_in_dim3A_0 {strides = array<i32>} : memref<256xf32, #tpu.memory_space<vmem>>, vector<16xf32>,
    %swap3A_94 = arith.constant 240 : index
    %swap3A_95 = tpu.vector_load %arg13[%swap3A_94] {strides = array<i32>} : memref<256xf32, #tpu.memory_space<vmem>>, vector<16xf32>,
    tpu.vector_store %arg13[%swap3A_94], %broadcast_in_dim3A_0 {strides = array<i32>} : memref<256xf32, #tpu.memory_space<vmem>>, vector<16xf32>,
    %broadcast_in_dim3A_96 = arith.constant 0 : i32
    %broadcast_in_dim3A_97 = vector.broadcast %broadcast_in_dim3A_96 : i32 to vector<16xi32>
    %swap3A_98 = arith.constant 0 : index
    %swap3A_99 = tpu.vector_load %arg25[%swap3A_98] {strides = array<i32>} : memref<128xi32, #tpu.memory_space<vmem>>, vector<16xi32>,
    tpu.vector_store %arg25[%swap3A_98], %broadcast_in_dim3A_97 {strides = array<i32>} : memref<128xi32, #tpu.memory_space<vmem>>, vector<16xi32>,
    %broadcast_in_dim3A_100 = arith.constant 0 : i32
    %broadcast_in_dim3A_101 = vector.broadcast %broadcast_in_dim3A_100 : i32 to vector<16xi32>
    %swap3A_102 = arith.constant 16 : index
    %swap3A_103 = tpu.vector_load %arg25[%swap3A_102] {strides = array<i32>} : memref<128xi32, #tpu.memory_space<vmem>>, vector<16xi32>,
    tpu.vector_store %arg25[%swap3A_102], %broadcast_in_dim3A_101 {strides = array<i32>} : memref<128xi32, #tpu.memory_space<vmem>>, vector<16xi32>,
    %broadcast_in_dim3A_104 = arith.constant 0 : i32
    %broadcast_in_dim3A_105 = vector.broadcast %broadcast_in_dim3A_104 : i32 to vector<16xi32>
    %swap3A_106 = arith.constant 32 : index
    %swap3A_107 = tpu.vector_load %arg25[%swap3A_106] {strides = array<i32>} : memref<128xi32, #tpu.memory_space<vmem>>, vector<16xi32>,
    tpu.vector_store %arg25[%swap3A_106], %broadcast_in_dim3A_105 {strides = array<i32>} : memref<128xi32, #tpu.memory_space<vmem>>, vector<16xi32>,
    %broadcast_in_dim3A_108 = arith.constant 0 : i32
    %broadcast_in_dim3A_109 = vector.broadcast %broadcast_in_dim3A_108 : i32 to vector<16xi32>
    %swap3A_110 = arith.constant 48 : index
    %swap3A_111 = tpu.vector_load %arg25[%swap3A_110] {strides = array<i32>} : memref<128xi32, #tpu.memory_space<vmem>>, vector<16xi32>,
    tpu.vector_store %arg25[%swap3A_110], %broadcast_in_dim3A_109 {strides = array<i32>} : memref<128xi32, #tpu.memory_space<vmem>>, vector<16xi32>,
    %broadcast_in_dim3A_112 = arith.constant 0 : i32
    %broadcast_in_dim3A_113 = vector.broadcast %broadcast_in_dim3A_112 : i32 to vector<16xi32>
    %swap3A_114 = arith.constant 64 : index
    %swap3A_115 = tpu.vector_load %arg25[%swap3A_114] {strides = array<i32>} : memref<128xi32, #tpu.memory_space<vmem>>, vector<16xi32>,
    tpu.vector_store %arg25[%swap3A_114], %broadcast_in_dim3A_113 {strides = array<i32>} : memref<128xi32, #tpu.memory_space<vmem>>, vector<16xi32>,
    %broadcast_in_dim3A_116 = arith.constant 0 : i32
    %broadcast_in_dim3A_117 = vector.broadcast %broadcast_in_dim3A_116 : i32 to vector<16xi32>
    %swap3A_118 = arith.constant 80 : index
    %swap3A_119 = tpu.vector_load %arg25[%swap3A_118] {strides = array<i32>} : memref<128xi32, #tpu.memory_space<vmem>>, vector<16xi32>,
    tpu.vector_store %arg25[%swap3A_118], %broadcast_in_dim3A_117 {strides = array<i32>} : memref<128xi32, #tpu.memory_space<vmem>>, vector<16xi32>,
    %broadcast_in_dim3A_120 = arith.constant 0 : i32
    %broadcast_in_dim3A_121 = vector.broadcast %broadcast_in_dim3A_120 : i32 to vector<16xi32>
    %swap3A_122 = arith.constant 96 : index
    %swap3A_123 = tpu.vector_load %arg25[%swap3A_122] {strides = array<i32>} : memref<128xi32, #tpu.memory_space<vmem>>, vector<16xi32>,
    tpu.vector_store %arg25[%swap3A_122], %broadcast_in_dim3A_121 {strides = array<i32>} : memref<128xi32, #tpu.memory_space<vmem>>, vector<16xi32>,
    %broadcast_in_dim3A_124 = arith.constant 0 : i32
    %broadcast_in_dim3A_125 = vector.broadcast %broadcast_in_dim3A_124 : i32 to vector<16xi32>
    %swap3A_126 = arith.constant 112 : index
    %swap3A_127 = tpu.vector_load %arg25[%swap3A_126] {strides = array<i32>} : memref<128xi32, #tpu.memory_space<vmem>>, vector<16xi32>,
    tpu.vector_store %arg25[%swap3A_126], %broadcast_in_dim3A_125 {strides = array<i32>} : memref<128xi32, #tpu.memory_space<vmem>>, vector<16xi32>,
    %scan3A = arith.constant 0.000000e+00 : f32
    %scan3A_128 = arith.constant 0 : i32
    %scan3A_129 = arith.constant 16 : i32
    %scan3A_130 = arith.addi %scan3A_128, %scan3A_129 : i32
    %scan3A_131 = arith.constant 1 : i32
    %scan3A_132 = scf.for %scan3A_219 = %scan3A_128 to %scan3A_130 step %scan3A_131 iter_args(%scan3A_220 = %scan3A) -> (f32)  : i32 {
      %eq3A_221 = arith.constant 0.000000e+00 : f32
      %eq3A_222 = arith.cmpf oeq, %scan3A_220, %eq3A_221 : f32
      %jit3A_223 = arith.constant 1.000000e+00 : f32
      %select_n3A_224 = arith.select %eq3A_222, %jit3A_223, %scan3A_220 : f32
      %broadcast_in_dim3A_225 = arith.constant 1.000000e+00 : f32
      %broadcast_in_dim3A_226 = vector.broadcast %broadcast_in_dim3A_225 : f32 to vector<16xf32>
      %mul3A_227 = vector.broadcast %select_n3A_224 : f32 to vector<16xf32>
      %mul3A_228 = arith.mulf %broadcast_in_dim3A_226, %mul3A_227 : vector<16xf32>
      %div3A_229 = arith.constant 1.000000e+00 : f32
      %div3A_230 = vector.broadcast %div3A_229 : f32 to vector<16xf32>
      %div3A_231 = arith.divf %div3A_230, %mul3A_228 : vector<16xf32>
      %broadcast_in_dim3A_232 = arith.constant 3.400000e+38 : f32
      %broadcast_in_dim3A_233 = vector.broadcast %broadcast_in_dim3A_232 : f32 to vector<16xf32>
      %mul3A_234 = arith.constant 256 : i32
      %mul3A_235 = arith.muli %scan3A_219, %mul3A_234 : i32
      %add3A = arith.constant 0 : i32
      %add3A_236 = arith.addi %mul3A_235, %add3A : i32
      %get3A_237 = arith.index_cast %add3A_236 : i32 to index
      %get3A_238 = tpu.vector_load %arg9[%get3A_237] {strides = array<i32>} : memref<4096xf32, #tpu.memory_space<vmem>>, vector<16xf32>,
      %get3A_239 = arith.constant 0 : index
      %get3A_240 = tpu.vector_load %arg11[%get3A_239] {strides = array<i32>} : memref<256xf32, #tpu.memory_space<vmem>>, vector<16xf32>,
      %mul3A_241 = arith.mulf %get3A_240, %div3A_231 : vector<16xf32>
      %add3A_242 = arith.addf %get3A_238, %mul3A_241 : vector<16xf32>
      %get3A_243 = arith.constant 0 : index
      %get3A_244 = tpu.vector_load %arg10[%get3A_243] {strides = array<i32>} : memref<256xf32, #tpu.memory_space<vmem>>, vector<16xf32>,
      %add3A_245 = arith.addf %add3A_242, %get3A_244 : vector<16xf32>
      %swap3A_246 = arith.constant 0 : index
      %swap3A_247 = tpu.vector_load %arg14[%swap3A_246] {strides = array<i32>} : memref<256xf32, #tpu.memory_space<vmem>>, vector<16xf32>,
      tpu.vector_store %arg14[%swap3A_246], %add3A_245 {strides = array<i32>} : memref<256xf32, #tpu.memory_space<vmem>>, vector<16xf32>,
      %min3A = arith.minimumf %broadcast_in_dim3A_233, %add3A_245 : vector<16xf32>
      %mul3A_248 = arith.constant 256 : i32
      %mul3A_249 = arith.muli %scan3A_219, %mul3A_248 : i32
      %add3A_250 = arith.constant 16 : i32
      %add3A_251 = arith.addi %mul3A_249, %add3A_250 : i32
      %get3A_252 = arith.index_cast %add3A_251 : i32 to index
      %get3A_253 = tpu.vector_load %arg9[%get3A_252] {strides = array<i32>} : memref<4096xf32, #tpu.memory_space<vmem>>, vector<16xf32>,
      %get3A_254 = arith.constant 16 : index
      %get3A_255 = tpu.vector_load %arg11[%get3A_254] {strides = array<i32>} : memref<256xf32, #tpu.memory_space<vmem>>, vector<16xf32>,
      %mul3A_256 = arith.mulf %get3A_255, %div3A_231 : vector<16xf32>
      %add3A_257 = arith.addf %get3A_253, %mul3A_256 : vector<16xf32>
      %get3A_258 = arith.constant 16 : index
      %get3A_259 = tpu.vector_load %arg10[%get3A_258] {strides = array<i32>} : memref<256xf32, #tpu.memory_space<vmem>>, vector<16xf32>,
      %add3A_260 = arith.addf %add3A_257, %get3A_259 : vector<16xf32>
      %swap3A_261 = arith.constant 16 : index
      %swap3A_262 = tpu.vector_load %arg14[%swap3A_261] {strides = array<i32>} : memref<256xf32, #tpu.memory_space<vmem>>, vector<16xf32>,
      tpu.vector_store %arg14[%swap3A_261], %add3A_260 {strides = array<i32>} : memref<256xf32, #tpu.memory_space<vmem>>, vector<16xf32>,
      %min3A_263 = arith.minimumf %min3A, %add3A_260 : vector<16xf32>
      %mul3A_264 = arith.constant 256 : i32
      %mul3A_265 = arith.muli %scan3A_219, %mul3A_264 : i32
      %add3A_266 = arith.constant 32 : i32
      %add3A_267 = arith.addi %mul3A_265, %add3A_266 : i32
      %get3A_268 = arith.index_cast %add3A_267 : i32 to index
      %get3A_269 = tpu.vector_load %arg9[%get3A_268] {strides = array<i32>} : memref<4096xf32, #tpu.memory_space<vmem>>, vector<16xf32>,
      %get3A_270 = arith.constant 32 : index
      %get3A_271 = tpu.vector_load %arg11[%get3A_270] {strides = array<i32>} : memref<256xf32, #tpu.memory_space<vmem>>, vector<16xf32>,
      %mul3A_272 = arith.mulf %get3A_271, %div3A_231 : vector<16xf32>
      %add3A_273 = arith.addf %get3A_269, %mul3A_272 : vector<16xf32>
      %get3A_274 = arith.constant 32 : index
      %get3A_275 = tpu.vector_load %arg10[%get3A_274] {strides = array<i32>} : memref<256xf32, #tpu.memory_space<vmem>>, vector<16xf32>,
      %add3A_276 = arith.addf %add3A_273, %get3A_275 : vector<16xf32>
      %swap3A_277 = arith.constant 32 : index
      %swap3A_278 = tpu.vector_load %arg14[%swap3A_277] {strides = array<i32>} : memref<256xf32, #tpu.memory_space<vmem>>, vector<16xf32>,
      tpu.vector_store %arg14[%swap3A_277], %add3A_276 {strides = array<i32>} : memref<256xf32, #tpu.memory_space<vmem>>, vector<16xf32>,
      %min3A_279 = arith.minimumf %min3A_263, %add3A_276 : vector<16xf32>
      %mul3A_280 = arith.constant 256 : i32
      %mul3A_281 = arith.muli %scan3A_219, %mul3A_280 : i32
      %add3A_282 = arith.constant 48 : i32
      %add3A_283 = arith.addi %mul3A_281, %add3A_282 : i32
      %get3A_284 = arith.index_cast %add3A_283 : i32 to index
      %get3A_285 = tpu.vector_load %arg9[%get3A_284] {strides = array<i32>} : memref<4096xf32, #tpu.memory_space<vmem>>, vector<16xf32>,
      %get3A_286 = arith.constant 48 : index
      %get3A_287 = tpu.vector_load %arg11[%get3A_286] {strides = array<i32>} : memref<256xf32, #tpu.memory_space<vmem>>, vector<16xf32>,
      %mul3A_288 = arith.mulf %get3A_287, %div3A_231 : vector<16xf32>
      %add3A_289 = arith.addf %get3A_285, %mul3A_288 : vector<16xf32>
      %get3A_290 = arith.constant 48 : index
      %get3A_291 = tpu.vector_load %arg10[%get3A_290] {strides = array<i32>} : memref<256xf32, #tpu.memory_space<vmem>>, vector<16xf32>,
      %add3A_292 = arith.addf %add3A_289, %get3A_291 : vector<16xf32>
      %swap3A_293 = arith.constant 48 : index
      %swap3A_294 = tpu.vector_load %arg14[%swap3A_293] {strides = array<i32>} : memref<256xf32, #tpu.memory_space<vmem>>, vector<16xf32>,
      tpu.vector_store %arg14[%swap3A_293], %add3A_292 {strides = array<i32>} : memref<256xf32, #tpu.memory_space<vmem>>, vector<16xf32>,
      %min3A_295 = arith.minimumf %min3A_279, %add3A_292 : vector<16xf32>
      %mul3A_296 = arith.constant 256 : i32
      %mul3A_297 = arith.muli %scan3A_219, %mul3A_296 : i32
      %add3A_298 = arith.constant 64 : i32
      %add3A_299 = arith.addi %mul3A_297, %add3A_298 : i32
      %get3A_300 = arith.index_cast %add3A_299 : i32 to index
      %get3A_301 = tpu.vector_load %arg9[%get3A_300] {strides = array<i32>} : memref<4096xf32, #tpu.memory_space<vmem>>, vector<16xf32>,
      %get3A_302 = arith.constant 64 : index
      %get3A_303 = tpu.vector_load %arg11[%get3A_302] {strides = array<i32>} : memref<256xf32, #tpu.memory_space<vmem>>, vector<16xf32>,
      %mul3A_304 = arith.mulf %get3A_303, %div3A_231 : vector<16xf32>
      %add3A_305 = arith.addf %get3A_301, %mul3A_304 : vector<16xf32>
      %get3A_306 = arith.constant 64 : index
      %get3A_307 = tpu.vector_load %arg10[%get3A_306] {strides = array<i32>} : memref<256xf32, #tpu.memory_space<vmem>>, vector<16xf32>,
      %add3A_308 = arith.addf %add3A_305, %get3A_307 : vector<16xf32>
      %swap3A_309 = arith.constant 64 : index
      %swap3A_310 = tpu.vector_load %arg14[%swap3A_309] {strides = array<i32>} : memref<256xf32, #tpu.memory_space<vmem>>, vector<16xf32>,
      tpu.vector_store %arg14[%swap3A_309], %add3A_308 {strides = array<i32>} : memref<256xf32, #tpu.memory_space<vmem>>, vector<16xf32>,
      %min3A_311 = arith.minimumf %min3A_295, %add3A_308 : vector<16xf32>
      %mul3A_312 = arith.constant 256 : i32
      %mul3A_313 = arith.muli %scan3A_219, %mul3A_312 : i32
      %add3A_314 = arith.constant 80 : i32
      %add3A_315 = arith.addi %mul3A_313, %add3A_314 : i32
      %get3A_316 = arith.index_cast %add3A_315 : i32 to index
      %get3A_317 = tpu.vector_load %arg9[%get3A_316] {strides = array<i32>} : memref<4096xf32, #tpu.memory_space<vmem>>, vector<16xf32>,
      %get3A_318 = arith.constant 80 : index
      %get3A_319 = tpu.vector_load %arg11[%get3A_318] {strides = array<i32>} : memref<256xf32, #tpu.memory_space<vmem>>, vector<16xf32>,
      %mul3A_320 = arith.mulf %get3A_319, %div3A_231 : vector<16xf32>
      %add3A_321 = arith.addf %get3A_317, %mul3A_320 : vector<16xf32>
      %get3A_322 = arith.constant 80 : index
      %get3A_323 = tpu.vector_load %arg10[%get3A_322] {strides = array<i32>} : memref<256xf32, #tpu.memory_space<vmem>>, vector<16xf32>,
      %add3A_324 = arith.addf %add3A_321, %get3A_323 : vector<16xf32>
      %swap3A_325 = arith.constant 80 : index
      %swap3A_326 = tpu.vector_load %arg14[%swap3A_325] {strides = array<i32>} : memref<256xf32, #tpu.memory_space<vmem>>, vector<16xf32>,
      tpu.vector_store %arg14[%swap3A_325], %add3A_324 {strides = array<i32>} : memref<256xf32, #tpu.memory_space<vmem>>, vector<16xf32>,
      %min3A_327 = arith.minimumf %min3A_311, %add3A_324 : vector<16xf32>
      %mul3A_328 = arith.constant 256 : i32
      %mul3A_329 = arith.muli %scan3A_219, %mul3A_328 : i32
      %add3A_330 = arith.constant 96 : i32
      %add3A_331 = arith.addi %mul3A_329, %add3A_330 : i32
      %get3A_332 = arith.index_cast %add3A_331 : i32 to index
      %get3A_333 = tpu.vector_load %arg9[%get3A_332] {strides = array<i32>} : memref<4096xf32, #tpu.memory_space<vmem>>, vector<16xf32>,
      %get3A_334 = arith.constant 96 : index
      %get3A_335 = tpu.vector_load %arg11[%get3A_334] {strides = array<i32>} : memref<256xf32, #tpu.memory_space<vmem>>, vector<16xf32>,
      %mul3A_336 = arith.mulf %get3A_335, %div3A_231 : vector<16xf32>
      %add3A_337 = arith.addf %get3A_333, %mul3A_336 : vector<16xf32>
      %get3A_338 = arith.constant 96 : index
      %get3A_339 = tpu.vector_load %arg10[%get3A_338] {strides = array<i32>} : memref<256xf32, #tpu.memory_space<vmem>>, vector<16xf32>,
      %add3A_340 = arith.addf %add3A_337, %get3A_339 : vector<16xf32>
      %swap3A_341 = arith.constant 96 : index
      %swap3A_342 = tpu.vector_load %arg14[%swap3A_341] {strides = array<i32>} : memref<256xf32, #tpu.memory_space<vmem>>, vector<16xf32>,
      tpu.vector_store %arg14[%swap3A_341], %add3A_340 {strides = array<i32>} : memref<256xf32, #tpu.memory_space<vmem>>, vector<16xf32>,
      %min3A_343 = arith.minimumf %min3A_327, %add3A_340 : vector<16xf32>
      %mul3A_344 = arith.constant 256 : i32
      %mul3A_345 = arith.muli %scan3A_219, %mul3A_344 : i32
      %add3A_346 = arith.constant 112 : i32
      %add3A_347 = arith.addi %mul3A_345, %add3A_346 : i32
      %get3A_348 = arith.index_cast %add3A_347 : i32 to index
      %get3A_349 = tpu.vector_load %arg9[%get3A_348] {strides = array<i32>} : memref<4096xf32, #tpu.memory_space<vmem>>, vector<16xf32>,
      %get3A_350 = arith.constant 112 : index
      %get3A_351 = tpu.vector_load %arg11[%get3A_350] {strides = array<i32>} : memref<256xf32, #tpu.memory_space<vmem>>, vector<16xf32>,
      %mul3A_352 = arith.mulf %get3A_351, %div3A_231 : vector<16xf32>
      %add3A_353 = arith.addf %get3A_349, %mul3A_352 : vector<16xf32>
      %get3A_354 = arith.constant 112 : index
      %get3A_355 = tpu.vector_load %arg10[%get3A_354] {strides = array<i32>} : memref<256xf32, #tpu.memory_space<vmem>>, vector<16xf32>,
      %add3A_356 = arith.addf %add3A_353, %get3A_355 : vector<16xf32>
      %swap3A_357 = arith.constant 112 : index
      %swap3A_358 = tpu.vector_load %arg14[%swap3A_357] {strides = array<i32>} : memref<256xf32, #tpu.memory_space<vmem>>, vector<16xf32>,
      tpu.vector_store %arg14[%swap3A_357], %add3A_356 {strides = array<i32>} : memref<256xf32, #tpu.memory_space<vmem>>, vector<16xf32>,
      %min3A_359 = arith.minimumf %min3A_343, %add3A_356 : vector<16xf32>
      %mul3A_360 = arith.constant 256 : i32
      %mul3A_361 = arith.muli %scan3A_219, %mul3A_360 : i32
      %add3A_362 = arith.constant 128 : i32
      %add3A_363 = arith.addi %mul3A_361, %add3A_362 : i32
      %get3A_364 = arith.index_cast %add3A_363 : i32 to index
      %get3A_365 = tpu.vector_load %arg9[%get3A_364] {strides = array<i32>} : memref<4096xf32, #tpu.memory_space<vmem>>, vector<16xf32>,
      %get3A_366 = arith.constant 128 : index
      %get3A_367 = tpu.vector_load %arg11[%get3A_366] {strides = array<i32>} : memref<256xf32, #tpu.memory_space<vmem>>, vector<16xf32>,
      %mul3A_368 = arith.mulf %get3A_367, %div3A_231 : vector<16xf32>
      %add3A_369 = arith.addf %get3A_365, %mul3A_368 : vector<16xf32>
      %get3A_370 = arith.constant 128 : index
      %get3A_371 = tpu.vector_load %arg10[%get3A_370] {strides = array<i32>} : memref<256xf32, #tpu.memory_space<vmem>>, vector<16xf32>,
      %add3A_372 = arith.addf %add3A_369, %get3A_371 : vector<16xf32>
      %swap3A_373 = arith.constant 128 : index
      %swap3A_374 = tpu.vector_load %arg14[%swap3A_373] {strides = array<i32>} : memref<256xf32, #tpu.memory_space<vmem>>, vector<16xf32>,
      tpu.vector_store %arg14[%swap3A_373], %add3A_372 {strides = array<i32>} : memref<256xf32, #tpu.memory_space<vmem>>, vector<16xf32>,
      %min3A_375 = arith.minimumf %min3A_359, %add3A_372 : vector<16xf32>
      %mul3A_376 = arith.constant 256 : i32
      %mul3A_377 = arith.muli %scan3A_219, %mul3A_376 : i32
      %add3A_378 = arith.constant 144 : i32
      %add3A_379 = arith.addi %mul3A_377, %add3A_378 : i32
      %get3A_380 = arith.index_cast %add3A_379 : i32 to index
      %get3A_381 = tpu.vector_load %arg9[%get3A_380] {strides = array<i32>} : memref<4096xf32, #tpu.memory_space<vmem>>, vector<16xf32>,
      %get3A_382 = arith.constant 144 : index
      %get3A_383 = tpu.vector_load %arg11[%get3A_382] {strides = array<i32>} : memref<256xf32, #tpu.memory_space<vmem>>, vector<16xf32>,
      %mul3A_384 = arith.mulf %get3A_383, %div3A_231 : vector<16xf32>
      %add3A_385 = arith.addf %get3A_381, %mul3A_384 : vector<16xf32>
      %get3A_386 = arith.constant 144 : index
      %get3A_387 = tpu.vector_load %arg10[%get3A_386] {strides = array<i32>} : memref<256xf32, #tpu.memory_space<vmem>>, vector<16xf32>,
      %add3A_388 = arith.addf %add3A_385, %get3A_387 : vector<16xf32>
      %swap3A_389 = arith.constant 144 : index
      %swap3A_390 = tpu.vector_load %arg14[%swap3A_389] {strides = array<i32>} : memref<256xf32, #tpu.memory_space<vmem>>, vector<16xf32>,
      tpu.vector_store %arg14[%swap3A_389], %add3A_388 {strides = array<i32>} : memref<256xf32, #tpu.memory_space<vmem>>, vector<16xf32>,
      %min3A_391 = arith.minimumf %min3A_375, %add3A_388 : vector<16xf32>
      %mul3A_392 = arith.constant 256 : i32
      %mul3A_393 = arith.muli %scan3A_219, %mul3A_392 : i32
      %add3A_394 = arith.constant 160 : i32
      %add3A_395 = arith.addi %mul3A_393, %add3A_394 : i32
      %get3A_396 = arith.index_cast %add3A_395 : i32 to index
      %get3A_397 = tpu.vector_load %arg9[%get3A_396] {strides = array<i32>} : memref<4096xf32, #tpu.memory_space<vmem>>, vector<16xf32>,
      %get3A_398 = arith.constant 160 : index
      %get3A_399 = tpu.vector_load %arg11[%get3A_398] {strides = array<i32>} : memref<256xf32, #tpu.memory_space<vmem>>, vector<16xf32>,
      %mul3A_400 = arith.mulf %get3A_399, %div3A_231 : vector<16xf32>
      %add3A_401 = arith.addf %get3A_397, %mul3A_400 : vector<16xf32>
      %get3A_402 = arith.constant 160 : index
      %get3A_403 = tpu.vector_load %arg10[%get3A_402] {strides = array<i32>} : memref<256xf32, #tpu.memory_space<vmem>>, vector<16xf32>,
      %add3A_404 = arith.addf %add3A_401, %get3A_403 : vector<16xf32>
      %swap3A_405 = arith.constant 160 : index
      %swap3A_406 = tpu.vector_load %arg14[%swap3A_405] {strides = array<i32>} : memref<256xf32, #tpu.memory_space<vmem>>, vector<16xf32>,
      tpu.vector_store %arg14[%swap3A_405], %add3A_404 {strides = array<i32>} : memref<256xf32, #tpu.memory_space<vmem>>, vector<16xf32>,
      %min3A_407 = arith.minimumf %min3A_391, %add3A_404 : vector<16xf32>
      %mul3A_408 = arith.constant 256 : i32
      %mul3A_409 = arith.muli %scan3A_219, %mul3A_408 : i32
      %add3A_410 = arith.constant 176 : i32
      %add3A_411 = arith.addi %mul3A_409, %add3A_410 : i32
      %get3A_412 = arith.index_cast %add3A_411 : i32 to index
      %get3A_413 = tpu.vector_load %arg9[%get3A_412] {strides = array<i32>} : memref<4096xf32, #tpu.memory_space<vmem>>, vector<16xf32>,
      %get3A_414 = arith.constant 176 : index
      %get3A_415 = tpu.vector_load %arg11[%get3A_414] {strides = array<i32>} : memref<256xf32, #tpu.memory_space<vmem>>, vector<16xf32>,
      %mul3A_416 = arith.mulf %get3A_415, %div3A_231 : vector<16xf32>
      %add3A_417 = arith.addf %get3A_413, %mul3A_416 : vector<16xf32>
      %get3A_418 = arith.constant 176 : index
      %get3A_419 = tpu.vector_load %arg10[%get3A_418] {strides = array<i32>} : memref<256xf32, #tpu.memory_space<vmem>>, vector<16xf32>,
      %add3A_420 = arith.addf %add3A_417, %get3A_419 : vector<16xf32>
      %swap3A_421 = arith.constant 176 : index
      %swap3A_422 = tpu.vector_load %arg14[%swap3A_421] {strides = array<i32>} : memref<256xf32, #tpu.memory_space<vmem>>, vector<16xf32>,
      tpu.vector_store %arg14[%swap3A_421], %add3A_420 {strides = array<i32>} : memref<256xf32, #tpu.memory_space<vmem>>, vector<16xf32>,
      %min3A_423 = arith.minimumf %min3A_407, %add3A_420 : vector<16xf32>
      %mul3A_424 = arith.constant 256 : i32
      %mul3A_425 = arith.muli %scan3A_219, %mul3A_424 : i32
      %add3A_426 = arith.constant 192 : i32
      %add3A_427 = arith.addi %mul3A_425, %add3A_426 : i32
      %get3A_428 = arith.index_cast %add3A_427 : i32 to index
      %get3A_429 = tpu.vector_load %arg9[%get3A_428] {strides = array<i32>} : memref<4096xf32, #tpu.memory_space<vmem>>, vector<16xf32>,
      %get3A_430 = arith.constant 192 : index
      %get3A_431 = tpu.vector_load %arg11[%get3A_430] {strides = array<i32>} : memref<256xf32, #tpu.memory_space<vmem>>, vector<16xf32>,
      %mul3A_432 = arith.mulf %get3A_431, %div3A_231 : vector<16xf32>
      %add3A_433 = arith.addf %get3A_429, %mul3A_432 : vector<16xf32>
      %get3A_434 = arith.constant 192 : index
      %get3A_435 = tpu.vector_load %arg10[%get3A_434] {strides = array<i32>} : memref<256xf32, #tpu.memory_space<vmem>>, vector<16xf32>,
      %add3A_436 = arith.addf %add3A_433, %get3A_435 : vector<16xf32>
      %swap3A_437 = arith.constant 192 : index
      %swap3A_438 = tpu.vector_load %arg14[%swap3A_437] {strides = array<i32>} : memref<256xf32, #tpu.memory_space<vmem>>, vector<16xf32>,
      tpu.vector_store %arg14[%swap3A_437], %add3A_436 {strides = array<i32>} : memref<256xf32, #tpu.memory_space<vmem>>, vector<16xf32>,
      %min3A_439 = arith.minimumf %min3A_423, %add3A_436 : vector<16xf32>
      %mul3A_440 = arith.constant 256 : i32
      %mul3A_441 = arith.muli %scan3A_219, %mul3A_440 : i32
      %add3A_442 = arith.constant 208 : i32
      %add3A_443 = arith.addi %mul3A_441, %add3A_442 : i32
      %get3A_444 = arith.index_cast %add3A_443 : i32 to index
      %get3A_445 = tpu.vector_load %arg9[%get3A_444] {strides = array<i32>} : memref<4096xf32, #tpu.memory_space<vmem>>, vector<16xf32>,
      %get3A_446 = arith.constant 208 : index
      %get3A_447 = tpu.vector_load %arg11[%get3A_446] {strides = array<i32>} : memref<256xf32, #tpu.memory_space<vmem>>, vector<16xf32>,
      %mul3A_448 = arith.mulf %get3A_447, %div3A_231 : vector<16xf32>
      %add3A_449 = arith.addf %get3A_445, %mul3A_448 : vector<16xf32>
      %get3A_450 = arith.constant 208 : index
      %get3A_451 = tpu.vector_load %arg10[%get3A_450] {strides = array<i32>} : memref<256xf32, #tpu.memory_space<vmem>>, vector<16xf32>,
      %add3A_452 = arith.addf %add3A_449, %get3A_451 : vector<16xf32>
      %swap3A_453 = arith.constant 208 : index
      %swap3A_454 = tpu.vector_load %arg14[%swap3A_453] {strides = array<i32>} : memref<256xf32, #tpu.memory_space<vmem>>, vector<16xf32>,
      tpu.vector_store %arg14[%swap3A_453], %add3A_452 {strides = array<i32>} : memref<256xf32, #tpu.memory_space<vmem>>, vector<16xf32>,
      %min3A_455 = arith.minimumf %min3A_439, %add3A_452 : vector<16xf32>
      %mul3A_456 = arith.constant 256 : i32
      %mul3A_457 = arith.muli %scan3A_219, %mul3A_456 : i32
      %add3A_458 = arith.constant 224 : i32
      %add3A_459 = arith.addi %mul3A_457, %add3A_458 : i32
      %get3A_460 = arith.index_cast %add3A_459 : i32 to index
      %get3A_461 = tpu.vector_load %arg9[%get3A_460] {strides = array<i32>} : memref<4096xf32, #tpu.memory_space<vmem>>, vector<16xf32>,
      %get3A_462 = arith.constant 224 : index
      %get3A_463 = tpu.vector_load %arg11[%get3A_462] {strides = array<i32>} : memref<256xf32, #tpu.memory_space<vmem>>, vector<16xf32>,
      %mul3A_464 = arith.mulf %get3A_463, %div3A_231 : vector<16xf32>
      %add3A_465 = arith.addf %get3A_461, %mul3A_464 : vector<16xf32>
      %get3A_466 = arith.constant 224 : index
      %get3A_467 = tpu.vector_load %arg10[%get3A_466] {strides = array<i32>} : memref<256xf32, #tpu.memory_space<vmem>>, vector<16xf32>,
      %add3A_468 = arith.addf %add3A_465, %get3A_467 : vector<16xf32>
      %swap3A_469 = arith.constant 224 : index
      %swap3A_470 = tpu.vector_load %arg14[%swap3A_469] {strides = array<i32>} : memref<256xf32, #tpu.memory_space<vmem>>, vector<16xf32>,
      tpu.vector_store %arg14[%swap3A_469], %add3A_468 {strides = array<i32>} : memref<256xf32, #tpu.memory_space<vmem>>, vector<16xf32>,
      %min3A_471 = arith.minimumf %min3A_455, %add3A_468 : vector<16xf32>
      %mul3A_472 = arith.constant 256 : i32
      %mul3A_473 = arith.muli %scan3A_219, %mul3A_472 : i32
      %add3A_474 = arith.constant 240 : i32
      %add3A_475 = arith.addi %mul3A_473, %add3A_474 : i32
      %get3A_476 = arith.index_cast %add3A_475 : i32 to index
      %get3A_477 = tpu.vector_load %arg9[%get3A_476] {strides = array<i32>} : memref<4096xf32, #tpu.memory_space<vmem>>, vector<16xf32>,
      %get3A_478 = arith.constant 240 : index
      %get3A_479 = tpu.vector_load %arg11[%get3A_478] {strides = array<i32>} : memref<256xf32, #tpu.memory_space<vmem>>, vector<16xf32>,
      %mul3A_480 = arith.mulf %get3A_479, %div3A_231 : vector<16xf32>
      %add3A_481 = arith.addf %get3A_477, %mul3A_480 : vector<16xf32>
      %get3A_482 = arith.constant 240 : index
      %get3A_483 = tpu.vector_load %arg10[%get3A_482] {strides = array<i32>} : memref<256xf32, #tpu.memory_space<vmem>>, vector<16xf32>,
      %add3A_484 = arith.addf %add3A_481, %get3A_483 : vector<16xf32>
      %swap3A_485 = arith.constant 240 : index
      %swap3A_486 = tpu.vector_load %arg14[%swap3A_485] {strides = array<i32>} : memref<256xf32, #tpu.memory_space<vmem>>, vector<16xf32>,
      tpu.vector_store %arg14[%swap3A_485], %add3A_484 {strides = array<i32>} : memref<256xf32, #tpu.memory_space<vmem>>, vector<16xf32>,
      %min3A_487 = arith.minimumf %min3A_471, %add3A_484 : vector<16xf32>
      %swap3A_488 = arith.constant 0 : index
      %swap3A_489 = tpu.vector_load %arg31[%swap3A_488] {strides = array<i32>} : memref<16xf32, #tpu.memory_space<vmem>>, vector<16xf32>,
      tpu.vector_store %arg31[%swap3A_488], %min3A_487 {strides = array<i32>} : memref<16xf32, #tpu.memory_space<vmem>>, vector<16xf32>,
      "tpu.region"() ({
        %run_scoped3A = tpu.sem_alloc : memref<!tpu.dma_semaphore, #tpu.memory_space<semaphore_mem>>
        %dma_start3A_1860 = arith.constant 0 : i32
        %dma_start3A_1861 = tpu.memref_slice %arg32[%arg1, %dma_start3A_1860] : memref<16x16xf32, #tpu.memory_space<vmem_shared>> -> memref<1x16xf32, #tpu.memory_space<vmem_shared>>
        %dma_start3A_1862 = tpu.memref_squeeze %dma_start3A_1861 : memref<1x16xf32, #tpu.memory_space<vmem_shared>> -> memref<16xf32, #tpu.memory_space<vmem_shared>>
        %dma_start3A_1863 = arith.constant 0 : i32
        %dma_start3A_1864 = tpu.memref_slice %arg32[%arg1, %dma_start3A_1863] : memref<16x16xf32, #tpu.memory_space<vmem_shared>> -> memref<1x16xf32, #tpu.memory_space<vmem_shared>>
        %dma_start3A_1865 = tpu.memref_squeeze %dma_start3A_1864 : memref<1x16xf32, #tpu.memory_space<vmem_shared>> -> memref<16xf32, #tpu.memory_space<vmem_shared>>
        tpu.enqueue_dma source(%arg31 : memref<16xf32, #tpu.memory_space<vmem>>) target(%dma_start3A_1865 : memref<16xf32, #tpu.memory_space<vmem_shared>>) target_semaphore(%run_scoped3A : memref<!tpu.dma_semaphore, #tpu.memory_space<semaphore_mem>>)
        %dma_wait3A_1866 = arith.constant 0 : i32
        %dma_wait3A_1867 = tpu.memref_slice %arg32[%arg1, %dma_wait3A_1866] : memref<16x16xf32, #tpu.memory_space<vmem_shared>> -> memref<1x16xf32, #tpu.memory_space<vmem_shared>>
        %dma_wait3A_1868 = tpu.memref_squeeze %dma_wait3A_1867 : memref<1x16xf32, #tpu.memory_space<vmem_shared>> -> memref<16xf32, #tpu.memory_space<vmem_shared>>
        %dma_wait3A_1869 = arith.constant 0 : i32
        %dma_wait3A_1870 = tpu.memref_slice %arg32[%arg1, %dma_wait3A_1869] : memref<16x16xf32, #tpu.memory_space<vmem_shared>> -> memref<1x16xf32, #tpu.memory_space<vmem_shared>>
        %dma_wait3A_1871 = tpu.memref_squeeze %dma_wait3A_1870 : memref<1x16xf32, #tpu.memory_space<vmem_shared>> -> memref<16xf32, #tpu.memory_space<vmem_shared>>
        tpu.wait_dma2 semaphore(%run_scoped3A : memref<!tpu.dma_semaphore, #tpu.memory_space<semaphore_mem>>) src(%arg31 : memref<16xf32, #tpu.memory_space<vmem>>) dst(%dma_wait3A_1871 : memref<16xf32, #tpu.memory_space<vmem_shared>>)
        tpu.yield
      }) : () -> ()
      %barrier3A = arith.constant 0 : index
      tpu.barrier barrier_id(%barrier3A)
      "tpu.region"() ({
        %run_scoped3A = tpu.sem_alloc : memref<!tpu.dma_semaphore, #tpu.memory_space<semaphore_mem>>
        tpu.enqueue_dma source(%arg32 : memref<16x16xf32, #tpu.memory_space<vmem_shared>>) target(%arg30 : memref<16x16xf32, #tpu.memory_space<vmem>>) target_semaphore(%run_scoped3A : memref<!tpu.dma_semaphore, #tpu.memory_space<semaphore_mem>>)
        tpu.wait_dma2 semaphore(%run_scoped3A : memref<!tpu.dma_semaphore, #tpu.memory_space<semaphore_mem>>) src(%arg32 : memref<16x16xf32, #tpu.memory_space<vmem_shared>>) dst(%arg30 : memref<16x16xf32, #tpu.memory_space<vmem>>)
        tpu.yield
      }) : () -> ()
      %broadcast_in_dim3A_490 = arith.constant 3.400000e+38 : f32
      %broadcast_in_dim3A_491 = vector.broadcast %broadcast_in_dim3A_490 : f32 to vector<16xf32>
      %get3A_492 = arith.constant 0 : i32
      %get3A_493 = arith.index_cast %get3A_492 : i32 to index
      %get3A_494 = arith.constant 0 : index
      %get3A_495 = tpu.vector_load %arg30[%get3A_493, %get3A_494] {strides = array<i32>} : memref<16x16xf32, #tpu.memory_space<vmem>>, vector<16xf32>,
      %min3A_496 = arith.minimumf %broadcast_in_dim3A_491, %get3A_495 : vector<16xf32>
      %get3A_497 = arith.constant 1 : i32
      %get3A_498 = arith.index_cast %get3A_497 : i32 to index
      %get3A_499 = arith.constant 0 : index
      %get3A_500 = tpu.vector_load %arg30[%get3A_498, %get3A_499] {strides = array<i32>} : memref<16x16xf32, #tpu.memory_space<vmem>>, vector<16xf32>,
      %min3A_501 = arith.minimumf %min3A_496, %get3A_500 : vector<16xf32>
      %get3A_502 = arith.constant 2 : i32
      %get3A_503 = arith.index_cast %get3A_502 : i32 to index
      %get3A_504 = arith.constant 0 : index
      %get3A_505 = tpu.vector_load %arg30[%get3A_503, %get3A_504] {strides = array<i32>} : memref<16x16xf32, #tpu.memory_space<vmem>>, vector<16xf32>,
      %min3A_506 = arith.minimumf %min3A_501, %get3A_505 : vector<16xf32>
      %get3A_507 = arith.constant 3 : i32
      %get3A_508 = arith.index_cast %get3A_507 : i32 to index
      %get3A_509 = arith.constant 0 : index
      %get3A_510 = tpu.vector_load %arg30[%get3A_508, %get3A_509] {strides = array<i32>} : memref<16x16xf32, #tpu.memory_space<vmem>>, vector<16xf32>,
      %min3A_511 = arith.minimumf %min3A_506, %get3A_510 : vector<16xf32>
      %get3A_512 = arith.constant 4 : i32
      %get3A_513 = arith.index_cast %get3A_512 : i32 to index
      %get3A_514 = arith.constant 0 : index
      %get3A_515 = tpu.vector_load %arg30[%get3A_513, %get3A_514] {strides = array<i32>} : memref<16x16xf32, #tpu.memory_space<vmem>>, vector<16xf32>,
      %min3A_516 = arith.minimumf %min3A_511, %get3A_515 : vector<16xf32>
      %get3A_517 = arith.constant 5 : i32
      %get3A_518 = arith.index_cast %get3A_517 : i32 to index
      %get3A_519 = arith.constant 0 : index
      %get3A_520 = tpu.vector_load %arg30[%get3A_518, %get3A_519] {strides = array<i32>} : memref<16x16xf32, #tpu.memory_space<vmem>>, vector<16xf32>,
      %min3A_521 = arith.minimumf %min3A_516, %get3A_520 : vector<16xf32>
      %get3A_522 = arith.constant 6 : i32
      %get3A_523 = arith.index_cast %get3A_522 : i32 to index
      %get3A_524 = arith.constant 0 : index
      %get3A_525 = tpu.vector_load %arg30[%get3A_523, %get3A_524] {strides = array<i32>} : memref<16x16xf32, #tpu.memory_space<vmem>>, vector<16xf32>,
      %min3A_526 = arith.minimumf %min3A_521, %get3A_525 : vector<16xf32>
      %get3A_527 = arith.constant 7 : i32
      %get3A_528 = arith.index_cast %get3A_527 : i32 to index
      %get3A_529 = arith.constant 0 : index
      %get3A_530 = tpu.vector_load %arg30[%get3A_528, %get3A_529] {strides = array<i32>} : memref<16x16xf32, #tpu.memory_space<vmem>>, vector<16xf32>,
      %min3A_531 = arith.minimumf %min3A_526, %get3A_530 : vector<16xf32>
      %get3A_532 = arith.constant 8 : i32
      %get3A_533 = arith.index_cast %get3A_532 : i32 to index
      %get3A_534 = arith.constant 0 : index
      %get3A_535 = tpu.vector_load %arg30[%get3A_533, %get3A_534] {strides = array<i32>} : memref<16x16xf32, #tpu.memory_space<vmem>>, vector<16xf32>,
      %min3A_536 = arith.minimumf %min3A_531, %get3A_535 : vector<16xf32>
      %get3A_537 = arith.constant 9 : i32
      %get3A_538 = arith.index_cast %get3A_537 : i32 to index
      %get3A_539 = arith.constant 0 : index
      %get3A_540 = tpu.vector_load %arg30[%get3A_538, %get3A_539] {strides = array<i32>} : memref<16x16xf32, #tpu.memory_space<vmem>>, vector<16xf32>,
      %min3A_541 = arith.minimumf %min3A_536, %get3A_540 : vector<16xf32>
      %get3A_542 = arith.constant 10 : i32
      %get3A_543 = arith.index_cast %get3A_542 : i32 to index
      %get3A_544 = arith.constant 0 : index
      %get3A_545 = tpu.vector_load %arg30[%get3A_543, %get3A_544] {strides = array<i32>} : memref<16x16xf32, #tpu.memory_space<vmem>>, vector<16xf32>,
      %min3A_546 = arith.minimumf %min3A_541, %get3A_545 : vector<16xf32>
      %get3A_547 = arith.constant 11 : i32
      %get3A_548 = arith.index_cast %get3A_547 : i32 to index
      %get3A_549 = arith.constant 0 : index
      %get3A_550 = tpu.vector_load %arg30[%get3A_548, %get3A_549] {strides = array<i32>} : memref<16x16xf32, #tpu.memory_space<vmem>>, vector<16xf32>,
      %min3A_551 = arith.minimumf %min3A_546, %get3A_550 : vector<16xf32>
      %get3A_552 = arith.constant 12 : i32
      %get3A_553 = arith.index_cast %get3A_552 : i32 to index
      %get3A_554 = arith.constant 0 : index
      %get3A_555 = tpu.vector_load %arg30[%get3A_553, %get3A_554] {strides = array<i32>} : memref<16x16xf32, #tpu.memory_space<vmem>>, vector<16xf32>,
      %min3A_556 = arith.minimumf %min3A_551, %get3A_555 : vector<16xf32>
      %get3A_557 = arith.constant 13 : i32
      %get3A_558 = arith.index_cast %get3A_557 : i32 to index
      %get3A_559 = arith.constant 0 : index
      %get3A_560 = tpu.vector_load %arg30[%get3A_558, %get3A_559] {strides = array<i32>} : memref<16x16xf32, #tpu.memory_space<vmem>>, vector<16xf32>,
      %min3A_561 = arith.minimumf %min3A_556, %get3A_560 : vector<16xf32>
      %get3A_562 = arith.constant 14 : i32
      %get3A_563 = arith.index_cast %get3A_562 : i32 to index
      %get3A_564 = arith.constant 0 : index
      %get3A_565 = tpu.vector_load %arg30[%get3A_563, %get3A_564] {strides = array<i32>} : memref<16x16xf32, #tpu.memory_space<vmem>>, vector<16xf32>,
      %min3A_566 = arith.minimumf %min3A_561, %get3A_565 : vector<16xf32>
      %get3A_567 = arith.constant 15 : i32
      %get3A_568 = arith.index_cast %get3A_567 : i32 to index
      %get3A_569 = arith.constant 0 : index
      %get3A_570 = tpu.vector_load %arg30[%get3A_568, %get3A_569] {strides = array<i32>} : memref<16x16xf32, #tpu.memory_space<vmem>>, vector<16xf32>,
      %min3A_571 = arith.minimumf %min3A_566, %get3A_570 : vector<16xf32>
      %reduce_min3A = arith.constant true
      %reduce_min3A_572 = vector.broadcast %reduce_min3A : i1 to vector<16xi1>
      %reduce_min3A_573 = tpu.scan <min>, %min3A_571 masked %reduce_min3A_572 : vector<16xf32>, vector<16xi1> -> vector<16xf32>
      %reduce_min3A_574 = vector.extract %reduce_min3A_573[15] : f32 from vector<16xf32>
      %add3A_575 = arith.constant 0 : i32
      %add3A_576 = vector.broadcast %add3A_575 : i32 to vector<16xi32>
      %add3A_577 = arith.addi %add3A_576, %iota3A : vector<16xi32>
      %mul3A_578 = arith.constant 4 : i32
      %mul3A_579 = vector.broadcast %mul3A_578 : i32 to vector<16xi32>
      %mul3A_580 = arith.muli %add3A_577, %mul3A_579 : vector<16xi32>
      %broadcast_in_dim3A_581 = arith.constant -3.400000e+38 : f32
      %broadcast_in_dim3A_582 = vector.broadcast %broadcast_in_dim3A_581 : f32 to vector<16xf32>
      %broadcast_in_dim3A_583 = arith.constant 0 : i32
      %broadcast_in_dim3A_584 = vector.broadcast %broadcast_in_dim3A_583 : i32 to vector<16xi32>
      %add3A_585 = arith.constant 0 : i32
      %add3A_586 = vector.broadcast %add3A_585 : i32 to vector<16xi32>
      %add3A_587 = arith.addi %mul3A_580, %add3A_586 : vector<16xi32>
      %gather3A = tpu.vector_load_idx %arg14[%add3A_587] : memref<256xf32, #tpu.memory_space<vmem>>[vector<16xi32>], vector<16xf32>,
      %add3A_588 = arith.constant 0 : i32
      %add3A_589 = vector.broadcast %add3A_588 : i32 to vector<16xi32>
      %add3A_590 = arith.addi %mul3A_580, %add3A_589 : vector<16xi32>
      %gather3A_591 = tpu.vector_load_idx %arg13[%add3A_590] : memref<256xf32, #tpu.memory_space<vmem>>[vector<16xi32>], vector<16xf32>,
      %sub3A = arith.constant 1.000000e+00 : f32
      %sub3A_592 = vector.broadcast %sub3A : f32 to vector<16xf32>
      %sub3A_593 = arith.subf %sub3A_592, %gather3A_591 : vector<16xf32>
      %sub3A_594 = vector.broadcast %reduce_min3A_574 : f32 to vector<16xf32>
      %sub3A_595 = arith.subf %gather3A, %sub3A_594 : vector<16xf32>
      %add3A_596 = arith.constant 1.000000e+00 : f32
      %add3A_597 = vector.broadcast %add3A_596 : f32 to vector<16xf32>
      %add3A_598 = arith.addf %sub3A_595, %add3A_597 : vector<16xf32>
      %mul3A_599 = arith.mulf %sub3A_593, %add3A_598 : vector<16xf32>
      %gt3A = arith.cmpf ogt, %mul3A_599, %broadcast_in_dim3A_582 : vector<16xf32>
      %select_n3A_600 = arith.select %gt3A, %mul3A_599, %broadcast_in_dim3A_582 : vector<16xi1>, vector<16xf32>
      %select_n3A_601 = arith.select %gt3A, %gather3A, %broadcast_in_dim3A_0 : vector<16xi1>, vector<16xf32>
      %add3A_602 = arith.constant 0 : i32
      %add3A_603 = vector.broadcast %add3A_602 : i32 to vector<16xi32>
      %add3A_604 = arith.addi %mul3A_580, %add3A_603 : vector<16xi32>
      %select_n3A_605 = arith.select %gt3A, %add3A_604, %broadcast_in_dim3A_584 : vector<16xi1>, vector<16xi32>
      %add3A_606 = arith.constant 1 : i32
      %add3A_607 = vector.broadcast %add3A_606 : i32 to vector<16xi32>
      %add3A_608 = arith.addi %mul3A_580, %add3A_607 : vector<16xi32>
      %gather3A_609 = tpu.vector_load_idx %arg14[%add3A_608] : memref<256xf32, #tpu.memory_space<vmem>>[vector<16xi32>], vector<16xf32>,
      %add3A_610 = arith.constant 1 : i32
      %add3A_611 = vector.broadcast %add3A_610 : i32 to vector<16xi32>
      %add3A_612 = arith.addi %mul3A_580, %add3A_611 : vector<16xi32>
      %gather3A_613 = tpu.vector_load_idx %arg13[%add3A_612] : memref<256xf32, #tpu.memory_space<vmem>>[vector<16xi32>], vector<16xf32>,
      %sub3A_614 = arith.constant 1.000000e+00 : f32
      %sub3A_615 = vector.broadcast %sub3A_614 : f32 to vector<16xf32>
      %sub3A_616 = arith.subf %sub3A_615, %gather3A_613 : vector<16xf32>
      %sub3A_617 = vector.broadcast %reduce_min3A_574 : f32 to vector<16xf32>
      %sub3A_618 = arith.subf %gather3A_609, %sub3A_617 : vector<16xf32>
      %add3A_619 = arith.constant 1.000000e+00 : f32
      %add3A_620 = vector.broadcast %add3A_619 : f32 to vector<16xf32>
      %add3A_621 = arith.addf %sub3A_618, %add3A_620 : vector<16xf32>
      %mul3A_622 = arith.mulf %sub3A_616, %add3A_621 : vector<16xf32>
      %gt3A_623 = arith.cmpf ogt, %mul3A_622, %select_n3A_600 : vector<16xf32>
      %select_n3A_624 = arith.select %gt3A_623, %mul3A_622, %select_n3A_600 : vector<16xi1>, vector<16xf32>
      %select_n3A_625 = arith.select %gt3A_623, %gather3A_609, %select_n3A_601 : vector<16xi1>, vector<16xf32>
      %add3A_626 = arith.constant 1 : i32
      %add3A_627 = vector.broadcast %add3A_626 : i32 to vector<16xi32>
      %add3A_628 = arith.addi %mul3A_580, %add3A_627 : vector<16xi32>
      %select_n3A_629 = arith.select %gt3A_623, %add3A_628, %select_n3A_605 : vector<16xi1>, vector<16xi32>
      %add3A_630 = arith.constant 2 : i32
      %add3A_631 = vector.broadcast %add3A_630 : i32 to vector<16xi32>
      %add3A_632 = arith.addi %mul3A_580, %add3A_631 : vector<16xi32>
      %gather3A_633 = tpu.vector_load_idx %arg14[%add3A_632] : memref<256xf32, #tpu.memory_space<vmem>>[vector<16xi32>], vector<16xf32>,
      %add3A_634 = arith.constant 2 : i32
      %add3A_635 = vector.broadcast %add3A_634 : i32 to vector<16xi32>
      %add3A_636 = arith.addi %mul3A_580, %add3A_635 : vector<16xi32>
      %gather3A_637 = tpu.vector_load_idx %arg13[%add3A_636] : memref<256xf32, #tpu.memory_space<vmem>>[vector<16xi32>], vector<16xf32>,
      %sub3A_638 = arith.constant 1.000000e+00 : f32
      %sub3A_639 = vector.broadcast %sub3A_638 : f32 to vector<16xf32>
      %sub3A_640 = arith.subf %sub3A_639, %gather3A_637 : vector<16xf32>
      %sub3A_641 = vector.broadcast %reduce_min3A_574 : f32 to vector<16xf32>
      %sub3A_642 = arith.subf %gather3A_633, %sub3A_641 : vector<16xf32>
      %add3A_643 = arith.constant 1.000000e+00 : f32
      %add3A_644 = vector.broadcast %add3A_643 : f32 to vector<16xf32>
      %add3A_645 = arith.addf %sub3A_642, %add3A_644 : vector<16xf32>
      %mul3A_646 = arith.mulf %sub3A_640, %add3A_645 : vector<16xf32>
      %gt3A_647 = arith.cmpf ogt, %mul3A_646, %select_n3A_624 : vector<16xf32>
      %select_n3A_648 = arith.select %gt3A_647, %mul3A_646, %select_n3A_624 : vector<16xi1>, vector<16xf32>
      %select_n3A_649 = arith.select %gt3A_647, %gather3A_633, %select_n3A_625 : vector<16xi1>, vector<16xf32>
      %add3A_650 = arith.constant 2 : i32
      %add3A_651 = vector.broadcast %add3A_650 : i32 to vector<16xi32>
      %add3A_652 = arith.addi %mul3A_580, %add3A_651 : vector<16xi32>
      %select_n3A_653 = arith.select %gt3A_647, %add3A_652, %select_n3A_629 : vector<16xi1>, vector<16xi32>
      %add3A_654 = arith.constant 3 : i32
      %add3A_655 = vector.broadcast %add3A_654 : i32 to vector<16xi32>
      %add3A_656 = arith.addi %mul3A_580, %add3A_655 : vector<16xi32>
      %gather3A_657 = tpu.vector_load_idx %arg14[%add3A_656] : memref<256xf32, #tpu.memory_space<vmem>>[vector<16xi32>], vector<16xf32>,
      %add3A_658 = arith.constant 3 : i32
      %add3A_659 = vector.broadcast %add3A_658 : i32 to vector<16xi32>
      %add3A_660 = arith.addi %mul3A_580, %add3A_659 : vector<16xi32>
      %gather3A_661 = tpu.vector_load_idx %arg13[%add3A_660] : memref<256xf32, #tpu.memory_space<vmem>>[vector<16xi32>], vector<16xf32>,
      %sub3A_662 = arith.constant 1.000000e+00 : f32
      %sub3A_663 = vector.broadcast %sub3A_662 : f32 to vector<16xf32>
      %sub3A_664 = arith.subf %sub3A_663, %gather3A_661 : vector<16xf32>
      %sub3A_665 = vector.broadcast %reduce_min3A_574 : f32 to vector<16xf32>
      %sub3A_666 = arith.subf %gather3A_657, %sub3A_665 : vector<16xf32>
      %add3A_667 = arith.constant 1.000000e+00 : f32
      %add3A_668 = vector.broadcast %add3A_667 : f32 to vector<16xf32>
      %add3A_669 = arith.addf %sub3A_666, %add3A_668 : vector<16xf32>
      %mul3A_670 = arith.mulf %sub3A_664, %add3A_669 : vector<16xf32>
      %gt3A_671 = arith.cmpf ogt, %mul3A_670, %select_n3A_648 : vector<16xf32>
      %select_n3A_672 = arith.select %gt3A_671, %mul3A_670, %select_n3A_648 : vector<16xi1>, vector<16xf32>
      %select_n3A_673 = arith.select %gt3A_671, %gather3A_657, %select_n3A_649 : vector<16xi1>, vector<16xf32>
      %add3A_674 = arith.constant 3 : i32
      %add3A_675 = vector.broadcast %add3A_674 : i32 to vector<16xi32>
      %add3A_676 = arith.addi %mul3A_580, %add3A_675 : vector<16xi32>
      %select_n3A_677 = arith.select %gt3A_671, %add3A_676, %select_n3A_653 : vector<16xi1>, vector<16xi32>
      %swap3A_678 = arith.constant 0 : index
      %swap3A_679 = tpu.vector_load %arg16[%swap3A_678] {strides = array<i32>} : memref<64xf32, #tpu.memory_space<vmem>>, vector<16xf32>,
      tpu.vector_store %arg16[%swap3A_678], %select_n3A_672 {strides = array<i32>} : memref<64xf32, #tpu.memory_space<vmem>>, vector<16xf32>,
      %swap3A_680 = arith.constant 0 : index
      %swap3A_681 = tpu.vector_load %arg15[%swap3A_680] {strides = array<i32>} : memref<64xf32, #tpu.memory_space<vmem>>, vector<16xf32>,
      tpu.vector_store %arg15[%swap3A_680], %select_n3A_673 {strides = array<i32>} : memref<64xf32, #tpu.memory_space<vmem>>, vector<16xf32>,
      %swap3A_682 = arith.constant 0 : index
      %swap3A_683 = tpu.vector_load %arg17[%swap3A_682] {strides = array<i32>} : memref<64xi32, #tpu.memory_space<vmem>>, vector<16xi32>,
      tpu.vector_store %arg17[%swap3A_682], %select_n3A_677 {strides = array<i32>} : memref<64xi32, #tpu.memory_space<vmem>>, vector<16xi32>,
      %add3A_684 = arith.constant 16 : i32
      %add3A_685 = vector.broadcast %add3A_684 : i32 to vector<16xi32>
      %add3A_686 = arith.addi %add3A_685, %iota3A : vector<16xi32>
      %mul3A_687 = arith.constant 4 : i32
      %mul3A_688 = vector.broadcast %mul3A_687 : i32 to vector<16xi32>
      %mul3A_689 = arith.muli %add3A_686, %mul3A_688 : vector<16xi32>
      %broadcast_in_dim3A_690 = arith.constant -3.400000e+38 : f32
      %broadcast_in_dim3A_691 = vector.broadcast %broadcast_in_dim3A_690 : f32 to vector<16xf32>
      %broadcast_in_dim3A_692 = arith.constant 0 : i32
      %broadcast_in_dim3A_693 = vector.broadcast %broadcast_in_dim3A_692 : i32 to vector<16xi32>
      %add3A_694 = arith.constant 0 : i32
      %add3A_695 = vector.broadcast %add3A_694 : i32 to vector<16xi32>
      %add3A_696 = arith.addi %mul3A_689, %add3A_695 : vector<16xi32>
      %gather3A_697 = tpu.vector_load_idx %arg14[%add3A_696] : memref<256xf32, #tpu.memory_space<vmem>>[vector<16xi32>], vector<16xf32>,
      %add3A_698 = arith.constant 0 : i32
      %add3A_699 = vector.broadcast %add3A_698 : i32 to vector<16xi32>
      %add3A_700 = arith.addi %mul3A_689, %add3A_699 : vector<16xi32>
      %gather3A_701 = tpu.vector_load_idx %arg13[%add3A_700] : memref<256xf32, #tpu.memory_space<vmem>>[vector<16xi32>], vector<16xf32>,
      %sub3A_702 = arith.constant 1.000000e+00 : f32
      %sub3A_703 = vector.broadcast %sub3A_702 : f32 to vector<16xf32>
      %sub3A_704 = arith.subf %sub3A_703, %gather3A_701 : vector<16xf32>
      %sub3A_705 = vector.broadcast %reduce_min3A_574 : f32 to vector<16xf32>
      %sub3A_706 = arith.subf %gather3A_697, %sub3A_705 : vector<16xf32>
      %add3A_707 = arith.constant 1.000000e+00 : f32
      %add3A_708 = vector.broadcast %add3A_707 : f32 to vector<16xf32>
      %add3A_709 = arith.addf %sub3A_706, %add3A_708 : vector<16xf32>
      %mul3A_710 = arith.mulf %sub3A_704, %add3A_709 : vector<16xf32>
      %gt3A_711 = arith.cmpf ogt, %mul3A_710, %broadcast_in_dim3A_691 : vector<16xf32>
      %select_n3A_712 = arith.select %gt3A_711, %mul3A_710, %broadcast_in_dim3A_691 : vector<16xi1>, vector<16xf32>
      %select_n3A_713 = arith.select %gt3A_711, %gather3A_697, %broadcast_in_dim3A_0 : vector<16xi1>, vector<16xf32>
      %add3A_714 = arith.constant 0 : i32
      %add3A_715 = vector.broadcast %add3A_714 : i32 to vector<16xi32>
      %add3A_716 = arith.addi %mul3A_689, %add3A_715 : vector<16xi32>
      %select_n3A_717 = arith.select %gt3A_711, %add3A_716, %broadcast_in_dim3A_693 : vector<16xi1>, vector<16xi32>
      %add3A_718 = arith.constant 1 : i32
      %add3A_719 = vector.broadcast %add3A_718 : i32 to vector<16xi32>
      %add3A_720 = arith.addi %mul3A_689, %add3A_719 : vector<16xi32>
      %gather3A_721 = tpu.vector_load_idx %arg14[%add3A_720] : memref<256xf32, #tpu.memory_space<vmem>>[vector<16xi32>], vector<16xf32>,
      %add3A_722 = arith.constant 1 : i32
      %add3A_723 = vector.broadcast %add3A_722 : i32 to vector<16xi32>
      %add3A_724 = arith.addi %mul3A_689, %add3A_723 : vector<16xi32>
      %gather3A_725 = tpu.vector_load_idx %arg13[%add3A_724] : memref<256xf32, #tpu.memory_space<vmem>>[vector<16xi32>], vector<16xf32>,
      %sub3A_726 = arith.constant 1.000000e+00 : f32
      %sub3A_727 = vector.broadcast %sub3A_726 : f32 to vector<16xf32>
      %sub3A_728 = arith.subf %sub3A_727, %gather3A_725 : vector<16xf32>
      %sub3A_729 = vector.broadcast %reduce_min3A_574 : f32 to vector<16xf32>
      %sub3A_730 = arith.subf %gather3A_721, %sub3A_729 : vector<16xf32>
      %add3A_731 = arith.constant 1.000000e+00 : f32
      %add3A_732 = vector.broadcast %add3A_731 : f32 to vector<16xf32>
      %add3A_733 = arith.addf %sub3A_730, %add3A_732 : vector<16xf32>
      %mul3A_734 = arith.mulf %sub3A_728, %add3A_733 : vector<16xf32>
      %gt3A_735 = arith.cmpf ogt, %mul3A_734, %select_n3A_712 : vector<16xf32>
      %select_n3A_736 = arith.select %gt3A_735, %mul3A_734, %select_n3A_712 : vector<16xi1>, vector<16xf32>
      %select_n3A_737 = arith.select %gt3A_735, %gather3A_721, %select_n3A_713 : vector<16xi1>, vector<16xf32>
      %add3A_738 = arith.constant 1 : i32
      %add3A_739 = vector.broadcast %add3A_738 : i32 to vector<16xi32>
      %add3A_740 = arith.addi %mul3A_689, %add3A_739 : vector<16xi32>
      %select_n3A_741 = arith.select %gt3A_735, %add3A_740, %select_n3A_717 : vector<16xi1>, vector<16xi32>
      %add3A_742 = arith.constant 2 : i32
      %add3A_743 = vector.broadcast %add3A_742 : i32 to vector<16xi32>
      %add3A_744 = arith.addi %mul3A_689, %add3A_743 : vector<16xi32>
      %gather3A_745 = tpu.vector_load_idx %arg14[%add3A_744] : memref<256xf32, #tpu.memory_space<vmem>>[vector<16xi32>], vector<16xf32>,
      %add3A_746 = arith.constant 2 : i32
      %add3A_747 = vector.broadcast %add3A_746 : i32 to vector<16xi32>
      %add3A_748 = arith.addi %mul3A_689, %add3A_747 : vector<16xi32>
      %gather3A_749 = tpu.vector_load_idx %arg13[%add3A_748] : memref<256xf32, #tpu.memory_space<vmem>>[vector<16xi32>], vector<16xf32>,
      %sub3A_750 = arith.constant 1.000000e+00 : f32
      %sub3A_751 = vector.broadcast %sub3A_750 : f32 to vector<16xf32>
      %sub3A_752 = arith.subf %sub3A_751, %gather3A_749 : vector<16xf32>
      %sub3A_753 = vector.broadcast %reduce_min3A_574 : f32 to vector<16xf32>
      %sub3A_754 = arith.subf %gather3A_745, %sub3A_753 : vector<16xf32>
      %add3A_755 = arith.constant 1.000000e+00 : f32
      %add3A_756 = vector.broadcast %add3A_755 : f32 to vector<16xf32>
      %add3A_757 = arith.addf %sub3A_754, %add3A_756 : vector<16xf32>
      %mul3A_758 = arith.mulf %sub3A_752, %add3A_757 : vector<16xf32>
      %gt3A_759 = arith.cmpf ogt, %mul3A_758, %select_n3A_736 : vector<16xf32>
      %select_n3A_760 = arith.select %gt3A_759, %mul3A_758, %select_n3A_736 : vector<16xi1>, vector<16xf32>
      %select_n3A_761 = arith.select %gt3A_759, %gather3A_745, %select_n3A_737 : vector<16xi1>, vector<16xf32>
      %add3A_762 = arith.constant 2 : i32
      %add3A_763 = vector.broadcast %add3A_762 : i32 to vector<16xi32>
      %add3A_764 = arith.addi %mul3A_689, %add3A_763 : vector<16xi32>
      %select_n3A_765 = arith.select %gt3A_759, %add3A_764, %select_n3A_741 : vector<16xi1>, vector<16xi32>
      %add3A_766 = arith.constant 3 : i32
      %add3A_767 = vector.broadcast %add3A_766 : i32 to vector<16xi32>
      %add3A_768 = arith.addi %mul3A_689, %add3A_767 : vector<16xi32>
      %gather3A_769 = tpu.vector_load_idx %arg14[%add3A_768] : memref<256xf32, #tpu.memory_space<vmem>>[vector<16xi32>], vector<16xf32>,
      %add3A_770 = arith.constant 3 : i32
      %add3A_771 = vector.broadcast %add3A_770 : i32 to vector<16xi32>
      %add3A_772 = arith.addi %mul3A_689, %add3A_771 : vector<16xi32>
      %gather3A_773 = tpu.vector_load_idx %arg13[%add3A_772] : memref<256xf32, #tpu.memory_space<vmem>>[vector<16xi32>], vector<16xf32>,
      %sub3A_774 = arith.constant 1.000000e+00 : f32
      %sub3A_775 = vector.broadcast %sub3A_774 : f32 to vector<16xf32>
      %sub3A_776 = arith.subf %sub3A_775, %gather3A_773 : vector<16xf32>
      %sub3A_777 = vector.broadcast %reduce_min3A_574 : f32 to vector<16xf32>
      %sub3A_778 = arith.subf %gather3A_769, %sub3A_777 : vector<16xf32>
      %add3A_779 = arith.constant 1.000000e+00 : f32
      %add3A_780 = vector.broadcast %add3A_779 : f32 to vector<16xf32>
      %add3A_781 = arith.addf %sub3A_778, %add3A_780 : vector<16xf32>
      %mul3A_782 = arith.mulf %sub3A_776, %add3A_781 : vector<16xf32>
      %gt3A_783 = arith.cmpf ogt, %mul3A_782, %select_n3A_760 : vector<16xf32>
      %select_n3A_784 = arith.select %gt3A_783, %mul3A_782, %select_n3A_760 : vector<16xi1>, vector<16xf32>
      %select_n3A_785 = arith.select %gt3A_783, %gather3A_769, %select_n3A_761 : vector<16xi1>, vector<16xf32>
      %add3A_786 = arith.constant 3 : i32
      %add3A_787 = vector.broadcast %add3A_786 : i32 to vector<16xi32>
      %add3A_788 = arith.addi %mul3A_689, %add3A_787 : vector<16xi32>
      %select_n3A_789 = arith.select %gt3A_783, %add3A_788, %select_n3A_765 : vector<16xi1>, vector<16xi32>
      %swap3A_790 = arith.constant 16 : index
      %swap3A_791 = tpu.vector_load %arg16[%swap3A_790] {strides = array<i32>} : memref<64xf32, #tpu.memory_space<vmem>>, vector<16xf32>,
      tpu.vector_store %arg16[%swap3A_790], %select_n3A_784 {strides = array<i32>} : memref<64xf32, #tpu.memory_space<vmem>>, vector<16xf32>,
      %swap3A_792 = arith.constant 16 : index
      %swap3A_793 = tpu.vector_load %arg15[%swap3A_792] {strides = array<i32>} : memref<64xf32, #tpu.memory_space<vmem>>, vector<16xf32>,
      tpu.vector_store %arg15[%swap3A_792], %select_n3A_785 {strides = array<i32>} : memref<64xf32, #tpu.memory_space<vmem>>, vector<16xf32>,
      %swap3A_794 = arith.constant 16 : index
      %swap3A_795 = tpu.vector_load %arg17[%swap3A_794] {strides = array<i32>} : memref<64xi32, #tpu.memory_space<vmem>>, vector<16xi32>,
      tpu.vector_store %arg17[%swap3A_794], %select_n3A_789 {strides = array<i32>} : memref<64xi32, #tpu.memory_space<vmem>>, vector<16xi32>,
      %add3A_796 = arith.constant 32 : i32
      %add3A_797 = vector.broadcast %add3A_796 : i32 to vector<16xi32>
      %add3A_798 = arith.addi %add3A_797, %iota3A : vector<16xi32>
      %mul3A_799 = arith.constant 4 : i32
      %mul3A_800 = vector.broadcast %mul3A_799 : i32 to vector<16xi32>
      %mul3A_801 = arith.muli %add3A_798, %mul3A_800 : vector<16xi32>
      %broadcast_in_dim3A_802 = arith.constant -3.400000e+38 : f32
      %broadcast_in_dim3A_803 = vector.broadcast %broadcast_in_dim3A_802 : f32 to vector<16xf32>
      %broadcast_in_dim3A_804 = arith.constant 0 : i32
      %broadcast_in_dim3A_805 = vector.broadcast %broadcast_in_dim3A_804 : i32 to vector<16xi32>
      %add3A_806 = arith.constant 0 : i32
      %add3A_807 = vector.broadcast %add3A_806 : i32 to vector<16xi32>
      %add3A_808 = arith.addi %mul3A_801, %add3A_807 : vector<16xi32>
      %gather3A_809 = tpu.vector_load_idx %arg14[%add3A_808] : memref<256xf32, #tpu.memory_space<vmem>>[vector<16xi32>], vector<16xf32>,
      %add3A_810 = arith.constant 0 : i32
      %add3A_811 = vector.broadcast %add3A_810 : i32 to vector<16xi32>
      %add3A_812 = arith.addi %mul3A_801, %add3A_811 : vector<16xi32>
      %gather3A_813 = tpu.vector_load_idx %arg13[%add3A_812] : memref<256xf32, #tpu.memory_space<vmem>>[vector<16xi32>], vector<16xf32>,
      %sub3A_814 = arith.constant 1.000000e+00 : f32
      %sub3A_815 = vector.broadcast %sub3A_814 : f32 to vector<16xf32>
      %sub3A_816 = arith.subf %sub3A_815, %gather3A_813 : vector<16xf32>
      %sub3A_817 = vector.broadcast %reduce_min3A_574 : f32 to vector<16xf32>
      %sub3A_818 = arith.subf %gather3A_809, %sub3A_817 : vector<16xf32>
      %add3A_819 = arith.constant 1.000000e+00 : f32
      %add3A_820 = vector.broadcast %add3A_819 : f32 to vector<16xf32>
      %add3A_821 = arith.addf %sub3A_818, %add3A_820 : vector<16xf32>
      %mul3A_822 = arith.mulf %sub3A_816, %add3A_821 : vector<16xf32>
      %gt3A_823 = arith.cmpf ogt, %mul3A_822, %broadcast_in_dim3A_803 : vector<16xf32>
      %select_n3A_824 = arith.select %gt3A_823, %mul3A_822, %broadcast_in_dim3A_803 : vector<16xi1>, vector<16xf32>
      %select_n3A_825 = arith.select %gt3A_823, %gather3A_809, %broadcast_in_dim3A_0 : vector<16xi1>, vector<16xf32>
      %add3A_826 = arith.constant 0 : i32
      %add3A_827 = vector.broadcast %add3A_826 : i32 to vector<16xi32>
      %add3A_828 = arith.addi %mul3A_801, %add3A_827 : vector<16xi32>
      %select_n3A_829 = arith.select %gt3A_823, %add3A_828, %broadcast_in_dim3A_805 : vector<16xi1>, vector<16xi32>
      %add3A_830 = arith.constant 1 : i32
      %add3A_831 = vector.broadcast %add3A_830 : i32 to vector<16xi32>
      %add3A_832 = arith.addi %mul3A_801, %add3A_831 : vector<16xi32>
      %gather3A_833 = tpu.vector_load_idx %arg14[%add3A_832] : memref<256xf32, #tpu.memory_space<vmem>>[vector<16xi32>], vector<16xf32>,
      %add3A_834 = arith.constant 1 : i32
      %add3A_835 = vector.broadcast %add3A_834 : i32 to vector<16xi32>
      %add3A_836 = arith.addi %mul3A_801, %add3A_835 : vector<16xi32>
      %gather3A_837 = tpu.vector_load_idx %arg13[%add3A_836] : memref<256xf32, #tpu.memory_space<vmem>>[vector<16xi32>], vector<16xf32>,
      %sub3A_838 = arith.constant 1.000000e+00 : f32
      %sub3A_839 = vector.broadcast %sub3A_838 : f32 to vector<16xf32>
      %sub3A_840 = arith.subf %sub3A_839, %gather3A_837 : vector<16xf32>
      %sub3A_841 = vector.broadcast %reduce_min3A_574 : f32 to vector<16xf32>
      %sub3A_842 = arith.subf %gather3A_833, %sub3A_841 : vector<16xf32>
      %add3A_843 = arith.constant 1.000000e+00 : f32
      %add3A_844 = vector.broadcast %add3A_843 : f32 to vector<16xf32>
      %add3A_845 = arith.addf %sub3A_842, %add3A_844 : vector<16xf32>
      %mul3A_846 = arith.mulf %sub3A_840, %add3A_845 : vector<16xf32>
      %gt3A_847 = arith.cmpf ogt, %mul3A_846, %select_n3A_824 : vector<16xf32>
      %select_n3A_848 = arith.select %gt3A_847, %mul3A_846, %select_n3A_824 : vector<16xi1>, vector<16xf32>
      %select_n3A_849 = arith.select %gt3A_847, %gather3A_833, %select_n3A_825 : vector<16xi1>, vector<16xf32>
      %add3A_850 = arith.constant 1 : i32
      %add3A_851 = vector.broadcast %add3A_850 : i32 to vector<16xi32>
      %add3A_852 = arith.addi %mul3A_801, %add3A_851 : vector<16xi32>
      %select_n3A_853 = arith.select %gt3A_847, %add3A_852, %select_n3A_829 : vector<16xi1>, vector<16xi32>
      %add3A_854 = arith.constant 2 : i32
      %add3A_855 = vector.broadcast %add3A_854 : i32 to vector<16xi32>
      %add3A_856 = arith.addi %mul3A_801, %add3A_855 : vector<16xi32>
      %gather3A_857 = tpu.vector_load_idx %arg14[%add3A_856] : memref<256xf32, #tpu.memory_space<vmem>>[vector<16xi32>], vector<16xf32>,
      %add3A_858 = arith.constant 2 : i32
      %add3A_859 = vector.broadcast %add3A_858 : i32 to vector<16xi32>
      %add3A_860 = arith.addi %mul3A_801, %add3A_859 : vector<16xi32>
      %gather3A_861 = tpu.vector_load_idx %arg13[%add3A_860] : memref<256xf32, #tpu.memory_space<vmem>>[vector<16xi32>], vector<16xf32>,
      %sub3A_862 = arith.constant 1.000000e+00 : f32
      %sub3A_863 = vector.broadcast %sub3A_862 : f32 to vector<16xf32>
      %sub3A_864 = arith.subf %sub3A_863, %gather3A_861 : vector<16xf32>
      %sub3A_865 = vector.broadcast %reduce_min3A_574 : f32 to vector<16xf32>
      %sub3A_866 = arith.subf %gather3A_857, %sub3A_865 : vector<16xf32>
      %add3A_867 = arith.constant 1.000000e+00 : f32
      %add3A_868 = vector.broadcast %add3A_867 : f32 to vector<16xf32>
      %add3A_869 = arith.addf %sub3A_866, %add3A_868 : vector<16xf32>
      %mul3A_870 = arith.mulf %sub3A_864, %add3A_869 : vector<16xf32>
      %gt3A_871 = arith.cmpf ogt, %mul3A_870, %select_n3A_848 : vector<16xf32>
      %select_n3A_872 = arith.select %gt3A_871, %mul3A_870, %select_n3A_848 : vector<16xi1>, vector<16xf32>
      %select_n3A_873 = arith.select %gt3A_871, %gather3A_857, %select_n3A_849 : vector<16xi1>, vector<16xf32>
      %add3A_874 = arith.constant 2 : i32
      %add3A_875 = vector.broadcast %add3A_874 : i32 to vector<16xi32>
      %add3A_876 = arith.addi %mul3A_801, %add3A_875 : vector<16xi32>
      %select_n3A_877 = arith.select %gt3A_871, %add3A_876, %select_n3A_853 : vector<16xi1>, vector<16xi32>
      %add3A_878 = arith.constant 3 : i32
      %add3A_879 = vector.broadcast %add3A_878 : i32 to vector<16xi32>
      %add3A_880 = arith.addi %mul3A_801, %add3A_879 : vector<16xi32>
      %gather3A_881 = tpu.vector_load_idx %arg14[%add3A_880] : memref<256xf32, #tpu.memory_space<vmem>>[vector<16xi32>], vector<16xf32>,
      %add3A_882 = arith.constant 3 : i32
      %add3A_883 = vector.broadcast %add3A_882 : i32 to vector<16xi32>
      %add3A_884 = arith.addi %mul3A_801, %add3A_883 : vector<16xi32>
      %gather3A_885 = tpu.vector_load_idx %arg13[%add3A_884] : memref<256xf32, #tpu.memory_space<vmem>>[vector<16xi32>], vector<16xf32>,
      %sub3A_886 = arith.constant 1.000000e+00 : f32
      %sub3A_887 = vector.broadcast %sub3A_886 : f32 to vector<16xf32>
      %sub3A_888 = arith.subf %sub3A_887, %gather3A_885 : vector<16xf32>
      %sub3A_889 = vector.broadcast %reduce_min3A_574 : f32 to vector<16xf32>
      %sub3A_890 = arith.subf %gather3A_881, %sub3A_889 : vector<16xf32>
      %add3A_891 = arith.constant 1.000000e+00 : f32
      %add3A_892 = vector.broadcast %add3A_891 : f32 to vector<16xf32>
      %add3A_893 = arith.addf %sub3A_890, %add3A_892 : vector<16xf32>
      %mul3A_894 = arith.mulf %sub3A_888, %add3A_893 : vector<16xf32>
      %gt3A_895 = arith.cmpf ogt, %mul3A_894, %select_n3A_872 : vector<16xf32>
      %select_n3A_896 = arith.select %gt3A_895, %mul3A_894, %select_n3A_872 : vector<16xi1>, vector<16xf32>
      %select_n3A_897 = arith.select %gt3A_895, %gather3A_881, %select_n3A_873 : vector<16xi1>, vector<16xf32>
      %add3A_898 = arith.constant 3 : i32
      %add3A_899 = vector.broadcast %add3A_898 : i32 to vector<16xi32>
      %add3A_900 = arith.addi %mul3A_801, %add3A_899 : vector<16xi32>
      %select_n3A_901 = arith.select %gt3A_895, %add3A_900, %select_n3A_877 : vector<16xi1>, vector<16xi32>
      %swap3A_902 = arith.constant 32 : index
      %swap3A_903 = tpu.vector_load %arg16[%swap3A_902] {strides = array<i32>} : memref<64xf32, #tpu.memory_space<vmem>>, vector<16xf32>,
      tpu.vector_store %arg16[%swap3A_902], %select_n3A_896 {strides = array<i32>} : memref<64xf32, #tpu.memory_space<vmem>>, vector<16xf32>,
      %swap3A_904 = arith.constant 32 : index
      %swap3A_905 = tpu.vector_load %arg15[%swap3A_904] {strides = array<i32>} : memref<64xf32, #tpu.memory_space<vmem>>, vector<16xf32>,
      tpu.vector_store %arg15[%swap3A_904], %select_n3A_897 {strides = array<i32>} : memref<64xf32, #tpu.memory_space<vmem>>, vector<16xf32>,
      %swap3A_906 = arith.constant 32 : index
      %swap3A_907 = tpu.vector_load %arg17[%swap3A_906] {strides = array<i32>} : memref<64xi32, #tpu.memory_space<vmem>>, vector<16xi32>,
      tpu.vector_store %arg17[%swap3A_906], %select_n3A_901 {strides = array<i32>} : memref<64xi32, #tpu.memory_space<vmem>>, vector<16xi32>,
      %add3A_908 = arith.constant 48 : i32
      %add3A_909 = vector.broadcast %add3A_908 : i32 to vector<16xi32>
      %add3A_910 = arith.addi %add3A_909, %iota3A : vector<16xi32>
      %mul3A_911 = arith.constant 4 : i32
      %mul3A_912 = vector.broadcast %mul3A_911 : i32 to vector<16xi32>
      %mul3A_913 = arith.muli %add3A_910, %mul3A_912 : vector<16xi32>
      %broadcast_in_dim3A_914 = arith.constant -3.400000e+38 : f32
      %broadcast_in_dim3A_915 = vector.broadcast %broadcast_in_dim3A_914 : f32 to vector<16xf32>
      %broadcast_in_dim3A_916 = arith.constant 0 : i32
      %broadcast_in_dim3A_917 = vector.broadcast %broadcast_in_dim3A_916 : i32 to vector<16xi32>
      %add3A_918 = arith.constant 0 : i32
      %add3A_919 = vector.broadcast %add3A_918 : i32 to vector<16xi32>
      %add3A_920 = arith.addi %mul3A_913, %add3A_919 : vector<16xi32>
      %gather3A_921 = tpu.vector_load_idx %arg14[%add3A_920] : memref<256xf32, #tpu.memory_space<vmem>>[vector<16xi32>], vector<16xf32>,
      %add3A_922 = arith.constant 0 : i32
      %add3A_923 = vector.broadcast %add3A_922 : i32 to vector<16xi32>
      %add3A_924 = arith.addi %mul3A_913, %add3A_923 : vector<16xi32>
      %gather3A_925 = tpu.vector_load_idx %arg13[%add3A_924] : memref<256xf32, #tpu.memory_space<vmem>>[vector<16xi32>], vector<16xf32>,
      %sub3A_926 = arith.constant 1.000000e+00 : f32
      %sub3A_927 = vector.broadcast %sub3A_926 : f32 to vector<16xf32>
      %sub3A_928 = arith.subf %sub3A_927, %gather3A_925 : vector<16xf32>
      %sub3A_929 = vector.broadcast %reduce_min3A_574 : f32 to vector<16xf32>
      %sub3A_930 = arith.subf %gather3A_921, %sub3A_929 : vector<16xf32>
      %add3A_931 = arith.constant 1.000000e+00 : f32
      %add3A_932 = vector.broadcast %add3A_931 : f32 to vector<16xf32>
      %add3A_933 = arith.addf %sub3A_930, %add3A_932 : vector<16xf32>
      %mul3A_934 = arith.mulf %sub3A_928, %add3A_933 : vector<16xf32>
      %gt3A_935 = arith.cmpf ogt, %mul3A_934, %broadcast_in_dim3A_915 : vector<16xf32>
      %select_n3A_936 = arith.select %gt3A_935, %mul3A_934, %broadcast_in_dim3A_915 : vector<16xi1>, vector<16xf32>
      %select_n3A_937 = arith.select %gt3A_935, %gather3A_921, %broadcast_in_dim3A_0 : vector<16xi1>, vector<16xf32>
      %add3A_938 = arith.constant 0 : i32
      %add3A_939 = vector.broadcast %add3A_938 : i32 to vector<16xi32>
      %add3A_940 = arith.addi %mul3A_913, %add3A_939 : vector<16xi32>
      %select_n3A_941 = arith.select %gt3A_935, %add3A_940, %broadcast_in_dim3A_917 : vector<16xi1>, vector<16xi32>
      %add3A_942 = arith.constant 1 : i32
      %add3A_943 = vector.broadcast %add3A_942 : i32 to vector<16xi32>
      %add3A_944 = arith.addi %mul3A_913, %add3A_943 : vector<16xi32>
      %gather3A_945 = tpu.vector_load_idx %arg14[%add3A_944] : memref<256xf32, #tpu.memory_space<vmem>>[vector<16xi32>], vector<16xf32>,
      %add3A_946 = arith.constant 1 : i32
      %add3A_947 = vector.broadcast %add3A_946 : i32 to vector<16xi32>
      %add3A_948 = arith.addi %mul3A_913, %add3A_947 : vector<16xi32>
      %gather3A_949 = tpu.vector_load_idx %arg13[%add3A_948] : memref<256xf32, #tpu.memory_space<vmem>>[vector<16xi32>], vector<16xf32>,
      %sub3A_950 = arith.constant 1.000000e+00 : f32
      %sub3A_951 = vector.broadcast %sub3A_950 : f32 to vector<16xf32>
      %sub3A_952 = arith.subf %sub3A_951, %gather3A_949 : vector<16xf32>
      %sub3A_953 = vector.broadcast %reduce_min3A_574 : f32 to vector<16xf32>
      %sub3A_954 = arith.subf %gather3A_945, %sub3A_953 : vector<16xf32>
      %add3A_955 = arith.constant 1.000000e+00 : f32
      %add3A_956 = vector.broadcast %add3A_955 : f32 to vector<16xf32>
      %add3A_957 = arith.addf %sub3A_954, %add3A_956 : vector<16xf32>
      %mul3A_958 = arith.mulf %sub3A_952, %add3A_957 : vector<16xf32>
      %gt3A_959 = arith.cmpf ogt, %mul3A_958, %select_n3A_936 : vector<16xf32>
      %select_n3A_960 = arith.select %gt3A_959, %mul3A_958, %select_n3A_936 : vector<16xi1>, vector<16xf32>
      %select_n3A_961 = arith.select %gt3A_959, %gather3A_945, %select_n3A_937 : vector<16xi1>, vector<16xf32>
      %add3A_962 = arith.constant 1 : i32
      %add3A_963 = vector.broadcast %add3A_962 : i32 to vector<16xi32>
      %add3A_964 = arith.addi %mul3A_913, %add3A_963 : vector<16xi32>
      %select_n3A_965 = arith.select %gt3A_959, %add3A_964, %select_n3A_941 : vector<16xi1>, vector<16xi32>
      %add3A_966 = arith.constant 2 : i32
      %add3A_967 = vector.broadcast %add3A_966 : i32 to vector<16xi32>
      %add3A_968 = arith.addi %mul3A_913, %add3A_967 : vector<16xi32>
      %gather3A_969 = tpu.vector_load_idx %arg14[%add3A_968] : memref<256xf32, #tpu.memory_space<vmem>>[vector<16xi32>], vector<16xf32>,
      %add3A_970 = arith.constant 2 : i32
      %add3A_971 = vector.broadcast %add3A_970 : i32 to vector<16xi32>
      %add3A_972 = arith.addi %mul3A_913, %add3A_971 : vector<16xi32>
      %gather3A_973 = tpu.vector_load_idx %arg13[%add3A_972] : memref<256xf32, #tpu.memory_space<vmem>>[vector<16xi32>], vector<16xf32>,
      %sub3A_974 = arith.constant 1.000000e+00 : f32
      %sub3A_975 = vector.broadcast %sub3A_974 : f32 to vector<16xf32>
      %sub3A_976 = arith.subf %sub3A_975, %gather3A_973 : vector<16xf32>
      %sub3A_977 = vector.broadcast %reduce_min3A_574 : f32 to vector<16xf32>
      %sub3A_978 = arith.subf %gather3A_969, %sub3A_977 : vector<16xf32>
      %add3A_979 = arith.constant 1.000000e+00 : f32
      %add3A_980 = vector.broadcast %add3A_979 : f32 to vector<16xf32>
      %add3A_981 = arith.addf %sub3A_978, %add3A_980 : vector<16xf32>
      %mul3A_982 = arith.mulf %sub3A_976, %add3A_981 : vector<16xf32>
      %gt3A_983 = arith.cmpf ogt, %mul3A_982, %select_n3A_960 : vector<16xf32>
      %select_n3A_984 = arith.select %gt3A_983, %mul3A_982, %select_n3A_960 : vector<16xi1>, vector<16xf32>
      %select_n3A_985 = arith.select %gt3A_983, %gather3A_969, %select_n3A_961 : vector<16xi1>, vector<16xf32>
      %add3A_986 = arith.constant 2 : i32
      %add3A_987 = vector.broadcast %add3A_986 : i32 to vector<16xi32>
      %add3A_988 = arith.addi %mul3A_913, %add3A_987 : vector<16xi32>
      %select_n3A_989 = arith.select %gt3A_983, %add3A_988, %select_n3A_965 : vector<16xi1>, vector<16xi32>
      %add3A_990 = arith.constant 3 : i32
      %add3A_991 = vector.broadcast %add3A_990 : i32 to vector<16xi32>
      %add3A_992 = arith.addi %mul3A_913, %add3A_991 : vector<16xi32>
      %gather3A_993 = tpu.vector_load_idx %arg14[%add3A_992] : memref<256xf32, #tpu.memory_space<vmem>>[vector<16xi32>], vector<16xf32>,
      %add3A_994 = arith.constant 3 : i32
      %add3A_995 = vector.broadcast %add3A_994 : i32 to vector<16xi32>
      %add3A_996 = arith.addi %mul3A_913, %add3A_995 : vector<16xi32>
      %gather3A_997 = tpu.vector_load_idx %arg13[%add3A_996] : memref<256xf32, #tpu.memory_space<vmem>>[vector<16xi32>], vector<16xf32>,
      %sub3A_998 = arith.constant 1.000000e+00 : f32
      %sub3A_999 = vector.broadcast %sub3A_998 : f32 to vector<16xf32>
      %sub3A_1000 = arith.subf %sub3A_999, %gather3A_997 : vector<16xf32>
      %sub3A_1001 = vector.broadcast %reduce_min3A_574 : f32 to vector<16xf32>
      %sub3A_1002 = arith.subf %gather3A_993, %sub3A_1001 : vector<16xf32>
      %add3A_1003 = arith.constant 1.000000e+00 : f32
      %add3A_1004 = vector.broadcast %add3A_1003 : f32 to vector<16xf32>
      %add3A_1005 = arith.addf %sub3A_1002, %add3A_1004 : vector<16xf32>
      %mul3A_1006 = arith.mulf %sub3A_1000, %add3A_1005 : vector<16xf32>
      %gt3A_1007 = arith.cmpf ogt, %mul3A_1006, %select_n3A_984 : vector<16xf32>
      %select_n3A_1008 = arith.select %gt3A_1007, %mul3A_1006, %select_n3A_984 : vector<16xi1>, vector<16xf32>
      %select_n3A_1009 = arith.select %gt3A_1007, %gather3A_993, %select_n3A_985 : vector<16xi1>, vector<16xf32>
      %add3A_1010 = arith.constant 3 : i32
      %add3A_1011 = vector.broadcast %add3A_1010 : i32 to vector<16xi32>
      %add3A_1012 = arith.addi %mul3A_913, %add3A_1011 : vector<16xi32>
      %select_n3A_1013 = arith.select %gt3A_1007, %add3A_1012, %select_n3A_989 : vector<16xi1>, vector<16xi32>
      %swap3A_1014 = arith.constant 48 : index
      %swap3A_1015 = tpu.vector_load %arg16[%swap3A_1014] {strides = array<i32>} : memref<64xf32, #tpu.memory_space<vmem>>, vector<16xf32>,
      tpu.vector_store %arg16[%swap3A_1014], %select_n3A_1008 {strides = array<i32>} : memref<64xf32, #tpu.memory_space<vmem>>, vector<16xf32>,
      %swap3A_1016 = arith.constant 48 : index
      %swap3A_1017 = tpu.vector_load %arg15[%swap3A_1016] {strides = array<i32>} : memref<64xf32, #tpu.memory_space<vmem>>, vector<16xf32>,
      tpu.vector_store %arg15[%swap3A_1016], %select_n3A_1009 {strides = array<i32>} : memref<64xf32, #tpu.memory_space<vmem>>, vector<16xf32>,
      %swap3A_1018 = arith.constant 48 : index
      %swap3A_1019 = tpu.vector_load %arg17[%swap3A_1018] {strides = array<i32>} : memref<64xi32, #tpu.memory_space<vmem>>, vector<16xi32>,
      tpu.vector_store %arg17[%swap3A_1018], %select_n3A_1013 {strides = array<i32>} : memref<64xi32, #tpu.memory_space<vmem>>, vector<16xi32>,
      %mul3A_1020 = arith.constant 64 : i32
      %mul3A_1021 = arith.muli %arg1, %mul3A_1020 : i32
      "tpu.region"() ({
        %run_scoped3A = tpu.sem_alloc : memref<!tpu.dma_semaphore, #tpu.memory_space<semaphore_mem>>
        %dma_start3A_1860 = tpu.memref_slice %arg33[%mul3A_1021] : memref<1024xf32, #tpu.memory_space<vmem_shared>> -> memref<64xf32, #tpu.memory_space<vmem_shared>>
        %dma_start3A_1861 = tpu.memref_slice %arg33[%mul3A_1021] : memref<1024xf32, #tpu.memory_space<vmem_shared>> -> memref<64xf32, #tpu.memory_space<vmem_shared>>
        tpu.enqueue_dma source(%arg16 : memref<64xf32, #tpu.memory_space<vmem>>) target(%dma_start3A_1861 : memref<64xf32, #tpu.memory_space<vmem_shared>>) target_semaphore(%run_scoped3A : memref<!tpu.dma_semaphore, #tpu.memory_space<semaphore_mem>>)
        %dma_wait3A_1862 = tpu.memref_slice %arg33[%mul3A_1021] : memref<1024xf32, #tpu.memory_space<vmem_shared>> -> memref<64xf32, #tpu.memory_space<vmem_shared>>
        %dma_wait3A_1863 = tpu.memref_slice %arg33[%mul3A_1021] : memref<1024xf32, #tpu.memory_space<vmem_shared>> -> memref<64xf32, #tpu.memory_space<vmem_shared>>
        tpu.wait_dma2 semaphore(%run_scoped3A : memref<!tpu.dma_semaphore, #tpu.memory_space<semaphore_mem>>) src(%arg16 : memref<64xf32, #tpu.memory_space<vmem>>) dst(%dma_wait3A_1863 : memref<64xf32, #tpu.memory_space<vmem_shared>>)
        tpu.yield
      }) : () -> ()
      %barrier3A_1022 = arith.constant 0 : index
      tpu.barrier barrier_id(%barrier3A_1022)
      "tpu.region"() ({
        %run_scoped3A = tpu.sem_alloc : memref<!tpu.dma_semaphore, #tpu.memory_space<semaphore_mem>>
        tpu.enqueue_dma source(%arg33 : memref<1024xf32, #tpu.memory_space<vmem_shared>>) target(%arg22 : memref<1024xf32, #tpu.memory_space<vmem>>) target_semaphore(%run_scoped3A : memref<!tpu.dma_semaphore, #tpu.memory_space<semaphore_mem>>)
        tpu.wait_dma2 semaphore(%run_scoped3A : memref<!tpu.dma_semaphore, #tpu.memory_space<semaphore_mem>>) src(%arg33 : memref<1024xf32, #tpu.memory_space<vmem_shared>>) dst(%arg22 : memref<1024xf32, #tpu.memory_space<vmem>>)
        tpu.yield
      }) : () -> ()
      %scan3A_1023 = arith.constant 0 : i32
      %scan3A_1024 = arith.constant 0 : i32
      %scan3A_1025 = arith.constant 31 : i32
      %scan3A_1026 = arith.addi %scan3A_1024, %scan3A_1025 : i32
      %scan3A_1027 = arith.constant 1 : i32
      %scan3A_1028 = scf.for %scan3A_1860 = %scan3A_1024 to %scan3A_1026 step %scan3A_1027 iter_args(%scan3A_1861 = %scan3A_1023) -> (i32)  : i32 {
        %sub3A_1862 = arith.constant 30 : i32
        %sub3A_1863 = arith.subi %sub3A_1862, %scan3A_1860 : i32
        %shift_left3A = arith.constant 1 : i32
        %shift_left3A_1864 = arith.shli %shift_left3A, %sub3A_1863 : i32
        %or3A = arith.ori %scan3A_1861, %shift_left3A_1864 : i32
        %scan3A_1865 = arith.constant 0 : i32
        %scan3A_1866 = arith.constant 64 : i32
        %scan3A_1867 = arith.addi %scan3A_1865, %scan3A_1866 : i32
        %scan3A_1868 = arith.constant 8 : i32
        %scan3A_1869 = scf.for %scan3A_1877 = %scan3A_1865 to %scan3A_1867 step %scan3A_1868 iter_args(%scan3A_1878 = %broadcast_in_dim3A_0) -> (vector<16xf32>)  : i32 {
          %mul3A_1879 = arith.constant 16 : i32
          %mul3A_1880 = arith.muli %scan3A_1877, %mul3A_1879 : i32
          %get3A_1881 = arith.index_cast %mul3A_1880 : i32 to index
          %get3A_1882 = tpu.vector_load %arg22[%get3A_1881] {strides = array<i32>} : memref<1024xf32, #tpu.memory_space<vmem>>, vector<16xf32>,
          %bitcast3A_1883 = vector.bitcast %get3A_1882 : vector<16xf32> to vector<16xi32>
          %ge3A_1884 = vector.broadcast %or3A : i32 to vector<16xi32>
          %ge3A_1885 = arith.cmpi sge, %bitcast3A_1883, %ge3A_1884 : vector<16xi32>
          %jit3A_1886 = arith.constant 1.000000e+00 : f32
          %jit3A_1887 = arith.constant 0.000000e+00 : f32
          %broadcast_in_dim3A_1888 = vector.broadcast %jit3A_1886 : f32 to vector<16xf32>
          %broadcast_in_dim3A_1889 = vector.broadcast %jit3A_1887 : f32 to vector<16xf32>
          %select_n3A_1890 = arith.select %ge3A_1885, %broadcast_in_dim3A_1888, %broadcast_in_dim3A_1889 : vector<16xi1>, vector<16xf32>
          %add3A_1891 = arith.addf %scan3A_1878, %select_n3A_1890 : vector<16xf32>
          %scan3A_1892 = arith.constant 1 : i32
          %scan3A_1893 = arith.addi %scan3A_1877, %scan3A_1892 : i32
          %mul3A_1894 = arith.constant 16 : i32
          %mul3A_1895 = arith.muli %scan3A_1893, %mul3A_1894 : i32
          %get3A_1896 = arith.index_cast %mul3A_1895 : i32 to index
          %get3A_1897 = tpu.vector_load %arg22[%get3A_1896] {strides = array<i32>} : memref<1024xf32, #tpu.memory_space<vmem>>, vector<16xf32>,
          %bitcast3A_1898 = vector.bitcast %get3A_1897 : vector<16xf32> to vector<16xi32>
          %ge3A_1899 = vector.broadcast %or3A : i32 to vector<16xi32>
          %ge3A_1900 = arith.cmpi sge, %bitcast3A_1898, %ge3A_1899 : vector<16xi32>
          %jit3A_1901 = arith.constant 1.000000e+00 : f32
          %jit3A_1902 = arith.constant 0.000000e+00 : f32
          %broadcast_in_dim3A_1903 = vector.broadcast %jit3A_1901 : f32 to vector<16xf32>
          %broadcast_in_dim3A_1904 = vector.broadcast %jit3A_1902 : f32 to vector<16xf32>
          %select_n3A_1905 = arith.select %ge3A_1900, %broadcast_in_dim3A_1903, %broadcast_in_dim3A_1904 : vector<16xi1>, vector<16xf32>
          %add3A_1906 = arith.addf %add3A_1891, %select_n3A_1905 : vector<16xf32>
          %scan3A_1907 = arith.constant 2 : i32
          %scan3A_1908 = arith.addi %scan3A_1877, %scan3A_1907 : i32
          %mul3A_1909 = arith.constant 16 : i32
          %mul3A_1910 = arith.muli %scan3A_1908, %mul3A_1909 : i32
          %get3A_1911 = arith.index_cast %mul3A_1910 : i32 to index
          %get3A_1912 = tpu.vector_load %arg22[%get3A_1911] {strides = array<i32>} : memref<1024xf32, #tpu.memory_space<vmem>>, vector<16xf32>,
          %bitcast3A_1913 = vector.bitcast %get3A_1912 : vector<16xf32> to vector<16xi32>
          %ge3A_1914 = vector.broadcast %or3A : i32 to vector<16xi32>
          %ge3A_1915 = arith.cmpi sge, %bitcast3A_1913, %ge3A_1914 : vector<16xi32>
          %jit3A_1916 = arith.constant 1.000000e+00 : f32
          %jit3A_1917 = arith.constant 0.000000e+00 : f32
          %broadcast_in_dim3A_1918 = vector.broadcast %jit3A_1916 : f32 to vector<16xf32>
          %broadcast_in_dim3A_1919 = vector.broadcast %jit3A_1917 : f32 to vector<16xf32>
          %select_n3A_1920 = arith.select %ge3A_1915, %broadcast_in_dim3A_1918, %broadcast_in_dim3A_1919 : vector<16xi1>, vector<16xf32>
          %add3A_1921 = arith.addf %add3A_1906, %select_n3A_1920 : vector<16xf32>
          %scan3A_1922 = arith.constant 3 : i32
          %scan3A_1923 = arith.addi %scan3A_1877, %scan3A_1922 : i32
          %mul3A_1924 = arith.constant 16 : i32
          %mul3A_1925 = arith.muli %scan3A_1923, %mul3A_1924 : i32
          %get3A_1926 = arith.index_cast %mul3A_1925 : i32 to index
          %get3A_1927 = tpu.vector_load %arg22[%get3A_1926] {strides = array<i32>} : memref<1024xf32, #tpu.memory_space<vmem>>, vector<16xf32>,
          %bitcast3A_1928 = vector.bitcast %get3A_1927 : vector<16xf32> to vector<16xi32>
          %ge3A_1929 = vector.broadcast %or3A : i32 to vector<16xi32>
          %ge3A_1930 = arith.cmpi sge, %bitcast3A_1928, %ge3A_1929 : vector<16xi32>
          %jit3A_1931 = arith.constant 1.000000e+00 : f32
          %jit3A_1932 = arith.constant 0.000000e+00 : f32
          %broadcast_in_dim3A_1933 = vector.broadcast %jit3A_1931 : f32 to vector<16xf32>
          %broadcast_in_dim3A_1934 = vector.broadcast %jit3A_1932 : f32 to vector<16xf32>
          %select_n3A_1935 = arith.select %ge3A_1930, %broadcast_in_dim3A_1933, %broadcast_in_dim3A_1934 : vector<16xi1>, vector<16xf32>
          %add3A_1936 = arith.addf %add3A_1921, %select_n3A_1935 : vector<16xf32>
          %scan3A_1937 = arith.constant 4 : i32
          %scan3A_1938 = arith.addi %scan3A_1877, %scan3A_1937 : i32
          %mul3A_1939 = arith.constant 16 : i32
          %mul3A_1940 = arith.muli %scan3A_1938, %mul3A_1939 : i32
          %get3A_1941 = arith.index_cast %mul3A_1940 : i32 to index
          %get3A_1942 = tpu.vector_load %arg22[%get3A_1941] {strides = array<i32>} : memref<1024xf32, #tpu.memory_space<vmem>>, vector<16xf32>,
          %bitcast3A_1943 = vector.bitcast %get3A_1942 : vector<16xf32> to vector<16xi32>
          %ge3A_1944 = vector.broadcast %or3A : i32 to vector<16xi32>
          %ge3A_1945 = arith.cmpi sge, %bitcast3A_1943, %ge3A_1944 : vector<16xi32>
          %jit3A_1946 = arith.constant 1.000000e+00 : f32
          %jit3A_1947 = arith.constant 0.000000e+00 : f32
          %broadcast_in_dim3A_1948 = vector.broadcast %jit3A_1946 : f32 to vector<16xf32>
          %broadcast_in_dim3A_1949 = vector.broadcast %jit3A_1947 : f32 to vector<16xf32>
          %select_n3A_1950 = arith.select %ge3A_1945, %broadcast_in_dim3A_1948, %broadcast_in_dim3A_1949 : vector<16xi1>, vector<16xf32>
          %add3A_1951 = arith.addf %add3A_1936, %select_n3A_1950 : vector<16xf32>
          %scan3A_1952 = arith.constant 5 : i32
          %scan3A_1953 = arith.addi %scan3A_1877, %scan3A_1952 : i32
          %mul3A_1954 = arith.constant 16 : i32
          %mul3A_1955 = arith.muli %scan3A_1953, %mul3A_1954 : i32
          %get3A_1956 = arith.index_cast %mul3A_1955 : i32 to index
          %get3A_1957 = tpu.vector_load %arg22[%get3A_1956] {strides = array<i32>} : memref<1024xf32, #tpu.memory_space<vmem>>, vector<16xf32>,
          %bitcast3A_1958 = vector.bitcast %get3A_1957 : vector<16xf32> to vector<16xi32>
          %ge3A_1959 = vector.broadcast %or3A : i32 to vector<16xi32>
          %ge3A_1960 = arith.cmpi sge, %bitcast3A_1958, %ge3A_1959 : vector<16xi32>
          %jit3A_1961 = arith.constant 1.000000e+00 : f32
          %jit3A_1962 = arith.constant 0.000000e+00 : f32
          %broadcast_in_dim3A_1963 = vector.broadcast %jit3A_1961 : f32 to vector<16xf32>
          %broadcast_in_dim3A_1964 = vector.broadcast %jit3A_1962 : f32 to vector<16xf32>
          %select_n3A_1965 = arith.select %ge3A_1960, %broadcast_in_dim3A_1963, %broadcast_in_dim3A_1964 : vector<16xi1>, vector<16xf32>
          %add3A_1966 = arith.addf %add3A_1951, %select_n3A_1965 : vector<16xf32>
          %scan3A_1967 = arith.constant 6 : i32
          %scan3A_1968 = arith.addi %scan3A_1877, %scan3A_1967 : i32
          %mul3A_1969 = arith.constant 16 : i32
          %mul3A_1970 = arith.muli %scan3A_1968, %mul3A_1969 : i32
          %get3A_1971 = arith.index_cast %mul3A_1970 : i32 to index
          %get3A_1972 = tpu.vector_load %arg22[%get3A_1971] {strides = array<i32>} : memref<1024xf32, #tpu.memory_space<vmem>>, vector<16xf32>,
          %bitcast3A_1973 = vector.bitcast %get3A_1972 : vector<16xf32> to vector<16xi32>
          %ge3A_1974 = vector.broadcast %or3A : i32 to vector<16xi32>
          %ge3A_1975 = arith.cmpi sge, %bitcast3A_1973, %ge3A_1974 : vector<16xi32>
          %jit3A_1976 = arith.constant 1.000000e+00 : f32
          %jit3A_1977 = arith.constant 0.000000e+00 : f32
          %broadcast_in_dim3A_1978 = vector.broadcast %jit3A_1976 : f32 to vector<16xf32>
          %broadcast_in_dim3A_1979 = vector.broadcast %jit3A_1977 : f32 to vector<16xf32>
          %select_n3A_1980 = arith.select %ge3A_1975, %broadcast_in_dim3A_1978, %broadcast_in_dim3A_1979 : vector<16xi1>, vector<16xf32>
          %add3A_1981 = arith.addf %add3A_1966, %select_n3A_1980 : vector<16xf32>
          %scan3A_1982 = arith.constant 7 : i32
          %scan3A_1983 = arith.addi %scan3A_1877, %scan3A_1982 : i32
          %mul3A_1984 = arith.constant 16 : i32
          %mul3A_1985 = arith.muli %scan3A_1983, %mul3A_1984 : i32
          %get3A_1986 = arith.index_cast %mul3A_1985 : i32 to index
          %get3A_1987 = tpu.vector_load %arg22[%get3A_1986] {strides = array<i32>} : memref<1024xf32, #tpu.memory_space<vmem>>, vector<16xf32>,
          %bitcast3A_1988 = vector.bitcast %get3A_1987 : vector<16xf32> to vector<16xi32>
          %ge3A_1989 = vector.broadcast %or3A : i32 to vector<16xi32>
          %ge3A_1990 = arith.cmpi sge, %bitcast3A_1988, %ge3A_1989 : vector<16xi32>
          %jit3A_1991 = arith.constant 1.000000e+00 : f32
          %jit3A_1992 = arith.constant 0.000000e+00 : f32
          %broadcast_in_dim3A_1993 = vector.broadcast %jit3A_1991 : f32 to vector<16xf32>
          %broadcast_in_dim3A_1994 = vector.broadcast %jit3A_1992 : f32 to vector<16xf32>
          %select_n3A_1995 = arith.select %ge3A_1990, %broadcast_in_dim3A_1993, %broadcast_in_dim3A_1994 : vector<16xi1>, vector<16xf32>
          %add3A_1996 = arith.addf %add3A_1981, %select_n3A_1995 : vector<16xf32>
          scf.yield %add3A_1996 : vector<16xf32>
        }
        %scan3A_1870 = arith.constant 64 : i32
        %reduce_sum3A = arith.constant true
        %reduce_sum3A_1871 = vector.broadcast %reduce_sum3A : i1 to vector<16xi1>
        %reduce_sum3A_1872 = tpu.scan <sum>, %scan3A_1869 masked %reduce_sum3A_1871 : vector<16xf32>, vector<16xi1> -> vector<16xf32>
        %reduce_sum3A_1873 = vector.extract %reduce_sum3A_1872[15] : f32 from vector<16xf32>
        %ge3A_1874 = arith.constant 1.280000e+02 : f32
        %ge3A_1875 = arith.cmpf oge, %reduce_sum3A_1873, %ge3A_1874 : f32
        %select_n3A_1876 = arith.select %ge3A_1875, %or3A, %scan3A_1861 : i32
        scf.yield %select_n3A_1876 : i32
      }
      %scan3A_1029 = arith.constant 31 : i32
      %get3A_1030 = arith.constant 0 : index
      %get3A_1031 = tpu.vector_load %arg16[%get3A_1030] {strides = array<i32>} : memref<64xf32, #tpu.memory_space<vmem>>, vector<16xf32>,
      %bitcast3A = vector.bitcast %get3A_1031 : vector<16xf32> to vector<16xi32>
      %ge3A = vector.broadcast %scan3A_1028 : i32 to vector<16xi32>
      %ge3A_1032 = arith.cmpi sge, %bitcast3A, %ge3A : vector<16xi32>
      %jit3A_1033 = arith.constant 1.000000e+00 : f32
      %jit3A_1034 = arith.constant 0.000000e+00 : f32
      %broadcast_in_dim3A_1035 = vector.broadcast %jit3A_1033 : f32 to vector<16xf32>
      %broadcast_in_dim3A_1036 = vector.broadcast %jit3A_1034 : f32 to vector<16xf32>
      %select_n3A_1037 = arith.select %ge3A_1032, %broadcast_in_dim3A_1035, %broadcast_in_dim3A_1036 : vector<16xi1>, vector<16xf32>
      %get3A_1038 = arith.constant 0 : index
      %get3A_1039 = tpu.vector_load %arg15[%get3A_1038] {strides = array<i32>} : memref<64xf32, #tpu.memory_space<vmem>>, vector<16xf32>,
      %mul3A_1040 = arith.constant 2.000000e+00 : f32
      %mul3A_1041 = vector.broadcast %mul3A_1040 : f32 to vector<16xf32>
      %mul3A_1042 = arith.mulf %mul3A_1041, %get3A_1039 : vector<16xf32>
      %exp3A = math.exp %mul3A_1042 : vector<16xf32>
      %add3A_1043 = arith.constant 1.000000e+00 : f32
      %add3A_1044 = vector.broadcast %add3A_1043 : f32 to vector<16xf32>
      %add3A_1045 = arith.addf %exp3A, %add3A_1044 : vector<16xf32>
      %div3A_1046 = arith.constant 2.000000e+00 : f32
      %div3A_1047 = vector.broadcast %div3A_1046 : f32 to vector<16xf32>
      %div3A_1048 = arith.divf %div3A_1047, %add3A_1045 : vector<16xf32>
      %sub3A_1049 = arith.constant 1.000000e+00 : f32
      %sub3A_1050 = vector.broadcast %sub3A_1049 : f32 to vector<16xf32>
      %sub3A_1051 = arith.subf %sub3A_1050, %div3A_1048 : vector<16xf32>
      %mul3A_1052 = arith.mulf %sub3A_1051, %select_n3A_1037 : vector<16xf32>
      %max3A = arith.constant 0.000000e+00 : f32
      %max3A_1053 = vector.broadcast %max3A : f32 to vector<16xf32>
      %max3A_1054 = arith.maximumf %mul3A_1052, %max3A_1053 : vector<16xf32>
      %swap3A_1055 = arith.constant 0 : index
      %swap3A_1056 = tpu.vector_load %arg18[%swap3A_1055] {strides = array<i32>} : memref<64xf32, #tpu.memory_space<vmem>>, vector<16xf32>,
      tpu.vector_store %arg18[%swap3A_1055], %max3A_1054 {strides = array<i32>} : memref<64xf32, #tpu.memory_space<vmem>>, vector<16xf32>,
      %get3A_1057 = arith.constant 0 : index
      %get3A_1058 = tpu.vector_load %arg17[%get3A_1057] {strides = array<i32>} : memref<64xi32, #tpu.memory_space<vmem>>, vector<16xi32>,
      %gather3A_1059 = tpu.vector_load_idx %arg12[%get3A_1058] : memref<256xf32, #tpu.memory_space<vmem>>[vector<16xi32>], vector<16xf32>,
      %gather3A_1060 = tpu.vector_load_idx %arg13[%get3A_1058] : memref<256xf32, #tpu.memory_space<vmem>>[vector<16xi32>], vector<16xf32>,
      %mul3A_1061 = arith.constant 5.000000e-01 : f32
      %mul3A_1062 = vector.broadcast %mul3A_1061 : f32 to vector<16xf32>
      %mul3A_1063 = arith.mulf %gather3A_1059, %mul3A_1062 : vector<16xf32>
      %sub3A_1064 = arith.subf %mul3A_1052, %mul3A_1063 : vector<16xf32>
      %max3A_1065 = arith.constant 0.000000e+00 : f32
      %max3A_1066 = vector.broadcast %max3A_1065 : f32 to vector<16xf32>
      %max3A_1067 = arith.maximumf %sub3A_1064, %max3A_1066 : vector<16xf32>
      %swap3A_1068 = arith.constant 0 : index
      %swap3A_1069 = tpu.vector_load %arg20[%swap3A_1068] {strides = array<i32>} : memref<64xf32, #tpu.memory_space<vmem>>, vector<16xf32>,
      tpu.vector_store %arg20[%swap3A_1068], %max3A_1067 {strides = array<i32>} : memref<64xf32, #tpu.memory_space<vmem>>, vector<16xf32>,
      %mul3A_1070 = arith.constant 5.000000e-01 : f32
      %mul3A_1071 = vector.broadcast %mul3A_1070 : f32 to vector<16xf32>
      %mul3A_1072 = arith.mulf %gather3A_1060, %mul3A_1071 : vector<16xf32>
      %sub3A_1073 = arith.subf %mul3A_1052, %mul3A_1072 : vector<16xf32>
      %max3A_1074 = arith.constant 0.000000e+00 : f32
      %max3A_1075 = vector.broadcast %max3A_1074 : f32 to vector<16xf32>
      %max3A_1076 = arith.maximumf %sub3A_1073, %max3A_1075 : vector<16xf32>
      %swap3A_1077 = arith.constant 0 : index
      %swap3A_1078 = tpu.vector_load %arg21[%swap3A_1077] {strides = array<i32>} : memref<64xf32, #tpu.memory_space<vmem>>, vector<16xf32>,
      tpu.vector_store %arg21[%swap3A_1077], %max3A_1076 {strides = array<i32>} : memref<64xf32, #tpu.memory_space<vmem>>, vector<16xf32>,
      %mul3A_1079 = arith.constant 256 : i32
      %mul3A_1080 = arith.muli %arg1, %mul3A_1079 : i32
      %add3A_1081 = vector.broadcast %mul3A_1080 : i32 to vector<16xi32>
      %add3A_1082 = arith.addi %get3A_1058, %add3A_1081 : vector<16xi32>
      %swap3A_1083 = arith.constant 0 : index
      %swap3A_1084 = tpu.vector_load %arg19[%swap3A_1083] {strides = array<i32>} : memref<64xi32, #tpu.memory_space<vmem>>, vector<16xi32>,
      tpu.vector_store %arg19[%swap3A_1083], %add3A_1082 {strides = array<i32>} : memref<64xi32, #tpu.memory_space<vmem>>, vector<16xi32>,
      %get3A_1085 = arith.constant 16 : index
      %get3A_1086 = tpu.vector_load %arg16[%get3A_1085] {strides = array<i32>} : memref<64xf32, #tpu.memory_space<vmem>>, vector<16xf32>,
      %bitcast3A_1087 = vector.bitcast %get3A_1086 : vector<16xf32> to vector<16xi32>
      %ge3A_1088 = vector.broadcast %scan3A_1028 : i32 to vector<16xi32>
      %ge3A_1089 = arith.cmpi sge, %bitcast3A_1087, %ge3A_1088 : vector<16xi32>
      %jit3A_1090 = arith.constant 1.000000e+00 : f32
      %jit3A_1091 = arith.constant 0.000000e+00 : f32
      %broadcast_in_dim3A_1092 = vector.broadcast %jit3A_1090 : f32 to vector<16xf32>
      %broadcast_in_dim3A_1093 = vector.broadcast %jit3A_1091 : f32 to vector<16xf32>
      %select_n3A_1094 = arith.select %ge3A_1089, %broadcast_in_dim3A_1092, %broadcast_in_dim3A_1093 : vector<16xi1>, vector<16xf32>
      %get3A_1095 = arith.constant 16 : index
      %get3A_1096 = tpu.vector_load %arg15[%get3A_1095] {strides = array<i32>} : memref<64xf32, #tpu.memory_space<vmem>>, vector<16xf32>,
      %mul3A_1097 = arith.constant 2.000000e+00 : f32
      %mul3A_1098 = vector.broadcast %mul3A_1097 : f32 to vector<16xf32>
      %mul3A_1099 = arith.mulf %mul3A_1098, %get3A_1096 : vector<16xf32>
      %exp3A_1100 = math.exp %mul3A_1099 : vector<16xf32>
      %add3A_1101 = arith.constant 1.000000e+00 : f32
      %add3A_1102 = vector.broadcast %add3A_1101 : f32 to vector<16xf32>
      %add3A_1103 = arith.addf %exp3A_1100, %add3A_1102 : vector<16xf32>
      %div3A_1104 = arith.constant 2.000000e+00 : f32
      %div3A_1105 = vector.broadcast %div3A_1104 : f32 to vector<16xf32>
      %div3A_1106 = arith.divf %div3A_1105, %add3A_1103 : vector<16xf32>
      %sub3A_1107 = arith.constant 1.000000e+00 : f32
      %sub3A_1108 = vector.broadcast %sub3A_1107 : f32 to vector<16xf32>
      %sub3A_1109 = arith.subf %sub3A_1108, %div3A_1106 : vector<16xf32>
      %mul3A_1110 = arith.mulf %sub3A_1109, %select_n3A_1094 : vector<16xf32>
      %max3A_1111 = arith.constant 0.000000e+00 : f32
      %max3A_1112 = vector.broadcast %max3A_1111 : f32 to vector<16xf32>
      %max3A_1113 = arith.maximumf %mul3A_1110, %max3A_1112 : vector<16xf32>
      %swap3A_1114 = arith.constant 16 : index
      %swap3A_1115 = tpu.vector_load %arg18[%swap3A_1114] {strides = array<i32>} : memref<64xf32, #tpu.memory_space<vmem>>, vector<16xf32>,
      tpu.vector_store %arg18[%swap3A_1114], %max3A_1113 {strides = array<i32>} : memref<64xf32, #tpu.memory_space<vmem>>, vector<16xf32>,
      %get3A_1116 = arith.constant 16 : index
      %get3A_1117 = tpu.vector_load %arg17[%get3A_1116] {strides = array<i32>} : memref<64xi32, #tpu.memory_space<vmem>>, vector<16xi32>,
      %gather3A_1118 = tpu.vector_load_idx %arg12[%get3A_1117] : memref<256xf32, #tpu.memory_space<vmem>>[vector<16xi32>], vector<16xf32>,
      %gather3A_1119 = tpu.vector_load_idx %arg13[%get3A_1117] : memref<256xf32, #tpu.memory_space<vmem>>[vector<16xi32>], vector<16xf32>,
      %mul3A_1120 = arith.constant 5.000000e-01 : f32
      %mul3A_1121 = vector.broadcast %mul3A_1120 : f32 to vector<16xf32>
      %mul3A_1122 = arith.mulf %gather3A_1118, %mul3A_1121 : vector<16xf32>
      %sub3A_1123 = arith.subf %mul3A_1110, %mul3A_1122 : vector<16xf32>
      %max3A_1124 = arith.constant 0.000000e+00 : f32
      %max3A_1125 = vector.broadcast %max3A_1124 : f32 to vector<16xf32>
      %max3A_1126 = arith.maximumf %sub3A_1123, %max3A_1125 : vector<16xf32>
      %swap3A_1127 = arith.constant 16 : index
      %swap3A_1128 = tpu.vector_load %arg20[%swap3A_1127] {strides = array<i32>} : memref<64xf32, #tpu.memory_space<vmem>>, vector<16xf32>,
      tpu.vector_store %arg20[%swap3A_1127], %max3A_1126 {strides = array<i32>} : memref<64xf32, #tpu.memory_space<vmem>>, vector<16xf32>,
      %mul3A_1129 = arith.constant 5.000000e-01 : f32
      %mul3A_1130 = vector.broadcast %mul3A_1129 : f32 to vector<16xf32>
      %mul3A_1131 = arith.mulf %gather3A_1119, %mul3A_1130 : vector<16xf32>
      %sub3A_1132 = arith.subf %mul3A_1110, %mul3A_1131 : vector<16xf32>
      %max3A_1133 = arith.constant 0.000000e+00 : f32
      %max3A_1134 = vector.broadcast %max3A_1133 : f32 to vector<16xf32>
      %max3A_1135 = arith.maximumf %sub3A_1132, %max3A_1134 : vector<16xf32>
      %swap3A_1136 = arith.constant 16 : index
      %swap3A_1137 = tpu.vector_load %arg21[%swap3A_1136] {strides = array<i32>} : memref<64xf32, #tpu.memory_space<vmem>>, vector<16xf32>,
      tpu.vector_store %arg21[%swap3A_1136], %max3A_1135 {strides = array<i32>} : memref<64xf32, #tpu.memory_space<vmem>>, vector<16xf32>,
      %mul3A_1138 = arith.constant 256 : i32
      %mul3A_1139 = arith.muli %arg1, %mul3A_1138 : i32
      %add3A_1140 = vector.broadcast %mul3A_1139 : i32 to vector<16xi32>
      %add3A_1141 = arith.addi %get3A_1117, %add3A_1140 : vector<16xi32>
      %swap3A_1142 = arith.constant 16 : index
      %swap3A_1143 = tpu.vector_load %arg19[%swap3A_1142] {strides = array<i32>} : memref<64xi32, #tpu.memory_space<vmem>>, vector<16xi32>,
      tpu.vector_store %arg19[%swap3A_1142], %add3A_1141 {strides = array<i32>} : memref<64xi32, #tpu.memory_space<vmem>>, vector<16xi32>,
      %get3A_1144 = arith.constant 32 : index
      %get3A_1145 = tpu.vector_load %arg16[%get3A_1144] {strides = array<i32>} : memref<64xf32, #tpu.memory_space<vmem>>, vector<16xf32>,
      %bitcast3A_1146 = vector.bitcast %get3A_1145 : vector<16xf32> to vector<16xi32>
      %ge3A_1147 = vector.broadcast %scan3A_1028 : i32 to vector<16xi32>
      %ge3A_1148 = arith.cmpi sge, %bitcast3A_1146, %ge3A_1147 : vector<16xi32>
      %jit3A_1149 = arith.constant 1.000000e+00 : f32
      %jit3A_1150 = arith.constant 0.000000e+00 : f32
      %broadcast_in_dim3A_1151 = vector.broadcast %jit3A_1149 : f32 to vector<16xf32>
      %broadcast_in_dim3A_1152 = vector.broadcast %jit3A_1150 : f32 to vector<16xf32>
      %select_n3A_1153 = arith.select %ge3A_1148, %broadcast_in_dim3A_1151, %broadcast_in_dim3A_1152 : vector<16xi1>, vector<16xf32>
      %get3A_1154 = arith.constant 32 : index
      %get3A_1155 = tpu.vector_load %arg15[%get3A_1154] {strides = array<i32>} : memref<64xf32, #tpu.memory_space<vmem>>, vector<16xf32>,
      %mul3A_1156 = arith.constant 2.000000e+00 : f32
      %mul3A_1157 = vector.broadcast %mul3A_1156 : f32 to vector<16xf32>
      %mul3A_1158 = arith.mulf %mul3A_1157, %get3A_1155 : vector<16xf32>
      %exp3A_1159 = math.exp %mul3A_1158 : vector<16xf32>
      %add3A_1160 = arith.constant 1.000000e+00 : f32
      %add3A_1161 = vector.broadcast %add3A_1160 : f32 to vector<16xf32>
      %add3A_1162 = arith.addf %exp3A_1159, %add3A_1161 : vector<16xf32>
      %div3A_1163 = arith.constant 2.000000e+00 : f32
      %div3A_1164 = vector.broadcast %div3A_1163 : f32 to vector<16xf32>
      %div3A_1165 = arith.divf %div3A_1164, %add3A_1162 : vector<16xf32>
      %sub3A_1166 = arith.constant 1.000000e+00 : f32
      %sub3A_1167 = vector.broadcast %sub3A_1166 : f32 to vector<16xf32>
      %sub3A_1168 = arith.subf %sub3A_1167, %div3A_1165 : vector<16xf32>
      %mul3A_1169 = arith.mulf %sub3A_1168, %select_n3A_1153 : vector<16xf32>
      %max3A_1170 = arith.constant 0.000000e+00 : f32
      %max3A_1171 = vector.broadcast %max3A_1170 : f32 to vector<16xf32>
      %max3A_1172 = arith.maximumf %mul3A_1169, %max3A_1171 : vector<16xf32>
      %swap3A_1173 = arith.constant 32 : index
      %swap3A_1174 = tpu.vector_load %arg18[%swap3A_1173] {strides = array<i32>} : memref<64xf32, #tpu.memory_space<vmem>>, vector<16xf32>,
      tpu.vector_store %arg18[%swap3A_1173], %max3A_1172 {strides = array<i32>} : memref<64xf32, #tpu.memory_space<vmem>>, vector<16xf32>,
      %get3A_1175 = arith.constant 32 : index
      %get3A_1176 = tpu.vector_load %arg17[%get3A_1175] {strides = array<i32>} : memref<64xi32, #tpu.memory_space<vmem>>, vector<16xi32>,
      %gather3A_1177 = tpu.vector_load_idx %arg12[%get3A_1176] : memref<256xf32, #tpu.memory_space<vmem>>[vector<16xi32>], vector<16xf32>,
      %gather3A_1178 = tpu.vector_load_idx %arg13[%get3A_1176] : memref<256xf32, #tpu.memory_space<vmem>>[vector<16xi32>], vector<16xf32>,
      %mul3A_1179 = arith.constant 5.000000e-01 : f32
      %mul3A_1180 = vector.broadcast %mul3A_1179 : f32 to vector<16xf32>
      %mul3A_1181 = arith.mulf %gather3A_1177, %mul3A_1180 : vector<16xf32>
      %sub3A_1182 = arith.subf %mul3A_1169, %mul3A_1181 : vector<16xf32>
      %max3A_1183 = arith.constant 0.000000e+00 : f32
      %max3A_1184 = vector.broadcast %max3A_1183 : f32 to vector<16xf32>
      %max3A_1185 = arith.maximumf %sub3A_1182, %max3A_1184 : vector<16xf32>
      %swap3A_1186 = arith.constant 32 : index
      %swap3A_1187 = tpu.vector_load %arg20[%swap3A_1186] {strides = array<i32>} : memref<64xf32, #tpu.memory_space<vmem>>, vector<16xf32>,
      tpu.vector_store %arg20[%swap3A_1186], %max3A_1185 {strides = array<i32>} : memref<64xf32, #tpu.memory_space<vmem>>, vector<16xf32>,
      %mul3A_1188 = arith.constant 5.000000e-01 : f32
      %mul3A_1189 = vector.broadcast %mul3A_1188 : f32 to vector<16xf32>
      %mul3A_1190 = arith.mulf %gather3A_1178, %mul3A_1189 : vector<16xf32>
      %sub3A_1191 = arith.subf %mul3A_1169, %mul3A_1190 : vector<16xf32>
      %max3A_1192 = arith.constant 0.000000e+00 : f32
      %max3A_1193 = vector.broadcast %max3A_1192 : f32 to vector<16xf32>
      %max3A_1194 = arith.maximumf %sub3A_1191, %max3A_1193 : vector<16xf32>
      %swap3A_1195 = arith.constant 32 : index
      %swap3A_1196 = tpu.vector_load %arg21[%swap3A_1195] {strides = array<i32>} : memref<64xf32, #tpu.memory_space<vmem>>, vector<16xf32>,
      tpu.vector_store %arg21[%swap3A_1195], %max3A_1194 {strides = array<i32>} : memref<64xf32, #tpu.memory_space<vmem>>, vector<16xf32>,
      %mul3A_1197 = arith.constant 256 : i32
      %mul3A_1198 = arith.muli %arg1, %mul3A_1197 : i32
      %add3A_1199 = vector.broadcast %mul3A_1198 : i32 to vector<16xi32>
      %add3A_1200 = arith.addi %get3A_1176, %add3A_1199 : vector<16xi32>
      %swap3A_1201 = arith.constant 32 : index
      %swap3A_1202 = tpu.vector_load %arg19[%swap3A_1201] {strides = array<i32>} : memref<64xi32, #tpu.memory_space<vmem>>, vector<16xi32>,
      tpu.vector_store %arg19[%swap3A_1201], %add3A_1200 {strides = array<i32>} : memref<64xi32, #tpu.memory_space<vmem>>, vector<16xi32>,
      %get3A_1203 = arith.constant 48 : index
      %get3A_1204 = tpu.vector_load %arg16[%get3A_1203] {strides = array<i32>} : memref<64xf32, #tpu.memory_space<vmem>>, vector<16xf32>,
      %bitcast3A_1205 = vector.bitcast %get3A_1204 : vector<16xf32> to vector<16xi32>
      %ge3A_1206 = vector.broadcast %scan3A_1028 : i32 to vector<16xi32>
      %ge3A_1207 = arith.cmpi sge, %bitcast3A_1205, %ge3A_1206 : vector<16xi32>
      %jit3A_1208 = arith.constant 1.000000e+00 : f32
      %jit3A_1209 = arith.constant 0.000000e+00 : f32
      %broadcast_in_dim3A_1210 = vector.broadcast %jit3A_1208 : f32 to vector<16xf32>
      %broadcast_in_dim3A_1211 = vector.broadcast %jit3A_1209 : f32 to vector<16xf32>
      %select_n3A_1212 = arith.select %ge3A_1207, %broadcast_in_dim3A_1210, %broadcast_in_dim3A_1211 : vector<16xi1>, vector<16xf32>
      %get3A_1213 = arith.constant 48 : index
      %get3A_1214 = tpu.vector_load %arg15[%get3A_1213] {strides = array<i32>} : memref<64xf32, #tpu.memory_space<vmem>>, vector<16xf32>,
      %mul3A_1215 = arith.constant 2.000000e+00 : f32
      %mul3A_1216 = vector.broadcast %mul3A_1215 : f32 to vector<16xf32>
      %mul3A_1217 = arith.mulf %mul3A_1216, %get3A_1214 : vector<16xf32>
      %exp3A_1218 = math.exp %mul3A_1217 : vector<16xf32>
      %add3A_1219 = arith.constant 1.000000e+00 : f32
      %add3A_1220 = vector.broadcast %add3A_1219 : f32 to vector<16xf32>
      %add3A_1221 = arith.addf %exp3A_1218, %add3A_1220 : vector<16xf32>
      %div3A_1222 = arith.constant 2.000000e+00 : f32
      %div3A_1223 = vector.broadcast %div3A_1222 : f32 to vector<16xf32>
      %div3A_1224 = arith.divf %div3A_1223, %add3A_1221 : vector<16xf32>
      %sub3A_1225 = arith.constant 1.000000e+00 : f32
      %sub3A_1226 = vector.broadcast %sub3A_1225 : f32 to vector<16xf32>
      %sub3A_1227 = arith.subf %sub3A_1226, %div3A_1224 : vector<16xf32>
      %mul3A_1228 = arith.mulf %sub3A_1227, %select_n3A_1212 : vector<16xf32>
      %max3A_1229 = arith.constant 0.000000e+00 : f32
      %max3A_1230 = vector.broadcast %max3A_1229 : f32 to vector<16xf32>
      %max3A_1231 = arith.maximumf %mul3A_1228, %max3A_1230 : vector<16xf32>
      %swap3A_1232 = arith.constant 48 : index
      %swap3A_1233 = tpu.vector_load %arg18[%swap3A_1232] {strides = array<i32>} : memref<64xf32, #tpu.memory_space<vmem>>, vector<16xf32>,
      tpu.vector_store %arg18[%swap3A_1232], %max3A_1231 {strides = array<i32>} : memref<64xf32, #tpu.memory_space<vmem>>, vector<16xf32>,
      %get3A_1234 = arith.constant 48 : index
      %get3A_1235 = tpu.vector_load %arg17[%get3A_1234] {strides = array<i32>} : memref<64xi32, #tpu.memory_space<vmem>>, vector<16xi32>,
      %gather3A_1236 = tpu.vector_load_idx %arg12[%get3A_1235] : memref<256xf32, #tpu.memory_space<vmem>>[vector<16xi32>], vector<16xf32>,
      %gather3A_1237 = tpu.vector_load_idx %arg13[%get3A_1235] : memref<256xf32, #tpu.memory_space<vmem>>[vector<16xi32>], vector<16xf32>,
      %mul3A_1238 = arith.constant 5.000000e-01 : f32
      %mul3A_1239 = vector.broadcast %mul3A_1238 : f32 to vector<16xf32>
      %mul3A_1240 = arith.mulf %gather3A_1236, %mul3A_1239 : vector<16xf32>
      %sub3A_1241 = arith.subf %mul3A_1228, %mul3A_1240 : vector<16xf32>
      %max3A_1242 = arith.constant 0.000000e+00 : f32
      %max3A_1243 = vector.broadcast %max3A_1242 : f32 to vector<16xf32>
      %max3A_1244 = arith.maximumf %sub3A_1241, %max3A_1243 : vector<16xf32>
      %swap3A_1245 = arith.constant 48 : index
      %swap3A_1246 = tpu.vector_load %arg20[%swap3A_1245] {strides = array<i32>} : memref<64xf32, #tpu.memory_space<vmem>>, vector<16xf32>,
      tpu.vector_store %arg20[%swap3A_1245], %max3A_1244 {strides = array<i32>} : memref<64xf32, #tpu.memory_space<vmem>>, vector<16xf32>,
      %mul3A_1247 = arith.constant 5.000000e-01 : f32
      %mul3A_1248 = vector.broadcast %mul3A_1247 : f32 to vector<16xf32>
      %mul3A_1249 = arith.mulf %gather3A_1237, %mul3A_1248 : vector<16xf32>
      %sub3A_1250 = arith.subf %mul3A_1228, %mul3A_1249 : vector<16xf32>
      %max3A_1251 = arith.constant 0.000000e+00 : f32
      %max3A_1252 = vector.broadcast %max3A_1251 : f32 to vector<16xf32>
      %max3A_1253 = arith.maximumf %sub3A_1250, %max3A_1252 : vector<16xf32>
      %swap3A_1254 = arith.constant 48 : index
      %swap3A_1255 = tpu.vector_load %arg21[%swap3A_1254] {strides = array<i32>} : memref<64xf32, #tpu.memory_space<vmem>>, vector<16xf32>,
      tpu.vector_store %arg21[%swap3A_1254], %max3A_1253 {strides = array<i32>} : memref<64xf32, #tpu.memory_space<vmem>>, vector<16xf32>,
      %mul3A_1256 = arith.constant 256 : i32
      %mul3A_1257 = arith.muli %arg1, %mul3A_1256 : i32
      %add3A_1258 = vector.broadcast %mul3A_1257 : i32 to vector<16xi32>
      %add3A_1259 = arith.addi %get3A_1235, %add3A_1258 : vector<16xi32>
      %swap3A_1260 = arith.constant 48 : index
      %swap3A_1261 = tpu.vector_load %arg19[%swap3A_1260] {strides = array<i32>} : memref<64xi32, #tpu.memory_space<vmem>>, vector<16xi32>,
      tpu.vector_store %arg19[%swap3A_1260], %add3A_1259 {strides = array<i32>} : memref<64xi32, #tpu.memory_space<vmem>>, vector<16xi32>,
      %mul3A_1262 = arith.constant 64 : i32
      %mul3A_1263 = arith.muli %arg1, %mul3A_1262 : i32
      "tpu.region"() ({
        %run_scoped3A = tpu.sem_alloc : memref<!tpu.dma_semaphore, #tpu.memory_space<semaphore_mem>>
        %dma_start3A_1860 = tpu.memref_slice %arg34[%mul3A_1263] : memref<1024xi32, #tpu.memory_space<vmem_shared>> -> memref<64xi32, #tpu.memory_space<vmem_shared>>
        %dma_start3A_1861 = tpu.memref_slice %arg34[%mul3A_1263] : memref<1024xi32, #tpu.memory_space<vmem_shared>> -> memref<64xi32, #tpu.memory_space<vmem_shared>>
        tpu.enqueue_dma source(%arg19 : memref<64xi32, #tpu.memory_space<vmem>>) target(%dma_start3A_1861 : memref<64xi32, #tpu.memory_space<vmem_shared>>) target_semaphore(%run_scoped3A : memref<!tpu.dma_semaphore, #tpu.memory_space<semaphore_mem>>)
        %dma_wait3A_1862 = tpu.memref_slice %arg34[%mul3A_1263] : memref<1024xi32, #tpu.memory_space<vmem_shared>> -> memref<64xi32, #tpu.memory_space<vmem_shared>>
        %dma_wait3A_1863 = tpu.memref_slice %arg34[%mul3A_1263] : memref<1024xi32, #tpu.memory_space<vmem_shared>> -> memref<64xi32, #tpu.memory_space<vmem_shared>>
        tpu.wait_dma2 semaphore(%run_scoped3A : memref<!tpu.dma_semaphore, #tpu.memory_space<semaphore_mem>>) src(%arg19 : memref<64xi32, #tpu.memory_space<vmem>>) dst(%dma_wait3A_1863 : memref<64xi32, #tpu.memory_space<vmem_shared>>)
        tpu.yield
      }) : () -> ()
      %mul3A_1264 = arith.constant 64 : i32
      %mul3A_1265 = arith.muli %arg1, %mul3A_1264 : i32
      "tpu.region"() ({
        %run_scoped3A = tpu.sem_alloc : memref<!tpu.dma_semaphore, #tpu.memory_space<semaphore_mem>>
        %dma_start3A_1860 = tpu.memref_slice %arg35[%mul3A_1265] : memref<1024xf32, #tpu.memory_space<vmem_shared>> -> memref<64xf32, #tpu.memory_space<vmem_shared>>
        %dma_start3A_1861 = tpu.memref_slice %arg35[%mul3A_1265] : memref<1024xf32, #tpu.memory_space<vmem_shared>> -> memref<64xf32, #tpu.memory_space<vmem_shared>>
        tpu.enqueue_dma source(%arg20 : memref<64xf32, #tpu.memory_space<vmem>>) target(%dma_start3A_1861 : memref<64xf32, #tpu.memory_space<vmem_shared>>) target_semaphore(%run_scoped3A : memref<!tpu.dma_semaphore, #tpu.memory_space<semaphore_mem>>)
        %dma_wait3A_1862 = tpu.memref_slice %arg35[%mul3A_1265] : memref<1024xf32, #tpu.memory_space<vmem_shared>> -> memref<64xf32, #tpu.memory_space<vmem_shared>>
        %dma_wait3A_1863 = tpu.memref_slice %arg35[%mul3A_1265] : memref<1024xf32, #tpu.memory_space<vmem_shared>> -> memref<64xf32, #tpu.memory_space<vmem_shared>>
        tpu.wait_dma2 semaphore(%run_scoped3A : memref<!tpu.dma_semaphore, #tpu.memory_space<semaphore_mem>>) src(%arg20 : memref<64xf32, #tpu.memory_space<vmem>>) dst(%dma_wait3A_1863 : memref<64xf32, #tpu.memory_space<vmem_shared>>)
        tpu.yield
      }) : () -> ()
      %get3A_1266 = arith.constant 0 : index
      %get3A_1267 = tpu.vector_load %arg12[%get3A_1266] {strides = array<i32>} : memref<256xf32, #tpu.memory_space<vmem>>, vector<16xf32>,
      %mul3A_1268 = arith.constant 5.000000e-01 : f32
      %mul3A_1269 = vector.broadcast %mul3A_1268 : f32 to vector<16xf32>
      %mul3A_1270 = arith.mulf %get3A_1267, %mul3A_1269 : vector<16xf32>
      %swap3A_1271 = arith.constant 0 : index
      %swap3A_1272 = tpu.vector_load %arg12[%swap3A_1271] {strides = array<i32>} : memref<256xf32, #tpu.memory_space<vmem>>, vector<16xf32>,
      tpu.vector_store %arg12[%swap3A_1271], %mul3A_1270 {strides = array<i32>} : memref<256xf32, #tpu.memory_space<vmem>>, vector<16xf32>,
      %get3A_1273 = arith.constant 0 : index
      %get3A_1274 = tpu.vector_load %arg13[%get3A_1273] {strides = array<i32>} : memref<256xf32, #tpu.memory_space<vmem>>, vector<16xf32>,
      %mul3A_1275 = arith.constant 5.000000e-01 : f32
      %mul3A_1276 = vector.broadcast %mul3A_1275 : f32 to vector<16xf32>
      %mul3A_1277 = arith.mulf %get3A_1274, %mul3A_1276 : vector<16xf32>
      %swap3A_1278 = arith.constant 0 : index
      %swap3A_1279 = tpu.vector_load %arg13[%swap3A_1278] {strides = array<i32>} : memref<256xf32, #tpu.memory_space<vmem>>, vector<16xf32>,
      tpu.vector_store %arg13[%swap3A_1278], %mul3A_1277 {strides = array<i32>} : memref<256xf32, #tpu.memory_space<vmem>>, vector<16xf32>,
      %get3A_1280 = arith.constant 16 : index
      %get3A_1281 = tpu.vector_load %arg12[%get3A_1280] {strides = array<i32>} : memref<256xf32, #tpu.memory_space<vmem>>, vector<16xf32>,
      %mul3A_1282 = arith.constant 5.000000e-01 : f32
      %mul3A_1283 = vector.broadcast %mul3A_1282 : f32 to vector<16xf32>
      %mul3A_1284 = arith.mulf %get3A_1281, %mul3A_1283 : vector<16xf32>
      %swap3A_1285 = arith.constant 16 : index
      %swap3A_1286 = tpu.vector_load %arg12[%swap3A_1285] {strides = array<i32>} : memref<256xf32, #tpu.memory_space<vmem>>, vector<16xf32>,
      tpu.vector_store %arg12[%swap3A_1285], %mul3A_1284 {strides = array<i32>} : memref<256xf32, #tpu.memory_space<vmem>>, vector<16xf32>,
      %get3A_1287 = arith.constant 16 : index
      %get3A_1288 = tpu.vector_load %arg13[%get3A_1287] {strides = array<i32>} : memref<256xf32, #tpu.memory_space<vmem>>, vector<16xf32>,
      %mul3A_1289 = arith.constant 5.000000e-01 : f32
      %mul3A_1290 = vector.broadcast %mul3A_1289 : f32 to vector<16xf32>
      %mul3A_1291 = arith.mulf %get3A_1288, %mul3A_1290 : vector<16xf32>
      %swap3A_1292 = arith.constant 16 : index
      %swap3A_1293 = tpu.vector_load %arg13[%swap3A_1292] {strides = array<i32>} : memref<256xf32, #tpu.memory_space<vmem>>, vector<16xf32>,
      tpu.vector_store %arg13[%swap3A_1292], %mul3A_1291 {strides = array<i32>} : memref<256xf32, #tpu.memory_space<vmem>>, vector<16xf32>,
      %get3A_1294 = arith.constant 32 : index
      %get3A_1295 = tpu.vector_load %arg12[%get3A_1294] {strides = array<i32>} : memref<256xf32, #tpu.memory_space<vmem>>, vector<16xf32>,
      %mul3A_1296 = arith.constant 5.000000e-01 : f32
      %mul3A_1297 = vector.broadcast %mul3A_1296 : f32 to vector<16xf32>
      %mul3A_1298 = arith.mulf %get3A_1295, %mul3A_1297 : vector<16xf32>
      %swap3A_1299 = arith.constant 32 : index
      %swap3A_1300 = tpu.vector_load %arg12[%swap3A_1299] {strides = array<i32>} : memref<256xf32, #tpu.memory_space<vmem>>, vector<16xf32>,
      tpu.vector_store %arg12[%swap3A_1299], %mul3A_1298 {strides = array<i32>} : memref<256xf32, #tpu.memory_space<vmem>>, vector<16xf32>,
      %get3A_1301 = arith.constant 32 : index
      %get3A_1302 = tpu.vector_load %arg13[%get3A_1301] {strides = array<i32>} : memref<256xf32, #tpu.memory_space<vmem>>, vector<16xf32>,
      %mul3A_1303 = arith.constant 5.000000e-01 : f32
      %mul3A_1304 = vector.broadcast %mul3A_1303 : f32 to vector<16xf32>
      %mul3A_1305 = arith.mulf %get3A_1302, %mul3A_1304 : vector<16xf32>
      %swap3A_1306 = arith.constant 32 : index
      %swap3A_1307 = tpu.vector_load %arg13[%swap3A_1306] {strides = array<i32>} : memref<256xf32, #tpu.memory_space<vmem>>, vector<16xf32>,
      tpu.vector_store %arg13[%swap3A_1306], %mul3A_1305 {strides = array<i32>} : memref<256xf32, #tpu.memory_space<vmem>>, vector<16xf32>,
      %get3A_1308 = arith.constant 48 : index
      %get3A_1309 = tpu.vector_load %arg12[%get3A_1308] {strides = array<i32>} : memref<256xf32, #tpu.memory_space<vmem>>, vector<16xf32>,
      %mul3A_1310 = arith.constant 5.000000e-01 : f32
      %mul3A_1311 = vector.broadcast %mul3A_1310 : f32 to vector<16xf32>
      %mul3A_1312 = arith.mulf %get3A_1309, %mul3A_1311 : vector<16xf32>
      %swap3A_1313 = arith.constant 48 : index
      %swap3A_1314 = tpu.vector_load %arg12[%swap3A_1313] {strides = array<i32>} : memref<256xf32, #tpu.memory_space<vmem>>, vector<16xf32>,
      tpu.vector_store %arg12[%swap3A_1313], %mul3A_1312 {strides = array<i32>} : memref<256xf32, #tpu.memory_space<vmem>>, vector<16xf32>,
      %get3A_1315 = arith.constant 48 : index
      %get3A_1316 = tpu.vector_load %arg13[%get3A_1315] {strides = array<i32>} : memref<256xf32, #tpu.memory_space<vmem>>, vector<16xf32>,
      %mul3A_1317 = arith.constant 5.000000e-01 : f32
      %mul3A_1318 = vector.broadcast %mul3A_1317 : f32 to vector<16xf32>
      %mul3A_1319 = arith.mulf %get3A_1316, %mul3A_1318 : vector<16xf32>
      %swap3A_1320 = arith.constant 48 : index
      %swap3A_1321 = tpu.vector_load %arg13[%swap3A_1320] {strides = array<i32>} : memref<256xf32, #tpu.memory_space<vmem>>, vector<16xf32>,
      tpu.vector_store %arg13[%swap3A_1320], %mul3A_1319 {strides = array<i32>} : memref<256xf32, #tpu.memory_space<vmem>>, vector<16xf32>,
      %get3A_1322 = arith.constant 64 : index
      %get3A_1323 = tpu.vector_load %arg12[%get3A_1322] {strides = array<i32>} : memref<256xf32, #tpu.memory_space<vmem>>, vector<16xf32>,
      %mul3A_1324 = arith.constant 5.000000e-01 : f32
      %mul3A_1325 = vector.broadcast %mul3A_1324 : f32 to vector<16xf32>
      %mul3A_1326 = arith.mulf %get3A_1323, %mul3A_1325 : vector<16xf32>
      %swap3A_1327 = arith.constant 64 : index
      %swap3A_1328 = tpu.vector_load %arg12[%swap3A_1327] {strides = array<i32>} : memref<256xf32, #tpu.memory_space<vmem>>, vector<16xf32>,
      tpu.vector_store %arg12[%swap3A_1327], %mul3A_1326 {strides = array<i32>} : memref<256xf32, #tpu.memory_space<vmem>>, vector<16xf32>,
      %get3A_1329 = arith.constant 64 : index
      %get3A_1330 = tpu.vector_load %arg13[%get3A_1329] {strides = array<i32>} : memref<256xf32, #tpu.memory_space<vmem>>, vector<16xf32>,
      %mul3A_1331 = arith.constant 5.000000e-01 : f32
      %mul3A_1332 = vector.broadcast %mul3A_1331 : f32 to vector<16xf32>
      %mul3A_1333 = arith.mulf %get3A_1330, %mul3A_1332 : vector<16xf32>
      %swap3A_1334 = arith.constant 64 : index
      %swap3A_1335 = tpu.vector_load %arg13[%swap3A_1334] {strides = array<i32>} : memref<256xf32, #tpu.memory_space<vmem>>, vector<16xf32>,
      tpu.vector_store %arg13[%swap3A_1334], %mul3A_1333 {strides = array<i32>} : memref<256xf32, #tpu.memory_space<vmem>>, vector<16xf32>,
      %get3A_1336 = arith.constant 80 : index
      %get3A_1337 = tpu.vector_load %arg12[%get3A_1336] {strides = array<i32>} : memref<256xf32, #tpu.memory_space<vmem>>, vector<16xf32>,
      %mul3A_1338 = arith.constant 5.000000e-01 : f32
      %mul3A_1339 = vector.broadcast %mul3A_1338 : f32 to vector<16xf32>
      %mul3A_1340 = arith.mulf %get3A_1337, %mul3A_1339 : vector<16xf32>
      %swap3A_1341 = arith.constant 80 : index
      %swap3A_1342 = tpu.vector_load %arg12[%swap3A_1341] {strides = array<i32>} : memref<256xf32, #tpu.memory_space<vmem>>, vector<16xf32>,
      tpu.vector_store %arg12[%swap3A_1341], %mul3A_1340 {strides = array<i32>} : memref<256xf32, #tpu.memory_space<vmem>>, vector<16xf32>,
      %get3A_1343 = arith.constant 80 : index
      %get3A_1344 = tpu.vector_load %arg13[%get3A_1343] {strides = array<i32>} : memref<256xf32, #tpu.memory_space<vmem>>, vector<16xf32>,
      %mul3A_1345 = arith.constant 5.000000e-01 : f32
      %mul3A_1346 = vector.broadcast %mul3A_1345 : f32 to vector<16xf32>
      %mul3A_1347 = arith.mulf %get3A_1344, %mul3A_1346 : vector<16xf32>
      %swap3A_1348 = arith.constant 80 : index
      %swap3A_1349 = tpu.vector_load %arg13[%swap3A_1348] {strides = array<i32>} : memref<256xf32, #tpu.memory_space<vmem>>, vector<16xf32>,
      tpu.vector_store %arg13[%swap3A_1348], %mul3A_1347 {strides = array<i32>} : memref<256xf32, #tpu.memory_space<vmem>>, vector<16xf32>,
      %get3A_1350 = arith.constant 96 : index
      %get3A_1351 = tpu.vector_load %arg12[%get3A_1350] {strides = array<i32>} : memref<256xf32, #tpu.memory_space<vmem>>, vector<16xf32>,
      %mul3A_1352 = arith.constant 5.000000e-01 : f32
      %mul3A_1353 = vector.broadcast %mul3A_1352 : f32 to vector<16xf32>
      %mul3A_1354 = arith.mulf %get3A_1351, %mul3A_1353 : vector<16xf32>
      %swap3A_1355 = arith.constant 96 : index
      %swap3A_1356 = tpu.vector_load %arg12[%swap3A_1355] {strides = array<i32>} : memref<256xf32, #tpu.memory_space<vmem>>, vector<16xf32>,
      tpu.vector_store %arg12[%swap3A_1355], %mul3A_1354 {strides = array<i32>} : memref<256xf32, #tpu.memory_space<vmem>>, vector<16xf32>,
      %get3A_1357 = arith.constant 96 : index
      %get3A_1358 = tpu.vector_load %arg13[%get3A_1357] {strides = array<i32>} : memref<256xf32, #tpu.memory_space<vmem>>, vector<16xf32>,
      %mul3A_1359 = arith.constant 5.000000e-01 : f32
      %mul3A_1360 = vector.broadcast %mul3A_1359 : f32 to vector<16xf32>
      %mul3A_1361 = arith.mulf %get3A_1358, %mul3A_1360 : vector<16xf32>
      %swap3A_1362 = arith.constant 96 : index
      %swap3A_1363 = tpu.vector_load %arg13[%swap3A_1362] {strides = array<i32>} : memref<256xf32, #tpu.memory_space<vmem>>, vector<16xf32>,
      tpu.vector_store %arg13[%swap3A_1362], %mul3A_1361 {strides = array<i32>} : memref<256xf32, #tpu.memory_space<vmem>>, vector<16xf32>,
      %get3A_1364 = arith.constant 112 : index
      %get3A_1365 = tpu.vector_load %arg12[%get3A_1364] {strides = array<i32>} : memref<256xf32, #tpu.memory_space<vmem>>, vector<16xf32>,
      %mul3A_1366 = arith.constant 5.000000e-01 : f32
      %mul3A_1367 = vector.broadcast %mul3A_1366 : f32 to vector<16xf32>
      %mul3A_1368 = arith.mulf %get3A_1365, %mul3A_1367 : vector<16xf32>
      %swap3A_1369 = arith.constant 112 : index
      %swap3A_1370 = tpu.vector_load %arg12[%swap3A_1369] {strides = array<i32>} : memref<256xf32, #tpu.memory_space<vmem>>, vector<16xf32>,
      tpu.vector_store %arg12[%swap3A_1369], %mul3A_1368 {strides = array<i32>} : memref<256xf32, #tpu.memory_space<vmem>>, vector<16xf32>,
      %get3A_1371 = arith.constant 112 : index
      %get3A_1372 = tpu.vector_load %arg13[%get3A_1371] {strides = array<i32>} : memref<256xf32, #tpu.memory_space<vmem>>, vector<16xf32>,
      %mul3A_1373 = arith.constant 5.000000e-01 : f32
      %mul3A_1374 = vector.broadcast %mul3A_1373 : f32 to vector<16xf32>
      %mul3A_1375 = arith.mulf %get3A_1372, %mul3A_1374 : vector<16xf32>
      %swap3A_1376 = arith.constant 112 : index
      %swap3A_1377 = tpu.vector_load %arg13[%swap3A_1376] {strides = array<i32>} : memref<256xf32, #tpu.memory_space<vmem>>, vector<16xf32>,
      tpu.vector_store %arg13[%swap3A_1376], %mul3A_1375 {strides = array<i32>} : memref<256xf32, #tpu.memory_space<vmem>>, vector<16xf32>,
      %get3A_1378 = arith.constant 128 : index
      %get3A_1379 = tpu.vector_load %arg12[%get3A_1378] {strides = array<i32>} : memref<256xf32, #tpu.memory_space<vmem>>, vector<16xf32>,
      %mul3A_1380 = arith.constant 5.000000e-01 : f32
      %mul3A_1381 = vector.broadcast %mul3A_1380 : f32 to vector<16xf32>
      %mul3A_1382 = arith.mulf %get3A_1379, %mul3A_1381 : vector<16xf32>
      %swap3A_1383 = arith.constant 128 : index
      %swap3A_1384 = tpu.vector_load %arg12[%swap3A_1383] {strides = array<i32>} : memref<256xf32, #tpu.memory_space<vmem>>, vector<16xf32>,
      tpu.vector_store %arg12[%swap3A_1383], %mul3A_1382 {strides = array<i32>} : memref<256xf32, #tpu.memory_space<vmem>>, vector<16xf32>,
      %get3A_1385 = arith.constant 128 : index
      %get3A_1386 = tpu.vector_load %arg13[%get3A_1385] {strides = array<i32>} : memref<256xf32, #tpu.memory_space<vmem>>, vector<16xf32>,
      %mul3A_1387 = arith.constant 5.000000e-01 : f32
      %mul3A_1388 = vector.broadcast %mul3A_1387 : f32 to vector<16xf32>
      %mul3A_1389 = arith.mulf %get3A_1386, %mul3A_1388 : vector<16xf32>
      %swap3A_1390 = arith.constant 128 : index
      %swap3A_1391 = tpu.vector_load %arg13[%swap3A_1390] {strides = array<i32>} : memref<256xf32, #tpu.memory_space<vmem>>, vector<16xf32>,
      tpu.vector_store %arg13[%swap3A_1390], %mul3A_1389 {strides = array<i32>} : memref<256xf32, #tpu.memory_space<vmem>>, vector<16xf32>,
      %get3A_1392 = arith.constant 144 : index
      %get3A_1393 = tpu.vector_load %arg12[%get3A_1392] {strides = array<i32>} : memref<256xf32, #tpu.memory_space<vmem>>, vector<16xf32>,
      %mul3A_1394 = arith.constant 5.000000e-01 : f32
      %mul3A_1395 = vector.broadcast %mul3A_1394 : f32 to vector<16xf32>
      %mul3A_1396 = arith.mulf %get3A_1393, %mul3A_1395 : vector<16xf32>
      %swap3A_1397 = arith.constant 144 : index
      %swap3A_1398 = tpu.vector_load %arg12[%swap3A_1397] {strides = array<i32>} : memref<256xf32, #tpu.memory_space<vmem>>, vector<16xf32>,
      tpu.vector_store %arg12[%swap3A_1397], %mul3A_1396 {strides = array<i32>} : memref<256xf32, #tpu.memory_space<vmem>>, vector<16xf32>,
      %get3A_1399 = arith.constant 144 : index
      %get3A_1400 = tpu.vector_load %arg13[%get3A_1399] {strides = array<i32>} : memref<256xf32, #tpu.memory_space<vmem>>, vector<16xf32>,
      %mul3A_1401 = arith.constant 5.000000e-01 : f32
      %mul3A_1402 = vector.broadcast %mul3A_1401 : f32 to vector<16xf32>
      %mul3A_1403 = arith.mulf %get3A_1400, %mul3A_1402 : vector<16xf32>
      %swap3A_1404 = arith.constant 144 : index
      %swap3A_1405 = tpu.vector_load %arg13[%swap3A_1404] {strides = array<i32>} : memref<256xf32, #tpu.memory_space<vmem>>, vector<16xf32>,
      tpu.vector_store %arg13[%swap3A_1404], %mul3A_1403 {strides = array<i32>} : memref<256xf32, #tpu.memory_space<vmem>>, vector<16xf32>,
      %get3A_1406 = arith.constant 160 : index
      %get3A_1407 = tpu.vector_load %arg12[%get3A_1406] {strides = array<i32>} : memref<256xf32, #tpu.memory_space<vmem>>, vector<16xf32>,
      %mul3A_1408 = arith.constant 5.000000e-01 : f32
      %mul3A_1409 = vector.broadcast %mul3A_1408 : f32 to vector<16xf32>
      %mul3A_1410 = arith.mulf %get3A_1407, %mul3A_1409 : vector<16xf32>
      %swap3A_1411 = arith.constant 160 : index
      %swap3A_1412 = tpu.vector_load %arg12[%swap3A_1411] {strides = array<i32>} : memref<256xf32, #tpu.memory_space<vmem>>, vector<16xf32>,
      tpu.vector_store %arg12[%swap3A_1411], %mul3A_1410 {strides = array<i32>} : memref<256xf32, #tpu.memory_space<vmem>>, vector<16xf32>,
      %get3A_1413 = arith.constant 160 : index
      %get3A_1414 = tpu.vector_load %arg13[%get3A_1413] {strides = array<i32>} : memref<256xf32, #tpu.memory_space<vmem>>, vector<16xf32>,
      %mul3A_1415 = arith.constant 5.000000e-01 : f32
      %mul3A_1416 = vector.broadcast %mul3A_1415 : f32 to vector<16xf32>
      %mul3A_1417 = arith.mulf %get3A_1414, %mul3A_1416 : vector<16xf32>
      %swap3A_1418 = arith.constant 160 : index
      %swap3A_1419 = tpu.vector_load %arg13[%swap3A_1418] {strides = array<i32>} : memref<256xf32, #tpu.memory_space<vmem>>, vector<16xf32>,
      tpu.vector_store %arg13[%swap3A_1418], %mul3A_1417 {strides = array<i32>} : memref<256xf32, #tpu.memory_space<vmem>>, vector<16xf32>,
      %get3A_1420 = arith.constant 176 : index
      %get3A_1421 = tpu.vector_load %arg12[%get3A_1420] {strides = array<i32>} : memref<256xf32, #tpu.memory_space<vmem>>, vector<16xf32>,
      %mul3A_1422 = arith.constant 5.000000e-01 : f32
      %mul3A_1423 = vector.broadcast %mul3A_1422 : f32 to vector<16xf32>
      %mul3A_1424 = arith.mulf %get3A_1421, %mul3A_1423 : vector<16xf32>
      %swap3A_1425 = arith.constant 176 : index
      %swap3A_1426 = tpu.vector_load %arg12[%swap3A_1425] {strides = array<i32>} : memref<256xf32, #tpu.memory_space<vmem>>, vector<16xf32>,
      tpu.vector_store %arg12[%swap3A_1425], %mul3A_1424 {strides = array<i32>} : memref<256xf32, #tpu.memory_space<vmem>>, vector<16xf32>,
      %get3A_1427 = arith.constant 176 : index
      %get3A_1428 = tpu.vector_load %arg13[%get3A_1427] {strides = array<i32>} : memref<256xf32, #tpu.memory_space<vmem>>, vector<16xf32>,
      %mul3A_1429 = arith.constant 5.000000e-01 : f32
      %mul3A_1430 = vector.broadcast %mul3A_1429 : f32 to vector<16xf32>
      %mul3A_1431 = arith.mulf %get3A_1428, %mul3A_1430 : vector<16xf32>
      %swap3A_1432 = arith.constant 176 : index
      %swap3A_1433 = tpu.vector_load %arg13[%swap3A_1432] {strides = array<i32>} : memref<256xf32, #tpu.memory_space<vmem>>, vector<16xf32>,
      tpu.vector_store %arg13[%swap3A_1432], %mul3A_1431 {strides = array<i32>} : memref<256xf32, #tpu.memory_space<vmem>>, vector<16xf32>,
      %get3A_1434 = arith.constant 192 : index
      %get3A_1435 = tpu.vector_load %arg12[%get3A_1434] {strides = array<i32>} : memref<256xf32, #tpu.memory_space<vmem>>, vector<16xf32>,
      %mul3A_1436 = arith.constant 5.000000e-01 : f32
      %mul3A_1437 = vector.broadcast %mul3A_1436 : f32 to vector<16xf32>
      %mul3A_1438 = arith.mulf %get3A_1435, %mul3A_1437 : vector<16xf32>
      %swap3A_1439 = arith.constant 192 : index
      %swap3A_1440 = tpu.vector_load %arg12[%swap3A_1439] {strides = array<i32>} : memref<256xf32, #tpu.memory_space<vmem>>, vector<16xf32>,
      tpu.vector_store %arg12[%swap3A_1439], %mul3A_1438 {strides = array<i32>} : memref<256xf32, #tpu.memory_space<vmem>>, vector<16xf32>,
      %get3A_1441 = arith.constant 192 : index
      %get3A_1442 = tpu.vector_load %arg13[%get3A_1441] {strides = array<i32>} : memref<256xf32, #tpu.memory_space<vmem>>, vector<16xf32>,
      %mul3A_1443 = arith.constant 5.000000e-01 : f32
      %mul3A_1444 = vector.broadcast %mul3A_1443 : f32 to vector<16xf32>
      %mul3A_1445 = arith.mulf %get3A_1442, %mul3A_1444 : vector<16xf32>
      %swap3A_1446 = arith.constant 192 : index
      %swap3A_1447 = tpu.vector_load %arg13[%swap3A_1446] {strides = array<i32>} : memref<256xf32, #tpu.memory_space<vmem>>, vector<16xf32>,
      tpu.vector_store %arg13[%swap3A_1446], %mul3A_1445 {strides = array<i32>} : memref<256xf32, #tpu.memory_space<vmem>>, vector<16xf32>,
      %get3A_1448 = arith.constant 208 : index
      %get3A_1449 = tpu.vector_load %arg12[%get3A_1448] {strides = array<i32>} : memref<256xf32, #tpu.memory_space<vmem>>, vector<16xf32>,
      %mul3A_1450 = arith.constant 5.000000e-01 : f32
      %mul3A_1451 = vector.broadcast %mul3A_1450 : f32 to vector<16xf32>
      %mul3A_1452 = arith.mulf %get3A_1449, %mul3A_1451 : vector<16xf32>
      %swap3A_1453 = arith.constant 208 : index
      %swap3A_1454 = tpu.vector_load %arg12[%swap3A_1453] {strides = array<i32>} : memref<256xf32, #tpu.memory_space<vmem>>, vector<16xf32>,
      tpu.vector_store %arg12[%swap3A_1453], %mul3A_1452 {strides = array<i32>} : memref<256xf32, #tpu.memory_space<vmem>>, vector<16xf32>,
      %get3A_1455 = arith.constant 208 : index
      %get3A_1456 = tpu.vector_load %arg13[%get3A_1455] {strides = array<i32>} : memref<256xf32, #tpu.memory_space<vmem>>, vector<16xf32>,
      %mul3A_1457 = arith.constant 5.000000e-01 : f32
      %mul3A_1458 = vector.broadcast %mul3A_1457 : f32 to vector<16xf32>
      %mul3A_1459 = arith.mulf %get3A_1456, %mul3A_1458 : vector<16xf32>
      %swap3A_1460 = arith.constant 208 : index
      %swap3A_1461 = tpu.vector_load %arg13[%swap3A_1460] {strides = array<i32>} : memref<256xf32, #tpu.memory_space<vmem>>, vector<16xf32>,
      tpu.vector_store %arg13[%swap3A_1460], %mul3A_1459 {strides = array<i32>} : memref<256xf32, #tpu.memory_space<vmem>>, vector<16xf32>,
      %get3A_1462 = arith.constant 224 : index
      %get3A_1463 = tpu.vector_load %arg12[%get3A_1462] {strides = array<i32>} : memref<256xf32, #tpu.memory_space<vmem>>, vector<16xf32>,
      %mul3A_1464 = arith.constant 5.000000e-01 : f32
      %mul3A_1465 = vector.broadcast %mul3A_1464 : f32 to vector<16xf32>
      %mul3A_1466 = arith.mulf %get3A_1463, %mul3A_1465 : vector<16xf32>
      %swap3A_1467 = arith.constant 224 : index
      %swap3A_1468 = tpu.vector_load %arg12[%swap3A_1467] {strides = array<i32>} : memref<256xf32, #tpu.memory_space<vmem>>, vector<16xf32>,
      tpu.vector_store %arg12[%swap3A_1467], %mul3A_1466 {strides = array<i32>} : memref<256xf32, #tpu.memory_space<vmem>>, vector<16xf32>,
      %get3A_1469 = arith.constant 224 : index
      %get3A_1470 = tpu.vector_load %arg13[%get3A_1469] {strides = array<i32>} : memref<256xf32, #tpu.memory_space<vmem>>, vector<16xf32>,
      %mul3A_1471 = arith.constant 5.000000e-01 : f32
      %mul3A_1472 = vector.broadcast %mul3A_1471 : f32 to vector<16xf32>
      %mul3A_1473 = arith.mulf %get3A_1470, %mul3A_1472 : vector<16xf32>
      %swap3A_1474 = arith.constant 224 : index
      %swap3A_1475 = tpu.vector_load %arg13[%swap3A_1474] {strides = array<i32>} : memref<256xf32, #tpu.memory_space<vmem>>, vector<16xf32>,
      tpu.vector_store %arg13[%swap3A_1474], %mul3A_1473 {strides = array<i32>} : memref<256xf32, #tpu.memory_space<vmem>>, vector<16xf32>,
      %get3A_1476 = arith.constant 240 : index
      %get3A_1477 = tpu.vector_load %arg12[%get3A_1476] {strides = array<i32>} : memref<256xf32, #tpu.memory_space<vmem>>, vector<16xf32>,
      %mul3A_1478 = arith.constant 5.000000e-01 : f32
      %mul3A_1479 = vector.broadcast %mul3A_1478 : f32 to vector<16xf32>
      %mul3A_1480 = arith.mulf %get3A_1477, %mul3A_1479 : vector<16xf32>
      %swap3A_1481 = arith.constant 240 : index
      %swap3A_1482 = tpu.vector_load %arg12[%swap3A_1481] {strides = array<i32>} : memref<256xf32, #tpu.memory_space<vmem>>, vector<16xf32>,
      tpu.vector_store %arg12[%swap3A_1481], %mul3A_1480 {strides = array<i32>} : memref<256xf32, #tpu.memory_space<vmem>>, vector<16xf32>,
      %get3A_1483 = arith.constant 240 : index
      %get3A_1484 = tpu.vector_load %arg13[%get3A_1483] {strides = array<i32>} : memref<256xf32, #tpu.memory_space<vmem>>, vector<16xf32>,
      %mul3A_1485 = arith.constant 5.000000e-01 : f32
      %mul3A_1486 = vector.broadcast %mul3A_1485 : f32 to vector<16xf32>
      %mul3A_1487 = arith.mulf %get3A_1484, %mul3A_1486 : vector<16xf32>
      %swap3A_1488 = arith.constant 240 : index
      %swap3A_1489 = tpu.vector_load %arg13[%swap3A_1488] {strides = array<i32>} : memref<256xf32, #tpu.memory_space<vmem>>, vector<16xf32>,
      tpu.vector_store %arg13[%swap3A_1488], %mul3A_1487 {strides = array<i32>} : memref<256xf32, #tpu.memory_space<vmem>>, vector<16xf32>,
      %get3A_1490 = arith.constant 0 : index
      %get3A_1491 = tpu.vector_load %arg17[%get3A_1490] {strides = array<i32>} : memref<64xi32, #tpu.memory_space<vmem>>, vector<16xi32>,
      %get3A_1492 = arith.constant 0 : index
      %get3A_1493 = tpu.vector_load %arg20[%get3A_1492] {strides = array<i32>} : memref<64xf32, #tpu.memory_space<vmem>>, vector<16xf32>,
      tpu.vector_store_idx %arg12[%get3A_1491], %get3A_1493 {add = true} : memref<256xf32, #tpu.memory_space<vmem>>[vector<16xi32>], vector<16xf32>,
      %get3A_1494 = arith.constant 0 : index
      %get3A_1495 = tpu.vector_load %arg21[%get3A_1494] {strides = array<i32>} : memref<64xf32, #tpu.memory_space<vmem>>, vector<16xf32>,
      tpu.vector_store_idx %arg13[%get3A_1491], %get3A_1495 {add = true} : memref<256xf32, #tpu.memory_space<vmem>>[vector<16xi32>], vector<16xf32>,
      %get3A_1496 = arith.constant 16 : index
      %get3A_1497 = tpu.vector_load %arg17[%get3A_1496] {strides = array<i32>} : memref<64xi32, #tpu.memory_space<vmem>>, vector<16xi32>,
      %get3A_1498 = arith.constant 16 : index
      %get3A_1499 = tpu.vector_load %arg20[%get3A_1498] {strides = array<i32>} : memref<64xf32, #tpu.memory_space<vmem>>, vector<16xf32>,
      tpu.vector_store_idx %arg12[%get3A_1497], %get3A_1499 {add = true} : memref<256xf32, #tpu.memory_space<vmem>>[vector<16xi32>], vector<16xf32>,
      %get3A_1500 = arith.constant 16 : index
      %get3A_1501 = tpu.vector_load %arg21[%get3A_1500] {strides = array<i32>} : memref<64xf32, #tpu.memory_space<vmem>>, vector<16xf32>,
      tpu.vector_store_idx %arg13[%get3A_1497], %get3A_1501 {add = true} : memref<256xf32, #tpu.memory_space<vmem>>[vector<16xi32>], vector<16xf32>,
      %get3A_1502 = arith.constant 32 : index
      %get3A_1503 = tpu.vector_load %arg17[%get3A_1502] {strides = array<i32>} : memref<64xi32, #tpu.memory_space<vmem>>, vector<16xi32>,
      %get3A_1504 = arith.constant 32 : index
      %get3A_1505 = tpu.vector_load %arg20[%get3A_1504] {strides = array<i32>} : memref<64xf32, #tpu.memory_space<vmem>>, vector<16xf32>,
      tpu.vector_store_idx %arg12[%get3A_1503], %get3A_1505 {add = true} : memref<256xf32, #tpu.memory_space<vmem>>[vector<16xi32>], vector<16xf32>,
      %get3A_1506 = arith.constant 32 : index
      %get3A_1507 = tpu.vector_load %arg21[%get3A_1506] {strides = array<i32>} : memref<64xf32, #tpu.memory_space<vmem>>, vector<16xf32>,
      tpu.vector_store_idx %arg13[%get3A_1503], %get3A_1507 {add = true} : memref<256xf32, #tpu.memory_space<vmem>>[vector<16xi32>], vector<16xf32>,
      %get3A_1508 = arith.constant 48 : index
      %get3A_1509 = tpu.vector_load %arg17[%get3A_1508] {strides = array<i32>} : memref<64xi32, #tpu.memory_space<vmem>>, vector<16xi32>,
      %get3A_1510 = arith.constant 48 : index
      %get3A_1511 = tpu.vector_load %arg20[%get3A_1510] {strides = array<i32>} : memref<64xf32, #tpu.memory_space<vmem>>, vector<16xf32>,
      tpu.vector_store_idx %arg12[%get3A_1509], %get3A_1511 {add = true} : memref<256xf32, #tpu.memory_space<vmem>>[vector<16xi32>], vector<16xf32>,
      %get3A_1512 = arith.constant 48 : index
      %get3A_1513 = tpu.vector_load %arg21[%get3A_1512] {strides = array<i32>} : memref<64xf32, #tpu.memory_space<vmem>>, vector<16xf32>,
      tpu.vector_store_idx %arg13[%get3A_1509], %get3A_1513 {add = true} : memref<256xf32, #tpu.memory_space<vmem>>[vector<16xi32>], vector<16xf32>,
      %barrier3A_1514 = arith.constant 0 : index
      tpu.barrier barrier_id(%barrier3A_1514)
      "tpu.region"() ({
        %run_scoped3A = tpu.sem_alloc : memref<!tpu.dma_semaphore, #tpu.memory_space<semaphore_mem>>
        tpu.enqueue_dma source(%arg34 : memref<1024xi32, #tpu.memory_space<vmem_shared>>) target(%arg23 : memref<1024xi32, #tpu.memory_space<vmem>>) target_semaphore(%run_scoped3A : memref<!tpu.dma_semaphore, #tpu.memory_space<semaphore_mem>>)
        tpu.wait_dma2 semaphore(%run_scoped3A : memref<!tpu.dma_semaphore, #tpu.memory_space<semaphore_mem>>) src(%arg34 : memref<1024xi32, #tpu.memory_space<vmem_shared>>) dst(%arg23 : memref<1024xi32, #tpu.memory_space<vmem>>)
        tpu.yield
      }) : () -> ()
      "tpu.region"() ({
        %run_scoped3A = tpu.sem_alloc : memref<!tpu.dma_semaphore, #tpu.memory_space<semaphore_mem>>
        tpu.enqueue_dma source(%arg35 : memref<1024xf32, #tpu.memory_space<vmem_shared>>) target(%arg24 : memref<1024xf32, #tpu.memory_space<vmem>>) target_semaphore(%run_scoped3A : memref<!tpu.dma_semaphore, #tpu.memory_space<semaphore_mem>>)
        tpu.wait_dma2 semaphore(%run_scoped3A : memref<!tpu.dma_semaphore, #tpu.memory_space<semaphore_mem>>) src(%arg35 : memref<1024xf32, #tpu.memory_space<vmem_shared>>) dst(%arg24 : memref<1024xf32, #tpu.memory_space<vmem>>)
        tpu.yield
      }) : () -> ()
      %swap3A_1515 = arith.constant 0 : index
      %swap3A_1516 = tpu.vector_load %arg27[%swap3A_1515] {strides = array<i32>} : memref<128xf32, #tpu.memory_space<vmem>>, vector<16xf32>,
      tpu.vector_store %arg27[%swap3A_1515], %broadcast_in_dim3A_0 {strides = array<i32>} : memref<128xf32, #tpu.memory_space<vmem>>, vector<16xf32>,
      %swap3A_1517 = arith.constant 16 : index
      %swap3A_1518 = tpu.vector_load %arg27[%swap3A_1517] {strides = array<i32>} : memref<128xf32, #tpu.memory_space<vmem>>, vector<16xf32>,
      tpu.vector_store %arg27[%swap3A_1517], %broadcast_in_dim3A_0 {strides = array<i32>} : memref<128xf32, #tpu.memory_space<vmem>>, vector<16xf32>,
      %swap3A_1519 = arith.constant 32 : index
      %swap3A_1520 = tpu.vector_load %arg27[%swap3A_1519] {strides = array<i32>} : memref<128xf32, #tpu.memory_space<vmem>>, vector<16xf32>,
      tpu.vector_store %arg27[%swap3A_1519], %broadcast_in_dim3A_0 {strides = array<i32>} : memref<128xf32, #tpu.memory_space<vmem>>, vector<16xf32>,
      %swap3A_1521 = arith.constant 48 : index
      %swap3A_1522 = tpu.vector_load %arg27[%swap3A_1521] {strides = array<i32>} : memref<128xf32, #tpu.memory_space<vmem>>, vector<16xf32>,
      tpu.vector_store %arg27[%swap3A_1521], %broadcast_in_dim3A_0 {strides = array<i32>} : memref<128xf32, #tpu.memory_space<vmem>>, vector<16xf32>,
      %swap3A_1523 = arith.constant 64 : index
      %swap3A_1524 = tpu.vector_load %arg27[%swap3A_1523] {strides = array<i32>} : memref<128xf32, #tpu.memory_space<vmem>>, vector<16xf32>,
      tpu.vector_store %arg27[%swap3A_1523], %broadcast_in_dim3A_0 {strides = array<i32>} : memref<128xf32, #tpu.memory_space<vmem>>, vector<16xf32>,
      %swap3A_1525 = arith.constant 80 : index
      %swap3A_1526 = tpu.vector_load %arg27[%swap3A_1525] {strides = array<i32>} : memref<128xf32, #tpu.memory_space<vmem>>, vector<16xf32>,
      tpu.vector_store %arg27[%swap3A_1525], %broadcast_in_dim3A_0 {strides = array<i32>} : memref<128xf32, #tpu.memory_space<vmem>>, vector<16xf32>,
      %swap3A_1527 = arith.constant 96 : index
      %swap3A_1528 = tpu.vector_load %arg27[%swap3A_1527] {strides = array<i32>} : memref<128xf32, #tpu.memory_space<vmem>>, vector<16xf32>,
      tpu.vector_store %arg27[%swap3A_1527], %broadcast_in_dim3A_0 {strides = array<i32>} : memref<128xf32, #tpu.memory_space<vmem>>, vector<16xf32>,
      %swap3A_1529 = arith.constant 112 : index
      %swap3A_1530 = tpu.vector_load %arg27[%swap3A_1529] {strides = array<i32>} : memref<128xf32, #tpu.memory_space<vmem>>, vector<16xf32>,
      tpu.vector_store %arg27[%swap3A_1529], %broadcast_in_dim3A_0 {strides = array<i32>} : memref<128xf32, #tpu.memory_space<vmem>>, vector<16xf32>,
      %scan3A_1531 = arith.constant 0.000000e+00 : f32
      %scan3A_1532 = arith.constant 0.000000e+00 : f32
      %scan3A_1533 = arith.constant 0 : i32
      %scan3A_1534 = arith.constant 64 : i32
      %scan3A_1535 = arith.addi %scan3A_1533, %scan3A_1534 : i32
      %scan3A_1536 = arith.constant 1 : i32
      %scan3A_1537:2 = scf.for %scan3A_1860 = %scan3A_1533 to %scan3A_1535 step %scan3A_1536 iter_args(%scan3A_1861 = %scan3A_1531, %scan3A_1862 = %scan3A_1532) -> (f32, f32)  : i32 {
        %mul3A_1863 = arith.constant 16 : i32
        %mul3A_1864 = arith.muli %scan3A_1860, %mul3A_1863 : i32
        %get3A_1865 = arith.index_cast %mul3A_1864 : i32 to index
        %get3A_1866 = tpu.vector_load %arg24[%get3A_1865] {strides = array<i32>} : memref<1024xf32, #tpu.memory_space<vmem>>, vector<16xf32>,
        %mul3A_1867 = arith.constant 16 : i32
        %mul3A_1868 = arith.muli %scan3A_1860, %mul3A_1867 : i32
        %get3A_1869 = arith.index_cast %mul3A_1868 : i32 to index
        %get3A_1870 = tpu.vector_load %arg23[%get3A_1869] {strides = array<i32>} : memref<1024xi32, #tpu.memory_space<vmem>>, vector<16xi32>,
        %gt3A_1871 = arith.constant 0.000000e+00 : f32
        %gt3A_1872 = vector.broadcast %gt3A_1871 : f32 to vector<16xf32>
        %gt3A_1873 = arith.cmpf ogt, %get3A_1866, %gt3A_1872 : vector<16xf32>
        %jit3A_1874 = arith.constant 1 : i32
        %jit3A_1875 = arith.constant 0 : i32
        %broadcast_in_dim3A_1876 = vector.broadcast %jit3A_1874 : i32 to vector<16xi32>
        %broadcast_in_dim3A_1877 = vector.broadcast %jit3A_1875 : i32 to vector<16xi32>
        %select_n3A_1878 = arith.select %gt3A_1873, %broadcast_in_dim3A_1876, %broadcast_in_dim3A_1877 : vector<16xi1>, vector<16xi32>
        %convert_element_type3A = arith.fptosi %scan3A_1861 : f32 to i32
        %broadcast_in_dim3A_1879 = arith.constant true
        %broadcast_in_dim3A_1880 = vector.broadcast %broadcast_in_dim3A_1879 : i1 to vector<16xi1>
        %masked_cumsum3A = tpu.scan <sum>, %select_n3A_1878 masked %broadcast_in_dim3A_1880 : vector<16xi32>, vector<16xi1> -> vector<16xi32>
        %add3A_1881 = vector.broadcast %convert_element_type3A : i32 to vector<16xi32>
        %add3A_1882 = arith.addi %add3A_1881, %masked_cumsum3A : vector<16xi32>
        %sub3A_1883 = arith.constant 1 : i32
        %sub3A_1884 = vector.broadcast %sub3A_1883 : i32 to vector<16xi32>
        %sub3A_1885 = arith.subi %add3A_1882, %sub3A_1884 : vector<16xi32>
        %mul3A_1886 = arith.constant 32 : i32
        %mul3A_1887 = vector.broadcast %mul3A_1886 : i32 to vector<16xi32>
        %mul3A_1888 = arith.muli %get3A_1870, %mul3A_1887 : vector<16xi32>
        %mul3A_1889 = arith.constant 2 : i32
        %mul3A_1890 = arith.muli %mul3A_1889, %arg1 : i32
        %add3A_1891 = vector.broadcast %mul3A_1890 : i32 to vector<16xi32>
        %add3A_1892 = arith.addi %mul3A_1888, %add3A_1891 : vector<16xi32>
        tpu.vector_store_idx %arg25[%sub3A_1885], %add3A_1892 masked %gt3A_1873 : memref<128xi32, #tpu.memory_space<vmem>>[vector<16xi32>], vector<16xi32>, vector<16xi1>
        tpu.vector_store_idx %arg27[%sub3A_1885], %get3A_1866 masked %gt3A_1873 : memref<128xf32, #tpu.memory_space<vmem>>[vector<16xi32>], vector<16xf32>, vector<16xi1>
        %jit3A_1893 = arith.constant 1.000000e+00 : f32
        %jit3A_1894 = arith.constant 0.000000e+00 : f32
        %broadcast_in_dim3A_1895 = vector.broadcast %jit3A_1893 : f32 to vector<16xf32>
        %broadcast_in_dim3A_1896 = vector.broadcast %jit3A_1894 : f32 to vector<16xf32>
        %select_n3A_1897 = arith.select %gt3A_1873, %broadcast_in_dim3A_1895, %broadcast_in_dim3A_1896 : vector<16xi1>, vector<16xf32>
        %reduce_sum3A = arith.constant true
        %reduce_sum3A_1898 = vector.broadcast %reduce_sum3A : i1 to vector<16xi1>
        %reduce_sum3A_1899 = tpu.scan <sum>, %select_n3A_1897 masked %reduce_sum3A_1898 : vector<16xf32>, vector<16xi1> -> vector<16xf32>
        %reduce_sum3A_1900 = vector.extract %reduce_sum3A_1899[15] : f32 from vector<16xf32>
        %add3A_1901 = arith.addf %scan3A_1861, %reduce_sum3A_1900 : f32
        %reduce_sum3A_1902 = arith.constant true
        %reduce_sum3A_1903 = vector.broadcast %reduce_sum3A_1902 : i1 to vector<16xi1>
        %reduce_sum3A_1904 = tpu.scan <sum>, %get3A_1866 masked %reduce_sum3A_1903 : vector<16xf32>, vector<16xi1> -> vector<16xf32>
        %reduce_sum3A_1905 = vector.extract %reduce_sum3A_1904[15] : f32 from vector<16xf32>
        %add3A_1906 = arith.addf %scan3A_1862, %reduce_sum3A_1905 : f32
        scf.yield %add3A_1901, %add3A_1906 : f32, f32
      }
      %scan3A_1538 = arith.constant 64 : i32
      %get3A_1539 = arith.constant 0 : index
      %get3A_1540 = tpu.vector_load %arg25[%get3A_1539] {strides = array<i32>} : memref<128xi32, #tpu.memory_space<vmem>>, vector<16xi32>,
      %add3A_1541 = arith.constant 1 : i32
      %add3A_1542 = vector.broadcast %add3A_1541 : i32 to vector<16xi32>
      %add3A_1543 = arith.addi %get3A_1540, %add3A_1542 : vector<16xi32>
      %swap3A_1544 = arith.constant 0 : index
      %swap3A_1545 = tpu.vector_load %arg26[%swap3A_1544] {strides = array<i32>} : memref<128xi32, #tpu.memory_space<vmem>>, vector<16xi32>,
      tpu.vector_store %arg26[%swap3A_1544], %add3A_1543 {strides = array<i32>} : memref<128xi32, #tpu.memory_space<vmem>>, vector<16xi32>,
      %get3A_1546 = arith.constant 16 : index
      %get3A_1547 = tpu.vector_load %arg25[%get3A_1546] {strides = array<i32>} : memref<128xi32, #tpu.memory_space<vmem>>, vector<16xi32>,
      %add3A_1548 = arith.constant 1 : i32
      %add3A_1549 = vector.broadcast %add3A_1548 : i32 to vector<16xi32>
      %add3A_1550 = arith.addi %get3A_1547, %add3A_1549 : vector<16xi32>
      %swap3A_1551 = arith.constant 16 : index
      %swap3A_1552 = tpu.vector_load %arg26[%swap3A_1551] {strides = array<i32>} : memref<128xi32, #tpu.memory_space<vmem>>, vector<16xi32>,
      tpu.vector_store %arg26[%swap3A_1551], %add3A_1550 {strides = array<i32>} : memref<128xi32, #tpu.memory_space<vmem>>, vector<16xi32>,
      %get3A_1553 = arith.constant 32 : index
      %get3A_1554 = tpu.vector_load %arg25[%get3A_1553] {strides = array<i32>} : memref<128xi32, #tpu.memory_space<vmem>>, vector<16xi32>,
      %add3A_1555 = arith.constant 1 : i32
      %add3A_1556 = vector.broadcast %add3A_1555 : i32 to vector<16xi32>
      %add3A_1557 = arith.addi %get3A_1554, %add3A_1556 : vector<16xi32>
      %swap3A_1558 = arith.constant 32 : index
      %swap3A_1559 = tpu.vector_load %arg26[%swap3A_1558] {strides = array<i32>} : memref<128xi32, #tpu.memory_space<vmem>>, vector<16xi32>,
      tpu.vector_store %arg26[%swap3A_1558], %add3A_1557 {strides = array<i32>} : memref<128xi32, #tpu.memory_space<vmem>>, vector<16xi32>,
      %get3A_1560 = arith.constant 48 : index
      %get3A_1561 = tpu.vector_load %arg25[%get3A_1560] {strides = array<i32>} : memref<128xi32, #tpu.memory_space<vmem>>, vector<16xi32>,
      %add3A_1562 = arith.constant 1 : i32
      %add3A_1563 = vector.broadcast %add3A_1562 : i32 to vector<16xi32>
      %add3A_1564 = arith.addi %get3A_1561, %add3A_1563 : vector<16xi32>
      %swap3A_1565 = arith.constant 48 : index
      %swap3A_1566 = tpu.vector_load %arg26[%swap3A_1565] {strides = array<i32>} : memref<128xi32, #tpu.memory_space<vmem>>, vector<16xi32>,
      tpu.vector_store %arg26[%swap3A_1565], %add3A_1564 {strides = array<i32>} : memref<128xi32, #tpu.memory_space<vmem>>, vector<16xi32>,
      %get3A_1567 = arith.constant 64 : index
      %get3A_1568 = tpu.vector_load %arg25[%get3A_1567] {strides = array<i32>} : memref<128xi32, #tpu.memory_space<vmem>>, vector<16xi32>,
      %add3A_1569 = arith.constant 1 : i32
      %add3A_1570 = vector.broadcast %add3A_1569 : i32 to vector<16xi32>
      %add3A_1571 = arith.addi %get3A_1568, %add3A_1570 : vector<16xi32>
      %swap3A_1572 = arith.constant 64 : index
      %swap3A_1573 = tpu.vector_load %arg26[%swap3A_1572] {strides = array<i32>} : memref<128xi32, #tpu.memory_space<vmem>>, vector<16xi32>,
      tpu.vector_store %arg26[%swap3A_1572], %add3A_1571 {strides = array<i32>} : memref<128xi32, #tpu.memory_space<vmem>>, vector<16xi32>,
      %get3A_1574 = arith.constant 80 : index
      %get3A_1575 = tpu.vector_load %arg25[%get3A_1574] {strides = array<i32>} : memref<128xi32, #tpu.memory_space<vmem>>, vector<16xi32>,
      %add3A_1576 = arith.constant 1 : i32
      %add3A_1577 = vector.broadcast %add3A_1576 : i32 to vector<16xi32>
      %add3A_1578 = arith.addi %get3A_1575, %add3A_1577 : vector<16xi32>
      %swap3A_1579 = arith.constant 80 : index
      %swap3A_1580 = tpu.vector_load %arg26[%swap3A_1579] {strides = array<i32>} : memref<128xi32, #tpu.memory_space<vmem>>, vector<16xi32>,
      tpu.vector_store %arg26[%swap3A_1579], %add3A_1578 {strides = array<i32>} : memref<128xi32, #tpu.memory_space<vmem>>, vector<16xi32>,
      %get3A_1581 = arith.constant 96 : index
      %get3A_1582 = tpu.vector_load %arg25[%get3A_1581] {strides = array<i32>} : memref<128xi32, #tpu.memory_space<vmem>>, vector<16xi32>,
      %add3A_1583 = arith.constant 1 : i32
      %add3A_1584 = vector.broadcast %add3A_1583 : i32 to vector<16xi32>
      %add3A_1585 = arith.addi %get3A_1582, %add3A_1584 : vector<16xi32>
      %swap3A_1586 = arith.constant 96 : index
      %swap3A_1587 = tpu.vector_load %arg26[%swap3A_1586] {strides = array<i32>} : memref<128xi32, #tpu.memory_space<vmem>>, vector<16xi32>,
      tpu.vector_store %arg26[%swap3A_1586], %add3A_1585 {strides = array<i32>} : memref<128xi32, #tpu.memory_space<vmem>>, vector<16xi32>,
      %get3A_1588 = arith.constant 112 : index
      %get3A_1589 = tpu.vector_load %arg25[%get3A_1588] {strides = array<i32>} : memref<128xi32, #tpu.memory_space<vmem>>, vector<16xi32>,
      %add3A_1590 = arith.constant 1 : i32
      %add3A_1591 = vector.broadcast %add3A_1590 : i32 to vector<16xi32>
      %add3A_1592 = arith.addi %get3A_1589, %add3A_1591 : vector<16xi32>
      %swap3A_1593 = arith.constant 112 : index
      %swap3A_1594 = tpu.vector_load %arg26[%swap3A_1593] {strides = array<i32>} : memref<128xi32, #tpu.memory_space<vmem>>, vector<16xi32>,
      tpu.vector_store %arg26[%swap3A_1593], %add3A_1592 {strides = array<i32>} : memref<128xi32, #tpu.memory_space<vmem>>, vector<16xi32>,
      %dma_start3A = arith.constant 0 : i32
      %dma_start3A_1595 = arith.constant 0 : i32
      %dma_start3A_1596 = tpu.memref_slice %arg28[%dma_start3A, %dma_start3A_1595] : memref<128x128xf32, #tpu.memory_space<vmem>> -> memref<32x128xf32, #tpu.memory_space<vmem>>
      %dma_start3A_1597 = arith.constant 0 : i32
      %dma_start3A_1598 = tpu.memref_slice %arg25[%dma_start3A_1597] : memref<128xi32, #tpu.memory_space<vmem>> -> memref<32xi32, #tpu.memory_space<vmem>>
      %dma_start3A_1599 = arith.constant 0 : i32
      %dma_start3A_1600 = arith.constant 0 : i32
      %dma_start3A_1601 = tpu.memref_slice %arg3[%dma_start3A_1599, %dma_start3A_1600] : memref<131072x128xf32, #tpu.memory_space<hbm>> -> memref<131072x128xf32, #tpu.memory_space<hbm>>
      tpu.enqueue_indirect_dma source(%dma_start3A_1601 : memref<131072x128xf32, #tpu.memory_space<hbm>>) target(%dma_start3A_1596 : memref<32x128xf32, #tpu.memory_space<vmem>>) offsets(%dma_start3A_1598 : memref<32xi32, #tpu.memory_space<vmem>>) semaphore(%arg36 : memref<!tpu.dma_semaphore, #tpu.memory_space<semaphore_mem>>)
      %dma_start3A_1602 = arith.constant 0 : i32
      %dma_start3A_1603 = arith.constant 0 : i32
      %dma_start3A_1604 = tpu.memref_slice %arg29[%dma_start3A_1602, %dma_start3A_1603] : memref<128x128xf32, #tpu.memory_space<vmem>> -> memref<32x128xf32, #tpu.memory_space<vmem>>
      %dma_start3A_1605 = arith.constant 0 : i32
      %dma_start3A_1606 = tpu.memref_slice %arg26[%dma_start3A_1605] : memref<128xi32, #tpu.memory_space<vmem>> -> memref<32xi32, #tpu.memory_space<vmem>>
      %dma_start3A_1607 = arith.constant 0 : i32
      %dma_start3A_1608 = arith.constant 0 : i32
      %dma_start3A_1609 = tpu.memref_slice %arg3[%dma_start3A_1607, %dma_start3A_1608] : memref<131072x128xf32, #tpu.memory_space<hbm>> -> memref<131072x128xf32, #tpu.memory_space<hbm>>
      tpu.enqueue_indirect_dma source(%dma_start3A_1609 : memref<131072x128xf32, #tpu.memory_space<hbm>>) target(%dma_start3A_1604 : memref<32x128xf32, #tpu.memory_space<vmem>>) offsets(%dma_start3A_1606 : memref<32xi32, #tpu.memory_space<vmem>>) semaphore(%arg37 : memref<!tpu.dma_semaphore, #tpu.memory_space<semaphore_mem>>)
      %dma_start3A_1610 = arith.constant 32 : i32
      %dma_start3A_1611 = arith.constant 0 : i32
      %dma_start3A_1612 = tpu.memref_slice %arg28[%dma_start3A_1610, %dma_start3A_1611] : memref<128x128xf32, #tpu.memory_space<vmem>> -> memref<32x128xf32, #tpu.memory_space<vmem>>
      %dma_start3A_1613 = arith.constant 32 : i32
      %dma_start3A_1614 = tpu.memref_slice %arg25[%dma_start3A_1613] : memref<128xi32, #tpu.memory_space<vmem>> -> memref<32xi32, #tpu.memory_space<vmem>>
      %dma_start3A_1615 = arith.constant 0 : i32
      %dma_start3A_1616 = arith.constant 0 : i32
      %dma_start3A_1617 = tpu.memref_slice %arg3[%dma_start3A_1615, %dma_start3A_1616] : memref<131072x128xf32, #tpu.memory_space<hbm>> -> memref<131072x128xf32, #tpu.memory_space<hbm>>
      tpu.enqueue_indirect_dma source(%dma_start3A_1617 : memref<131072x128xf32, #tpu.memory_space<hbm>>) target(%dma_start3A_1612 : memref<32x128xf32, #tpu.memory_space<vmem>>) offsets(%dma_start3A_1614 : memref<32xi32, #tpu.memory_space<vmem>>) semaphore(%arg38 : memref<!tpu.dma_semaphore, #tpu.memory_space<semaphore_mem>>)
      %dma_start3A_1618 = arith.constant 32 : i32
      %dma_start3A_1619 = arith.constant 0 : i32
      %dma_start3A_1620 = tpu.memref_slice %arg29[%dma_start3A_1618, %dma_start3A_1619] : memref<128x128xf32, #tpu.memory_space<vmem>> -> memref<32x128xf32, #tpu.memory_space<vmem>>
      %dma_start3A_1621 = arith.constant 32 : i32
      %dma_start3A_1622 = tpu.memref_slice %arg26[%dma_start3A_1621] : memref<128xi32, #tpu.memory_space<vmem>> -> memref<32xi32, #tpu.memory_space<vmem>>
      %dma_start3A_1623 = arith.constant 0 : i32
      %dma_start3A_1624 = arith.constant 0 : i32
      %dma_start3A_1625 = tpu.memref_slice %arg3[%dma_start3A_1623, %dma_start3A_1624] : memref<131072x128xf32, #tpu.memory_space<hbm>> -> memref<131072x128xf32, #tpu.memory_space<hbm>>
      tpu.enqueue_indirect_dma source(%dma_start3A_1625 : memref<131072x128xf32, #tpu.memory_space<hbm>>) target(%dma_start3A_1620 : memref<32x128xf32, #tpu.memory_space<vmem>>) offsets(%dma_start3A_1622 : memref<32xi32, #tpu.memory_space<vmem>>) semaphore(%arg39 : memref<!tpu.dma_semaphore, #tpu.memory_space<semaphore_mem>>)
      %dma_start3A_1626 = arith.constant 64 : i32
      %dma_start3A_1627 = arith.constant 0 : i32
      %dma_start3A_1628 = tpu.memref_slice %arg28[%dma_start3A_1626, %dma_start3A_1627] : memref<128x128xf32, #tpu.memory_space<vmem>> -> memref<32x128xf32, #tpu.memory_space<vmem>>
      %dma_start3A_1629 = arith.constant 64 : i32
      %dma_start3A_1630 = tpu.memref_slice %arg25[%dma_start3A_1629] : memref<128xi32, #tpu.memory_space<vmem>> -> memref<32xi32, #tpu.memory_space<vmem>>
      %dma_start3A_1631 = arith.constant 0 : i32
      %dma_start3A_1632 = arith.constant 0 : i32
      %dma_start3A_1633 = tpu.memref_slice %arg3[%dma_start3A_1631, %dma_start3A_1632] : memref<131072x128xf32, #tpu.memory_space<hbm>> -> memref<131072x128xf32, #tpu.memory_space<hbm>>
      tpu.enqueue_indirect_dma source(%dma_start3A_1633 : memref<131072x128xf32, #tpu.memory_space<hbm>>) target(%dma_start3A_1628 : memref<32x128xf32, #tpu.memory_space<vmem>>) offsets(%dma_start3A_1630 : memref<32xi32, #tpu.memory_space<vmem>>) semaphore(%arg40 : memref<!tpu.dma_semaphore, #tpu.memory_space<semaphore_mem>>)
      %dma_start3A_1634 = arith.constant 64 : i32
      %dma_start3A_1635 = arith.constant 0 : i32
      %dma_start3A_1636 = tpu.memref_slice %arg29[%dma_start3A_1634, %dma_start3A_1635] : memref<128x128xf32, #tpu.memory_space<vmem>> -> memref<32x128xf32, #tpu.memory_space<vmem>>
      %dma_start3A_1637 = arith.constant 64 : i32
      %dma_start3A_1638 = tpu.memref_slice %arg26[%dma_start3A_1637] : memref<128xi32, #tpu.memory_space<vmem>> -> memref<32xi32, #tpu.memory_space<vmem>>
      %dma_start3A_1639 = arith.constant 0 : i32
      %dma_start3A_1640 = arith.constant 0 : i32
      %dma_start3A_1641 = tpu.memref_slice %arg3[%dma_start3A_1639, %dma_start3A_1640] : memref<131072x128xf32, #tpu.memory_space<hbm>> -> memref<131072x128xf32, #tpu.memory_space<hbm>>
      tpu.enqueue_indirect_dma source(%dma_start3A_1641 : memref<131072x128xf32, #tpu.memory_space<hbm>>) target(%dma_start3A_1636 : memref<32x128xf32, #tpu.memory_space<vmem>>) offsets(%dma_start3A_1638 : memref<32xi32, #tpu.memory_space<vmem>>) semaphore(%arg41 : memref<!tpu.dma_semaphore, #tpu.memory_space<semaphore_mem>>)
      %dma_start3A_1642 = arith.constant 96 : i32
      %dma_start3A_1643 = arith.constant 0 : i32
      %dma_start3A_1644 = tpu.memref_slice %arg28[%dma_start3A_1642, %dma_start3A_1643] : memref<128x128xf32, #tpu.memory_space<vmem>> -> memref<32x128xf32, #tpu.memory_space<vmem>>
      %dma_start3A_1645 = arith.constant 96 : i32
      %dma_start3A_1646 = tpu.memref_slice %arg25[%dma_start3A_1645] : memref<128xi32, #tpu.memory_space<vmem>> -> memref<32xi32, #tpu.memory_space<vmem>>
      %dma_start3A_1647 = arith.constant 0 : i32
      %dma_start3A_1648 = arith.constant 0 : i32
      %dma_start3A_1649 = tpu.memref_slice %arg3[%dma_start3A_1647, %dma_start3A_1648] : memref<131072x128xf32, #tpu.memory_space<hbm>> -> memref<131072x128xf32, #tpu.memory_space<hbm>>
      tpu.enqueue_indirect_dma source(%dma_start3A_1649 : memref<131072x128xf32, #tpu.memory_space<hbm>>) target(%dma_start3A_1644 : memref<32x128xf32, #tpu.memory_space<vmem>>) offsets(%dma_start3A_1646 : memref<32xi32, #tpu.memory_space<vmem>>) semaphore(%arg42 : memref<!tpu.dma_semaphore, #tpu.memory_space<semaphore_mem>>)
      %dma_start3A_1650 = arith.constant 96 : i32
      %dma_start3A_1651 = arith.constant 0 : i32
      %dma_start3A_1652 = tpu.memref_slice %arg29[%dma_start3A_1650, %dma_start3A_1651] : memref<128x128xf32, #tpu.memory_space<vmem>> -> memref<32x128xf32, #tpu.memory_space<vmem>>
      %dma_start3A_1653 = arith.constant 96 : i32
      %dma_start3A_1654 = tpu.memref_slice %arg26[%dma_start3A_1653] : memref<128xi32, #tpu.memory_space<vmem>> -> memref<32xi32, #tpu.memory_space<vmem>>
      %dma_start3A_1655 = arith.constant 0 : i32
      %dma_start3A_1656 = arith.constant 0 : i32
      %dma_start3A_1657 = tpu.memref_slice %arg3[%dma_start3A_1655, %dma_start3A_1656] : memref<131072x128xf32, #tpu.memory_space<hbm>> -> memref<131072x128xf32, #tpu.memory_space<hbm>>
      tpu.enqueue_indirect_dma source(%dma_start3A_1657 : memref<131072x128xf32, #tpu.memory_space<hbm>>) target(%dma_start3A_1652 : memref<32x128xf32, #tpu.memory_space<vmem>>) offsets(%dma_start3A_1654 : memref<32xi32, #tpu.memory_space<vmem>>) semaphore(%arg43 : memref<!tpu.dma_semaphore, #tpu.memory_space<semaphore_mem>>)
      %get3A_1658 = arith.constant 0 : index
      %get3A_1659 = tpu.vector_load %arg11[%get3A_1658] {strides = array<i32>} : memref<256xf32, #tpu.memory_space<vmem>>, vector<16xf32>,
      %mul3A_1660 = arith.constant 5.000000e-01 : f32
      %mul3A_1661 = vector.broadcast %mul3A_1660 : f32 to vector<16xf32>
      %mul3A_1662 = arith.mulf %get3A_1659, %mul3A_1661 : vector<16xf32>
      %get3A_1663 = arith.constant 16 : index
      %get3A_1664 = tpu.vector_load %arg11[%get3A_1663] {strides = array<i32>} : memref<256xf32, #tpu.memory_space<vmem>>, vector<16xf32>,
      %mul3A_1665 = arith.constant 5.000000e-01 : f32
      %mul3A_1666 = vector.broadcast %mul3A_1665 : f32 to vector<16xf32>
      %mul3A_1667 = arith.mulf %get3A_1664, %mul3A_1666 : vector<16xf32>
      %get3A_1668 = arith.constant 32 : index
      %get3A_1669 = tpu.vector_load %arg11[%get3A_1668] {strides = array<i32>} : memref<256xf32, #tpu.memory_space<vmem>>, vector<16xf32>,
      %mul3A_1670 = arith.constant 5.000000e-01 : f32
      %mul3A_1671 = vector.broadcast %mul3A_1670 : f32 to vector<16xf32>
      %mul3A_1672 = arith.mulf %get3A_1669, %mul3A_1671 : vector<16xf32>
      %get3A_1673 = arith.constant 48 : index
      %get3A_1674 = tpu.vector_load %arg11[%get3A_1673] {strides = array<i32>} : memref<256xf32, #tpu.memory_space<vmem>>, vector<16xf32>,
      %mul3A_1675 = arith.constant 5.000000e-01 : f32
      %mul3A_1676 = vector.broadcast %mul3A_1675 : f32 to vector<16xf32>
      %mul3A_1677 = arith.mulf %get3A_1674, %mul3A_1676 : vector<16xf32>
      %get3A_1678 = arith.constant 64 : index
      %get3A_1679 = tpu.vector_load %arg11[%get3A_1678] {strides = array<i32>} : memref<256xf32, #tpu.memory_space<vmem>>, vector<16xf32>,
      %mul3A_1680 = arith.constant 5.000000e-01 : f32
      %mul3A_1681 = vector.broadcast %mul3A_1680 : f32 to vector<16xf32>
      %mul3A_1682 = arith.mulf %get3A_1679, %mul3A_1681 : vector<16xf32>
      %get3A_1683 = arith.constant 80 : index
      %get3A_1684 = tpu.vector_load %arg11[%get3A_1683] {strides = array<i32>} : memref<256xf32, #tpu.memory_space<vmem>>, vector<16xf32>,
      %mul3A_1685 = arith.constant 5.000000e-01 : f32
      %mul3A_1686 = vector.broadcast %mul3A_1685 : f32 to vector<16xf32>
      %mul3A_1687 = arith.mulf %get3A_1684, %mul3A_1686 : vector<16xf32>
      %get3A_1688 = arith.constant 96 : index
      %get3A_1689 = tpu.vector_load %arg11[%get3A_1688] {strides = array<i32>} : memref<256xf32, #tpu.memory_space<vmem>>, vector<16xf32>,
      %mul3A_1690 = arith.constant 5.000000e-01 : f32
      %mul3A_1691 = vector.broadcast %mul3A_1690 : f32 to vector<16xf32>
      %mul3A_1692 = arith.mulf %get3A_1689, %mul3A_1691 : vector<16xf32>
      %get3A_1693 = arith.constant 112 : index
      %get3A_1694 = tpu.vector_load %arg11[%get3A_1693] {strides = array<i32>} : memref<256xf32, #tpu.memory_space<vmem>>, vector<16xf32>,
      %mul3A_1695 = arith.constant 5.000000e-01 : f32
      %mul3A_1696 = vector.broadcast %mul3A_1695 : f32 to vector<16xf32>
      %mul3A_1697 = arith.mulf %get3A_1694, %mul3A_1696 : vector<16xf32>
      %get3A_1698 = arith.constant 128 : index
      %get3A_1699 = tpu.vector_load %arg11[%get3A_1698] {strides = array<i32>} : memref<256xf32, #tpu.memory_space<vmem>>, vector<16xf32>,
      %mul3A_1700 = arith.constant 5.000000e-01 : f32
      %mul3A_1701 = vector.broadcast %mul3A_1700 : f32 to vector<16xf32>
      %mul3A_1702 = arith.mulf %get3A_1699, %mul3A_1701 : vector<16xf32>
      %get3A_1703 = arith.constant 144 : index
      %get3A_1704 = tpu.vector_load %arg11[%get3A_1703] {strides = array<i32>} : memref<256xf32, #tpu.memory_space<vmem>>, vector<16xf32>,
      %mul3A_1705 = arith.constant 5.000000e-01 : f32
      %mul3A_1706 = vector.broadcast %mul3A_1705 : f32 to vector<16xf32>
      %mul3A_1707 = arith.mulf %get3A_1704, %mul3A_1706 : vector<16xf32>
      %get3A_1708 = arith.constant 160 : index
      %get3A_1709 = tpu.vector_load %arg11[%get3A_1708] {strides = array<i32>} : memref<256xf32, #tpu.memory_space<vmem>>, vector<16xf32>,
      %mul3A_1710 = arith.constant 5.000000e-01 : f32
      %mul3A_1711 = vector.broadcast %mul3A_1710 : f32 to vector<16xf32>
      %mul3A_1712 = arith.mulf %get3A_1709, %mul3A_1711 : vector<16xf32>
      %get3A_1713 = arith.constant 176 : index
      %get3A_1714 = tpu.vector_load %arg11[%get3A_1713] {strides = array<i32>} : memref<256xf32, #tpu.memory_space<vmem>>, vector<16xf32>,
      %mul3A_1715 = arith.constant 5.000000e-01 : f32
      %mul3A_1716 = vector.broadcast %mul3A_1715 : f32 to vector<16xf32>
      %mul3A_1717 = arith.mulf %get3A_1714, %mul3A_1716 : vector<16xf32>
      %get3A_1718 = arith.constant 192 : index
      %get3A_1719 = tpu.vector_load %arg11[%get3A_1718] {strides = array<i32>} : memref<256xf32, #tpu.memory_space<vmem>>, vector<16xf32>,
      %mul3A_1720 = arith.constant 5.000000e-01 : f32
      %mul3A_1721 = vector.broadcast %mul3A_1720 : f32 to vector<16xf32>
      %mul3A_1722 = arith.mulf %get3A_1719, %mul3A_1721 : vector<16xf32>
      %get3A_1723 = arith.constant 208 : index
      %get3A_1724 = tpu.vector_load %arg11[%get3A_1723] {strides = array<i32>} : memref<256xf32, #tpu.memory_space<vmem>>, vector<16xf32>,
      %mul3A_1725 = arith.constant 5.000000e-01 : f32
      %mul3A_1726 = vector.broadcast %mul3A_1725 : f32 to vector<16xf32>
      %mul3A_1727 = arith.mulf %get3A_1724, %mul3A_1726 : vector<16xf32>
      %get3A_1728 = arith.constant 224 : index
      %get3A_1729 = tpu.vector_load %arg11[%get3A_1728] {strides = array<i32>} : memref<256xf32, #tpu.memory_space<vmem>>, vector<16xf32>,
      %mul3A_1730 = arith.constant 5.000000e-01 : f32
      %mul3A_1731 = vector.broadcast %mul3A_1730 : f32 to vector<16xf32>
      %mul3A_1732 = arith.mulf %get3A_1729, %mul3A_1731 : vector<16xf32>
      %get3A_1733 = arith.constant 240 : index
      %get3A_1734 = tpu.vector_load %arg11[%get3A_1733] {strides = array<i32>} : memref<256xf32, #tpu.memory_space<vmem>>, vector<16xf32>,
      %mul3A_1735 = arith.constant 5.000000e-01 : f32
      %mul3A_1736 = vector.broadcast %mul3A_1735 : f32 to vector<16xf32>
      %mul3A_1737 = arith.mulf %get3A_1734, %mul3A_1736 : vector<16xf32>
      %dma_wait3A = arith.constant 0 : i32
      %dma_wait3A_1738 = arith.constant 0 : i32
      %dma_wait3A_1739 = tpu.memref_slice %arg28[%dma_wait3A, %dma_wait3A_1738] : memref<128x128xf32, #tpu.memory_space<vmem>> -> memref<32x128xf32, #tpu.memory_space<vmem>>
      %dma_wait3A_1740 = arith.constant 0 : i32
      %dma_wait3A_1741 = tpu.memref_slice %arg25[%dma_wait3A_1740] : memref<128xi32, #tpu.memory_space<vmem>> -> memref<32xi32, #tpu.memory_space<vmem>>
      %dma_wait3A_1742 = arith.constant 0 : i32
      %dma_wait3A_1743 = arith.constant 0 : i32
      %dma_wait3A_1744 = tpu.memref_slice %arg3[%dma_wait3A_1742, %dma_wait3A_1743] : memref<131072x128xf32, #tpu.memory_space<hbm>> -> memref<131072x128xf32, #tpu.memory_space<hbm>>
      tpu.wait_indirect_dma semaphore(%arg36 : memref<!tpu.dma_semaphore, #tpu.memory_space<semaphore_mem>>) src(%dma_wait3A_1744 : memref<131072x128xf32, #tpu.memory_space<hbm>>) dst(%dma_wait3A_1739 : memref<32x128xf32, #tpu.memory_space<vmem>>)
      %dma_wait3A_1745 = arith.constant 0 : i32
      %dma_wait3A_1746 = arith.constant 0 : i32
      %dma_wait3A_1747 = tpu.memref_slice %arg29[%dma_wait3A_1745, %dma_wait3A_1746] : memref<128x128xf32, #tpu.memory_space<vmem>> -> memref<32x128xf32, #tpu.memory_space<vmem>>
      %dma_wait3A_1748 = arith.constant 0 : i32
      %dma_wait3A_1749 = tpu.memref_slice %arg26[%dma_wait3A_1748] : memref<128xi32, #tpu.memory_space<vmem>> -> memref<32xi32, #tpu.memory_space<vmem>>
      %dma_wait3A_1750 = arith.constant 0 : i32
      %dma_wait3A_1751 = arith.constant 0 : i32
      %dma_wait3A_1752 = tpu.memref_slice %arg3[%dma_wait3A_1750, %dma_wait3A_1751] : memref<131072x128xf32, #tpu.memory_space<hbm>> -> memref<131072x128xf32, #tpu.memory_space<hbm>>
      tpu.wait_indirect_dma semaphore(%arg37 : memref<!tpu.dma_semaphore, #tpu.memory_space<semaphore_mem>>) src(%dma_wait3A_1752 : memref<131072x128xf32, #tpu.memory_space<hbm>>) dst(%dma_wait3A_1747 : memref<32x128xf32, #tpu.memory_space<vmem>>)
      %scan3A_1753 = arith.constant 0 : i32
      %scan3A_1754 = arith.constant 32 : i32
      %scan3A_1755 = arith.addi %scan3A_1753, %scan3A_1754 : i32
      %scan3A_1756 = arith.constant 2 : i32
      %scan3A_1757:16 = scf.for %scan3A_1860 = %scan3A_1753 to %scan3A_1755 step %scan3A_1756 iter_args(%scan3A_1861 = %mul3A_1662, %scan3A_1862 = %mul3A_1667, %scan3A_1863 = %mul3A_1672, %scan3A_1864 = %mul3A_1677, %scan3A_1865 = %mul3A_1682, %scan3A_1866 = %mul3A_1687, %scan3A_1867 = %mul3A_1692, %scan3A_1868 = %mul3A_1697, %scan3A_1869 = %mul3A_1702, %scan3A_1870 = %mul3A_1707, %scan3A_1871 = %mul3A_1712, %scan3A_1872 = %mul3A_1717, %scan3A_1873 = %mul3A_1722, %scan3A_1874 = %mul3A_1727, %scan3A_1875 = %mul3A_1732, %scan3A_1876 = %mul3A_1737) -> (vector<16xf32>, vector<16xf32>, vector<16xf32>, vector<16xf32>, vector<16xf32>, vector<16xf32>, vector<16xf32>, vector<16xf32>, vector<16xf32>, vector<16xf32>, vector<16xf32>, vector<16xf32>, vector<16xf32>, vector<16xf32>, vector<16xf32>, vector<16xf32>)  : i32 {
        %broadcast_in_dim3A_1877 = vector.broadcast %scan3A_1860 : i32 to vector<16xi32>
        %gather3A_1878 = tpu.vector_load_idx %arg27[%broadcast_in_dim3A_1877] : memref<128xf32, #tpu.memory_space<vmem>>[vector<16xi32>], vector<16xf32>,
        %get3A_1879 = arith.index_cast %scan3A_1860 : i32 to index
        %get3A_1880 = arith.constant 0 : index
        %get3A_1881 = tpu.vector_load %arg28[%get3A_1879, %get3A_1880] {strides = array<i32>} : memref<128x128xf32, #tpu.memory_space<vmem>>, vector<16xf32>,
        %mul3A_1882 = arith.mulf %gather3A_1878, %get3A_1881 : vector<16xf32>
        %add3A_1883 = arith.addf %scan3A_1861, %mul3A_1882 : vector<16xf32>
        %get3A_1884 = arith.index_cast %scan3A_1860 : i32 to index
        %get3A_1885 = arith.constant 16 : index
        %get3A_1886 = tpu.vector_load %arg28[%get3A_1884, %get3A_1885] {strides = array<i32>} : memref<128x128xf32, #tpu.memory_space<vmem>>, vector<16xf32>,
        %mul3A_1887 = arith.mulf %gather3A_1878, %get3A_1886 : vector<16xf32>
        %add3A_1888 = arith.addf %scan3A_1862, %mul3A_1887 : vector<16xf32>
        %get3A_1889 = arith.index_cast %scan3A_1860 : i32 to index
        %get3A_1890 = arith.constant 32 : index
        %get3A_1891 = tpu.vector_load %arg28[%get3A_1889, %get3A_1890] {strides = array<i32>} : memref<128x128xf32, #tpu.memory_space<vmem>>, vector<16xf32>,
        %mul3A_1892 = arith.mulf %gather3A_1878, %get3A_1891 : vector<16xf32>
        %add3A_1893 = arith.addf %scan3A_1863, %mul3A_1892 : vector<16xf32>
        %get3A_1894 = arith.index_cast %scan3A_1860 : i32 to index
        %get3A_1895 = arith.constant 48 : index
        %get3A_1896 = tpu.vector_load %arg28[%get3A_1894, %get3A_1895] {strides = array<i32>} : memref<128x128xf32, #tpu.memory_space<vmem>>, vector<16xf32>,
        %mul3A_1897 = arith.mulf %gather3A_1878, %get3A_1896 : vector<16xf32>
        %add3A_1898 = arith.addf %scan3A_1864, %mul3A_1897 : vector<16xf32>
        %get3A_1899 = arith.index_cast %scan3A_1860 : i32 to index
        %get3A_1900 = arith.constant 64 : index
        %get3A_1901 = tpu.vector_load %arg28[%get3A_1899, %get3A_1900] {strides = array<i32>} : memref<128x128xf32, #tpu.memory_space<vmem>>, vector<16xf32>,
        %mul3A_1902 = arith.mulf %gather3A_1878, %get3A_1901 : vector<16xf32>
        %add3A_1903 = arith.addf %scan3A_1865, %mul3A_1902 : vector<16xf32>
        %get3A_1904 = arith.index_cast %scan3A_1860 : i32 to index
        %get3A_1905 = arith.constant 80 : index
        %get3A_1906 = tpu.vector_load %arg28[%get3A_1904, %get3A_1905] {strides = array<i32>} : memref<128x128xf32, #tpu.memory_space<vmem>>, vector<16xf32>,
        %mul3A_1907 = arith.mulf %gather3A_1878, %get3A_1906 : vector<16xf32>
        %add3A_1908 = arith.addf %scan3A_1866, %mul3A_1907 : vector<16xf32>
        %get3A_1909 = arith.index_cast %scan3A_1860 : i32 to index
        %get3A_1910 = arith.constant 96 : index
        %get3A_1911 = tpu.vector_load %arg28[%get3A_1909, %get3A_1910] {strides = array<i32>} : memref<128x128xf32, #tpu.memory_space<vmem>>, vector<16xf32>,
        %mul3A_1912 = arith.mulf %gather3A_1878, %get3A_1911 : vector<16xf32>
        %add3A_1913 = arith.addf %scan3A_1867, %mul3A_1912 : vector<16xf32>
        %get3A_1914 = arith.index_cast %scan3A_1860 : i32 to index
        %get3A_1915 = arith.constant 112 : index
        %get3A_1916 = tpu.vector_load %arg28[%get3A_1914, %get3A_1915] {strides = array<i32>} : memref<128x128xf32, #tpu.memory_space<vmem>>, vector<16xf32>,
        %mul3A_1917 = arith.mulf %gather3A_1878, %get3A_1916 : vector<16xf32>
        %add3A_1918 = arith.addf %scan3A_1868, %mul3A_1917 : vector<16xf32>
        %get3A_1919 = arith.index_cast %scan3A_1860 : i32 to index
        %get3A_1920 = arith.constant 0 : index
        %get3A_1921 = tpu.vector_load %arg29[%get3A_1919, %get3A_1920] {strides = array<i32>} : memref<128x128xf32, #tpu.memory_space<vmem>>, vector<16xf32>,
        %mul3A_1922 = arith.mulf %gather3A_1878, %get3A_1921 : vector<16xf32>
        %add3A_1923 = arith.addf %scan3A_1869, %mul3A_1922 : vector<16xf32>
        %get3A_1924 = arith.index_cast %scan3A_1860 : i32 to index
        %get3A_1925 = arith.constant 16 : index
        %get3A_1926 = tpu.vector_load %arg29[%get3A_1924, %get3A_1925] {strides = array<i32>} : memref<128x128xf32, #tpu.memory_space<vmem>>, vector<16xf32>,
        %mul3A_1927 = arith.mulf %gather3A_1878, %get3A_1926 : vector<16xf32>
        %add3A_1928 = arith.addf %scan3A_1870, %mul3A_1927 : vector<16xf32>
        %get3A_1929 = arith.index_cast %scan3A_1860 : i32 to index
        %get3A_1930 = arith.constant 32 : index
        %get3A_1931 = tpu.vector_load %arg29[%get3A_1929, %get3A_1930] {strides = array<i32>} : memref<128x128xf32, #tpu.memory_space<vmem>>, vector<16xf32>,
        %mul3A_1932 = arith.mulf %gather3A_1878, %get3A_1931 : vector<16xf32>
        %add3A_1933 = arith.addf %scan3A_1871, %mul3A_1932 : vector<16xf32>
        %get3A_1934 = arith.index_cast %scan3A_1860 : i32 to index
        %get3A_1935 = arith.constant 48 : index
        %get3A_1936 = tpu.vector_load %arg29[%get3A_1934, %get3A_1935] {strides = array<i32>} : memref<128x128xf32, #tpu.memory_space<vmem>>, vector<16xf32>,
        %mul3A_1937 = arith.mulf %gather3A_1878, %get3A_1936 : vector<16xf32>
        %add3A_1938 = arith.addf %scan3A_1872, %mul3A_1937 : vector<16xf32>
        %get3A_1939 = arith.index_cast %scan3A_1860 : i32 to index
        %get3A_1940 = arith.constant 64 : index
        %get3A_1941 = tpu.vector_load %arg29[%get3A_1939, %get3A_1940] {strides = array<i32>} : memref<128x128xf32, #tpu.memory_space<vmem>>, vector<16xf32>,
        %mul3A_1942 = arith.mulf %gather3A_1878, %get3A_1941 : vector<16xf32>
        %add3A_1943 = arith.addf %scan3A_1873, %mul3A_1942 : vector<16xf32>
        %get3A_1944 = arith.index_cast %scan3A_1860 : i32 to index
        %get3A_1945 = arith.constant 80 : index
        %get3A_1946 = tpu.vector_load %arg29[%get3A_1944, %get3A_1945] {strides = array<i32>} : memref<128x128xf32, #tpu.memory_space<vmem>>, vector<16xf32>,
        %mul3A_1947 = arith.mulf %gather3A_1878, %get3A_1946 : vector<16xf32>
        %add3A_1948 = arith.addf %scan3A_1874, %mul3A_1947 : vector<16xf32>
        %get3A_1949 = arith.index_cast %scan3A_1860 : i32 to index
        %get3A_1950 = arith.constant 96 : index
        %get3A_1951 = tpu.vector_load %arg29[%get3A_1949, %get3A_1950] {strides = array<i32>} : memref<128x128xf32, #tpu.memory_space<vmem>>, vector<16xf32>,
        %mul3A_1952 = arith.mulf %gather3A_1878, %get3A_1951 : vector<16xf32>
        %add3A_1953 = arith.addf %scan3A_1875, %mul3A_1952 : vector<16xf32>
        %get3A_1954 = arith.index_cast %scan3A_1860 : i32 to index
        %get3A_1955 = arith.constant 112 : index
        %get3A_1956 = tpu.vector_load %arg29[%get3A_1954, %get3A_1955] {strides = array<i32>} : memref<128x128xf32, #tpu.memory_space<vmem>>, vector<16xf32>,
        %mul3A_1957 = arith.mulf %gather3A_1878, %get3A_1956 : vector<16xf32>
        %add3A_1958 = arith.addf %scan3A_1876, %mul3A_1957 : vector<16xf32>
        %scan3A_1959 = arith.constant 1 : i32
        %scan3A_1960 = arith.addi %scan3A_1860, %scan3A_1959 : i32
        %broadcast_in_dim3A_1961 = vector.broadcast %scan3A_1960 : i32 to vector<16xi32>
        %gather3A_1962 = tpu.vector_load_idx %arg27[%broadcast_in_dim3A_1961] : memref<128xf32, #tpu.memory_space<vmem>>[vector<16xi32>], vector<16xf32>,
        %get3A_1963 = arith.index_cast %scan3A_1960 : i32 to index
        %get3A_1964 = arith.constant 0 : index
        %get3A_1965 = tpu.vector_load %arg28[%get3A_1963, %get3A_1964] {strides = array<i32>} : memref<128x128xf32, #tpu.memory_space<vmem>>, vector<16xf32>,
        %mul3A_1966 = arith.mulf %gather3A_1962, %get3A_1965 : vector<16xf32>
        %add3A_1967 = arith.addf %add3A_1883, %mul3A_1966 : vector<16xf32>
        %get3A_1968 = arith.index_cast %scan3A_1960 : i32 to index
        %get3A_1969 = arith.constant 16 : index
        %get3A_1970 = tpu.vector_load %arg28[%get3A_1968, %get3A_1969] {strides = array<i32>} : memref<128x128xf32, #tpu.memory_space<vmem>>, vector<16xf32>,
        %mul3A_1971 = arith.mulf %gather3A_1962, %get3A_1970 : vector<16xf32>
        %add3A_1972 = arith.addf %add3A_1888, %mul3A_1971 : vector<16xf32>
        %get3A_1973 = arith.index_cast %scan3A_1960 : i32 to index
        %get3A_1974 = arith.constant 32 : index
        %get3A_1975 = tpu.vector_load %arg28[%get3A_1973, %get3A_1974] {strides = array<i32>} : memref<128x128xf32, #tpu.memory_space<vmem>>, vector<16xf32>,
        %mul3A_1976 = arith.mulf %gather3A_1962, %get3A_1975 : vector<16xf32>
        %add3A_1977 = arith.addf %add3A_1893, %mul3A_1976 : vector<16xf32>
        %get3A_1978 = arith.index_cast %scan3A_1960 : i32 to index
        %get3A_1979 = arith.constant 48 : index
        %get3A_1980 = tpu.vector_load %arg28[%get3A_1978, %get3A_1979] {strides = array<i32>} : memref<128x128xf32, #tpu.memory_space<vmem>>, vector<16xf32>,
        %mul3A_1981 = arith.mulf %gather3A_1962, %get3A_1980 : vector<16xf32>
        %add3A_1982 = arith.addf %add3A_1898, %mul3A_1981 : vector<16xf32>
        %get3A_1983 = arith.index_cast %scan3A_1960 : i32 to index
        %get3A_1984 = arith.constant 64 : index
        %get3A_1985 = tpu.vector_load %arg28[%get3A_1983, %get3A_1984] {strides = array<i32>} : memref<128x128xf32, #tpu.memory_space<vmem>>, vector<16xf32>,
        %mul3A_1986 = arith.mulf %gather3A_1962, %get3A_1985 : vector<16xf32>
        %add3A_1987 = arith.addf %add3A_1903, %mul3A_1986 : vector<16xf32>
        %get3A_1988 = arith.index_cast %scan3A_1960 : i32 to index
        %get3A_1989 = arith.constant 80 : index
        %get3A_1990 = tpu.vector_load %arg28[%get3A_1988, %get3A_1989] {strides = array<i32>} : memref<128x128xf32, #tpu.memory_space<vmem>>, vector<16xf32>,
        %mul3A_1991 = arith.mulf %gather3A_1962, %get3A_1990 : vector<16xf32>
        %add3A_1992 = arith.addf %add3A_1908, %mul3A_1991 : vector<16xf32>
        %get3A_1993 = arith.index_cast %scan3A_1960 : i32 to index
        %get3A_1994 = arith.constant 96 : index
        %get3A_1995 = tpu.vector_load %arg28[%get3A_1993, %get3A_1994] {strides = array<i32>} : memref<128x128xf32, #tpu.memory_space<vmem>>, vector<16xf32>,
        %mul3A_1996 = arith.mulf %gather3A_1962, %get3A_1995 : vector<16xf32>
        %add3A_1997 = arith.addf %add3A_1913, %mul3A_1996 : vector<16xf32>
        %get3A_1998 = arith.index_cast %scan3A_1960 : i32 to index
        %get3A_1999 = arith.constant 112 : index
        %get3A_2000 = tpu.vector_load %arg28[%get3A_1998, %get3A_1999] {strides = array<i32>} : memref<128x128xf32, #tpu.memory_space<vmem>>, vector<16xf32>,
        %mul3A_2001 = arith.mulf %gather3A_1962, %get3A_2000 : vector<16xf32>
        %add3A_2002 = arith.addf %add3A_1918, %mul3A_2001 : vector<16xf32>
        %get3A_2003 = arith.index_cast %scan3A_1960 : i32 to index
        %get3A_2004 = arith.constant 0 : index
        %get3A_2005 = tpu.vector_load %arg29[%get3A_2003, %get3A_2004] {strides = array<i32>} : memref<128x128xf32, #tpu.memory_space<vmem>>, vector<16xf32>,
        %mul3A_2006 = arith.mulf %gather3A_1962, %get3A_2005 : vector<16xf32>
        %add3A_2007 = arith.addf %add3A_1923, %mul3A_2006 : vector<16xf32>
        %get3A_2008 = arith.index_cast %scan3A_1960 : i32 to index
        %get3A_2009 = arith.constant 16 : index
        %get3A_2010 = tpu.vector_load %arg29[%get3A_2008, %get3A_2009] {strides = array<i32>} : memref<128x128xf32, #tpu.memory_space<vmem>>, vector<16xf32>,
        %mul3A_2011 = arith.mulf %gather3A_1962, %get3A_2010 : vector<16xf32>
        %add3A_2012 = arith.addf %add3A_1928, %mul3A_2011 : vector<16xf32>
        %get3A_2013 = arith.index_cast %scan3A_1960 : i32 to index
        %get3A_2014 = arith.constant 32 : index
        %get3A_2015 = tpu.vector_load %arg29[%get3A_2013, %get3A_2014] {strides = array<i32>} : memref<128x128xf32, #tpu.memory_space<vmem>>, vector<16xf32>,
        %mul3A_2016 = arith.mulf %gather3A_1962, %get3A_2015 : vector<16xf32>
        %add3A_2017 = arith.addf %add3A_1933, %mul3A_2016 : vector<16xf32>
        %get3A_2018 = arith.index_cast %scan3A_1960 : i32 to index
        %get3A_2019 = arith.constant 48 : index
        %get3A_2020 = tpu.vector_load %arg29[%get3A_2018, %get3A_2019] {strides = array<i32>} : memref<128x128xf32, #tpu.memory_space<vmem>>, vector<16xf32>,
        %mul3A_2021 = arith.mulf %gather3A_1962, %get3A_2020 : vector<16xf32>
        %add3A_2022 = arith.addf %add3A_1938, %mul3A_2021 : vector<16xf32>
        %get3A_2023 = arith.index_cast %scan3A_1960 : i32 to index
        %get3A_2024 = arith.constant 64 : index
        %get3A_2025 = tpu.vector_load %arg29[%get3A_2023, %get3A_2024] {strides = array<i32>} : memref<128x128xf32, #tpu.memory_space<vmem>>, vector<16xf32>,
        %mul3A_2026 = arith.mulf %gather3A_1962, %get3A_2025 : vector<16xf32>
        %add3A_2027 = arith.addf %add3A_1943, %mul3A_2026 : vector<16xf32>
        %get3A_2028 = arith.index_cast %scan3A_1960 : i32 to index
        %get3A_2029 = arith.constant 80 : index
        %get3A_2030 = tpu.vector_load %arg29[%get3A_2028, %get3A_2029] {strides = array<i32>} : memref<128x128xf32, #tpu.memory_space<vmem>>, vector<16xf32>,
        %mul3A_2031 = arith.mulf %gather3A_1962, %get3A_2030 : vector<16xf32>
        %add3A_2032 = arith.addf %add3A_1948, %mul3A_2031 : vector<16xf32>
        %get3A_2033 = arith.index_cast %scan3A_1960 : i32 to index
        %get3A_2034 = arith.constant 96 : index
        %get3A_2035 = tpu.vector_load %arg29[%get3A_2033, %get3A_2034] {strides = array<i32>} : memref<128x128xf32, #tpu.memory_space<vmem>>, vector<16xf32>,
        %mul3A_2036 = arith.mulf %gather3A_1962, %get3A_2035 : vector<16xf32>
        %add3A_2037 = arith.addf %add3A_1953, %mul3A_2036 : vector<16xf32>
        %get3A_2038 = arith.index_cast %scan3A_1960 : i32 to index
        %get3A_2039 = arith.constant 112 : index
        %get3A_2040 = tpu.vector_load %arg29[%get3A_2038, %get3A_2039] {strides = array<i32>} : memref<128x128xf32, #tpu.memory_space<vmem>>, vector<16xf32>,
        %mul3A_2041 = arith.mulf %gather3A_1962, %get3A_2040 : vector<16xf32>
        %add3A_2042 = arith.addf %add3A_1958, %mul3A_2041 : vector<16xf32>
        scf.yield %add3A_1967, %add3A_1972, %add3A_1977, %add3A_1982, %add3A_1987, %add3A_1992, %add3A_1997, %add3A_2002, %add3A_2007, %add3A_2012, %add3A_2017, %add3A_2022, %add3A_2027, %add3A_2032, %add3A_2037, %add3A_2042 : vector<16xf32>, vector<16xf32>, vector<16xf32>, vector<16xf32>, vector<16xf32>, vector<16xf32>, vector<16xf32>, vector<16xf32>, vector<16xf32>, vector<16xf32>, vector<16xf32>, vector<16xf32>, vector<16xf32>, vector<16xf32>, vector<16xf32>, vector<16xf32>
      }
      %scan3A_1758 = arith.constant 32 : i32
      %dma_wait3A_1759 = arith.constant 32 : i32
      %dma_wait3A_1760 = arith.constant 0 : i32
      %dma_wait3A_1761 = tpu.memref_slice %arg28[%dma_wait3A_1759, %dma_wait3A_1760] : memref<128x128xf32, #tpu.memory_space<vmem>> -> memref<32x128xf32, #tpu.memory_space<vmem>>
      %dma_wait3A_1762 = arith.constant 32 : i32
      %dma_wait3A_1763 = tpu.memref_slice %arg25[%dma_wait3A_1762] : memref<128xi32, #tpu.memory_space<vmem>> -> memref<32xi32, #tpu.memory_space<vmem>>
      %dma_wait3A_1764 = arith.constant 0 : i32
      %dma_wait3A_1765 = arith.constant 0 : i32
      %dma_wait3A_1766 = tpu.memref_slice %arg3[%dma_wait3A_1764, %dma_wait3A_1765] : memref<131072x128xf32, #tpu.memory_space<hbm>> -> memref<131072x128xf32, #tpu.memory_space<hbm>>
      tpu.wait_indirect_dma semaphore(%arg38 : memref<!tpu.dma_semaphore, #tpu.memory_space<semaphore_mem>>) src(%dma_wait3A_1766 : memref<131072x128xf32, #tpu.memory_space<hbm>>) dst(%dma_wait3A_1761 : memref<32x128xf32, #tpu.memory_space<vmem>>)
      %dma_wait3A_1767 = arith.constant 32 : i32
      %dma_wait3A_1768 = arith.constant 0 : i32
      %dma_wait3A_1769 = tpu.memref_slice %arg29[%dma_wait3A_1767, %dma_wait3A_1768] : memref<128x128xf32, #tpu.memory_space<vmem>> -> memref<32x128xf32, #tpu.memory_space<vmem>>
      %dma_wait3A_1770 = arith.constant 32 : i32
      %dma_wait3A_1771 = tpu.memref_slice %arg26[%dma_wait3A_1770] : memref<128xi32, #tpu.memory_space<vmem>> -> memref<32xi32, #tpu.memory_space<vmem>>
      %dma_wait3A_1772 = arith.constant 0 : i32
      %dma_wait3A_1773 = arith.constant 0 : i32
      %dma_wait3A_1774 = tpu.memref_slice %arg3[%dma_wait3A_1772, %dma_wait3A_1773] : memref<131072x128xf32, #tpu.memory_space<hbm>> -> memref<131072x128xf32, #tpu.memory_space<hbm>>
      tpu.wait_indirect_dma semaphore(%arg39 : memref<!tpu.dma_semaphore, #tpu.memory_space<semaphore_mem>>) src(%dma_wait3A_1774 : memref<131072x128xf32, #tpu.memory_space<hbm>>) dst(%dma_wait3A_1769 : memref<32x128xf32, #tpu.memory_space<vmem>>)
      %scan3A_1775 = arith.constant 32 : i32
      %scan3A_1776 = arith.constant 32 : i32
      %scan3A_1777 = arith.addi %scan3A_1775, %scan3A_1776 : i32
      %scan3A_1778 = arith.constant 2 : i32
      %scan3A_1779:16 = scf.for %scan3A_1860 = %scan3A_1775 to %scan3A_1777 step %scan3A_1778 iter_args(%scan3A_1861 = %scan3A_1757#0, %scan3A_1862 = %scan3A_1757#1, %scan3A_1863 = %scan3A_1757#2, %scan3A_1864 = %scan3A_1757#3, %scan3A_1865 = %scan3A_1757#4, %scan3A_1866 = %scan3A_1757#5, %scan3A_1867 = %scan3A_1757#6, %scan3A_1868 = %scan3A_1757#7, %scan3A_1869 = %scan3A_1757#8, %scan3A_1870 = %scan3A_1757#9, %scan3A_1871 = %scan3A_1757#10, %scan3A_1872 = %scan3A_1757#11, %scan3A_1873 = %scan3A_1757#12, %scan3A_1874 = %scan3A_1757#13, %scan3A_1875 = %scan3A_1757#14, %scan3A_1876 = %scan3A_1757#15) -> (vector<16xf32>, vector<16xf32>, vector<16xf32>, vector<16xf32>, vector<16xf32>, vector<16xf32>, vector<16xf32>, vector<16xf32>, vector<16xf32>, vector<16xf32>, vector<16xf32>, vector<16xf32>, vector<16xf32>, vector<16xf32>, vector<16xf32>, vector<16xf32>)  : i32 {
        %broadcast_in_dim3A_1877 = vector.broadcast %scan3A_1860 : i32 to vector<16xi32>
        %gather3A_1878 = tpu.vector_load_idx %arg27[%broadcast_in_dim3A_1877] : memref<128xf32, #tpu.memory_space<vmem>>[vector<16xi32>], vector<16xf32>,
        %get3A_1879 = arith.index_cast %scan3A_1860 : i32 to index
        %get3A_1880 = arith.constant 0 : index
        %get3A_1881 = tpu.vector_load %arg28[%get3A_1879, %get3A_1880] {strides = array<i32>} : memref<128x128xf32, #tpu.memory_space<vmem>>, vector<16xf32>,
        %mul3A_1882 = arith.mulf %gather3A_1878, %get3A_1881 : vector<16xf32>
        %add3A_1883 = arith.addf %scan3A_1861, %mul3A_1882 : vector<16xf32>
        %get3A_1884 = arith.index_cast %scan3A_1860 : i32 to index
        %get3A_1885 = arith.constant 16 : index
        %get3A_1886 = tpu.vector_load %arg28[%get3A_1884, %get3A_1885] {strides = array<i32>} : memref<128x128xf32, #tpu.memory_space<vmem>>, vector<16xf32>,
        %mul3A_1887 = arith.mulf %gather3A_1878, %get3A_1886 : vector<16xf32>
        %add3A_1888 = arith.addf %scan3A_1862, %mul3A_1887 : vector<16xf32>
        %get3A_1889 = arith.index_cast %scan3A_1860 : i32 to index
        %get3A_1890 = arith.constant 32 : index
        %get3A_1891 = tpu.vector_load %arg28[%get3A_1889, %get3A_1890] {strides = array<i32>} : memref<128x128xf32, #tpu.memory_space<vmem>>, vector<16xf32>,
        %mul3A_1892 = arith.mulf %gather3A_1878, %get3A_1891 : vector<16xf32>
        %add3A_1893 = arith.addf %scan3A_1863, %mul3A_1892 : vector<16xf32>
        %get3A_1894 = arith.index_cast %scan3A_1860 : i32 to index
        %get3A_1895 = arith.constant 48 : index
        %get3A_1896 = tpu.vector_load %arg28[%get3A_1894, %get3A_1895] {strides = array<i32>} : memref<128x128xf32, #tpu.memory_space<vmem>>, vector<16xf32>,
        %mul3A_1897 = arith.mulf %gather3A_1878, %get3A_1896 : vector<16xf32>
        %add3A_1898 = arith.addf %scan3A_1864, %mul3A_1897 : vector<16xf32>
        %get3A_1899 = arith.index_cast %scan3A_1860 : i32 to index
        %get3A_1900 = arith.constant 64 : index
        %get3A_1901 = tpu.vector_load %arg28[%get3A_1899, %get3A_1900] {strides = array<i32>} : memref<128x128xf32, #tpu.memory_space<vmem>>, vector<16xf32>,
        %mul3A_1902 = arith.mulf %gather3A_1878, %get3A_1901 : vector<16xf32>
        %add3A_1903 = arith.addf %scan3A_1865, %mul3A_1902 : vector<16xf32>
        %get3A_1904 = arith.index_cast %scan3A_1860 : i32 to index
        %get3A_1905 = arith.constant 80 : index
        %get3A_1906 = tpu.vector_load %arg28[%get3A_1904, %get3A_1905] {strides = array<i32>} : memref<128x128xf32, #tpu.memory_space<vmem>>, vector<16xf32>,
        %mul3A_1907 = arith.mulf %gather3A_1878, %get3A_1906 : vector<16xf32>
        %add3A_1908 = arith.addf %scan3A_1866, %mul3A_1907 : vector<16xf32>
        %get3A_1909 = arith.index_cast %scan3A_1860 : i32 to index
        %get3A_1910 = arith.constant 96 : index
        %get3A_1911 = tpu.vector_load %arg28[%get3A_1909, %get3A_1910] {strides = array<i32>} : memref<128x128xf32, #tpu.memory_space<vmem>>, vector<16xf32>,
        %mul3A_1912 = arith.mulf %gather3A_1878, %get3A_1911 : vector<16xf32>
        %add3A_1913 = arith.addf %scan3A_1867, %mul3A_1912 : vector<16xf32>
        %get3A_1914 = arith.index_cast %scan3A_1860 : i32 to index
        %get3A_1915 = arith.constant 112 : index
        %get3A_1916 = tpu.vector_load %arg28[%get3A_1914, %get3A_1915] {strides = array<i32>} : memref<128x128xf32, #tpu.memory_space<vmem>>, vector<16xf32>,
        %mul3A_1917 = arith.mulf %gather3A_1878, %get3A_1916 : vector<16xf32>
        %add3A_1918 = arith.addf %scan3A_1868, %mul3A_1917 : vector<16xf32>
        %get3A_1919 = arith.index_cast %scan3A_1860 : i32 to index
        %get3A_1920 = arith.constant 0 : index
        %get3A_1921 = tpu.vector_load %arg29[%get3A_1919, %get3A_1920] {strides = array<i32>} : memref<128x128xf32, #tpu.memory_space<vmem>>, vector<16xf32>,
        %mul3A_1922 = arith.mulf %gather3A_1878, %get3A_1921 : vector<16xf32>
        %add3A_1923 = arith.addf %scan3A_1869, %mul3A_1922 : vector<16xf32>
        %get3A_1924 = arith.index_cast %scan3A_1860 : i32 to index
        %get3A_1925 = arith.constant 16 : index
        %get3A_1926 = tpu.vector_load %arg29[%get3A_1924, %get3A_1925] {strides = array<i32>} : memref<128x128xf32, #tpu.memory_space<vmem>>, vector<16xf32>,
        %mul3A_1927 = arith.mulf %gather3A_1878, %get3A_1926 : vector<16xf32>
        %add3A_1928 = arith.addf %scan3A_1870, %mul3A_1927 : vector<16xf32>
        %get3A_1929 = arith.index_cast %scan3A_1860 : i32 to index
        %get3A_1930 = arith.constant 32 : index
        %get3A_1931 = tpu.vector_load %arg29[%get3A_1929, %get3A_1930] {strides = array<i32>} : memref<128x128xf32, #tpu.memory_space<vmem>>, vector<16xf32>,
        %mul3A_1932 = arith.mulf %gather3A_1878, %get3A_1931 : vector<16xf32>
        %add3A_1933 = arith.addf %scan3A_1871, %mul3A_1932 : vector<16xf32>
        %get3A_1934 = arith.index_cast %scan3A_1860 : i32 to index
        %get3A_1935 = arith.constant 48 : index
        %get3A_1936 = tpu.vector_load %arg29[%get3A_1934, %get3A_1935] {strides = array<i32>} : memref<128x128xf32, #tpu.memory_space<vmem>>, vector<16xf32>,
        %mul3A_1937 = arith.mulf %gather3A_1878, %get3A_1936 : vector<16xf32>
        %add3A_1938 = arith.addf %scan3A_1872, %mul3A_1937 : vector<16xf32>
        %get3A_1939 = arith.index_cast %scan3A_1860 : i32 to index
        %get3A_1940 = arith.constant 64 : index
        %get3A_1941 = tpu.vector_load %arg29[%get3A_1939, %get3A_1940] {strides = array<i32>} : memref<128x128xf32, #tpu.memory_space<vmem>>, vector<16xf32>,
        %mul3A_1942 = arith.mulf %gather3A_1878, %get3A_1941 : vector<16xf32>
        %add3A_1943 = arith.addf %scan3A_1873, %mul3A_1942 : vector<16xf32>
        %get3A_1944 = arith.index_cast %scan3A_1860 : i32 to index
        %get3A_1945 = arith.constant 80 : index
        %get3A_1946 = tpu.vector_load %arg29[%get3A_1944, %get3A_1945] {strides = array<i32>} : memref<128x128xf32, #tpu.memory_space<vmem>>, vector<16xf32>,
        %mul3A_1947 = arith.mulf %gather3A_1878, %get3A_1946 : vector<16xf32>
        %add3A_1948 = arith.addf %scan3A_1874, %mul3A_1947 : vector<16xf32>
        %get3A_1949 = arith.index_cast %scan3A_1860 : i32 to index
        %get3A_1950 = arith.constant 96 : index
        %get3A_1951 = tpu.vector_load %arg29[%get3A_1949, %get3A_1950] {strides = array<i32>} : memref<128x128xf32, #tpu.memory_space<vmem>>, vector<16xf32>,
        %mul3A_1952 = arith.mulf %gather3A_1878, %get3A_1951 : vector<16xf32>
        %add3A_1953 = arith.addf %scan3A_1875, %mul3A_1952 : vector<16xf32>
        %get3A_1954 = arith.index_cast %scan3A_1860 : i32 to index
        %get3A_1955 = arith.constant 112 : index
        %get3A_1956 = tpu.vector_load %arg29[%get3A_1954, %get3A_1955] {strides = array<i32>} : memref<128x128xf32, #tpu.memory_space<vmem>>, vector<16xf32>,
        %mul3A_1957 = arith.mulf %gather3A_1878, %get3A_1956 : vector<16xf32>
        %add3A_1958 = arith.addf %scan3A_1876, %mul3A_1957 : vector<16xf32>
        %scan3A_1959 = arith.constant 1 : i32
        %scan3A_1960 = arith.addi %scan3A_1860, %scan3A_1959 : i32
        %broadcast_in_dim3A_1961 = vector.broadcast %scan3A_1960 : i32 to vector<16xi32>
        %gather3A_1962 = tpu.vector_load_idx %arg27[%broadcast_in_dim3A_1961] : memref<128xf32, #tpu.memory_space<vmem>>[vector<16xi32>], vector<16xf32>,
        %get3A_1963 = arith.index_cast %scan3A_1960 : i32 to index
        %get3A_1964 = arith.constant 0 : index
        %get3A_1965 = tpu.vector_load %arg28[%get3A_1963, %get3A_1964] {strides = array<i32>} : memref<128x128xf32, #tpu.memory_space<vmem>>, vector<16xf32>,
        %mul3A_1966 = arith.mulf %gather3A_1962, %get3A_1965 : vector<16xf32>
        %add3A_1967 = arith.addf %add3A_1883, %mul3A_1966 : vector<16xf32>
        %get3A_1968 = arith.index_cast %scan3A_1960 : i32 to index
        %get3A_1969 = arith.constant 16 : index
        %get3A_1970 = tpu.vector_load %arg28[%get3A_1968, %get3A_1969] {strides = array<i32>} : memref<128x128xf32, #tpu.memory_space<vmem>>, vector<16xf32>,
        %mul3A_1971 = arith.mulf %gather3A_1962, %get3A_1970 : vector<16xf32>
        %add3A_1972 = arith.addf %add3A_1888, %mul3A_1971 : vector<16xf32>
        %get3A_1973 = arith.index_cast %scan3A_1960 : i32 to index
        %get3A_1974 = arith.constant 32 : index
        %get3A_1975 = tpu.vector_load %arg28[%get3A_1973, %get3A_1974] {strides = array<i32>} : memref<128x128xf32, #tpu.memory_space<vmem>>, vector<16xf32>,
        %mul3A_1976 = arith.mulf %gather3A_1962, %get3A_1975 : vector<16xf32>
        %add3A_1977 = arith.addf %add3A_1893, %mul3A_1976 : vector<16xf32>
        %get3A_1978 = arith.index_cast %scan3A_1960 : i32 to index
        %get3A_1979 = arith.constant 48 : index
        %get3A_1980 = tpu.vector_load %arg28[%get3A_1978, %get3A_1979] {strides = array<i32>} : memref<128x128xf32, #tpu.memory_space<vmem>>, vector<16xf32>,
        %mul3A_1981 = arith.mulf %gather3A_1962, %get3A_1980 : vector<16xf32>
        %add3A_1982 = arith.addf %add3A_1898, %mul3A_1981 : vector<16xf32>
        %get3A_1983 = arith.index_cast %scan3A_1960 : i32 to index
        %get3A_1984 = arith.constant 64 : index
        %get3A_1985 = tpu.vector_load %arg28[%get3A_1983, %get3A_1984] {strides = array<i32>} : memref<128x128xf32, #tpu.memory_space<vmem>>, vector<16xf32>,
        %mul3A_1986 = arith.mulf %gather3A_1962, %get3A_1985 : vector<16xf32>
        %add3A_1987 = arith.addf %add3A_1903, %mul3A_1986 : vector<16xf32>
        %get3A_1988 = arith.index_cast %scan3A_1960 : i32 to index
        %get3A_1989 = arith.constant 80 : index
        %get3A_1990 = tpu.vector_load %arg28[%get3A_1988, %get3A_1989] {strides = array<i32>} : memref<128x128xf32, #tpu.memory_space<vmem>>, vector<16xf32>,
        %mul3A_1991 = arith.mulf %gather3A_1962, %get3A_1990 : vector<16xf32>
        %add3A_1992 = arith.addf %add3A_1908, %mul3A_1991 : vector<16xf32>
        %get3A_1993 = arith.index_cast %scan3A_1960 : i32 to index
        %get3A_1994 = arith.constant 96 : index
        %get3A_1995 = tpu.vector_load %arg28[%get3A_1993, %get3A_1994] {strides = array<i32>} : memref<128x128xf32, #tpu.memory_space<vmem>>, vector<16xf32>,
        %mul3A_1996 = arith.mulf %gather3A_1962, %get3A_1995 : vector<16xf32>
        %add3A_1997 = arith.addf %add3A_1913, %mul3A_1996 : vector<16xf32>
        %get3A_1998 = arith.index_cast %scan3A_1960 : i32 to index
        %get3A_1999 = arith.constant 112 : index
        %get3A_2000 = tpu.vector_load %arg28[%get3A_1998, %get3A_1999] {strides = array<i32>} : memref<128x128xf32, #tpu.memory_space<vmem>>, vector<16xf32>,
        %mul3A_2001 = arith.mulf %gather3A_1962, %get3A_2000 : vector<16xf32>
        %add3A_2002 = arith.addf %add3A_1918, %mul3A_2001 : vector<16xf32>
        %get3A_2003 = arith.index_cast %scan3A_1960 : i32 to index
        %get3A_2004 = arith.constant 0 : index
        %get3A_2005 = tpu.vector_load %arg29[%get3A_2003, %get3A_2004] {strides = array<i32>} : memref<128x128xf32, #tpu.memory_space<vmem>>, vector<16xf32>,
        %mul3A_2006 = arith.mulf %gather3A_1962, %get3A_2005 : vector<16xf32>
        %add3A_2007 = arith.addf %add3A_1923, %mul3A_2006 : vector<16xf32>
        %get3A_2008 = arith.index_cast %scan3A_1960 : i32 to index
        %get3A_2009 = arith.constant 16 : index
        %get3A_2010 = tpu.vector_load %arg29[%get3A_2008, %get3A_2009] {strides = array<i32>} : memref<128x128xf32, #tpu.memory_space<vmem>>, vector<16xf32>,
        %mul3A_2011 = arith.mulf %gather3A_1962, %get3A_2010 : vector<16xf32>
        %add3A_2012 = arith.addf %add3A_1928, %mul3A_2011 : vector<16xf32>
        %get3A_2013 = arith.index_cast %scan3A_1960 : i32 to index
        %get3A_2014 = arith.constant 32 : index
        %get3A_2015 = tpu.vector_load %arg29[%get3A_2013, %get3A_2014] {strides = array<i32>} : memref<128x128xf32, #tpu.memory_space<vmem>>, vector<16xf32>,
        %mul3A_2016 = arith.mulf %gather3A_1962, %get3A_2015 : vector<16xf32>
        %add3A_2017 = arith.addf %add3A_1933, %mul3A_2016 : vector<16xf32>
        %get3A_2018 = arith.index_cast %scan3A_1960 : i32 to index
        %get3A_2019 = arith.constant 48 : index
        %get3A_2020 = tpu.vector_load %arg29[%get3A_2018, %get3A_2019] {strides = array<i32>} : memref<128x128xf32, #tpu.memory_space<vmem>>, vector<16xf32>,
        %mul3A_2021 = arith.mulf %gather3A_1962, %get3A_2020 : vector<16xf32>
        %add3A_2022 = arith.addf %add3A_1938, %mul3A_2021 : vector<16xf32>
        %get3A_2023 = arith.index_cast %scan3A_1960 : i32 to index
        %get3A_2024 = arith.constant 64 : index
        %get3A_2025 = tpu.vector_load %arg29[%get3A_2023, %get3A_2024] {strides = array<i32>} : memref<128x128xf32, #tpu.memory_space<vmem>>, vector<16xf32>,
        %mul3A_2026 = arith.mulf %gather3A_1962, %get3A_2025 : vector<16xf32>
        %add3A_2027 = arith.addf %add3A_1943, %mul3A_2026 : vector<16xf32>
        %get3A_2028 = arith.index_cast %scan3A_1960 : i32 to index
        %get3A_2029 = arith.constant 80 : index
        %get3A_2030 = tpu.vector_load %arg29[%get3A_2028, %get3A_2029] {strides = array<i32>} : memref<128x128xf32, #tpu.memory_space<vmem>>, vector<16xf32>,
        %mul3A_2031 = arith.mulf %gather3A_1962, %get3A_2030 : vector<16xf32>
        %add3A_2032 = arith.addf %add3A_1948, %mul3A_2031 : vector<16xf32>
        %get3A_2033 = arith.index_cast %scan3A_1960 : i32 to index
        %get3A_2034 = arith.constant 96 : index
        %get3A_2035 = tpu.vector_load %arg29[%get3A_2033, %get3A_2034] {strides = array<i32>} : memref<128x128xf32, #tpu.memory_space<vmem>>, vector<16xf32>,
        %mul3A_2036 = arith.mulf %gather3A_1962, %get3A_2035 : vector<16xf32>
        %add3A_2037 = arith.addf %add3A_1953, %mul3A_2036 : vector<16xf32>
        %get3A_2038 = arith.index_cast %scan3A_1960 : i32 to index
        %get3A_2039 = arith.constant 112 : index
        %get3A_2040 = tpu.vector_load %arg29[%get3A_2038, %get3A_2039] {strides = array<i32>} : memref<128x128xf32, #tpu.memory_space<vmem>>, vector<16xf32>,
        %mul3A_2041 = arith.mulf %gather3A_1962, %get3A_2040 : vector<16xf32>
        %add3A_2042 = arith.addf %add3A_1958, %mul3A_2041 : vector<16xf32>
        scf.yield %add3A_1967, %add3A_1972, %add3A_1977, %add3A_1982, %add3A_1987, %add3A_1992, %add3A_1997, %add3A_2002, %add3A_2007, %add3A_2012, %add3A_2017, %add3A_2022, %add3A_2027, %add3A_2032, %add3A_2037, %add3A_2042 : vector<16xf32>, vector<16xf32>, vector<16xf32>, vector<16xf32>, vector<16xf32>, vector<16xf32>, vector<16xf32>, vector<16xf32>, vector<16xf32>, vector<16xf32>, vector<16xf32>, vector<16xf32>, vector<16xf32>, vector<16xf32>, vector<16xf32>, vector<16xf32>
      }
      %scan3A_1780 = arith.constant 32 : i32
      %dma_wait3A_1781 = arith.constant 64 : i32
      %dma_wait3A_1782 = arith.constant 0 : i32
      %dma_wait3A_1783 = tpu.memref_slice %arg28[%dma_wait3A_1781, %dma_wait3A_1782] : memref<128x128xf32, #tpu.memory_space<vmem>> -> memref<32x128xf32, #tpu.memory_space<vmem>>
      %dma_wait3A_1784 = arith.constant 64 : i32
      %dma_wait3A_1785 = tpu.memref_slice %arg25[%dma_wait3A_1784] : memref<128xi32, #tpu.memory_space<vmem>> -> memref<32xi32, #tpu.memory_space<vmem>>
      %dma_wait3A_1786 = arith.constant 0 : i32
      %dma_wait3A_1787 = arith.constant 0 : i32
      %dma_wait3A_1788 = tpu.memref_slice %arg3[%dma_wait3A_1786, %dma_wait3A_1787] : memref<131072x128xf32, #tpu.memory_space<hbm>> -> memref<131072x128xf32, #tpu.memory_space<hbm>>
      tpu.wait_indirect_dma semaphore(%arg40 : memref<!tpu.dma_semaphore, #tpu.memory_space<semaphore_mem>>) src(%dma_wait3A_1788 : memref<131072x128xf32, #tpu.memory_space<hbm>>) dst(%dma_wait3A_1783 : memref<32x128xf32, #tpu.memory_space<vmem>>)
      %dma_wait3A_1789 = arith.constant 64 : i32
      %dma_wait3A_1790 = arith.constant 0 : i32
      %dma_wait3A_1791 = tpu.memref_slice %arg29[%dma_wait3A_1789, %dma_wait3A_1790] : memref<128x128xf32, #tpu.memory_space<vmem>> -> memref<32x128xf32, #tpu.memory_space<vmem>>
      %dma_wait3A_1792 = arith.constant 64 : i32
      %dma_wait3A_1793 = tpu.memref_slice %arg26[%dma_wait3A_1792] : memref<128xi32, #tpu.memory_space<vmem>> -> memref<32xi32, #tpu.memory_space<vmem>>
      %dma_wait3A_1794 = arith.constant 0 : i32
      %dma_wait3A_1795 = arith.constant 0 : i32
      %dma_wait3A_1796 = tpu.memref_slice %arg3[%dma_wait3A_1794, %dma_wait3A_1795] : memref<131072x128xf32, #tpu.memory_space<hbm>> -> memref<131072x128xf32, #tpu.memory_space<hbm>>
      tpu.wait_indirect_dma semaphore(%arg41 : memref<!tpu.dma_semaphore, #tpu.memory_space<semaphore_mem>>) src(%dma_wait3A_1796 : memref<131072x128xf32, #tpu.memory_space<hbm>>) dst(%dma_wait3A_1791 : memref<32x128xf32, #tpu.memory_space<vmem>>)
      %scan3A_1797 = arith.constant 64 : i32
      %scan3A_1798 = arith.constant 32 : i32
      %scan3A_1799 = arith.addi %scan3A_1797, %scan3A_1798 : i32
      %scan3A_1800 = arith.constant 2 : i32
      %scan3A_1801:16 = scf.for %scan3A_1860 = %scan3A_1797 to %scan3A_1799 step %scan3A_1800 iter_args(%scan3A_1861 = %scan3A_1779#0, %scan3A_1862 = %scan3A_1779#1, %scan3A_1863 = %scan3A_1779#2, %scan3A_1864 = %scan3A_1779#3, %scan3A_1865 = %scan3A_1779#4, %scan3A_1866 = %scan3A_1779#5, %scan3A_1867 = %scan3A_1779#6, %scan3A_1868 = %scan3A_1779#7, %scan3A_1869 = %scan3A_1779#8, %scan3A_1870 = %scan3A_1779#9, %scan3A_1871 = %scan3A_1779#10, %scan3A_1872 = %scan3A_1779#11, %scan3A_1873 = %scan3A_1779#12, %scan3A_1874 = %scan3A_1779#13, %scan3A_1875 = %scan3A_1779#14, %scan3A_1876 = %scan3A_1779#15) -> (vector<16xf32>, vector<16xf32>, vector<16xf32>, vector<16xf32>, vector<16xf32>, vector<16xf32>, vector<16xf32>, vector<16xf32>, vector<16xf32>, vector<16xf32>, vector<16xf32>, vector<16xf32>, vector<16xf32>, vector<16xf32>, vector<16xf32>, vector<16xf32>)  : i32 {
        %broadcast_in_dim3A_1877 = vector.broadcast %scan3A_1860 : i32 to vector<16xi32>
        %gather3A_1878 = tpu.vector_load_idx %arg27[%broadcast_in_dim3A_1877] : memref<128xf32, #tpu.memory_space<vmem>>[vector<16xi32>], vector<16xf32>,
        %get3A_1879 = arith.index_cast %scan3A_1860 : i32 to index
        %get3A_1880 = arith.constant 0 : index
        %get3A_1881 = tpu.vector_load %arg28[%get3A_1879, %get3A_1880] {strides = array<i32>} : memref<128x128xf32, #tpu.memory_space<vmem>>, vector<16xf32>,
        %mul3A_1882 = arith.mulf %gather3A_1878, %get3A_1881 : vector<16xf32>
        %add3A_1883 = arith.addf %scan3A_1861, %mul3A_1882 : vector<16xf32>
        %get3A_1884 = arith.index_cast %scan3A_1860 : i32 to index
        %get3A_1885 = arith.constant 16 : index
        %get3A_1886 = tpu.vector_load %arg28[%get3A_1884, %get3A_1885] {strides = array<i32>} : memref<128x128xf32, #tpu.memory_space<vmem>>, vector<16xf32>,
        %mul3A_1887 = arith.mulf %gather3A_1878, %get3A_1886 : vector<16xf32>
        %add3A_1888 = arith.addf %scan3A_1862, %mul3A_1887 : vector<16xf32>
        %get3A_1889 = arith.index_cast %scan3A_1860 : i32 to index
        %get3A_1890 = arith.constant 32 : index
        %get3A_1891 = tpu.vector_load %arg28[%get3A_1889, %get3A_1890] {strides = array<i32>} : memref<128x128xf32, #tpu.memory_space<vmem>>, vector<16xf32>,
        %mul3A_1892 = arith.mulf %gather3A_1878, %get3A_1891 : vector<16xf32>
        %add3A_1893 = arith.addf %scan3A_1863, %mul3A_1892 : vector<16xf32>
        %get3A_1894 = arith.index_cast %scan3A_1860 : i32 to index
        %get3A_1895 = arith.constant 48 : index
        %get3A_1896 = tpu.vector_load %arg28[%get3A_1894, %get3A_1895] {strides = array<i32>} : memref<128x128xf32, #tpu.memory_space<vmem>>, vector<16xf32>,
        %mul3A_1897 = arith.mulf %gather3A_1878, %get3A_1896 : vector<16xf32>
        %add3A_1898 = arith.addf %scan3A_1864, %mul3A_1897 : vector<16xf32>
        %get3A_1899 = arith.index_cast %scan3A_1860 : i32 to index
        %get3A_1900 = arith.constant 64 : index
        %get3A_1901 = tpu.vector_load %arg28[%get3A_1899, %get3A_1900] {strides = array<i32>} : memref<128x128xf32, #tpu.memory_space<vmem>>, vector<16xf32>,
        %mul3A_1902 = arith.mulf %gather3A_1878, %get3A_1901 : vector<16xf32>
        %add3A_1903 = arith.addf %scan3A_1865, %mul3A_1902 : vector<16xf32>
        %get3A_1904 = arith.index_cast %scan3A_1860 : i32 to index
        %get3A_1905 = arith.constant 80 : index
        %get3A_1906 = tpu.vector_load %arg28[%get3A_1904, %get3A_1905] {strides = array<i32>} : memref<128x128xf32, #tpu.memory_space<vmem>>, vector<16xf32>,
        %mul3A_1907 = arith.mulf %gather3A_1878, %get3A_1906 : vector<16xf32>
        %add3A_1908 = arith.addf %scan3A_1866, %mul3A_1907 : vector<16xf32>
        %get3A_1909 = arith.index_cast %scan3A_1860 : i32 to index
        %get3A_1910 = arith.constant 96 : index
        %get3A_1911 = tpu.vector_load %arg28[%get3A_1909, %get3A_1910] {strides = array<i32>} : memref<128x128xf32, #tpu.memory_space<vmem>>, vector<16xf32>,
        %mul3A_1912 = arith.mulf %gather3A_1878, %get3A_1911 : vector<16xf32>
        %add3A_1913 = arith.addf %scan3A_1867, %mul3A_1912 : vector<16xf32>
        %get3A_1914 = arith.index_cast %scan3A_1860 : i32 to index
        %get3A_1915 = arith.constant 112 : index
        %get3A_1916 = tpu.vector_load %arg28[%get3A_1914, %get3A_1915] {strides = array<i32>} : memref<128x128xf32, #tpu.memory_space<vmem>>, vector<16xf32>,
        %mul3A_1917 = arith.mulf %gather3A_1878, %get3A_1916 : vector<16xf32>
        %add3A_1918 = arith.addf %scan3A_1868, %mul3A_1917 : vector<16xf32>
        %get3A_1919 = arith.index_cast %scan3A_1860 : i32 to index
        %get3A_1920 = arith.constant 0 : index
        %get3A_1921 = tpu.vector_load %arg29[%get3A_1919, %get3A_1920] {strides = array<i32>} : memref<128x128xf32, #tpu.memory_space<vmem>>, vector<16xf32>,
        %mul3A_1922 = arith.mulf %gather3A_1878, %get3A_1921 : vector<16xf32>
        %add3A_1923 = arith.addf %scan3A_1869, %mul3A_1922 : vector<16xf32>
        %get3A_1924 = arith.index_cast %scan3A_1860 : i32 to index
        %get3A_1925 = arith.constant 16 : index
        %get3A_1926 = tpu.vector_load %arg29[%get3A_1924, %get3A_1925] {strides = array<i32>} : memref<128x128xf32, #tpu.memory_space<vmem>>, vector<16xf32>,
        %mul3A_1927 = arith.mulf %gather3A_1878, %get3A_1926 : vector<16xf32>
        %add3A_1928 = arith.addf %scan3A_1870, %mul3A_1927 : vector<16xf32>
        %get3A_1929 = arith.index_cast %scan3A_1860 : i32 to index
        %get3A_1930 = arith.constant 32 : index
        %get3A_1931 = tpu.vector_load %arg29[%get3A_1929, %get3A_1930] {strides = array<i32>} : memref<128x128xf32, #tpu.memory_space<vmem>>, vector<16xf32>,
        %mul3A_1932 = arith.mulf %gather3A_1878, %get3A_1931 : vector<16xf32>
        %add3A_1933 = arith.addf %scan3A_1871, %mul3A_1932 : vector<16xf32>
        %get3A_1934 = arith.index_cast %scan3A_1860 : i32 to index
        %get3A_1935 = arith.constant 48 : index
        %get3A_1936 = tpu.vector_load %arg29[%get3A_1934, %get3A_1935] {strides = array<i32>} : memref<128x128xf32, #tpu.memory_space<vmem>>, vector<16xf32>,
        %mul3A_1937 = arith.mulf %gather3A_1878, %get3A_1936 : vector<16xf32>
        %add3A_1938 = arith.addf %scan3A_1872, %mul3A_1937 : vector<16xf32>
        %get3A_1939 = arith.index_cast %scan3A_1860 : i32 to index
        %get3A_1940 = arith.constant 64 : index
        %get3A_1941 = tpu.vector_load %arg29[%get3A_1939, %get3A_1940] {strides = array<i32>} : memref<128x128xf32, #tpu.memory_space<vmem>>, vector<16xf32>,
        %mul3A_1942 = arith.mulf %gather3A_1878, %get3A_1941 : vector<16xf32>
        %add3A_1943 = arith.addf %scan3A_1873, %mul3A_1942 : vector<16xf32>
        %get3A_1944 = arith.index_cast %scan3A_1860 : i32 to index
        %get3A_1945 = arith.constant 80 : index
        %get3A_1946 = tpu.vector_load %arg29[%get3A_1944, %get3A_1945] {strides = array<i32>} : memref<128x128xf32, #tpu.memory_space<vmem>>, vector<16xf32>,
        %mul3A_1947 = arith.mulf %gather3A_1878, %get3A_1946 : vector<16xf32>
        %add3A_1948 = arith.addf %scan3A_1874, %mul3A_1947 : vector<16xf32>
        %get3A_1949 = arith.index_cast %scan3A_1860 : i32 to index
        %get3A_1950 = arith.constant 96 : index
        %get3A_1951 = tpu.vector_load %arg29[%get3A_1949, %get3A_1950] {strides = array<i32>} : memref<128x128xf32, #tpu.memory_space<vmem>>, vector<16xf32>,
        %mul3A_1952 = arith.mulf %gather3A_1878, %get3A_1951 : vector<16xf32>
        %add3A_1953 = arith.addf %scan3A_1875, %mul3A_1952 : vector<16xf32>
        %get3A_1954 = arith.index_cast %scan3A_1860 : i32 to index
        %get3A_1955 = arith.constant 112 : index
        %get3A_1956 = tpu.vector_load %arg29[%get3A_1954, %get3A_1955] {strides = array<i32>} : memref<128x128xf32, #tpu.memory_space<vmem>>, vector<16xf32>,
        %mul3A_1957 = arith.mulf %gather3A_1878, %get3A_1956 : vector<16xf32>
        %add3A_1958 = arith.addf %scan3A_1876, %mul3A_1957 : vector<16xf32>
        %scan3A_1959 = arith.constant 1 : i32
        %scan3A_1960 = arith.addi %scan3A_1860, %scan3A_1959 : i32
        %broadcast_in_dim3A_1961 = vector.broadcast %scan3A_1960 : i32 to vector<16xi32>
        %gather3A_1962 = tpu.vector_load_idx %arg27[%broadcast_in_dim3A_1961] : memref<128xf32, #tpu.memory_space<vmem>>[vector<16xi32>], vector<16xf32>,
        %get3A_1963 = arith.index_cast %scan3A_1960 : i32 to index
        %get3A_1964 = arith.constant 0 : index
        %get3A_1965 = tpu.vector_load %arg28[%get3A_1963, %get3A_1964] {strides = array<i32>} : memref<128x128xf32, #tpu.memory_space<vmem>>, vector<16xf32>,
        %mul3A_1966 = arith.mulf %gather3A_1962, %get3A_1965 : vector<16xf32>
        %add3A_1967 = arith.addf %add3A_1883, %mul3A_1966 : vector<16xf32>
        %get3A_1968 = arith.index_cast %scan3A_1960 : i32 to index
        %get3A_1969 = arith.constant 16 : index
        %get3A_1970 = tpu.vector_load %arg28[%get3A_1968, %get3A_1969] {strides = array<i32>} : memref<128x128xf32, #tpu.memory_space<vmem>>, vector<16xf32>,
        %mul3A_1971 = arith.mulf %gather3A_1962, %get3A_1970 : vector<16xf32>
        %add3A_1972 = arith.addf %add3A_1888, %mul3A_1971 : vector<16xf32>
        %get3A_1973 = arith.index_cast %scan3A_1960 : i32 to index
        %get3A_1974 = arith.constant 32 : index
        %get3A_1975 = tpu.vector_load %arg28[%get3A_1973, %get3A_1974] {strides = array<i32>} : memref<128x128xf32, #tpu.memory_space<vmem>>, vector<16xf32>,
        %mul3A_1976 = arith.mulf %gather3A_1962, %get3A_1975 : vector<16xf32>
        %add3A_1977 = arith.addf %add3A_1893, %mul3A_1976 : vector<16xf32>
        %get3A_1978 = arith.index_cast %scan3A_1960 : i32 to index
        %get3A_1979 = arith.constant 48 : index
        %get3A_1980 = tpu.vector_load %arg28[%get3A_1978, %get3A_1979] {strides = array<i32>} : memref<128x128xf32, #tpu.memory_space<vmem>>, vector<16xf32>,
        %mul3A_1981 = arith.mulf %gather3A_1962, %get3A_1980 : vector<16xf32>
        %add3A_1982 = arith.addf %add3A_1898, %mul3A_1981 : vector<16xf32>
        %get3A_1983 = arith.index_cast %scan3A_1960 : i32 to index
        %get3A_1984 = arith.constant 64 : index
        %get3A_1985 = tpu.vector_load %arg28[%get3A_1983, %get3A_1984] {strides = array<i32>} : memref<128x128xf32, #tpu.memory_space<vmem>>, vector<16xf32>,
        %mul3A_1986 = arith.mulf %gather3A_1962, %get3A_1985 : vector<16xf32>
        %add3A_1987 = arith.addf %add3A_1903, %mul3A_1986 : vector<16xf32>
        %get3A_1988 = arith.index_cast %scan3A_1960 : i32 to index
        %get3A_1989 = arith.constant 80 : index
        %get3A_1990 = tpu.vector_load %arg28[%get3A_1988, %get3A_1989] {strides = array<i32>} : memref<128x128xf32, #tpu.memory_space<vmem>>, vector<16xf32>,
        %mul3A_1991 = arith.mulf %gather3A_1962, %get3A_1990 : vector<16xf32>
        %add3A_1992 = arith.addf %add3A_1908, %mul3A_1991 : vector<16xf32>
        %get3A_1993 = arith.index_cast %scan3A_1960 : i32 to index
        %get3A_1994 = arith.constant 96 : index
        %get3A_1995 = tpu.vector_load %arg28[%get3A_1993, %get3A_1994] {strides = array<i32>} : memref<128x128xf32, #tpu.memory_space<vmem>>, vector<16xf32>,
        %mul3A_1996 = arith.mulf %gather3A_1962, %get3A_1995 : vector<16xf32>
        %add3A_1997 = arith.addf %add3A_1913, %mul3A_1996 : vector<16xf32>
        %get3A_1998 = arith.index_cast %scan3A_1960 : i32 to index
        %get3A_1999 = arith.constant 112 : index
        %get3A_2000 = tpu.vector_load %arg28[%get3A_1998, %get3A_1999] {strides = array<i32>} : memref<128x128xf32, #tpu.memory_space<vmem>>, vector<16xf32>,
        %mul3A_2001 = arith.mulf %gather3A_1962, %get3A_2000 : vector<16xf32>
        %add3A_2002 = arith.addf %add3A_1918, %mul3A_2001 : vector<16xf32>
        %get3A_2003 = arith.index_cast %scan3A_1960 : i32 to index
        %get3A_2004 = arith.constant 0 : index
        %get3A_2005 = tpu.vector_load %arg29[%get3A_2003, %get3A_2004] {strides = array<i32>} : memref<128x128xf32, #tpu.memory_space<vmem>>, vector<16xf32>,
        %mul3A_2006 = arith.mulf %gather3A_1962, %get3A_2005 : vector<16xf32>
        %add3A_2007 = arith.addf %add3A_1923, %mul3A_2006 : vector<16xf32>
        %get3A_2008 = arith.index_cast %scan3A_1960 : i32 to index
        %get3A_2009 = arith.constant 16 : index
        %get3A_2010 = tpu.vector_load %arg29[%get3A_2008, %get3A_2009] {strides = array<i32>} : memref<128x128xf32, #tpu.memory_space<vmem>>, vector<16xf32>,
        %mul3A_2011 = arith.mulf %gather3A_1962, %get3A_2010 : vector<16xf32>
        %add3A_2012 = arith.addf %add3A_1928, %mul3A_2011 : vector<16xf32>
        %get3A_2013 = arith.index_cast %scan3A_1960 : i32 to index
        %get3A_2014 = arith.constant 32 : index
        %get3A_2015 = tpu.vector_load %arg29[%get3A_2013, %get3A_2014] {strides = array<i32>} : memref<128x128xf32, #tpu.memory_space<vmem>>, vector<16xf32>,
        %mul3A_2016 = arith.mulf %gather3A_1962, %get3A_2015 : vector<16xf32>
        %add3A_2017 = arith.addf %add3A_1933, %mul3A_2016 : vector<16xf32>
        %get3A_2018 = arith.index_cast %scan3A_1960 : i32 to index
        %get3A_2019 = arith.constant 48 : index
        %get3A_2020 = tpu.vector_load %arg29[%get3A_2018, %get3A_2019] {strides = array<i32>} : memref<128x128xf32, #tpu.memory_space<vmem>>, vector<16xf32>,
        %mul3A_2021 = arith.mulf %gather3A_1962, %get3A_2020 : vector<16xf32>
        %add3A_2022 = arith.addf %add3A_1938, %mul3A_2021 : vector<16xf32>
        %get3A_2023 = arith.index_cast %scan3A_1960 : i32 to index
        %get3A_2024 = arith.constant 64 : index
        %get3A_2025 = tpu.vector_load %arg29[%get3A_2023, %get3A_2024] {strides = array<i32>} : memref<128x128xf32, #tpu.memory_space<vmem>>, vector<16xf32>,
        %mul3A_2026 = arith.mulf %gather3A_1962, %get3A_2025 : vector<16xf32>
        %add3A_2027 = arith.addf %add3A_1943, %mul3A_2026 : vector<16xf32>
        %get3A_2028 = arith.index_cast %scan3A_1960 : i32 to index
        %get3A_2029 = arith.constant 80 : index
        %get3A_2030 = tpu.vector_load %arg29[%get3A_2028, %get3A_2029] {strides = array<i32>} : memref<128x128xf32, #tpu.memory_space<vmem>>, vector<16xf32>,
        %mul3A_2031 = arith.mulf %gather3A_1962, %get3A_2030 : vector<16xf32>
        %add3A_2032 = arith.addf %add3A_1948, %mul3A_2031 : vector<16xf32>
        %get3A_2033 = arith.index_cast %scan3A_1960 : i32 to index
        %get3A_2034 = arith.constant 96 : index
        %get3A_2035 = tpu.vector_load %arg29[%get3A_2033, %get3A_2034] {strides = array<i32>} : memref<128x128xf32, #tpu.memory_space<vmem>>, vector<16xf32>,
        %mul3A_2036 = arith.mulf %gather3A_1962, %get3A_2035 : vector<16xf32>
        %add3A_2037 = arith.addf %add3A_1953, %mul3A_2036 : vector<16xf32>
        %get3A_2038 = arith.index_cast %scan3A_1960 : i32 to index
        %get3A_2039 = arith.constant 112 : index
        %get3A_2040 = tpu.vector_load %arg29[%get3A_2038, %get3A_2039] {strides = array<i32>} : memref<128x128xf32, #tpu.memory_space<vmem>>, vector<16xf32>,
        %mul3A_2041 = arith.mulf %gather3A_1962, %get3A_2040 : vector<16xf32>
        %add3A_2042 = arith.addf %add3A_1958, %mul3A_2041 : vector<16xf32>
        scf.yield %add3A_1967, %add3A_1972, %add3A_1977, %add3A_1982, %add3A_1987, %add3A_1992, %add3A_1997, %add3A_2002, %add3A_2007, %add3A_2012, %add3A_2017, %add3A_2022, %add3A_2027, %add3A_2032, %add3A_2037, %add3A_2042 : vector<16xf32>, vector<16xf32>, vector<16xf32>, vector<16xf32>, vector<16xf32>, vector<16xf32>, vector<16xf32>, vector<16xf32>, vector<16xf32>, vector<16xf32>, vector<16xf32>, vector<16xf32>, vector<16xf32>, vector<16xf32>, vector<16xf32>, vector<16xf32>
      }
      %scan3A_1802 = arith.constant 32 : i32
      %dma_wait3A_1803 = arith.constant 96 : i32
      %dma_wait3A_1804 = arith.constant 0 : i32
      %dma_wait3A_1805 = tpu.memref_slice %arg28[%dma_wait3A_1803, %dma_wait3A_1804] : memref<128x128xf32, #tpu.memory_space<vmem>> -> memref<32x128xf32, #tpu.memory_space<vmem>>
      %dma_wait3A_1806 = arith.constant 96 : i32
      %dma_wait3A_1807 = tpu.memref_slice %arg25[%dma_wait3A_1806] : memref<128xi32, #tpu.memory_space<vmem>> -> memref<32xi32, #tpu.memory_space<vmem>>
      %dma_wait3A_1808 = arith.constant 0 : i32
      %dma_wait3A_1809 = arith.constant 0 : i32
      %dma_wait3A_1810 = tpu.memref_slice %arg3[%dma_wait3A_1808, %dma_wait3A_1809] : memref<131072x128xf32, #tpu.memory_space<hbm>> -> memref<131072x128xf32, #tpu.memory_space<hbm>>
      tpu.wait_indirect_dma semaphore(%arg42 : memref<!tpu.dma_semaphore, #tpu.memory_space<semaphore_mem>>) src(%dma_wait3A_1810 : memref<131072x128xf32, #tpu.memory_space<hbm>>) dst(%dma_wait3A_1805 : memref<32x128xf32, #tpu.memory_space<vmem>>)
      %dma_wait3A_1811 = arith.constant 96 : i32
      %dma_wait3A_1812 = arith.constant 0 : i32
      %dma_wait3A_1813 = tpu.memref_slice %arg29[%dma_wait3A_1811, %dma_wait3A_1812] : memref<128x128xf32, #tpu.memory_space<vmem>> -> memref<32x128xf32, #tpu.memory_space<vmem>>
      %dma_wait3A_1814 = arith.constant 96 : i32
      %dma_wait3A_1815 = tpu.memref_slice %arg26[%dma_wait3A_1814] : memref<128xi32, #tpu.memory_space<vmem>> -> memref<32xi32, #tpu.memory_space<vmem>>
      %dma_wait3A_1816 = arith.constant 0 : i32
      %dma_wait3A_1817 = arith.constant 0 : i32
      %dma_wait3A_1818 = tpu.memref_slice %arg3[%dma_wait3A_1816, %dma_wait3A_1817] : memref<131072x128xf32, #tpu.memory_space<hbm>> -> memref<131072x128xf32, #tpu.memory_space<hbm>>
      tpu.wait_indirect_dma semaphore(%arg43 : memref<!tpu.dma_semaphore, #tpu.memory_space<semaphore_mem>>) src(%dma_wait3A_1818 : memref<131072x128xf32, #tpu.memory_space<hbm>>) dst(%dma_wait3A_1813 : memref<32x128xf32, #tpu.memory_space<vmem>>)
      %scan3A_1819 = arith.constant 96 : i32
      %scan3A_1820 = arith.constant 32 : i32
      %scan3A_1821 = arith.addi %scan3A_1819, %scan3A_1820 : i32
      %scan3A_1822 = arith.constant 2 : i32
      %scan3A_1823:16 = scf.for %scan3A_1860 = %scan3A_1819 to %scan3A_1821 step %scan3A_1822 iter_args(%scan3A_1861 = %scan3A_1801#0, %scan3A_1862 = %scan3A_1801#1, %scan3A_1863 = %scan3A_1801#2, %scan3A_1864 = %scan3A_1801#3, %scan3A_1865 = %scan3A_1801#4, %scan3A_1866 = %scan3A_1801#5, %scan3A_1867 = %scan3A_1801#6, %scan3A_1868 = %scan3A_1801#7, %scan3A_1869 = %scan3A_1801#8, %scan3A_1870 = %scan3A_1801#9, %scan3A_1871 = %scan3A_1801#10, %scan3A_1872 = %scan3A_1801#11, %scan3A_1873 = %scan3A_1801#12, %scan3A_1874 = %scan3A_1801#13, %scan3A_1875 = %scan3A_1801#14, %scan3A_1876 = %scan3A_1801#15) -> (vector<16xf32>, vector<16xf32>, vector<16xf32>, vector<16xf32>, vector<16xf32>, vector<16xf32>, vector<16xf32>, vector<16xf32>, vector<16xf32>, vector<16xf32>, vector<16xf32>, vector<16xf32>, vector<16xf32>, vector<16xf32>, vector<16xf32>, vector<16xf32>)  : i32 {
        %broadcast_in_dim3A_1877 = vector.broadcast %scan3A_1860 : i32 to vector<16xi32>
        %gather3A_1878 = tpu.vector_load_idx %arg27[%broadcast_in_dim3A_1877] : memref<128xf32, #tpu.memory_space<vmem>>[vector<16xi32>], vector<16xf32>,
        %get3A_1879 = arith.index_cast %scan3A_1860 : i32 to index
        %get3A_1880 = arith.constant 0 : index
        %get3A_1881 = tpu.vector_load %arg28[%get3A_1879, %get3A_1880] {strides = array<i32>} : memref<128x128xf32, #tpu.memory_space<vmem>>, vector<16xf32>,
        %mul3A_1882 = arith.mulf %gather3A_1878, %get3A_1881 : vector<16xf32>
        %add3A_1883 = arith.addf %scan3A_1861, %mul3A_1882 : vector<16xf32>
        %get3A_1884 = arith.index_cast %scan3A_1860 : i32 to index
        %get3A_1885 = arith.constant 16 : index
        %get3A_1886 = tpu.vector_load %arg28[%get3A_1884, %get3A_1885] {strides = array<i32>} : memref<128x128xf32, #tpu.memory_space<vmem>>, vector<16xf32>,
        %mul3A_1887 = arith.mulf %gather3A_1878, %get3A_1886 : vector<16xf32>
        %add3A_1888 = arith.addf %scan3A_1862, %mul3A_1887 : vector<16xf32>
        %get3A_1889 = arith.index_cast %scan3A_1860 : i32 to index
        %get3A_1890 = arith.constant 32 : index
        %get3A_1891 = tpu.vector_load %arg28[%get3A_1889, %get3A_1890] {strides = array<i32>} : memref<128x128xf32, #tpu.memory_space<vmem>>, vector<16xf32>,
        %mul3A_1892 = arith.mulf %gather3A_1878, %get3A_1891 : vector<16xf32>
        %add3A_1893 = arith.addf %scan3A_1863, %mul3A_1892 : vector<16xf32>
        %get3A_1894 = arith.index_cast %scan3A_1860 : i32 to index
        %get3A_1895 = arith.constant 48 : index
        %get3A_1896 = tpu.vector_load %arg28[%get3A_1894, %get3A_1895] {strides = array<i32>} : memref<128x128xf32, #tpu.memory_space<vmem>>, vector<16xf32>,
        %mul3A_1897 = arith.mulf %gather3A_1878, %get3A_1896 : vector<16xf32>
        %add3A_1898 = arith.addf %scan3A_1864, %mul3A_1897 : vector<16xf32>
        %get3A_1899 = arith.index_cast %scan3A_1860 : i32 to index
        %get3A_1900 = arith.constant 64 : index
        %get3A_1901 = tpu.vector_load %arg28[%get3A_1899, %get3A_1900] {strides = array<i32>} : memref<128x128xf32, #tpu.memory_space<vmem>>, vector<16xf32>,
        %mul3A_1902 = arith.mulf %gather3A_1878, %get3A_1901 : vector<16xf32>
        %add3A_1903 = arith.addf %scan3A_1865, %mul3A_1902 : vector<16xf32>
        %get3A_1904 = arith.index_cast %scan3A_1860 : i32 to index
        %get3A_1905 = arith.constant 80 : index
        %get3A_1906 = tpu.vector_load %arg28[%get3A_1904, %get3A_1905] {strides = array<i32>} : memref<128x128xf32, #tpu.memory_space<vmem>>, vector<16xf32>,
        %mul3A_1907 = arith.mulf %gather3A_1878, %get3A_1906 : vector<16xf32>
        %add3A_1908 = arith.addf %scan3A_1866, %mul3A_1907 : vector<16xf32>
        %get3A_1909 = arith.index_cast %scan3A_1860 : i32 to index
        %get3A_1910 = arith.constant 96 : index
        %get3A_1911 = tpu.vector_load %arg28[%get3A_1909, %get3A_1910] {strides = array<i32>} : memref<128x128xf32, #tpu.memory_space<vmem>>, vector<16xf32>,
        %mul3A_1912 = arith.mulf %gather3A_1878, %get3A_1911 : vector<16xf32>
        %add3A_1913 = arith.addf %scan3A_1867, %mul3A_1912 : vector<16xf32>
        %get3A_1914 = arith.index_cast %scan3A_1860 : i32 to index
        %get3A_1915 = arith.constant 112 : index
        %get3A_1916 = tpu.vector_load %arg28[%get3A_1914, %get3A_1915] {strides = array<i32>} : memref<128x128xf32, #tpu.memory_space<vmem>>, vector<16xf32>,
        %mul3A_1917 = arith.mulf %gather3A_1878, %get3A_1916 : vector<16xf32>
        %add3A_1918 = arith.addf %scan3A_1868, %mul3A_1917 : vector<16xf32>
        %get3A_1919 = arith.index_cast %scan3A_1860 : i32 to index
        %get3A_1920 = arith.constant 0 : index
        %get3A_1921 = tpu.vector_load %arg29[%get3A_1919, %get3A_1920] {strides = array<i32>} : memref<128x128xf32, #tpu.memory_space<vmem>>, vector<16xf32>,
        %mul3A_1922 = arith.mulf %gather3A_1878, %get3A_1921 : vector<16xf32>
        %add3A_1923 = arith.addf %scan3A_1869, %mul3A_1922 : vector<16xf32>
        %get3A_1924 = arith.index_cast %scan3A_1860 : i32 to index
        %get3A_1925 = arith.constant 16 : index
        %get3A_1926 = tpu.vector_load %arg29[%get3A_1924, %get3A_1925] {strides = array<i32>} : memref<128x128xf32, #tpu.memory_space<vmem>>, vector<16xf32>,
        %mul3A_1927 = arith.mulf %gather3A_1878, %get3A_1926 : vector<16xf32>
        %add3A_1928 = arith.addf %scan3A_1870, %mul3A_1927 : vector<16xf32>
        %get3A_1929 = arith.index_cast %scan3A_1860 : i32 to index
        %get3A_1930 = arith.constant 32 : index
        %get3A_1931 = tpu.vector_load %arg29[%get3A_1929, %get3A_1930] {strides = array<i32>} : memref<128x128xf32, #tpu.memory_space<vmem>>, vector<16xf32>,
        %mul3A_1932 = arith.mulf %gather3A_1878, %get3A_1931 : vector<16xf32>
        %add3A_1933 = arith.addf %scan3A_1871, %mul3A_1932 : vector<16xf32>
        %get3A_1934 = arith.index_cast %scan3A_1860 : i32 to index
        %get3A_1935 = arith.constant 48 : index
        %get3A_1936 = tpu.vector_load %arg29[%get3A_1934, %get3A_1935] {strides = array<i32>} : memref<128x128xf32, #tpu.memory_space<vmem>>, vector<16xf32>,
        %mul3A_1937 = arith.mulf %gather3A_1878, %get3A_1936 : vector<16xf32>
        %add3A_1938 = arith.addf %scan3A_1872, %mul3A_1937 : vector<16xf32>
        %get3A_1939 = arith.index_cast %scan3A_1860 : i32 to index
        %get3A_1940 = arith.constant 64 : index
        %get3A_1941 = tpu.vector_load %arg29[%get3A_1939, %get3A_1940] {strides = array<i32>} : memref<128x128xf32, #tpu.memory_space<vmem>>, vector<16xf32>,
        %mul3A_1942 = arith.mulf %gather3A_1878, %get3A_1941 : vector<16xf32>
        %add3A_1943 = arith.addf %scan3A_1873, %mul3A_1942 : vector<16xf32>
        %get3A_1944 = arith.index_cast %scan3A_1860 : i32 to index
        %get3A_1945 = arith.constant 80 : index
        %get3A_1946 = tpu.vector_load %arg29[%get3A_1944, %get3A_1945] {strides = array<i32>} : memref<128x128xf32, #tpu.memory_space<vmem>>, vector<16xf32>,
        %mul3A_1947 = arith.mulf %gather3A_1878, %get3A_1946 : vector<16xf32>
        %add3A_1948 = arith.addf %scan3A_1874, %mul3A_1947 : vector<16xf32>
        %get3A_1949 = arith.index_cast %scan3A_1860 : i32 to index
        %get3A_1950 = arith.constant 96 : index
        %get3A_1951 = tpu.vector_load %arg29[%get3A_1949, %get3A_1950] {strides = array<i32>} : memref<128x128xf32, #tpu.memory_space<vmem>>, vector<16xf32>,
        %mul3A_1952 = arith.mulf %gather3A_1878, %get3A_1951 : vector<16xf32>
        %add3A_1953 = arith.addf %scan3A_1875, %mul3A_1952 : vector<16xf32>
        %get3A_1954 = arith.index_cast %scan3A_1860 : i32 to index
        %get3A_1955 = arith.constant 112 : index
        %get3A_1956 = tpu.vector_load %arg29[%get3A_1954, %get3A_1955] {strides = array<i32>} : memref<128x128xf32, #tpu.memory_space<vmem>>, vector<16xf32>,
        %mul3A_1957 = arith.mulf %gather3A_1878, %get3A_1956 : vector<16xf32>
        %add3A_1958 = arith.addf %scan3A_1876, %mul3A_1957 : vector<16xf32>
        %scan3A_1959 = arith.constant 1 : i32
        %scan3A_1960 = arith.addi %scan3A_1860, %scan3A_1959 : i32
        %broadcast_in_dim3A_1961 = vector.broadcast %scan3A_1960 : i32 to vector<16xi32>
        %gather3A_1962 = tpu.vector_load_idx %arg27[%broadcast_in_dim3A_1961] : memref<128xf32, #tpu.memory_space<vmem>>[vector<16xi32>], vector<16xf32>,
        %get3A_1963 = arith.index_cast %scan3A_1960 : i32 to index
        %get3A_1964 = arith.constant 0 : index
        %get3A_1965 = tpu.vector_load %arg28[%get3A_1963, %get3A_1964] {strides = array<i32>} : memref<128x128xf32, #tpu.memory_space<vmem>>, vector<16xf32>,
        %mul3A_1966 = arith.mulf %gather3A_1962, %get3A_1965 : vector<16xf32>
        %add3A_1967 = arith.addf %add3A_1883, %mul3A_1966 : vector<16xf32>
        %get3A_1968 = arith.index_cast %scan3A_1960 : i32 to index
        %get3A_1969 = arith.constant 16 : index
        %get3A_1970 = tpu.vector_load %arg28[%get3A_1968, %get3A_1969] {strides = array<i32>} : memref<128x128xf32, #tpu.memory_space<vmem>>, vector<16xf32>,
        %mul3A_1971 = arith.mulf %gather3A_1962, %get3A_1970 : vector<16xf32>
        %add3A_1972 = arith.addf %add3A_1888, %mul3A_1971 : vector<16xf32>
        %get3A_1973 = arith.index_cast %scan3A_1960 : i32 to index
        %get3A_1974 = arith.constant 32 : index
        %get3A_1975 = tpu.vector_load %arg28[%get3A_1973, %get3A_1974] {strides = array<i32>} : memref<128x128xf32, #tpu.memory_space<vmem>>, vector<16xf32>,
        %mul3A_1976 = arith.mulf %gather3A_1962, %get3A_1975 : vector<16xf32>
        %add3A_1977 = arith.addf %add3A_1893, %mul3A_1976 : vector<16xf32>
        %get3A_1978 = arith.index_cast %scan3A_1960 : i32 to index
        %get3A_1979 = arith.constant 48 : index
        %get3A_1980 = tpu.vector_load %arg28[%get3A_1978, %get3A_1979] {strides = array<i32>} : memref<128x128xf32, #tpu.memory_space<vmem>>, vector<16xf32>,
        %mul3A_1981 = arith.mulf %gather3A_1962, %get3A_1980 : vector<16xf32>
        %add3A_1982 = arith.addf %add3A_1898, %mul3A_1981 : vector<16xf32>
        %get3A_1983 = arith.index_cast %scan3A_1960 : i32 to index
        %get3A_1984 = arith.constant 64 : index
        %get3A_1985 = tpu.vector_load %arg28[%get3A_1983, %get3A_1984] {strides = array<i32>} : memref<128x128xf32, #tpu.memory_space<vmem>>, vector<16xf32>,
        %mul3A_1986 = arith.mulf %gather3A_1962, %get3A_1985 : vector<16xf32>
        %add3A_1987 = arith.addf %add3A_1903, %mul3A_1986 : vector<16xf32>
        %get3A_1988 = arith.index_cast %scan3A_1960 : i32 to index
        %get3A_1989 = arith.constant 80 : index
        %get3A_1990 = tpu.vector_load %arg28[%get3A_1988, %get3A_1989] {strides = array<i32>} : memref<128x128xf32, #tpu.memory_space<vmem>>, vector<16xf32>,
        %mul3A_1991 = arith.mulf %gather3A_1962, %get3A_1990 : vector<16xf32>
        %add3A_1992 = arith.addf %add3A_1908, %mul3A_1991 : vector<16xf32>
        %get3A_1993 = arith.index_cast %scan3A_1960 : i32 to index
        %get3A_1994 = arith.constant 96 : index
        %get3A_1995 = tpu.vector_load %arg28[%get3A_1993, %get3A_1994] {strides = array<i32>} : memref<128x128xf32, #tpu.memory_space<vmem>>, vector<16xf32>,
        %mul3A_1996 = arith.mulf %gather3A_1962, %get3A_1995 : vector<16xf32>
        %add3A_1997 = arith.addf %add3A_1913, %mul3A_1996 : vector<16xf32>
        %get3A_1998 = arith.index_cast %scan3A_1960 : i32 to index
        %get3A_1999 = arith.constant 112 : index
        %get3A_2000 = tpu.vector_load %arg28[%get3A_1998, %get3A_1999] {strides = array<i32>} : memref<128x128xf32, #tpu.memory_space<vmem>>, vector<16xf32>,
        %mul3A_2001 = arith.mulf %gather3A_1962, %get3A_2000 : vector<16xf32>
        %add3A_2002 = arith.addf %add3A_1918, %mul3A_2001 : vector<16xf32>
        %get3A_2003 = arith.index_cast %scan3A_1960 : i32 to index
        %get3A_2004 = arith.constant 0 : index
        %get3A_2005 = tpu.vector_load %arg29[%get3A_2003, %get3A_2004] {strides = array<i32>} : memref<128x128xf32, #tpu.memory_space<vmem>>, vector<16xf32>,
        %mul3A_2006 = arith.mulf %gather3A_1962, %get3A_2005 : vector<16xf32>
        %add3A_2007 = arith.addf %add3A_1923, %mul3A_2006 : vector<16xf32>
        %get3A_2008 = arith.index_cast %scan3A_1960 : i32 to index
        %get3A_2009 = arith.constant 16 : index
        %get3A_2010 = tpu.vector_load %arg29[%get3A_2008, %get3A_2009] {strides = array<i32>} : memref<128x128xf32, #tpu.memory_space<vmem>>, vector<16xf32>,
        %mul3A_2011 = arith.mulf %gather3A_1962, %get3A_2010 : vector<16xf32>
        %add3A_2012 = arith.addf %add3A_1928, %mul3A_2011 : vector<16xf32>
        %get3A_2013 = arith.index_cast %scan3A_1960 : i32 to index
        %get3A_2014 = arith.constant 32 : index
        %get3A_2015 = tpu.vector_load %arg29[%get3A_2013, %get3A_2014] {strides = array<i32>} : memref<128x128xf32, #tpu.memory_space<vmem>>, vector<16xf32>,
        %mul3A_2016 = arith.mulf %gather3A_1962, %get3A_2015 : vector<16xf32>
        %add3A_2017 = arith.addf %add3A_1933, %mul3A_2016 : vector<16xf32>
        %get3A_2018 = arith.index_cast %scan3A_1960 : i32 to index
        %get3A_2019 = arith.constant 48 : index
        %get3A_2020 = tpu.vector_load %arg29[%get3A_2018, %get3A_2019] {strides = array<i32>} : memref<128x128xf32, #tpu.memory_space<vmem>>, vector<16xf32>,
        %mul3A_2021 = arith.mulf %gather3A_1962, %get3A_2020 : vector<16xf32>
        %add3A_2022 = arith.addf %add3A_1938, %mul3A_2021 : vector<16xf32>
        %get3A_2023 = arith.index_cast %scan3A_1960 : i32 to index
        %get3A_2024 = arith.constant 64 : index
        %get3A_2025 = tpu.vector_load %arg29[%get3A_2023, %get3A_2024] {strides = array<i32>} : memref<128x128xf32, #tpu.memory_space<vmem>>, vector<16xf32>,
        %mul3A_2026 = arith.mulf %gather3A_1962, %get3A_2025 : vector<16xf32>
        %add3A_2027 = arith.addf %add3A_1943, %mul3A_2026 : vector<16xf32>
        %get3A_2028 = arith.index_cast %scan3A_1960 : i32 to index
        %get3A_2029 = arith.constant 80 : index
        %get3A_2030 = tpu.vector_load %arg29[%get3A_2028, %get3A_2029] {strides = array<i32>} : memref<128x128xf32, #tpu.memory_space<vmem>>, vector<16xf32>,
        %mul3A_2031 = arith.mulf %gather3A_1962, %get3A_2030 : vector<16xf32>
        %add3A_2032 = arith.addf %add3A_1948, %mul3A_2031 : vector<16xf32>
        %get3A_2033 = arith.index_cast %scan3A_1960 : i32 to index
        %get3A_2034 = arith.constant 96 : index
        %get3A_2035 = tpu.vector_load %arg29[%get3A_2033, %get3A_2034] {strides = array<i32>} : memref<128x128xf32, #tpu.memory_space<vmem>>, vector<16xf32>,
        %mul3A_2036 = arith.mulf %gather3A_1962, %get3A_2035 : vector<16xf32>
        %add3A_2037 = arith.addf %add3A_1953, %mul3A_2036 : vector<16xf32>
        %get3A_2038 = arith.index_cast %scan3A_1960 : i32 to index
        %get3A_2039 = arith.constant 112 : index
        %get3A_2040 = tpu.vector_load %arg29[%get3A_2038, %get3A_2039] {strides = array<i32>} : memref<128x128xf32, #tpu.memory_space<vmem>>, vector<16xf32>,
        %mul3A_2041 = arith.mulf %gather3A_1962, %get3A_2040 : vector<16xf32>
        %add3A_2042 = arith.addf %add3A_1958, %mul3A_2041 : vector<16xf32>
        scf.yield %add3A_1967, %add3A_1972, %add3A_1977, %add3A_1982, %add3A_1987, %add3A_1992, %add3A_1997, %add3A_2002, %add3A_2007, %add3A_2012, %add3A_2017, %add3A_2022, %add3A_2027, %add3A_2032, %add3A_2037, %add3A_2042 : vector<16xf32>, vector<16xf32>, vector<16xf32>, vector<16xf32>, vector<16xf32>, vector<16xf32>, vector<16xf32>, vector<16xf32>, vector<16xf32>, vector<16xf32>, vector<16xf32>, vector<16xf32>, vector<16xf32>, vector<16xf32>, vector<16xf32>, vector<16xf32>
      }
      %scan3A_1824 = arith.constant 32 : i32
      %swap3A_1825 = arith.constant 0 : index
      %swap3A_1826 = tpu.vector_load %arg11[%swap3A_1825] {strides = array<i32>} : memref<256xf32, #tpu.memory_space<vmem>>, vector<16xf32>,
      tpu.vector_store %arg11[%swap3A_1825], %scan3A_1823#0 {strides = array<i32>} : memref<256xf32, #tpu.memory_space<vmem>>, vector<16xf32>,
      %swap3A_1827 = arith.constant 16 : index
      %swap3A_1828 = tpu.vector_load %arg11[%swap3A_1827] {strides = array<i32>} : memref<256xf32, #tpu.memory_space<vmem>>, vector<16xf32>,
      tpu.vector_store %arg11[%swap3A_1827], %scan3A_1823#1 {strides = array<i32>} : memref<256xf32, #tpu.memory_space<vmem>>, vector<16xf32>,
      %swap3A_1829 = arith.constant 32 : index
      %swap3A_1830 = tpu.vector_load %arg11[%swap3A_1829] {strides = array<i32>} : memref<256xf32, #tpu.memory_space<vmem>>, vector<16xf32>,
      tpu.vector_store %arg11[%swap3A_1829], %scan3A_1823#2 {strides = array<i32>} : memref<256xf32, #tpu.memory_space<vmem>>, vector<16xf32>,
      %swap3A_1831 = arith.constant 48 : index
      %swap3A_1832 = tpu.vector_load %arg11[%swap3A_1831] {strides = array<i32>} : memref<256xf32, #tpu.memory_space<vmem>>, vector<16xf32>,
      tpu.vector_store %arg11[%swap3A_1831], %scan3A_1823#3 {strides = array<i32>} : memref<256xf32, #tpu.memory_space<vmem>>, vector<16xf32>,
      %swap3A_1833 = arith.constant 64 : index
      %swap3A_1834 = tpu.vector_load %arg11[%swap3A_1833] {strides = array<i32>} : memref<256xf32, #tpu.memory_space<vmem>>, vector<16xf32>,
      tpu.vector_store %arg11[%swap3A_1833], %scan3A_1823#4 {strides = array<i32>} : memref<256xf32, #tpu.memory_space<vmem>>, vector<16xf32>,
      %swap3A_1835 = arith.constant 80 : index
      %swap3A_1836 = tpu.vector_load %arg11[%swap3A_1835] {strides = array<i32>} : memref<256xf32, #tpu.memory_space<vmem>>, vector<16xf32>,
      tpu.vector_store %arg11[%swap3A_1835], %scan3A_1823#5 {strides = array<i32>} : memref<256xf32, #tpu.memory_space<vmem>>, vector<16xf32>,
      %swap3A_1837 = arith.constant 96 : index
      %swap3A_1838 = tpu.vector_load %arg11[%swap3A_1837] {strides = array<i32>} : memref<256xf32, #tpu.memory_space<vmem>>, vector<16xf32>,
      tpu.vector_store %arg11[%swap3A_1837], %scan3A_1823#6 {strides = array<i32>} : memref<256xf32, #tpu.memory_space<vmem>>, vector<16xf32>,
      %swap3A_1839 = arith.constant 112 : index
      %swap3A_1840 = tpu.vector_load %arg11[%swap3A_1839] {strides = array<i32>} : memref<256xf32, #tpu.memory_space<vmem>>, vector<16xf32>,
      tpu.vector_store %arg11[%swap3A_1839], %scan3A_1823#7 {strides = array<i32>} : memref<256xf32, #tpu.memory_space<vmem>>, vector<16xf32>,
      %swap3A_1841 = arith.constant 128 : index
      %swap3A_1842 = tpu.vector_load %arg11[%swap3A_1841] {strides = array<i32>} : memref<256xf32, #tpu.memory_space<vmem>>, vector<16xf32>,
      tpu.vector_store %arg11[%swap3A_1841], %scan3A_1823#8 {strides = array<i32>} : memref<256xf32, #tpu.memory_space<vmem>>, vector<16xf32>,
      %swap3A_1843 = arith.constant 144 : index
      %swap3A_1844 = tpu.vector_load %arg11[%swap3A_1843] {strides = array<i32>} : memref<256xf32, #tpu.memory_space<vmem>>, vector<16xf32>,
      tpu.vector_store %arg11[%swap3A_1843], %scan3A_1823#9 {strides = array<i32>} : memref<256xf32, #tpu.memory_space<vmem>>, vector<16xf32>,
      %swap3A_1845 = arith.constant 160 : index
      %swap3A_1846 = tpu.vector_load %arg11[%swap3A_1845] {strides = array<i32>} : memref<256xf32, #tpu.memory_space<vmem>>, vector<16xf32>,
      tpu.vector_store %arg11[%swap3A_1845], %scan3A_1823#10 {strides = array<i32>} : memref<256xf32, #tpu.memory_space<vmem>>, vector<16xf32>,
      %swap3A_1847 = arith.constant 176 : index
      %swap3A_1848 = tpu.vector_load %arg11[%swap3A_1847] {strides = array<i32>} : memref<256xf32, #tpu.memory_space<vmem>>, vector<16xf32>,
      tpu.vector_store %arg11[%swap3A_1847], %scan3A_1823#11 {strides = array<i32>} : memref<256xf32, #tpu.memory_space<vmem>>, vector<16xf32>,
      %swap3A_1849 = arith.constant 192 : index
      %swap3A_1850 = tpu.vector_load %arg11[%swap3A_1849] {strides = array<i32>} : memref<256xf32, #tpu.memory_space<vmem>>, vector<16xf32>,
      tpu.vector_store %arg11[%swap3A_1849], %scan3A_1823#12 {strides = array<i32>} : memref<256xf32, #tpu.memory_space<vmem>>, vector<16xf32>,
      %swap3A_1851 = arith.constant 208 : index
      %swap3A_1852 = tpu.vector_load %arg11[%swap3A_1851] {strides = array<i32>} : memref<256xf32, #tpu.memory_space<vmem>>, vector<16xf32>,
      tpu.vector_store %arg11[%swap3A_1851], %scan3A_1823#13 {strides = array<i32>} : memref<256xf32, #tpu.memory_space<vmem>>, vector<16xf32>,
      %swap3A_1853 = arith.constant 224 : index
      %swap3A_1854 = tpu.vector_load %arg11[%swap3A_1853] {strides = array<i32>} : memref<256xf32, #tpu.memory_space<vmem>>, vector<16xf32>,
      tpu.vector_store %arg11[%swap3A_1853], %scan3A_1823#14 {strides = array<i32>} : memref<256xf32, #tpu.memory_space<vmem>>, vector<16xf32>,
      %swap3A_1855 = arith.constant 240 : index
      %swap3A_1856 = tpu.vector_load %arg11[%swap3A_1855] {strides = array<i32>} : memref<256xf32, #tpu.memory_space<vmem>>, vector<16xf32>,
      tpu.vector_store %arg11[%swap3A_1855], %scan3A_1823#15 {strides = array<i32>} : memref<256xf32, #tpu.memory_space<vmem>>, vector<16xf32>,
      "tpu.region"() ({
        %run_scoped3A = tpu.sem_alloc : memref<!tpu.dma_semaphore, #tpu.memory_space<semaphore_mem>>
        %dma_start3A_1860 = arith.constant 0 : i32
        %dma_start3A_1861 = tpu.memref_slice %arg5[%scan3A_219, %arg1, %dma_start3A_1860] : memref<16x16x64xf32, #tpu.memory_space<hbm>> -> memref<1x1x64xf32, #tpu.memory_space<hbm>>
        %dma_start3A_1862 = tpu.memref_squeeze %dma_start3A_1861 : memref<1x1x64xf32, #tpu.memory_space<hbm>> -> memref<64xf32, #tpu.memory_space<hbm>>
        %dma_start3A_1863 = arith.constant 0 : i32
        %dma_start3A_1864 = tpu.memref_slice %arg5[%scan3A_219, %arg1, %dma_start3A_1863] : memref<16x16x64xf32, #tpu.memory_space<hbm>> -> memref<1x1x64xf32, #tpu.memory_space<hbm>>
        %dma_start3A_1865 = tpu.memref_squeeze %dma_start3A_1864 : memref<1x1x64xf32, #tpu.memory_space<hbm>> -> memref<64xf32, #tpu.memory_space<hbm>>
        tpu.enqueue_dma source(%arg18 : memref<64xf32, #tpu.memory_space<vmem>>) target(%dma_start3A_1865 : memref<64xf32, #tpu.memory_space<hbm>>) target_semaphore(%run_scoped3A : memref<!tpu.dma_semaphore, #tpu.memory_space<semaphore_mem>>)
        %dma_wait3A_1866 = arith.constant 0 : i32
        %dma_wait3A_1867 = tpu.memref_slice %arg5[%scan3A_219, %arg1, %dma_wait3A_1866] : memref<16x16x64xf32, #tpu.memory_space<hbm>> -> memref<1x1x64xf32, #tpu.memory_space<hbm>>
        %dma_wait3A_1868 = tpu.memref_squeeze %dma_wait3A_1867 : memref<1x1x64xf32, #tpu.memory_space<hbm>> -> memref<64xf32, #tpu.memory_space<hbm>>
        %dma_wait3A_1869 = arith.constant 0 : i32
        %dma_wait3A_1870 = tpu.memref_slice %arg5[%scan3A_219, %arg1, %dma_wait3A_1869] : memref<16x16x64xf32, #tpu.memory_space<hbm>> -> memref<1x1x64xf32, #tpu.memory_space<hbm>>
        %dma_wait3A_1871 = tpu.memref_squeeze %dma_wait3A_1870 : memref<1x1x64xf32, #tpu.memory_space<hbm>> -> memref<64xf32, #tpu.memory_space<hbm>>
        tpu.wait_dma2 semaphore(%run_scoped3A : memref<!tpu.dma_semaphore, #tpu.memory_space<semaphore_mem>>) src(%arg18 : memref<64xf32, #tpu.memory_space<vmem>>) dst(%dma_wait3A_1871 : memref<64xf32, #tpu.memory_space<hbm>>)
        tpu.yield
      }) : () -> ()
      %mul3A_1857 = arith.constant 5.000000e-01 : f32
      %mul3A_1858 = arith.mulf %mul3A_1857, %scan3A_220 : f32
      %add3A_1859 = arith.addf %mul3A_1858, %scan3A_1537#1 : f32
      scf.yield %add3A_1859 : f32
    }
    %scan3A_133 = arith.constant 16 : i32
    %eq3A = arith.constant 0.000000e+00 : f32
    %eq3A_134 = arith.cmpf oeq, %scan3A_132, %eq3A : f32
    %jit3A = arith.constant 1.000000e+00 : f32
    %select_n3A = arith.select %eq3A_134, %jit3A, %scan3A_132 : f32
    %broadcast_in_dim3A_135 = arith.constant 1.000000e+00 : f32
    %broadcast_in_dim3A_136 = vector.broadcast %broadcast_in_dim3A_135 : f32 to vector<16xf32>
    %mul3A = vector.broadcast %select_n3A : f32 to vector<16xf32>
    %mul3A_137 = arith.mulf %broadcast_in_dim3A_136, %mul3A : vector<16xf32>
    %div3A = arith.constant 1.000000e+00 : f32
    %div3A_138 = vector.broadcast %div3A : f32 to vector<16xf32>
    %div3A_139 = arith.divf %div3A_138, %mul3A_137 : vector<16xf32>
    %get3A = arith.constant 0 : index
    %get3A_140 = tpu.vector_load %arg12[%get3A] {strides = array<i32>} : memref<256xf32, #tpu.memory_space<vmem>>, vector<16xf32>,
    %mul3A_141 = arith.mulf %get3A_140, %div3A_139 : vector<16xf32>
    %swap3A_142 = arith.constant 0 : index
    %swap3A_143 = tpu.vector_load %arg14[%swap3A_142] {strides = array<i32>} : memref<256xf32, #tpu.memory_space<vmem>>, vector<16xf32>,
    tpu.vector_store %arg14[%swap3A_142], %mul3A_141 {strides = array<i32>} : memref<256xf32, #tpu.memory_space<vmem>>, vector<16xf32>,
    %get3A_144 = arith.constant 16 : index
    %get3A_145 = tpu.vector_load %arg12[%get3A_144] {strides = array<i32>} : memref<256xf32, #tpu.memory_space<vmem>>, vector<16xf32>,
    %mul3A_146 = arith.mulf %get3A_145, %div3A_139 : vector<16xf32>
    %swap3A_147 = arith.constant 16 : index
    %swap3A_148 = tpu.vector_load %arg14[%swap3A_147] {strides = array<i32>} : memref<256xf32, #tpu.memory_space<vmem>>, vector<16xf32>,
    tpu.vector_store %arg14[%swap3A_147], %mul3A_146 {strides = array<i32>} : memref<256xf32, #tpu.memory_space<vmem>>, vector<16xf32>,
    %get3A_149 = arith.constant 32 : index
    %get3A_150 = tpu.vector_load %arg12[%get3A_149] {strides = array<i32>} : memref<256xf32, #tpu.memory_space<vmem>>, vector<16xf32>,
    %mul3A_151 = arith.mulf %get3A_150, %div3A_139 : vector<16xf32>
    %swap3A_152 = arith.constant 32 : index
    %swap3A_153 = tpu.vector_load %arg14[%swap3A_152] {strides = array<i32>} : memref<256xf32, #tpu.memory_space<vmem>>, vector<16xf32>,
    tpu.vector_store %arg14[%swap3A_152], %mul3A_151 {strides = array<i32>} : memref<256xf32, #tpu.memory_space<vmem>>, vector<16xf32>,
    %get3A_154 = arith.constant 48 : index
    %get3A_155 = tpu.vector_load %arg12[%get3A_154] {strides = array<i32>} : memref<256xf32, #tpu.memory_space<vmem>>, vector<16xf32>,
    %mul3A_156 = arith.mulf %get3A_155, %div3A_139 : vector<16xf32>
    %swap3A_157 = arith.constant 48 : index
    %swap3A_158 = tpu.vector_load %arg14[%swap3A_157] {strides = array<i32>} : memref<256xf32, #tpu.memory_space<vmem>>, vector<16xf32>,
    tpu.vector_store %arg14[%swap3A_157], %mul3A_156 {strides = array<i32>} : memref<256xf32, #tpu.memory_space<vmem>>, vector<16xf32>,
    %get3A_159 = arith.constant 64 : index
    %get3A_160 = tpu.vector_load %arg12[%get3A_159] {strides = array<i32>} : memref<256xf32, #tpu.memory_space<vmem>>, vector<16xf32>,
    %mul3A_161 = arith.mulf %get3A_160, %div3A_139 : vector<16xf32>
    %swap3A_162 = arith.constant 64 : index
    %swap3A_163 = tpu.vector_load %arg14[%swap3A_162] {strides = array<i32>} : memref<256xf32, #tpu.memory_space<vmem>>, vector<16xf32>,
    tpu.vector_store %arg14[%swap3A_162], %mul3A_161 {strides = array<i32>} : memref<256xf32, #tpu.memory_space<vmem>>, vector<16xf32>,
    %get3A_164 = arith.constant 80 : index
    %get3A_165 = tpu.vector_load %arg12[%get3A_164] {strides = array<i32>} : memref<256xf32, #tpu.memory_space<vmem>>, vector<16xf32>,
    %mul3A_166 = arith.mulf %get3A_165, %div3A_139 : vector<16xf32>
    %swap3A_167 = arith.constant 80 : index
    %swap3A_168 = tpu.vector_load %arg14[%swap3A_167] {strides = array<i32>} : memref<256xf32, #tpu.memory_space<vmem>>, vector<16xf32>,
    tpu.vector_store %arg14[%swap3A_167], %mul3A_166 {strides = array<i32>} : memref<256xf32, #tpu.memory_space<vmem>>, vector<16xf32>,
    %get3A_169 = arith.constant 96 : index
    %get3A_170 = tpu.vector_load %arg12[%get3A_169] {strides = array<i32>} : memref<256xf32, #tpu.memory_space<vmem>>, vector<16xf32>,
    %mul3A_171 = arith.mulf %get3A_170, %div3A_139 : vector<16xf32>
    %swap3A_172 = arith.constant 96 : index
    %swap3A_173 = tpu.vector_load %arg14[%swap3A_172] {strides = array<i32>} : memref<256xf32, #tpu.memory_space<vmem>>, vector<16xf32>,
    tpu.vector_store %arg14[%swap3A_172], %mul3A_171 {strides = array<i32>} : memref<256xf32, #tpu.memory_space<vmem>>, vector<16xf32>,
    %get3A_174 = arith.constant 112 : index
    %get3A_175 = tpu.vector_load %arg12[%get3A_174] {strides = array<i32>} : memref<256xf32, #tpu.memory_space<vmem>>, vector<16xf32>,
    %mul3A_176 = arith.mulf %get3A_175, %div3A_139 : vector<16xf32>
    %swap3A_177 = arith.constant 112 : index
    %swap3A_178 = tpu.vector_load %arg14[%swap3A_177] {strides = array<i32>} : memref<256xf32, #tpu.memory_space<vmem>>, vector<16xf32>,
    tpu.vector_store %arg14[%swap3A_177], %mul3A_176 {strides = array<i32>} : memref<256xf32, #tpu.memory_space<vmem>>, vector<16xf32>,
    %get3A_179 = arith.constant 128 : index
    %get3A_180 = tpu.vector_load %arg12[%get3A_179] {strides = array<i32>} : memref<256xf32, #tpu.memory_space<vmem>>, vector<16xf32>,
    %mul3A_181 = arith.mulf %get3A_180, %div3A_139 : vector<16xf32>
    %swap3A_182 = arith.constant 128 : index
    %swap3A_183 = tpu.vector_load %arg14[%swap3A_182] {strides = array<i32>} : memref<256xf32, #tpu.memory_space<vmem>>, vector<16xf32>,
    tpu.vector_store %arg14[%swap3A_182], %mul3A_181 {strides = array<i32>} : memref<256xf32, #tpu.memory_space<vmem>>, vector<16xf32>,
    %get3A_184 = arith.constant 144 : index
    %get3A_185 = tpu.vector_load %arg12[%get3A_184] {strides = array<i32>} : memref<256xf32, #tpu.memory_space<vmem>>, vector<16xf32>,
    %mul3A_186 = arith.mulf %get3A_185, %div3A_139 : vector<16xf32>
    %swap3A_187 = arith.constant 144 : index
    %swap3A_188 = tpu.vector_load %arg14[%swap3A_187] {strides = array<i32>} : memref<256xf32, #tpu.memory_space<vmem>>, vector<16xf32>,
    tpu.vector_store %arg14[%swap3A_187], %mul3A_186 {strides = array<i32>} : memref<256xf32, #tpu.memory_space<vmem>>, vector<16xf32>,
    %get3A_189 = arith.constant 160 : index
    %get3A_190 = tpu.vector_load %arg12[%get3A_189] {strides = array<i32>} : memref<256xf32, #tpu.memory_space<vmem>>, vector<16xf32>,
    %mul3A_191 = arith.mulf %get3A_190, %div3A_139 : vector<16xf32>
    %swap3A_192 = arith.constant 160 : index
    %swap3A_193 = tpu.vector_load %arg14[%swap3A_192] {strides = array<i32>} : memref<256xf32, #tpu.memory_space<vmem>>, vector<16xf32>,
    tpu.vector_store %arg14[%swap3A_192], %mul3A_191 {strides = array<i32>} : memref<256xf32, #tpu.memory_space<vmem>>, vector<16xf32>,
    %get3A_194 = arith.constant 176 : index
    %get3A_195 = tpu.vector_load %arg12[%get3A_194] {strides = array<i32>} : memref<256xf32, #tpu.memory_space<vmem>>, vector<16xf32>,
    %mul3A_196 = arith.mulf %get3A_195, %div3A_139 : vector<16xf32>
    %swap3A_197 = arith.constant 176 : index
    %swap3A_198 = tpu.vector_load %arg14[%swap3A_197] {strides = array<i32>} : memref<256xf32, #tpu.memory_space<vmem>>, vector<16xf32>,
    tpu.vector_store %arg14[%swap3A_197], %mul3A_196 {strides = array<i32>} : memref<256xf32, #tpu.memory_space<vmem>>, vector<16xf32>,
    %get3A_199 = arith.constant 192 : index
    %get3A_200 = tpu.vector_load %arg12[%get3A_199] {strides = array<i32>} : memref<256xf32, #tpu.memory_space<vmem>>, vector<16xf32>,
    %mul3A_201 = arith.mulf %get3A_200, %div3A_139 : vector<16xf32>
    %swap3A_202 = arith.constant 192 : index
    %swap3A_203 = tpu.vector_load %arg14[%swap3A_202] {strides = array<i32>} : memref<256xf32, #tpu.memory_space<vmem>>, vector<16xf32>,
    tpu.vector_store %arg14[%swap3A_202], %mul3A_201 {strides = array<i32>} : memref<256xf32, #tpu.memory_space<vmem>>, vector<16xf32>,
    %get3A_204 = arith.constant 208 : index
    %get3A_205 = tpu.vector_load %arg12[%get3A_204] {strides = array<i32>} : memref<256xf32, #tpu.memory_space<vmem>>, vector<16xf32>,
    %mul3A_206 = arith.mulf %get3A_205, %div3A_139 : vector<16xf32>
    %swap3A_207 = arith.constant 208 : index
    %swap3A_208 = tpu.vector_load %arg14[%swap3A_207] {strides = array<i32>} : memref<256xf32, #tpu.memory_space<vmem>>, vector<16xf32>,
    tpu.vector_store %arg14[%swap3A_207], %mul3A_206 {strides = array<i32>} : memref<256xf32, #tpu.memory_space<vmem>>, vector<16xf32>,
    %get3A_209 = arith.constant 224 : index
    %get3A_210 = tpu.vector_load %arg12[%get3A_209] {strides = array<i32>} : memref<256xf32, #tpu.memory_space<vmem>>, vector<16xf32>,
    %mul3A_211 = arith.mulf %get3A_210, %div3A_139 : vector<16xf32>
    %swap3A_212 = arith.constant 224 : index
    %swap3A_213 = tpu.vector_load %arg14[%swap3A_212] {strides = array<i32>} : memref<256xf32, #tpu.memory_space<vmem>>, vector<16xf32>,
    tpu.vector_store %arg14[%swap3A_212], %mul3A_211 {strides = array<i32>} : memref<256xf32, #tpu.memory_space<vmem>>, vector<16xf32>,
    %get3A_214 = arith.constant 240 : index
    %get3A_215 = tpu.vector_load %arg12[%get3A_214] {strides = array<i32>} : memref<256xf32, #tpu.memory_space<vmem>>, vector<16xf32>,
    %mul3A_216 = arith.mulf %get3A_215, %div3A_139 : vector<16xf32>
    %swap3A_217 = arith.constant 240 : index
    %swap3A_218 = tpu.vector_load %arg14[%swap3A_217] {strides = array<i32>} : memref<256xf32, #tpu.memory_space<vmem>>, vector<16xf32>,
    tpu.vector_store %arg14[%swap3A_217], %mul3A_216 {strides = array<i32>} : memref<256xf32, #tpu.memory_space<vmem>>, vector<16xf32>,
    "tpu.region"() ({
      %run_scoped3A = tpu.sem_alloc : memref<!tpu.dma_semaphore, #tpu.memory_space<semaphore_mem>>
      %dma_start3A = arith.constant 0 : i32
      %dma_start3A_219 = tpu.memref_slice %arg6[%arg1, %dma_start3A] : memref<16x256xf32, #tpu.memory_space<hbm>> -> memref<1x256xf32, #tpu.memory_space<hbm>>
      %dma_start3A_220 = tpu.memref_squeeze %dma_start3A_219 : memref<1x256xf32, #tpu.memory_space<hbm>> -> memref<256xf32, #tpu.memory_space<hbm>>
      %dma_start3A_221 = arith.constant 0 : i32
      %dma_start3A_222 = tpu.memref_slice %arg6[%arg1, %dma_start3A_221] : memref<16x256xf32, #tpu.memory_space<hbm>> -> memref<1x256xf32, #tpu.memory_space<hbm>>
      %dma_start3A_223 = tpu.memref_squeeze %dma_start3A_222 : memref<1x256xf32, #tpu.memory_space<hbm>> -> memref<256xf32, #tpu.memory_space<hbm>>
      tpu.enqueue_dma source(%arg14 : memref<256xf32, #tpu.memory_space<vmem>>) target(%dma_start3A_223 : memref<256xf32, #tpu.memory_space<hbm>>) target_semaphore(%run_scoped3A : memref<!tpu.dma_semaphore, #tpu.memory_space<semaphore_mem>>)
      %dma_wait3A = arith.constant 0 : i32
      %dma_wait3A_224 = tpu.memref_slice %arg6[%arg1, %dma_wait3A] : memref<16x256xf32, #tpu.memory_space<hbm>> -> memref<1x256xf32, #tpu.memory_space<hbm>>
      %dma_wait3A_225 = tpu.memref_squeeze %dma_wait3A_224 : memref<1x256xf32, #tpu.memory_space<hbm>> -> memref<256xf32, #tpu.memory_space<hbm>>
      %dma_wait3A_226 = arith.constant 0 : i32
      %dma_wait3A_227 = tpu.memref_slice %arg6[%arg1, %dma_wait3A_226] : memref<16x256xf32, #tpu.memory_space<hbm>> -> memref<1x256xf32, #tpu.memory_space<hbm>>
      %dma_wait3A_228 = tpu.memref_squeeze %dma_wait3A_227 : memref<1x256xf32, #tpu.memory_space<hbm>> -> memref<256xf32, #tpu.memory_space<hbm>>
      tpu.wait_dma2 semaphore(%run_scoped3A : memref<!tpu.dma_semaphore, #tpu.memory_space<semaphore_mem>>) src(%arg14 : memref<256xf32, #tpu.memory_space<vmem>>) dst(%dma_wait3A_228 : memref<256xf32, #tpu.memory_space<hbm>>)
      tpu.yield
    }) : () -> ()
    "tpu.region"() ({
      %run_scoped3A = tpu.sem_alloc : memref<!tpu.dma_semaphore, #tpu.memory_space<semaphore_mem>>
      %dma_start3A = arith.constant 0 : i32
      %dma_start3A_219 = tpu.memref_slice %arg7[%arg1, %dma_start3A] : memref<16x256xf32, #tpu.memory_space<hbm>> -> memref<1x256xf32, #tpu.memory_space<hbm>>
      %dma_start3A_220 = tpu.memref_squeeze %dma_start3A_219 : memref<1x256xf32, #tpu.memory_space<hbm>> -> memref<256xf32, #tpu.memory_space<hbm>>
      %dma_start3A_221 = arith.constant 0 : i32
      %dma_start3A_222 = tpu.memref_slice %arg7[%arg1, %dma_start3A_221] : memref<16x256xf32, #tpu.memory_space<hbm>> -> memref<1x256xf32, #tpu.memory_space<hbm>>
      %dma_start3A_223 = tpu.memref_squeeze %dma_start3A_222 : memref<1x256xf32, #tpu.memory_space<hbm>> -> memref<256xf32, #tpu.memory_space<hbm>>
      tpu.enqueue_dma source(%arg13 : memref<256xf32, #tpu.memory_space<vmem>>) target(%dma_start3A_223 : memref<256xf32, #tpu.memory_space<hbm>>) target_semaphore(%run_scoped3A : memref<!tpu.dma_semaphore, #tpu.memory_space<semaphore_mem>>)
      %dma_wait3A = arith.constant 0 : i32
      %dma_wait3A_224 = tpu.memref_slice %arg7[%arg1, %dma_wait3A] : memref<16x256xf32, #tpu.memory_space<hbm>> -> memref<1x256xf32, #tpu.memory_space<hbm>>
      %dma_wait3A_225 = tpu.memref_squeeze %dma_wait3A_224 : memref<1x256xf32, #tpu.memory_space<hbm>> -> memref<256xf32, #tpu.memory_space<hbm>>
      %dma_wait3A_226 = arith.constant 0 : i32
      %dma_wait3A_227 = tpu.memref_slice %arg7[%arg1, %dma_wait3A_226] : memref<16x256xf32, #tpu.memory_space<hbm>> -> memref<1x256xf32, #tpu.memory_space<hbm>>
      %dma_wait3A_228 = tpu.memref_squeeze %dma_wait3A_227 : memref<1x256xf32, #tpu.memory_space<hbm>> -> memref<256xf32, #tpu.memory_space<hbm>>
      tpu.wait_dma2 semaphore(%run_scoped3A : memref<!tpu.dma_semaphore, #tpu.memory_space<semaphore_mem>>) src(%arg13 : memref<256xf32, #tpu.memory_space<vmem>>) dst(%dma_wait3A_228 : memref<256xf32, #tpu.memory_space<hbm>>)
      tpu.yield
    }) : () -> ()
    "tpu.region"() ({
      %run_scoped3A = tpu.sem_alloc : memref<!tpu.dma_semaphore, #tpu.memory_space<semaphore_mem>>
      %dma_start3A = arith.constant 0 : i32
      %dma_start3A_219 = tpu.memref_slice %arg8[%arg1, %dma_start3A] : memref<16x256xf32, #tpu.memory_space<hbm>> -> memref<1x256xf32, #tpu.memory_space<hbm>>
      %dma_start3A_220 = tpu.memref_squeeze %dma_start3A_219 : memref<1x256xf32, #tpu.memory_space<hbm>> -> memref<256xf32, #tpu.memory_space<hbm>>
      %dma_start3A_221 = arith.constant 0 : i32
      %dma_start3A_222 = tpu.memref_slice %arg8[%arg1, %dma_start3A_221] : memref<16x256xf32, #tpu.memory_space<hbm>> -> memref<1x256xf32, #tpu.memory_space<hbm>>
      %dma_start3A_223 = tpu.memref_squeeze %dma_start3A_222 : memref<1x256xf32, #tpu.memory_space<hbm>> -> memref<256xf32, #tpu.memory_space<hbm>>
      tpu.enqueue_dma source(%arg12 : memref<256xf32, #tpu.memory_space<vmem>>) target(%dma_start3A_223 : memref<256xf32, #tpu.memory_space<hbm>>) target_semaphore(%run_scoped3A : memref<!tpu.dma_semaphore, #tpu.memory_space<semaphore_mem>>)
      %dma_wait3A = arith.constant 0 : i32
      %dma_wait3A_224 = tpu.memref_slice %arg8[%arg1, %dma_wait3A] : memref<16x256xf32, #tpu.memory_space<hbm>> -> memref<1x256xf32, #tpu.memory_space<hbm>>
      %dma_wait3A_225 = tpu.memref_squeeze %dma_wait3A_224 : memref<1x256xf32, #tpu.memory_space<hbm>> -> memref<256xf32, #tpu.memory_space<hbm>>
      %dma_wait3A_226 = arith.constant 0 : i32
      %dma_wait3A_227 = tpu.memref_slice %arg8[%arg1, %dma_wait3A_226] : memref<16x256xf32, #tpu.memory_space<hbm>> -> memref<1x256xf32, #tpu.memory_space<hbm>>
      %dma_wait3A_228 = tpu.memref_squeeze %dma_wait3A_227 : memref<1x256xf32, #tpu.memory_space<hbm>> -> memref<256xf32, #tpu.memory_space<hbm>>
      tpu.wait_dma2 semaphore(%run_scoped3A : memref<!tpu.dma_semaphore, #tpu.memory_space<semaphore_mem>>) src(%arg12 : memref<256xf32, #tpu.memory_space<vmem>>) dst(%dma_wait3A_228 : memref<256xf32, #tpu.memory_space<hbm>>)
      tpu.yield
    }) : () -> ()
    return
  }
}

module attributes {stable_mosaic.version = 14 : i64} {
  func.func @_za_body(%arg0: memref<16x1024xf32, #tpu.memory_space<vmem>>, %arg1: memref<1024x1024xf32, #tpu.memory_space<vmem>>, %arg2: memref<1x1024xf32, #tpu.memory_space<vmem>>, %arg3: memref<16x1024xf32, #tpu.memory_space<vmem>>) attributes {dimension_semantics = [], scalar_prefetch = 0 : i64, scratch_operands = 0 : i64, tpu.core_type = #tpu.core_type<tc>} {
    %get3A = arith.constant 0 : index
    %get3A_0 = arith.constant 0 : index
    %get3A_1 = vector.load %arg0[%get3A, %get3A_0] : memref<16x1024xf32, #tpu.memory_space<vmem>>, vector<16x1024xf32>
    %get3A_2 = arith.constant 0 : index
    %get3A_3 = arith.constant 0 : index
    %get3A_4 = vector.load %arg1[%get3A_2, %get3A_3] : memref<1024x1024xf32, #tpu.memory_space<vmem>>, vector<1024x1024xf32>
    %dot_general3A = arith.constant dense<0.000000e+00> : vector<16x1024xf32>
    %dot_general3A_5 = tpu.matmul %get3A_1, %get3A_4, %dot_general3A {dimension_numbers = #tpu.dot_dimension_numbers<[1], [1], [0], [0], [0, 0, 1, 0], [], []>, transpose_lhs_hint = false} : vector<16x1024xf32>, vector<1024x1024xf32>, vector<16x1024xf32> -> vector<16x1024xf32>
    %get3A_6 = arith.constant 0 : index
    %get3A_7 = arith.constant 0 : index
    %get3A_8 = vector.load %arg2[%get3A_6, %get3A_7] : memref<1x1024xf32, #tpu.memory_space<vmem>>, vector<1x1024xf32>
    %add3A = vector.broadcast %get3A_8 : vector<1x1024xf32> to vector<16x1024xf32>
    %add3A_9 = arith.addf %dot_general3A_5, %add3A : vector<16x1024xf32>
    %swap3A = arith.constant 0 : index
    %swap3A_10 = arith.constant 0 : index
    %swap3A_11 = vector.load %arg3[%swap3A, %swap3A_10] : memref<16x1024xf32, #tpu.memory_space<vmem>>, vector<16x1024xf32>
    tpu.vector_store %arg3[%swap3A, %swap3A_10], %add3A_9 {strides = array<i32>} : memref<16x1024xf32, #tpu.memory_space<vmem>>, vector<16x1024xf32>,
    return
  }
}

module attributes {stable_mosaic.version = 14 : i64} {
  func.func @_pred_body(%arg0: memref<16x1024xf32, #tpu.memory_space<vmem>>, %arg1: memref<1024x1024xf32, #tpu.memory_space<vmem>>, %arg2: memref<1x1024xf32, #tpu.memory_space<vmem>>, %arg3: memref<16x1024xf32, #tpu.memory_space<vmem>>) attributes {dimension_semantics = [], scalar_prefetch = 0 : i64, scratch_operands = 0 : i64, tpu.core_type = #tpu.core_type<tc>} {
    %get3A = arith.constant 0 : index
    %get3A_0 = arith.constant 0 : index
    %get3A_1 = vector.load %arg0[%get3A, %get3A_0] : memref<16x1024xf32, #tpu.memory_space<vmem>>, vector<16x1024xf32>
    %get3A_2 = arith.constant 0 : index
    %get3A_3 = arith.constant 0 : index
    %get3A_4 = vector.load %arg1[%get3A_2, %get3A_3] : memref<1024x1024xf32, #tpu.memory_space<vmem>>, vector<1024x1024xf32>
    %dot_general3A = arith.constant dense<0.000000e+00> : vector<16x1024xf32>
    %dot_general3A_5 = tpu.matmul %get3A_1, %get3A_4, %dot_general3A {dimension_numbers = #tpu.dot_dimension_numbers<[1], [1], [0], [0], [0, 0, 1, 0], [], []>, transpose_lhs_hint = false} : vector<16x1024xf32>, vector<1024x1024xf32>, vector<16x1024xf32> -> vector<16x1024xf32>
    %get3A_6 = arith.constant 0 : index
    %get3A_7 = arith.constant 0 : index
    %get3A_8 = vector.load %arg2[%get3A_6, %get3A_7] : memref<1x1024xf32, #tpu.memory_space<vmem>>, vector<1x1024xf32>
    %add3A = vector.broadcast %get3A_8 : vector<1x1024xf32> to vector<16x1024xf32>
    %add3A_9 = arith.addf %dot_general3A_5, %add3A : vector<16x1024xf32>
    %swap3A = arith.constant 0 : index
    %swap3A_10 = arith.constant 0 : index
    %swap3A_11 = vector.load %arg3[%swap3A, %swap3A_10] : memref<16x1024xf32, #tpu.memory_space<vmem>>, vector<16x1024xf32>
    tpu.vector_store %arg3[%swap3A, %swap3A_10], %add3A_9 {strides = array<i32>} : memref<16x1024xf32, #tpu.memory_space<vmem>>, vector<16x1024xf32>,
    return
  }
}

</mosaic_0001>

<sc_bundles>
// kernel: kernel.5.cloned.1.call-start
scs
__scs_entry_jumppad:
0x0: {  	(pc) =	sbr.rel $0x88, $3  }
0x1: {  	(tag) =	ssettag $0x0;
	lr =	simm.s32 $0x1  }
0x2: {  	[smem:$0x3F9A] =	sst lr;
	_ =	strace $0xD0000000  }
0x3: {  	_ = 	snop  }
0x4: {  	_ = 	snop  }
0x5: {  	_ = 	snop  }
0x6: {  	_ = 	snop  }
0x7: {  	_ = 	snop  }
__scs_overlays_trampoline_lowered:
0x8: {  	[smem:$0x3FA9] =	sst s0  }
0x9: {  	[smem:$0x3FAA] =	sst s1  }
0xa: {  	[smem:$0x3FAB] =	sst s2  }
0xb: {  	[smem:$0x3FAC] =	sst s3  }
0xc: {  	[smem:$0x3FAD] =	sst s4  }
0xd: {  	[smem:$0x3FAE] =	sst s5  }
0xe: {  	[smem:$0x3FAF] =	sst s6  }
0xf: {  	[smem:$0x3FB0] =	sst s7  }
0x10: {  	[smem:$0x3FB1] =	sst s8  }
0x11: {  	[smem:$0x3FB2] =	sst s9;
	s0 =	simm.s32 @!p0 $0x0  }
0x12: {  	s1 =	sld [smem:$0x3F98];
	s0 =	simm.s32 @p0 $0x1  }
0x13: {  	[smem:$0x3FB3] =	sst s0;
	s0 =	simm.s32 @!p1 $0x0  }
0x14: {  	s2 =	sld [smem:$0x3F97];
	s0 =	simm.s32 @p1 $0x1  }
0x15: {  	[smem:$0x3FB4] =	sst s0;
	s0 =	simm.s32 @!p2 $0x0  }
0x16: {  	s3 =	sld [smem:$0x3FDB];
	s0 =	simm.s32 @p2 $0x1  }
0x17: {  	s4 =	simm.s32 $0x1BF5;
	[smem:$0x3FB6] =	sst s0  }
0x18: {  	s0 =	sld [smem:$0x3F99];
	_ =	swait.ge [sflag:s4], $0x0  }
0x19: {  	s7 =	sld [smem:$0x3F9A]  }
0x1a: {  	s8 =	sadd.s32 $0xFFFFE003, lr  }
0x1b: {  	s9 =	sadd.s32 $0xFFFFFEF7, lr;
	s5 =	simm.s32 $0xFFFFFFFF;
	p2 =	slt.u32 s8, $0xFFFFF086  }
0x1c: {  	p1 =	slt.u32 s9, $0xF7A;
	s5 =	simm.s32 @!p2 $0x0  }
0x1d: {  	s5 =	simm.s32 @p1 $0x1;
	p0 =	seq.s32 s7, s2  }
0x1e: {  	s7 =	smul.u32 @!p0 $0xF7A, s2;
	p2 =	seq.s32 @!p0 s5, $0x0  }
0x1f: {  	s9 =	smul.u32 $0xF7A, s1;
	s8 =	simm.s32 @!p0 $0x1BF5;
	p2 =	por !p2, p0  }
0x20: {  	[sflag:s8] =	ssyncset.s32 @!p0 $0xFFFFF086;
	s6 =	sadd.s32 @!p0 s3, s7;
	s7 =	simm.s32 @!p0 $0x108  }
0x21: {  	s3 =	sadd.s32 s3, s9;
	s6 =	sadd.s32 @!p0 $0x88, s6;
	s7 =	simm.s32 @p2 $0x1082  }
0x22: {  	[simem:s7], [sflag:s8] =	dma.local @!p0 [hbm:s6], $0xF7A  }
0x23: {  	s9 =	sor.u32 $0xD0000000, s2;
	s6 =	simm.s32 $0x108;
	_ =	swait.ge @!p0 [sflag:s8], $0x0  }
0x24: {  	s3 =	sadd.s32 $0x88, s3;
	s6 =	simm.s32 @!p1 $0x1082;
	[sflag:s4] =	ssyncset.s32 $0xFFFFF086  }
0x25: {  	[simem:s6], [sflag:s4] =	dma.local [hbm:s3], $0xF7A  }
0x26: {  	[smem:$0x3F9A] =	sst s1;
	(tag) =	ssettag s2;
	_ =	strace s9  }
0x27: {  	s1 =	sld [smem:$0x3FAA]  }
0x28: {  	s2 =	sld [smem:$0x3FAB]  }
0x29: {  	s4 =	sld [smem:$0x3FAD]  }
0x2a: {  	p0 =	seq.s32 s5, $0x0;
	s5 =	sld [smem:$0x3FAE]  }
0x2b: {  	s6 =	sld [smem:$0x3FAF]  }
0x2c: {  	s7 =	sld [smem:$0x3FB0]  }
0x2d: {  	s3 =	simm.s32 $0x108;
	s8 =	sld [smem:$0x3FB1]  }
0x2e: {  	s3 =	simm.s32 @!p0 $0x1082;
	s9 =	sld [smem:$0x3FB2]  }
0x2f: {  	lr =	sadd.s32 s0, s3;
	s0 =	sld [smem:$0x3FA9]  }
0x30: {  	s3 =	sld [smem:$0x3FAC]  }
0x31: {  	[smem:$0x3FB5] =	sst s10  }
0x32: {  	s10 =	sld [smem:$0x3FB3];
	_ =	sdelay $0x3  }
0x33: {  	p0 =	seq.s32 s10, $0x1;
	s10 =	sld [smem:$0x3FB5];
	_ =	sdelay $0x3  }
0x34: {  	[smem:$0x3FB5] =	sst s10  }
0x35: {  	s10 =	sld [smem:$0x3FB4];
	_ =	sdelay $0x3  }
0x36: {  	p1 =	seq.s32 s10, $0x1;
	s10 =	sld [smem:$0x3FB5];
	_ =	sdelay $0x3  }
0x37: {  	[smem:$0x3FB5] =	sst s10  }
0x38: {  	s10 =	sld [smem:$0x3FB6]  }
0x39: {  	_ = 	snop;
	(pc) =	sbr.ind lr, $3  }
0x3a: {  	_ = 	snop  }
0x3b: {  	_ = 	snop  }
0x3c: {  	p2 =	seq.s32 s10, $0x1;
	s10 =	sld [smem:$0x3FB5]  }
0x3d: {  	_ =	shalt  }
0x3e: {  	_ =	shalt  }
0x3f: {  	_ =	shalt  }
0x40: {  	_ =	shalt  }
0x41: {  	_ =	shalt  }
0x42: {  	_ =	shalt  }
0x43: {  	_ =	shalt  }
0x44: {  	_ =	shalt  }
0x45: {  	_ =	shalt  }
0x46: {  	_ =	shalt  }
0x47: {  	_ =	shalt  }
0x48: {  	_ =	shalt  }
0x49: {  	_ =	shalt  }
0x4a: {  	_ =	shalt  }
0x4b: {  	_ =	shalt  }
0x4c: {  	_ =	shalt  }
0x4d: {  	_ =	shalt  }
0x4e: {  	_ =	shalt  }
0x4f: {  	_ =	shalt  }
0x50: {  	_ =	shalt  }
0x51: {  	_ =	shalt  }
0x52: {  	_ =	shalt  }
0x53: {  	_ =	shalt  }
0x54: {  	_ =	shalt  }
0x55: {  	_ =	shalt  }
0x56: {  	_ =	shalt  }
0x57: {  	_ =	shalt  }
0x58: {  	_ =	shalt  }
0x59: {  	_ =	shalt  }
0x5a: {  	_ =	shalt  }
0x5b: {  	_ =	shalt  }
0x5c: {  	_ =	shalt  }
0x5d: {  	_ =	shalt  }
0x5e: {  	_ =	shalt  }
0x5f: {  	_ =	shalt  }
0x60: {  	_ =	shalt  }
0x61: {  	_ =	shalt  }
0x62: {  	_ =	shalt  }
0x63: {  	_ =	shalt  }
0x64: {  	_ =	shalt  }
0x65: {  	_ =	shalt  }
0x66: {  	_ =	shalt  }
0x67: {  	_ =	shalt  }
0x68: {  	_ =	shalt  }
0x69: {  	_ =	shalt  }
0x6a: {  	_ =	shalt  }
0x6b: {  	_ =	shalt  }
0x6c: {  	_ =	shalt  }
0x6d: {  	_ =	shalt  }
0x6e: {  	_ =	shalt  }
0x6f: {  	_ =	shalt  }
0x70: {  	_ =	shalt  }
0x71: {  	_ =	shalt  }
0x72: {  	_ =	shalt  }
0x73: {  	_ =	shalt  }
0x74: {  	_ =	shalt  }
0x75: {  	_ =	shalt  }
0x76: {  	_ =	shalt  }
0x77: {  	_ =	shalt  }
0x78: {  	_ =	shalt  }
0x79: {  	_ =	shalt  }
0x7a: {  	_ =	shalt  }
0x7b: {  	_ =	shalt  }
0x7c: {  	_ =	shalt  }
0x7d: {  	_ =	shalt  }
0x7e: {  	_ =	shalt  }
0x7f: {  	_ =	shalt  }
0x80: {  	_ =	shalt  }
0x81: {  	_ =	shalt  }
0x82: {  	_ =	shalt  }
0x83: {  	_ =	shalt  }
0x84: {  	_ =	shalt  }
0x85: {  	_ =	shalt  }
0x86: {  	_ =	shalt  }
0x87: {  	_ =	shalt  }
.Lfunc_end0:
.L_simem_size_0:
called_computation.2_lowered:
.L_overlay_start_0:
0x88: {  	s0 =	sld [smem:$0x3FD9]  }
0x89: {  	s1 =	sld [smem:$0x3FFE];
	_ =	sdelay $0x3  }
0x8a: {  	s0 =	sadd.s32 s1, s0  }
0x8b: {  	[smem:$0x3FC1] =	sst s0  }
0x8c: {  	_ = 	snop  }
0x8d: {  	s0 =	sld [smem:$0x3FD0];
	_ =	sdelay $0x2  }
0x8e: {  	s2 =	simm.s32 $0xA;
	s3 =	simm.s32 $0x10;
	s13 =	sld [smem:$0x3FC5]  }
0x8f: {  	[smem:s3], [sflag:s2] =	dma.local [hbm:s0], $0x1  }
0x90: {  	_ =	swait.eq [sflag:s2], $0x1  }
0x91: {  	s14 =	sld [smem:$0x10];
	[sflag:s2] =	ssyncset.done $0x0  }
0x92: {  	s15 =	sld [smem:$0x11];
	[sflag:s2] =	ssyncadd.s32 $0xFFFFFFFF  }
0x93: {  	s16 =	sld [smem:$0x13];
	(tm) =	ssettm $0x1  }
0x94: {  	s4 =	sld [smem:$0x3FFB];
	_ =	sdelay $0x3  }
0x95: {  	_ =	strace s4  }
0x96: {  	s4 =	sld [smem:$0x3FFC];
	_ =	sdelay $0x3  }
0x97: {  	_ =	strace s4  }
0x98: {  	s4 =	sld [smem:$0x3FFD];
	_ =	sdelay $0x3  }
0x99: {  	_ =	strace s4  }
0x9a: {  	_ =	strace $0x8FFFFFFF  }
0x9b: {  	s17 =	sld [smem:$0x3FDB];
	_ =	sdelay $0x1  }
0x9c: {  	s5 =	simm.s32 $_scs_section_size  }
0x9d: {  	s6 =	simm.s32 $_size__tile_overlayer_lowered;
	s7 =	simm.s32 $_tile_overlayer_lowered  }
0x9e: {  	s20 =	simm.s32 $0x1BFF;
	s19 =	sshll.u32 s7, $0x1;
	s4 =	sadd.s32 s5, s17  }
0x9f: {  	s8 =	simm.s32 $0x0;
	s18 =	sshll.u32 s6, $0x1;
	s6 =	sadd.s32 s19, s4  }
0xa0: {  	[timem:s8], [sflag:s20] =	dma.local [hbm:s6], s18  }
0xa1: {  	_ =	swait.ge [sflag:s20], s18  }
0xa2: {  	s5 =	ssub.s32 $0x0, s18;
	[sflag:s20] =	ssyncset.done $0x0  }
0xa3: {  	[sflag:s20] =	ssyncadd.s32 s5;
	_ =	sdelay $0x1  }
0xa4: {  	s21 =	simm.s32 $0x1B8B  }
0xa5: {  	_ =	swait.ge [sflag:s21], $0x1  }
0xa6: {  	[sflag:s21] =	ssyncset.done $0x0  }
0xa7: {  	s23 =	simm.s32 $0x1B8E;
	s22 =	sld [smem:$0x3FFE];
	[sflag:s21] =	ssyncadd.s32 $0xFFFFFFFF  }
0xa8: {  	s24 =	simm.s32 $execute0_lowered;
	[smem:$0x3FD2] =	sst s23  }
0xa9: {  	s6 =	sshll.u32 s24, $0x1;
	_ =	strace $0x8000004C;
	[dreg:$0x1] =	wrdreg $0xFFFFFFFF  }
0xaa: {  	s25 =	simm.s32 $_size_execute0_lowered;
	s4 =	sadd.s32 s4, s6;
	[dreg:$0x0] =	wrdreg $0x0  }
0xab: {  	s6 =	sshll.u32 s25, $0x1;
	[dreg:$0x2] =	wrdreg s4  }
0xac: {  	[dreg:$0x3] =	wrdreg s6  }
0xad: {  	[dreg:$0x4] =	wrdreg $0xC0  }
0xae: {  	_ =	task [dreg:s8], $0x5FFFF  }
0xaf: {  	[dreg:$0x1] =	wrdreg $0xFFFFFFFF  }
0xb0: {  	[dreg:$0x0] =	wrdreg $0x60  }
0xb1: {  	[dreg:$0x2] =	wrdreg s22  }
0xb2: {  	[dreg:$0x3] =	wrdreg s13  }
0xb3: {  	[dreg:$0x4] =	wrdreg s14  }
0xb4: {  	[dreg:$0x5] =	wrdreg s15  }
0xb5: {  	[dreg:$0x6] =	wrdreg s16  }
0xb6: {  	[dreg:$0x7] =	wrdreg $0xA5500  }
0xb7: {  	[dreg:$0x8] =	wrdreg $0xA5600  }
0xb8: {  	[dreg:$0x9] =	wrdreg $0xA5A00  }
0xb9: {  	[dreg:$0xa] =	wrdreg $0xA5E00  }
0xba: {  	[dreg:$0xb] =	wrdreg $0x9  }
0xbb: {  	_ =	task.clear_ibuf [dreg:s8], $0xCFFFF;
	_ =	strace $0x9000004C  }
0xbc: {  	s26 =	simm.s32 $0x9;
	_ =	strace $0x8000004E  }
0xbd: {  	_ =	swait.ge [sflag:s26], $0x1  }
0xbe: {  	[sflag:s26] =	ssyncadd.s32 $0xFFFFFFFF  }
0xbf: {  	_ =	strace $0x9000004E  }
0xc0: {  	_ =	sfence  }
0xc1: {  	s28 =	sld [smem:$0x0];
	_ =	sdelay $0x1  }
0xc2: {  	s29 =	srdreg.scid  }
0xc3: {  	s30 =	sshll.u32 s29, $0xD;
	s31 =	sshrl.u32 s29, $0x2  }
0xc4: {  	s1 =	sand.u32 $0x1, s29;
	s2 =	sand.u32 $0x4000, s30;
	s0 =	sadd.s32 s31, s28  }
0xc5: {  	s1 =	sor.u32 s2, s1;
	s0 =	sshll.u32 s0, $0x11  }
0xc6: {  	s0 =	sor.u32 s0, s1  }
0xc7: {  	s0 =	sadd.s32 $0x8F2B, s0  }
0xc8: {  	[sflag:s0] =	ssyncadd.remote.s32 $0x1  }
0xc9: {  	_ =	sfence.sel $0xFFFF  }
0xca: {  	[dreg:$0x0] =	wrdreg $0xFFFFFFFF;
	(pc) =	sbr.abs _section_cstart, $3  }
0xcb: {  	[dreg:$0x1] =	wrdreg $0xFFFFFFFF  }
0xcc: {  	_ =	task.clear_ibuf [dreg:s8], $0x2FFFF;
	_ =	strace $0x9FFFFFFF  }
0xcd: {  	(tm) =	ssettm $0x7FFFFFFF  }
tec
execute0_lowered:
.L_overlay_start_1:
0x0: {  	(tag) =	ssettag $0x1  }
0x1: {  	s0 =	rddreg [dreg:$0x0]  }
0x2: {  	s1 =	rddreg [dreg:$0x1]  }
0x3: {  	s4 =	rddreg [dreg:$0x5]  }
0x4: {  	s5 =	rddreg [dreg:$0x6]  }
0x5: {  	s6 =	rddreg [dreg:$0x7]  }
0x6: {  	s7 =	rddreg [dreg:$0x8]  }
0x7: {  	s8 =	simm.s32 $0x0;
	s3 =	stileid.u32;
	s25 =	simm.s32 $0x1000  }
0x8: {  	s12 =	simm.s32 $0x9;
	[smem:$0x7FF] =	sst s8;
	s2 =	sshll.u32 s3, $0x5  }
0x9: {  	_ =	strace $0x8000004D;
	[dreg:$0xa] =	wrdreg s2;
	s1 =	sadd.s32 s1, s2  }
0xa: {  	[tilespmem:s25], [sflag:$0x9] =	stream.linear.gather [hbm4b:s1+s8], $0x100, $0x38;
	[tilespmem:$0xA620] =	vst v63  }
0xb: {  	s26 =	sshll.u32 s3, $0x9;
	_ =	swait.ge [sflag:s12], $0x100  }
0xc: {  	v2 =	vlaneseq.u32;
	s1 =	sadd.s32 s26, s0;
	[sflag:s12] =	ssyncset.done $0x0  }
0xd: {  	v2 =	vmul.u32 $0x4, v2;
	s1 =	sadd.s32 $0x401A00, s1;
	[sflag:s12] =	ssyncadd.s32 $0xFFFFFF00  }
0xe: {  	[tilespmem:s8], [sflag:$0x9] =	stream.linear.gather [hbm4b:s1+s8], $0x1000, $0x38;
	[tilespmem:$0xA620] =	vst v63  }
0xf: {  	v5 =	vor.u32 $0x1, v2;
	_ =	swait.ge [sflag:s12], $0x1000  }
0x10: {  	[sflag:s12] =	ssyncset.done $0x0;
	[tilespmem:$0x1FF30] =	vst v5;
	v5 =	vor.u32 $0x2, v2  }
0x11: {  	v0 =	vimm.f32 $0.0e+00;
	[sflag:s12] =	ssyncadd.s32 $0xFFFFF000;
	[tilespmem:$0x1FF40] =	vst v5  }
0x12: {  	[tilespmem:$0x1100] =	vst v0  }
0x13: {  	[tilespmem:$0x1200] =	vst v0  }
0x14: {  	[tilespmem:$0x1300] =	vst v0  }
0x15: {  	[tilespmem:$0x1110] =	vst v0  }
0x16: {  	[tilespmem:$0x1210] =	vst v0  }
0x17: {  	[tilespmem:$0x1310] =	vst v0  }
0x18: {  	[tilespmem:$0x1120] =	vst v0  }
0x19: {  	[tilespmem:$0x1220] =	vst v0  }
0x1a: {  	[tilespmem:$0x1320] =	vst v0  }
0x1b: {  	[tilespmem:$0x1130] =	vst v0  }
0x1c: {  	[tilespmem:$0x1230] =	vst v0  }
0x1d: {  	[tilespmem:$0x1330] =	vst v0  }
0x1e: {  	[tilespmem:$0x1140] =	vst v0  }
0x1f: {  	[tilespmem:$0x1240] =	vst v0  }
0x20: {  	[tilespmem:$0x1340] =	vst v0  }
0x21: {  	[tilespmem:$0x1150] =	vst v0  }
0x22: {  	[tilespmem:$0x1250] =	vst v0  }
0x23: {  	[tilespmem:$0x1350] =	vst v0  }
0x24: {  	[tilespmem:$0x1160] =	vst v0  }
0x25: {  	[tilespmem:$0x1260] =	vst v0  }
0x26: {  	[tilespmem:$0x1360] =	vst v0  }
0x27: {  	[tilespmem:$0x1170] =	vst v0  }
0x28: {  	[tilespmem:$0x1270] =	vst v0  }
0x29: {  	[tilespmem:$0x1370] =	vst v0  }
0x2a: {  	[tilespmem:$0x1180] =	vst v0  }
0x2b: {  	[tilespmem:$0x1280] =	vst v0  }
0x2c: {  	[tilespmem:$0x1380] =	vst v0  }
0x2d: {  	[tilespmem:$0x1190] =	vst v0  }
0x2e: {  	[tilespmem:$0x1290] =	vst v0  }
0x2f: {  	[tilespmem:$0x1390] =	vst v0  }
0x30: {  	[tilespmem:$0x11A0] =	vst v0  }
0x31: {  	[tilespmem:$0x12A0] =	vst v0  }
0x32: {  	[tilespmem:$0x13A0] =	vst v0  }
0x33: {  	[tilespmem:$0x11B0] =	vst v0  }
0x34: {  	[tilespmem:$0x12B0] =	vst v0  }
0x35: {  	[tilespmem:$0x13B0] =	vst v0  }
0x36: {  	[tilespmem:$0x11C0] =	vst v0  }
0x37: {  	[tilespmem:$0x12C0] =	vst v0  }
0x38: {  	[tilespmem:$0x13C0] =	vst v0  }
0x39: {  	[tilespmem:$0x11D0] =	vst v0  }
0x3a: {  	[tilespmem:$0x12D0] =	vst v0  }
0x3b: {  	[tilespmem:$0x13D0] =	vst v0  }
0x3c: {  	[tilespmem:$0x11E0] =	vst v0  }
0x3d: {  	[tilespmem:$0x12E0] =	vst v0  }
0x3e: {  	[tilespmem:$0x13E0] =	vst v0  }
0x3f: {  	[tilespmem:$0x11F0] =	vst v0  }
0x40: {  	[tilespmem:$0x12F0] =	vst v0  }
0x41: {  	v1 =	vimm.s32 $0x0;
	[tilespmem:$0x13F0] =	vst v0  }
0x42: {  	[tilespmem:$0x22C0] =	vst v1  }
0x43: {  	[tilespmem:$0x22D0] =	vst v1  }
0x44: {  	[tilespmem:$0x22E0] =	vst v1  }
0x45: {  	v5 =	vor.u32 $0x3, v2;
	[tilespmem:$0x22F0] =	vst v1  }
0x46: {  	[tilespmem:$0x1FF50] =	vst v5  }
0x47: {  	[tilespmem:$0x2300] =	vst v1  }
0x48: {  	[tilespmem:$0x2310] =	vst v1  }
0x49: {  	[tilespmem:$0x2320] =	vst v1  }
0x4a: {  	v5 =	vor.u32 $0x40, v2;
	[tilespmem:$0x2330] =	vst v1  }
0x4b: {  	s20 =	simm.f32 $0.0e+00;
	[tilespmem:$0x1FF60] =	vst v5;
	v5 =	vor.u32 $0x41, v2  }
0x4c: {  	s22 =	simm.s32 $0x1400;
	s23 =	simm.s32 $0x1300;
	s28 =	simm.s32 $0x1200;
	[tilespmem:$0x1FF70] =	vst v5;
	v5 =	vor.u32 $0x42, v2  }
0x4d: {  	s9 =	simm.s32 $0x6;
	s10 =	simm.s32 $0x7;
	s19 =	simm.s32 $0x8;
	[tilespmem:$0x1FF80] =	vst v5;
	v5 =	vor.u32 $0x43, v2  }
0x4e: {  	s24 =	simm.s32 $0x0;
	s13 =	sshll.u32 s3, $0x6;
	s14 =	sadd.s32 $0x201A00, s0;
	[tilespmem:$0x1FF90] =	vst v5;
	v5 =	vor.u32 $0x80, v2  }
0x4f: {  	s30 =	sshll.u32 s3, $0x8;
	s31 =	sshll.u32 s3, $0x1;
	s3 =	simm.s32 $0x2;
	[tilespmem:$0x1FFA0] =	vst v5;
	v5 =	vor.u32 $0x81, v2  }
0x50: {  	s29 =	sshrl.u32 s13, $0x2;
	s16 =	sadd.s32 s13, s5;
	s17 =	sadd.s32 s13, s6;
	[tilespmem:$0x1FFB0] =	vst v5;
	v5 =	vor.u32 $0x82, v2  }
0x51: {  	s18 =	sadd.s32 s13, s7;
	s2 =	simm.s32 $0x22C0;
	s7 =	simm.s32 $0x20;
	[tilespmem:$0x1FFC0] =	vst v5;
	v5 =	vor.u32 $0x83, v2  }
0x52: {  	s5 =	simm.s32 $0x3;
	s6 =	simm.s32 $0x4;
	s0 =	sadd.s32 $0x1A00, s0;
	[tilespmem:$0x1FFD0] =	vst v5;
	v5 =	vor.u32 $0xC0, v2  }
0x53: {  	v20 =	vimm.f32 $1.000000000e+00;
	v3 =	vmov s30;
	s15 =	sadd.s32 s29, s4;
	s26 =	simm.s32 $0x40000000;
	s4 =	simm.s32 $0x23C0;
	[tilespmem:$0x1FFE0] =	vst v5;
	v5 =	vor.u32 $0xC1, v2  }
0x54: {  	v4 =	vmov s31;
	v18 =	vor.u32 $0xC2, v2;
	v19 =	vor.u32 $0xC3, v2;
	s1 =	simm.s32 $0x1;
	s8 =	simm.s32 $0x5;
	[dreg:$0xb] =	wrdreg s0;
	[tilespmem:$0x1FFF0] =	vst v5  }
.LBB2_1:
0x55: {  	p0 =	seq.f32 s20, $0.0e+00  }
0x56: {  	s0 =	smov.u32 s20  }
0x57: {  	s0 =	simm.s32 @p0 $0x3F800000  }
0x58: {  	v21 =	vmov s0  }
0x59: {  	(erf) = vrcp.f32 v21;
	_ =	sdelay $0x4  }
0x5a: {  	s25 =	sshll.u32 s24, $0xA;
	v21 =	vld [tilespmem:$0x1100]  }
0x5b: {  	s21 =	sshrl.u32 s25, $0x2  }
0x5c: {  	v22 =	vld [tilespmem:s21+$0x0];
	_ =	sdelay $0x1  }
0x5d: {  	v24 =	vld [tilespmem:$0x1000];
	v23 =	vpop (erf)  }
0x5e: {  	v21 =	vmul.f32 v21, v23;
	_ =	sdelay $0x1  }
0x5f: {  	v21 =	vadd.f32 v21, v22;
	_ =	sdelay $0x1  }
0x60: {  	v21 =	vadd.f32 v21, v24  }
0x61: {  	v22 =	vld [tilespmem:$0x1110]  }
0x62: {  	[tilespmem:$0x1400] =	vst v21  }
0x63: {  	v41 =	vld [tilespmem:s21+$0x10];
	_ =	sdelay $0x1  }
0x64: {  	v25 =	vld [tilespmem:$0x1010]  }
0x65: {  	v22 =	vmul.f32 v22, v23;
	_ =	sdelay $0x1  }
0x66: {  	v22 =	vadd.f32 v22, v41;
	_ =	sdelay $0x1  }
0x67: {  	v22 =	vadd.f32 v22, v25  }
0x68: {  	v42 =	vld [tilespmem:$0x1120]  }
0x69: {  	[tilespmem:$0x1410] =	vst v22  }
0x6a: {  	v43 =	vld [tilespmem:s21+$0x20];
	_ =	sdelay $0x1  }
0x6b: {  	v26 =	vld [tilespmem:$0x1020]  }
0x6c: {  	v24 =	vmul.f32 v42, v23;
	_ =	sdelay $0x1  }
0x6d: {  	v24 =	vadd.f32 v24, v43;
	_ =	sdelay $0x1  }
0x6e: {  	v24 =	vadd.f32 v24, v26  }
0x6f: {  	v44 =	vld [tilespmem:$0x1130]  }
0x70: {  	[tilespmem:$0x1420] =	vst v24  }
0x71: {  	v45 =	vld [tilespmem:s21+$0x30];
	_ =	sdelay $0x1  }
0x72: {  	v27 =	vld [tilespmem:$0x1030]  }
0x73: {  	v25 =	vmul.f32 v44, v23;
	_ =	sdelay $0x1  }
0x74: {  	v25 =	vadd.f32 v25, v45;
	_ =	sdelay $0x1  }
0x75: {  	v25 =	vadd.f32 v25, v27  }
0x76: {  	v46 =	vld [tilespmem:$0x1140]  }
0x77: {  	[tilespmem:$0x1430] =	vst v25  }
0x78: {  	v47 =	vld [tilespmem:s21+$0x40];
	_ =	sdelay $0x1  }
0x79: {  	v28 =	vld [tilespmem:$0x1040]  }
0x7a: {  	v26 =	vmul.f32 v46, v23;
	_ =	sdelay $0x1  }
0x7b: {  	v26 =	vadd.f32 v26, v47;
	_ =	sdelay $0x1  }
0x7c: {  	v26 =	vadd.f32 v26, v28  }
0x7d: {  	v48 =	vld [tilespmem:$0x1150]  }
0x7e: {  	[tilespmem:$0x1440] =	vst v26  }
0x7f: {  	v49 =	vld [tilespmem:s21+$0x50];
	_ =	sdelay $0x1  }
0x80: {  	v29 =	vld [tilespmem:$0x1050]  }
0x81: {  	v27 =	vmul.f32 v48, v23;
	_ =	sdelay $0x1  }
0x82: {  	v27 =	vadd.f32 v27, v49;
	_ =	sdelay $0x1  }
0x83: {  	v27 =	vadd.f32 v27, v29  }
0x84: {  	v50 =	vld [tilespmem:$0x1160]  }
0x85: {  	[tilespmem:$0x1450] =	vst v27  }
0x86: {  	v51 =	vld [tilespmem:s21+$0x60];
	_ =	sdelay $0x1  }
0x87: {  	v30 =	vld [tilespmem:$0x1060]  }
0x88: {  	v28 =	vmul.f32 v50, v23;
	_ =	sdelay $0x1  }
0x89: {  	v28 =	vadd.f32 v28, v51;
	_ =	sdelay $0x1  }
0x8a: {  	v28 =	vadd.f32 v28, v30  }
0x8b: {  	v52 =	vld [tilespmem:$0x1170]  }
0x8c: {  	[tilespmem:$0x1460] =	vst v28  }
0x8d: {  	v53 =	vld [tilespmem:s21+$0x70];
	_ =	sdelay $0x1  }
0x8e: {  	v31 =	vld [tilespmem:$0x1070]  }
0x8f: {  	v29 =	vmul.f32 v52, v23;
	_ =	sdelay $0x1  }
0x90: {  	v29 =	vadd.f32 v29, v53;
	_ =	sdelay $0x1  }
0x91: {  	v29 =	vadd.f32 v29, v31  }
0x92: {  	v54 =	vld [tilespmem:$0x1180]  }
0x93: {  	[tilespmem:$0x1470] =	vst v29  }
0x94: {  	v55 =	vld [tilespmem:s21+$0x80];
	_ =	sdelay $0x1  }
0x95: {  	v32 =	vld [tilespmem:$0x1080]  }
0x96: {  	v30 =	vmul.f32 v54, v23;
	_ =	sdelay $0x1  }
0x97: {  	v30 =	vadd.f32 v30, v55;
	_ =	sdelay $0x1  }
0x98: {  	v30 =	vadd.f32 v30, v32  }
0x99: {  	v56 =	vld [tilespmem:$0x1190]  }
0x9a: {  	[tilespmem:$0x1480] =	vst v30  }
0x9b: {  	v57 =	vld [tilespmem:s21+$0x90];
	_ =	sdelay $0x1  }
0x9c: {  	v33 =	vld [tilespmem:$0x1090]  }
0x9d: {  	v31 =	vmul.f32 v56, v23;
	_ =	sdelay $0x1  }
0x9e: {  	v31 =	vadd.f32 v31, v57;
	_ =	sdelay $0x1  }
0x9f: {  	v31 =	vadd.f32 v31, v33  }
0xa0: {  	v58 =	vld [tilespmem:$0x11A0]  }
0xa1: {  	[tilespmem:$0x1490] =	vst v31  }
0xa2: {  	v59 =	vld [tilespmem:s21+$0xA0];
	_ =	sdelay $0x1  }
0xa3: {  	v34 =	vld [tilespmem:$0x10A0]  }
0xa4: {  	v32 =	vmul.f32 v58, v23;
	_ =	sdelay $0x1  }
0xa5: {  	v32 =	vadd.f32 v32, v59;
	_ =	sdelay $0x1  }
0xa6: {  	v32 =	vadd.f32 v32, v34  }
0xa7: {  	v60 =	vld [tilespmem:$0x11B0]  }
0xa8: {  	[tilespmem:$0x14A0] =	vst v32  }
0xa9: {  	v61 =	vld [tilespmem:s21+$0xB0];
	_ =	sdelay $0x1  }
0xaa: {  	v35 =	vld [tilespmem:$0x10B0]  }
0xab: {  	v33 =	vmul.f32 v60, v23;
	_ =	sdelay $0x1  }
0xac: {  	v33 =	vadd.f32 v33, v61;
	_ =	sdelay $0x1  }
0xad: {  	v33 =	vadd.f32 v33, v35  }
0xae: {  	v62 =	vld [tilespmem:$0x11C0]  }
0xaf: {  	[tilespmem:$0x14B0] =	vst v33  }
0xb0: {  	v63 =	vld [tilespmem:s21+$0xC0];
	_ =	sdelay $0x1  }
0xb1: {  	v36 =	vld [tilespmem:$0x10C0]  }
0xb2: {  	v34 =	vmul.f32 v62, v23;
	_ =	sdelay $0x1  }
0xb3: {  	v34 =	vadd.f32 v34, v63;
	_ =	sdelay $0x1  }
0xb4: {  	v34 =	vadd.f32 v34, v36  }
0xb5: {  	v8 =	vld [tilespmem:$0x11D0]  }
0xb6: {  	[tilespmem:$0x14C0] =	vst v34  }
0xb7: {  	v9 =	vld [tilespmem:s21+$0xD0];
	_ =	sdelay $0x1  }
0xb8: {  	v37 =	vld [tilespmem:$0x10D0]  }
0xb9: {  	v35 =	vmul.f32 v8, v23;
	_ =	sdelay $0x1  }
0xba: {  	v35 =	vadd.f32 v35, v9;
	_ =	sdelay $0x1  }
0xbb: {  	v35 =	vadd.f32 v35, v37  }
0xbc: {  	v10 =	vld [tilespmem:$0x11E0]  }
0xbd: {  	[tilespmem:$0x14D0] =	vst v35  }
0xbe: {  	v11 =	vld [tilespmem:s21+$0xE0];
	_ =	sdelay $0x1  }
0xbf: {  	v38 =	vld [tilespmem:$0x10E0]  }
0xc0: {  	v36 =	vmul.f32 v10, v23  }
0xc1: {  	v21 =	vmin.f32 v21, $3.399999950e+38  }
0xc2: {  	v21 =	vmin.f32 v21, v22;
	v22 =	vadd.f32 v36, v11  }
0xc3: {  	v21 =	vmin.f32 v21, v24  }
0xc4: {  	v21 =	vmin.f32 v21, v25;
	v22 =	vadd.f32 v22, v38  }
0xc5: {  	v12 =	vld [tilespmem:$0x11F0];
	v21 =	vmin.f32 v21, v26  }
0xc6: {  	v21 =	vmin.f32 v21, v27;
	[tilespmem:$0x14E0] =	vst v22  }
0xc7: {  	v21 =	vmin.f32 v21, v28;
	v13 =	vld [tilespmem:s21+$0xF0]  }
0xc8: {  	v21 =	vmin.f32 v21, v29  }
0xc9: {  	v14 =	vld [tilespmem:$0x10F0];
	v21 =	vmin.f32 v21, v30  }
0xca: {  	v21 =	vmin.f32 v21, v31;
	v23 =	vmul.f32 v12, v23  }
0xcb: {  	v21 =	vmin.f32 v21, v32  }
0xcc: {  	v21 =	vmin.f32 v21, v33;
	v23 =	vadd.f32 v23, v13  }
0xcd: {  	v21 =	vmin.f32 v21, v34  }
0xce: {  	v21 =	vmin.f32 v21, v35;
	v23 =	vadd.f32 v23, v14  }
0xcf: {  	v21 =	vmin.f32 v21, v22  }
0xd0: {  	[tilespmem:$0x14F0] =	vst v23;
	v21 =	vmin.f32 v21, v23  }
0xd1: {  	s30 =	simm.s32 $0xA540;
	[tilespmem:$0xA540] =	vst v21  }
0xd2: {  	[spmem:s15] =	stream.linear.scatter [tilespmem:s30], [sflag:$0x9], $0x10, $0x38;
	[tilespmem:$0xA620] =	vst v63  }
0xd3: {  	_ =	swait.ge [sflag:s12], $0x10  }
0xd4: {  	[sflag:s12] =	ssyncset.done $0x0  }
0xd5: {  	[sflag:s12] =	ssyncadd.s32 $0xFFFFFFF0  }
0xd6: {  	[bflag:$0x0] =	sbarrier.arrive $0xFFFF  }
0xd7: {  	s11 =	simm.s32 $0xA440;
	s31 =	rddreg [dreg:$0x5]  }
0xd8: {  	[tilespmem:s11], [sflag:$0x9] =	stream.linear.gather [spmem:s31], $0x100, $0x38;
	[tilespmem:$0xA620] =	vst v63  }
0xd9: {  	_ =	swait.ge [sflag:s12], $0x100  }
0xda: {  	[sflag:s12] =	ssyncset.done $0x0  }
0xdb: {  	[sflag:s12] =	ssyncadd.s32 $0xFFFFFF00  }
0xdc: {  	v21 =	vld [tilespmem:$0xA440]  }
0xdd: {  	v22 =	vld [tilespmem:$0xA450]  }
0xde: {  	v23 =	vld [tilespmem:$0xA460]  }
0xdf: {  	v15 =	vld [tilespmem:$0xA470]  }
0xe0: {  	v28 =	vld [tilespmem:$0xA480]  }
0xe1: {  	v29 =	vld [tilespmem:$0xA490];
	v21 =	vmin.f32 v21, $3.399999950e+38  }
0xe2: {  	v21 =	vmin.f32 v21, v22;
	v22 =	vld [tilespmem:$0xA4A0]  }
0xe3: {  	v21 =	vmin.f32 v21, v23;
	v23 =	vld [tilespmem:$0xA4B0]  }
0xe4: {  	v30 =	vld [tilespmem:$0xA4C0];
	v21 =	vmin.f32 v21, v15  }
0xe5: {  	v31 =	vld [tilespmem:$0xA4D0];
	v21 =	vmin.f32 v21, v28  }
0xe6: {  	v32 =	vld [tilespmem:$0xA4E0];
	v21 =	vmin.f32 v21, v29  }
0xe7: {  	v21 =	vmin.f32 v21, v22;
	v22 =	vld [tilespmem:$0xA4F0]  }
0xe8: {  	v21 =	vmin.f32 v21, v23;
	v23 =	vld [tilespmem:$0xA500]  }
0xe9: {  	v33 =	vld [tilespmem:$0xA510];
	v21 =	vmin.f32 v21, v30  }
0xea: {  	v34 =	vld [tilespmem:$0xA520];
	v21 =	vmin.f32 v21, v31  }
0xeb: {  	v35 =	vld [tilespmem:$0xA530];
	v21 =	vmin.f32 v21, v32  }
0xec: {  	v5 =	vld [tilespmem:$0x1FF30];
	v21 =	vmin.f32 v21, v22  }
0xed: {  	v21 =	vmin.f32 v21, v23  }
0xee: {  	v21 =	vmin.f32 v21, v33  }
0xef: {  	v6 =	vld [tilespmem:$0x1FF40];
	v21 =	vmin.f32 v21, v34  }
0xf0: {  	v21 =	vmin.f32 v21, v35  }
0xf1: {  	(xrf0) =	vmin.scan.msk.f32 $0xffff, v21  }
0xf2: {  	v7 =	vld [tilespmem:$0x1FF50];
	_ =	sdelay $0x1  }
0xf3: {  	v36 =	vld.idx.msk [tilespmem:v5+s22+$0x0], $0xffff  }
0xf4: {  	v22 =	vld.idx.msk [tilespmem:v2+s22+$0x0], $0xffff  }
0xf5: {  	v23 =	vld.idx.msk [tilespmem:v2+s23+$0x0], $0xffff  }
0xf6: {  	v37 =	vld.idx.msk [tilespmem:v6+s22+$0x0], $0xffff;
	v21, _, _ =	vpop (xrf0)  }
0xf7: {  	v38 =	vld.idx.msk [tilespmem:v5+s23+$0x0], $0xffff;
	v21 =	vbroadcast v21, $0xF  }
0xf8: {  	v40 =	vld.idx.msk [tilespmem:v6+s23+$0x0], $0xffff  }
0xf9: {  	v41 =	vld.idx.msk [tilespmem:v7+s22+$0x0], $0xffff;
	v39 =	vsub.f32 v22, v21  }
0xfa: {  	v23 =	vsub.f32 $1.000000000e+00, v23  }
0xfb: {  	v44 =	vld.idx.msk [tilespmem:v7+s23+$0x0], $0xffff;
	v42 =	vsub.f32 v36, v21;
	v27 =	vadd.f32 $1.000000000e+00, v39  }
0xfc: {  	v26 =	vsub.f32 $1.000000000e+00, v38  }
0xfd: {  	v43 =	vsub.f32 v37, v21;
	v45 =	vadd.f32 $1.000000000e+00, v42;
	v23 =	vmul.f32 v27, v23  }
0xfe: {  	v28 =	vsub.f32 $1.000000000e+00, v40;
	v47 =	vsub.f32 v41, v21  }
0xff: {  	v46 =	vadd.f32 $1.000000000e+00, v43;
	v26 =	vmul.f32 v45, v26;
	vm0 =	vgt.f32 v23, $-3.399999950e+38  }
0x100: {  	v48 =	vsub.f32 $1.000000000e+00, v44;
	v23 =	vnsel vm0, $0xFF7FC99E, v23  }
0x101: {  	v28 =	vmul.f32 v46, v28;
	v27 =	vadd.f32 $1.000000000e+00, v47;
	vm1 =	vgt.f32 v26, v23  }
0x102: {  	v8 =	vld [tilespmem:$0x1FF90];
	v50 =	vnsel vm0, $0x0, v2;
	v23 =	vsel vm1, v26, v23  }
0x103: {  	v49 =	vmul.f32 v27, v48;
	v51 =	vsel vm1, v5, v50;
	v5 =	vld [tilespmem:$0x1FF60];
	vm2 =	vgt.f32 v28, v23  }
0x104: {  	v22 =	vnsel vm0, $0x0, v22;
	v23 =	vsel vm2, v28, v23  }
0x105: {  	v22 =	vsel vm1, v36, v22;
	v24 =	vsel vm2, v6, v51;
	v6 =	vld [tilespmem:$0x1FF70];
	vm15 =	vgt.f32 v49, v23  }
0x106: {  	v22 =	vsel vm2, v37, v22;
	v23 =	vsel vm15, v49, v23  }
0x107: {  	v22 =	vsel vm15, v41, v22;
	[tilespmem:$0x1540] =	vst v23;
	v23 =	vsel vm15, v7, v24;
	v7 =	vld [tilespmem:$0x1FF80]  }
0x108: {  	[tilespmem:$0x1500] =	vst v22  }
0x109: {  	[tilespmem:$0x1580] =	vst v23  }
0x10a: {  	v57 =	vld.idx.msk [tilespmem:v8+s22+$0x0], $0xffff  }
0x10b: {  	v22 =	vld.idx.msk [tilespmem:v5+s22+$0x0], $0xffff  }
0x10c: {  	v23 =	vld.idx.msk [tilespmem:v5+s23+$0x0], $0xffff  }
0x10d: {  	v52 =	vld.idx.msk [tilespmem:v6+s22+$0x0], $0xffff  }
0x10e: {  	v54 =	vld.idx.msk [tilespmem:v6+s23+$0x0], $0xffff  }
0x10f: {  	v53 =	vld.idx.msk [tilespmem:v7+s22+$0x0], $0xffff  }
0x110: {  	v55 =	vsub.f32 v22, v21;
	v56 =	vld.idx.msk [tilespmem:v7+s23+$0x0], $0xffff  }
0x111: {  	v23 =	vsub.f32 $1.000000000e+00, v23  }
0x112: {  	v60 =	vld.idx.msk [tilespmem:v8+s23+$0x0], $0xffff;
	v27 =	vadd.f32 $1.000000000e+00, v55;
	v58 =	vsub.f32 v52, v21  }
0x113: {  	v26 =	vsub.f32 $1.000000000e+00, v54  }
0x114: {  	v23 =	vmul.f32 v27, v23;
	v61 =	vadd.f32 $1.000000000e+00, v58;
	v59 =	vsub.f32 v53, v21  }
0x115: {  	v63 =	vsub.f32 v57, v21;
	v28 =	vsub.f32 $1.000000000e+00, v56  }
0x116: {  	vm4 =	vgt.f32 v23, $-3.399999950e+38;
	v26 =	vmul.f32 v61, v26;
	v62 =	vadd.f32 $1.000000000e+00, v59  }
0x117: {  	v9 =	vsub.f32 $1.000000000e+00, v60;
	v23 =	vnsel vm4, $0xFF7FC99E, v23  }
0x118: {  	v27 =	vadd.f32 $1.000000000e+00, v63;
	vm5 =	vgt.f32 v26, v23;
	v28 =	vmul.f32 v62, v28  }
0x119: {  	v11 =	vnsel vm4, $0x0, v5;
	v5 =	vld [tilespmem:$0x1FFA0];
	v23 =	vsel vm5, v26, v23  }
0x11a: {  	v10 =	vmul.f32 v27, v9;
	vm6 =	vgt.f32 v28, v23  }
0x11b: {  	v22 =	vnsel vm4, $0x0, v22;
	v12 =	vsel vm5, v6, v11;
	v6 =	vld [tilespmem:$0x1FFB0];
	v23 =	vsel vm6, v28, v23  }
0x11c: {  	v22 =	vsel vm5, v52, v22;
	vm7 =	vgt.f32 v10, v23  }
0x11d: {  	v37 =	vld [tilespmem:$0x1FFD0];
	v22 =	vsel vm6, v53, v22;
	v23 =	vsel vm7, v10, v23  }
0x11e: {  	v24 =	vsel vm6, v7, v12;
	v7 =	vld [tilespmem:$0x1FFC0];
	v22 =	vsel vm7, v57, v22;
	[tilespmem:$0x1550] =	vst v23  }
0x11f: {  	v23 =	vsel vm7, v8, v24;
	[tilespmem:$0x1510] =	vst v22  }
0x120: {  	[tilespmem:$0x1590] =	vst v23  }
0x121: {  	v22 =	vld.idx.msk [tilespmem:v5+s22+$0x0], $0xffff  }
0x122: {  	v23 =	vld.idx.msk [tilespmem:v5+s23+$0x0], $0xffff  }
0x123: {  	v13 =	vld.idx.msk [tilespmem:v6+s22+$0x0], $0xffff  }
0x124: {  	v15 =	vld.idx.msk [tilespmem:v6+s23+$0x0], $0xffff  }
0x125: {  	v38 =	vld.idx.msk [tilespmem:v37+s22+$0x0], $0xffff  }
0x126: {  	v14 =	vld.idx.msk [tilespmem:v7+s22+$0x0], $0xffff  }
0x127: {  	v36 =	vld.idx.msk [tilespmem:v7+s23+$0x0], $0xffff;
	v35 =	vsub.f32 v22, v21  }
0x128: {  	v23 =	vsub.f32 $1.000000000e+00, v23  }
0x129: {  	v41 =	vld.idx.msk [tilespmem:v37+s23+$0x0], $0xffff;
	v39 =	vsub.f32 v13, v21;
	v27 =	vadd.f32 $1.000000000e+00, v35  }
0x12a: {  	v26 =	vsub.f32 $1.000000000e+00, v15  }
0x12b: {  	v42 =	vadd.f32 $1.000000000e+00, v39;
	v40 =	vsub.f32 v14, v21;
	v23 =	vmul.f32 v27, v23  }
0x12c: {  	v44 =	vsub.f32 v38, v21;
	v28 =	vsub.f32 $1.000000000e+00, v36  }
0x12d: {  	v26 =	vmul.f32 v42, v26;
	v43 =	vadd.f32 $1.000000000e+00, v40;
	vm8 =	vgt.f32 v23, $-3.399999950e+38  }
0x12e: {  	v45 =	vsub.f32 $1.000000000e+00, v41;
	v23 =	vnsel vm8, $0xFF7FC99E, v23  }
0x12f: {  	v27 =	vadd.f32 $1.000000000e+00, v44;
	v28 =	vmul.f32 v43, v28;
	vm9 =	vgt.f32 v26, v23  }
0x130: {  	v47 =	vnsel vm8, $0x0, v5;
	v5 =	vld [tilespmem:$0x1FFE0];
	v23 =	vsel vm9, v26, v23  }
0x131: {  	v46 =	vmul.f32 v27, v45;
	vm10 =	vgt.f32 v28, v23  }
0x132: {  	v22 =	vnsel vm8, $0x0, v22;
	v23 =	vsel vm10, v28, v23  }
0x133: {  	v22 =	vsel vm9, v13, v22;
	v48 =	vsel vm9, v6, v47;
	v6 =	vld [tilespmem:$0x1FFF0];
	vm11 =	vgt.f32 v46, v23  }
0x134: {  	v22 =	vsel vm10, v14, v22;
	v23 =	vsel vm11, v46, v23  }
0x135: {  	v24 =	vsel vm10, v7, v48;
	v22 =	vsel vm11, v38, v22;
	[tilespmem:$0x1560] =	vst v23  }
0x136: {  	v23 =	vsel vm11, v37, v24;
	[tilespmem:$0x1520] =	vst v22  }
0x137: {  	[tilespmem:$0x15A0] =	vst v23  }
0x138: {  	v22 =	vld.idx.msk [tilespmem:v5+s22+$0x0], $0xffff  }
0x139: {  	v23 =	vld.idx.msk [tilespmem:v5+s23+$0x0], $0xffff  }
0x13a: {  	v50 =	vld.idx.msk [tilespmem:v18+s22+$0x0], $0xffff  }
0x13b: {  	v49 =	vld.idx.msk [tilespmem:v6+s22+$0x0], $0xffff  }
0x13c: {  	v53 =	vld.idx.msk [tilespmem:v18+s23+$0x0], $0xffff  }
0x13d: {  	v51 =	vld.idx.msk [tilespmem:v6+s23+$0x0], $0xffff  }
0x13e: {  	v54 =	vld.idx.msk [tilespmem:v19+s22+$0x0], $0xffff;
	v52 =	vsub.f32 v22, v21  }
0x13f: {  	v23 =	vsub.f32 $1.000000000e+00, v23  }
0x140: {  	v57 =	vld.idx.msk [tilespmem:v19+s23+$0x0], $0xffff;
	v55 =	vsub.f32 v49, v21;
	v27 =	vadd.f32 $1.000000000e+00, v52  }
0x141: {  	v56 =	vsub.f32 v50, v21  }
0x142: {  	v26 =	vsub.f32 $1.000000000e+00, v51;
	v58 =	vadd.f32 $1.000000000e+00, v55;
	v23 =	vmul.f32 v27, v23  }
0x143: {  	v28 =	vsub.f32 $1.000000000e+00, v53;
	v21 =	vsub.f32 v54, v21  }
0x144: {  	v59 =	vadd.f32 $1.000000000e+00, v56;
	v26 =	vmul.f32 v58, v26;
	vm12 =	vgt.f32 v23, $-3.399999950e+38  }
0x145: {  	v61 =	vsub.f32 $1.000000000e+00, v57;
	v23 =	vnsel vm12, $0xFF7FC99E, v23  }
0x146: {  	v21 =	vadd.f32 $1.000000000e+00, v21;
	v60 =	vmul.f32 v59, v28;
	vm13 =	vgt.f32 v26, v23  }
0x147: {  	v23 =	vsel vm13, v26, v23  }
0x148: {  	v21 =	vmul.f32 v21, v61;
	vm14 =	vgt.f32 v60, v23  }
0x149: {  	v22 =	vnsel vm12, $0x0, v22;
	v23 =	vsel vm14, v60, v23  }
0x14a: {  	v62 =	vnsel vm12, $0x0, v5;
	v22 =	vsel vm13, v49, v22;
	vm15 =	vgt.f32 v21, v23  }
0x14b: {  	v63 =	vsel vm13, v6, v62;
	v22 =	vsel vm14, v50, v22;
	v21 =	vsel vm15, v21, v23  }
0x14c: {  	v23 =	vsel vm14, v18, v63;
	v22 =	vsel vm15, v54, v22;
	[tilespmem:$0x1570] =	vst v21  }
0x14d: {  	v21 =	vsel vm15, v19, v23;
	[tilespmem:$0x1530] =	vst v22  }
0x14e: {  	s21 =	simm.s32 $0x1540;
	[tilespmem:$0x15B0] =	vst v21  }
0x14f: {  	[spmem:s16] =	stream.linear.scatter [tilespmem:s21], [sflag:$0x9], $0x40, $0x38;
	[tilespmem:$0xA620] =	vst v63  }
0x150: {  	_ =	swait.ge [sflag:s12], $0x40  }
0x151: {  	[sflag:s12] =	ssyncset.done $0x0  }
0x152: {  	[sflag:s12] =	ssyncadd.s32 $0xFFFFFFC0  }
0x153: {  	[bflag:$0x0] =	sbarrier.arrive $0xFFFF  }
0x154: {  	s31 =	simm.s32 $0x16C0;
	s30 =	rddreg [dreg:$0x6]  }
0x155: {  	[tilespmem:s31], [sflag:$0x9] =	stream.linear.gather [spmem:s30], $0x400, $0x38;
	[tilespmem:$0xA620] =	vst v63  }
0x156: {  	_ =	swait.ge [sflag:s12], $0x400  }
0x157: {  	[sflag:s12] =	ssyncset.done $0x0  }
0x158: {  	s29 =	simm.s32 $0x0;
	s0 =	simm.s32 $0x0;
	[sflag:s12] =	ssyncadd.s32 $0xFFFFFC00  }
.LBB2_2:
0x159: {  	s31 =	simm.s32 $0x1700  }
0x15a: {  	v22 =	vld [tilespmem:s31+$0xFFFFFFC0];
	_ =	sdelay $0x1  }
0x15b: {  	s21 =	sshrl.u32 s26, s0;
	v23 =	vld [tilespmem:s31+$0xFFFFFFD0]  }
0x15c: {  	s30 =	sor.u32 s21, s29  }
0x15d: {  	v24 =	vld [tilespmem:s31+$0xFFFFFFE0];
	v21 =	vmov s30  }
0x15e: {  	vm0 =	vlt.s32 v22, v21  }
0x15f: {  	v26 =	vld [tilespmem:s31+$0xFFFFFFF0];
	v22 =	vimm.f32 $0.0e+00;
	v25 =	vsel vm0, $0x0, v20  }
0x160: {  	vm0 =	vlt.s32 v23, v21;
	v22 =	vadd.f32 v25, v22  }
0x161: {  	v23 =	vsel vm0, $0x0, v20  }
0x162: {  	v25 =	vld [tilespmem:s31+$0x0];
	vm0 =	vlt.s32 v24, v21;
	v22 =	vadd.f32 v23, v22  }
0x163: {  	v23 =	vsel vm0, $0x0, v20  }
0x164: {  	v27 =	vld [tilespmem:s31+$0x10];
	vm0 =	vlt.s32 v26, v21;
	v22 =	vadd.f32 v23, v22  }
0x165: {  	v23 =	vsel vm0, $0x0, v20  }
0x166: {  	v24 =	vadd.f32 v23, v22;
	v22 =	vld [tilespmem:s31+$0x20]  }
0x167: {  	vm0 =	vlt.s32 v25, v21  }
0x168: {  	v25 =	vsel vm0, $0x0, v20;
	v23 =	vld [tilespmem:s31+$0x30]  }
0x169: {  	s21 =	simm.s32 $0x0;
	vm0 =	vlt.s32 v27, v21;
	s31 =	simm.s32 $0x1780;
	v24 =	vadd.f32 v25, v24  }
.LBB2_3:
0x16a: {  	v25 =	vld [tilespmem:s31+$0xFFFFFFC0];
	s21 =	sadd.s32 $0x8, s21;
	v26 =	vsel vm0, $0x0, v20  }
0x16b: {  	p0 =	slt.u32 s21, $0x38;
	v24 =	vadd.f32 v26, v24;
	vm0 =	vlt.s32 v22, v21  }
0x16c: {  	v22 =	vld [tilespmem:s31+$0xFFFFFFD0];
	v26 =	vsel vm0, $0x0, v20  }
0x16d: {  	v24 =	vadd.f32 v26, v24;
	vm0 =	vlt.s32 v23, v21  }
0x16e: {  	v23 =	vld [tilespmem:s31+$0xFFFFFFE0];
	v26 =	vsel vm0, $0x0, v20  }
0x16f: {  	vm0 =	vlt.s32 v25, v21;
	v24 =	vadd.f32 v26, v24  }
0x170: {  	v25 =	vsel vm0, $0x0, v20;
	v26 =	vld [tilespmem:s31+$0xFFFFFFF0]  }
0x171: {  	v24 =	vadd.f32 v25, v24;
	vm0 =	vlt.s32 v22, v21  }
0x172: {  	v22 =	vsel vm0, $0x0, v20;
	v25 =	vld [tilespmem:s31+$0x0]  }
0x173: {  	v22 =	vadd.f32 v22, v24;
	vm0 =	vlt.s32 v23, v21  }
0x174: {  	v23 =	vsel vm0, $0x0, v20;
	v27 =	vld [tilespmem:s31+$0x10]  }
.Ltmp0:
0x175: {  	v23 =	vadd.f32 v23, v22;
	vm0 =	vlt.s32 v26, v21;
	(pc) =	sbr.rel @p0 .LBB2_3-.Ltmp0, $4  }
0x176: {  	v24 =	vsel vm0, $0x0, v20;
	v22 =	vld [tilespmem:s31+$0x20]  }
0x177: {  	v24 =	vadd.f32 v24, v23;
	vm0 =	vlt.s32 v25, v21  }
0x178: {  	v25 =	vsel vm0, $0x0, v20;
	v23 =	vld [tilespmem:s31+$0x30]  }
0x179: {  	s31 =	sadd.s32 $0x80, s31;
	v24 =	vadd.f32 v25, v24;
	vm0 =	vlt.s32 v27, v21  }
0x17a: {  	v25 =	vsel vm0, $0x0, v20  }
0x17b: {  	v24 =	vadd.f32 v25, v24;
	vm14 =	vlt.s32 v22, v21  }
0x17c: {  	v22 =	vsel vm14, $0x0, v20  }
0x17d: {  	v22 =	vadd.f32 v22, v24;
	vm15 =	vlt.s32 v23, v21  }
0x17e: {  	v21 =	vsel vm15, $0x0, v20  }
0x17f: {  	v21 =	vadd.f32 v21, v22;
	_ =	sdelay $0x1  }
0x180: {  	(xrf2) =	vadd.scan.msk.f32 $0xffff, v21;
	_ =	sdelay $0x9  }
0x181: {  	v21, _, _ =	vpop (xrf2)  }
0x182: {  	(v2sf) =	vpush v21, $0xF;
	_ =	sdelay $0xb  }
0x183: {  	s0 =	sadd.s32 $0x1, s0  }
0x184: {  	p1 =	sne.s32 s0, $0x1F  }
.Ltmp1:
0x185: {  	_ = 	snop;
	(pc) =	sbr.rel @p1 .LBB2_2-.Ltmp1, $3  }
0x186: {  	s21 =	spop (v2sf)  }
0x187: {  	p0 =	sge.f32 s21, $1.280000000e+02;
	_ =	sdelay $0x1  }
0x188: {  	s29 =	smov.u32 @p0 s30  }
0x189: {  	v21 =	vld [tilespmem:$0x1500];
	_ =	sdelay $0x4  }
0x18a: {  	v21 =	vadd.f32 v21, v21;
	_ =	sdelay $0x1  }
0x18b: {  	v21 =	vmul.f32 $1.442695020e+00, v21;
	_ =	sdelay $0x1  }
0x18c: {  	(erf) = vpow2.f32 v21;
	_ =	sdelay $0x6  }
0x18d: {  	v21 =	vld [tilespmem:$0x1510];
	_ =	sdelay $0x1  }
0x18e: {  	v22 =	vpop (erf)  }
0x18f: {  	v22 =	vadd.f32 $1.000000000e+00, v22;
	_ =	sdelay $0x1  }
0x190: {  	v21 =	vadd.f32 v21, v21;
	(erf) = vrcp.f32 v22;
	_ =	sdelay $0x1  }
0x191: {  	v21 =	vmul.f32 $1.442695020e+00, v21;
	_ =	sdelay $0x1  }
0x192: {  	(erf) = vpow2.f32 v21;
	_ =	sdelay $0x2  }
0x193: {  	v21 =	vld [tilespmem:$0x1540];
	_ =	sdelay $0x1  }
0x194: {  	v22 =	vpop (erf)  }
0x195: {  	v22 =	vadd.f32 v22, v22  }
0x196: {  	v24 =	vld [tilespmem:$0x1520]  }
0x197: {  	v23 =	vld [tilespmem:$0x1580];
	vm0 =	vlt.s32 v21, s29;
	v21 =	vsub.f32 $1.000000000e+00, v22  }
0x198: {  	v25 =	vpop (erf);
	v22 =	vsel vm0, $0x0, v20  }
0x199: {  	v21 =	vmul.f32 v21, v22;
	v22 =	vadd.f32 $1.000000000e+00, v25;
	_ =	sdelay $0x1  }
0x19a: {  	v24 =	vadd.f32 v24, v24;
	(erf) = vrcp.f32 v22;
	_ =	sdelay $0x1  }
0x19b: {  	v9 =	vmax.f32 v21, $0.0e+00;
	v22 =	vmul.f32 $1.442695020e+00, v24  }
0x19c: {  	[tilespmem:$0x15C0] =	vst v9  }
0x19d: {  	v10 =	vld.idx.msk [tilespmem:v23+s28+$0x0], $0xffff;
	(erf) = vpow2.f32 v22  }
0x19e: {  	v22 =	vld.idx.msk [tilespmem:v23+s23+$0x0], $0xffff;
	_ =	sdelay $0x1  }
0x19f: {  	v11 =	vld [tilespmem:$0x1550]  }
0x1a0: {  	v26 =	vld [tilespmem:$0x1530]  }
0x1a1: {  	v24 =	vmul.f32 $5.000000000e-01, v10;
	v27 =	vpop (erf)  }
0x1a2: {  	v28 =	vld [tilespmem:$0x1590];
	v22 =	vmul.f32 $5.000000000e-01, v22;
	v27 =	vadd.f32 v27, v27  }
0x1a3: {  	v24 =	vsub.f32 v21, v24  }
0x1a4: {  	vm12 =	vlt.s32 v11, s29;
	v21 =	vsub.f32 v21, v22;
	v22 =	vsub.f32 $1.000000000e+00, v27  }
0x1a5: {  	v26 =	vadd.f32 v26, v26;
	v13 =	vsel vm12, $0x0, v20;
	v24 =	vmax.f32 v24, $0.0e+00;
	v12 =	vpop (erf)  }
0x1a6: {  	v21 =	vmax.f32 v21, $0.0e+00;
	v25 =	vadd.f32 $1.000000000e+00, v12;
	[tilespmem:$0x1640] =	vst v24;
	v22 =	vmul.f32 v22, v13  }
0x1a7: {  	[tilespmem:$0x1680] =	vst v21;
	v21 =	vadd.s32 v3, v23  }
0x1a8: {  	v23 =	vmul.f32 $1.442695020e+00, v26;
	[tilespmem:$0x1600] =	vst v21;
	(erf) = vrcp.f32 v25;
	v21 =	vmax.f32 v22, $0.0e+00  }
0x1a9: {  	[tilespmem:$0x15D0] =	vst v21  }
0x1aa: {  	(erf) = vpow2.f32 v23;
	v23 =	vld.idx.msk [tilespmem:v28+s23+$0x0], $0xffff;
	_ =	sdelay $0x1  }
0x1ab: {  	v21 =	vld.idx.msk [tilespmem:v28+s28+$0x0], $0xffff;
	_ =	sdelay $0x2  }
0x1ac: {  	v14 =	vld [tilespmem:$0x1560];
	v23 =	vmul.f32 $5.000000000e-01, v23;
	_ =	sdelay $0x1  }
0x1ad: {  	v25 =	vpop (erf);
	v21 =	vmul.f32 $5.000000000e-01, v21  }
0x1ae: {  	v15 =	vld [tilespmem:$0x15A0];
	v25 =	vadd.f32 v25, v25  }
0x1af: {  	v21 =	vsub.f32 v22, v21;
	v22 =	vsub.f32 v22, v23;
	v23 =	vpop (erf)  }
0x1b0: {  	vm13 =	vlt.s32 v14, s29;
	v30 =	vsub.f32 $1.000000000e+00, v25;
	v23 =	vadd.f32 $1.000000000e+00, v23  }
0x1b1: {  	v31 =	vsel vm13, $0x0, v20;
	v21 =	vmax.f32 v21, $0.0e+00  }
0x1b2: {  	[tilespmem:$0x1650] =	vst v21;
	v21 =	vmax.f32 v22, $0.0e+00;
	v22 =	vmul.f32 v30, v31;
	(erf) = vrcp.f32 v23  }
0x1b3: {  	[tilespmem:$0x1690] =	vst v21;
	v21 =	vadd.s32 v3, v28  }
0x1b4: {  	[tilespmem:$0x1610] =	vst v21;
	v21 =	vmax.f32 v22, $0.0e+00  }
0x1b5: {  	[tilespmem:$0x15E0] =	vst v21  }
0x1b6: {  	v21 =	vld.idx.msk [tilespmem:v15+s28+$0x0], $0xffff  }
0x1b7: {  	v23 =	vld.idx.msk [tilespmem:v15+s23+$0x0], $0xffff;
	_ =	sdelay $0x1  }
0x1b8: {  	v32 =	vld [tilespmem:$0x1570];
	_ =	sdelay $0x1  }
0x1b9: {  	v21 =	vmul.f32 $5.000000000e-01, v21;
	v33 =	vpop (erf)  }
0x1ba: {  	v34 =	vld [tilespmem:$0x15B0];
	v23 =	vmul.f32 $5.000000000e-01, v23;
	v25 =	vadd.f32 v33, v33  }
0x1bb: {  	v21 =	vsub.f32 v22, v21  }
0x1bc: {  	vm14 =	vlt.s32 v32, s29;
	v22 =	vsub.f32 v22, v23;
	v23 =	vsub.f32 $1.000000000e+00, v25  }
0x1bd: {  	v24 =	vsel vm14, $0x0, v20;
	v21 =	vmax.f32 v21, $0.0e+00  }
0x1be: {  	[tilespmem:$0x1660] =	vst v21;
	v21 =	vmax.f32 v22, $0.0e+00;
	v22 =	vmul.f32 v23, v24  }
0x1bf: {  	[tilespmem:$0x16A0] =	vst v21;
	v21 =	vadd.s32 v3, v15  }
0x1c0: {  	[tilespmem:$0x1620] =	vst v21;
	v21 =	vmax.f32 v22, $0.0e+00  }
0x1c1: {  	[tilespmem:$0x15F0] =	vst v21  }
0x1c2: {  	v21 =	vld.idx.msk [tilespmem:v34+s28+$0x0], $0xffff  }
0x1c3: {  	v23 =	vld.idx.msk [tilespmem:v34+s23+$0x0], $0xffff;
	_ =	sdelay $0x3  }
0x1c4: {  	v21 =	vmul.f32 $5.000000000e-01, v21  }
0x1c5: {  	v23 =	vmul.f32 $5.000000000e-01, v23  }
0x1c6: {  	v21 =	vsub.f32 v22, v21  }
0x1c7: {  	v22 =	vsub.f32 v22, v23  }
0x1c8: {  	v21 =	vmax.f32 v21, $0.0e+00  }
0x1c9: {  	[tilespmem:$0x1670] =	vst v21;
	v21 =	vmax.f32 v22, $0.0e+00  }
0x1ca: {  	[tilespmem:$0x16B0] =	vst v21;
	v21 =	vadd.s32 v3, v34  }
0x1cb: {  	s0 =	simm.s32 $0x1600;
	[tilespmem:$0x1630] =	vst v21  }
0x1cc: {  	[spmem:s17] =	stream.linear.scatter [tilespmem:s0], [sflag:$0x9], $0x40, $0x38;
	[tilespmem:$0xA620] =	vst v63  }
0x1cd: {  	_ =	swait.ge [sflag:s12], $0x40  }
0x1ce: {  	[sflag:s12] =	ssyncset.done $0x0  }
0x1cf: {  	s21 =	simm.s32 $0x1640;
	[sflag:s12] =	ssyncadd.s32 $0xFFFFFFC0  }
0x1d0: {  	[spmem:s18] =	stream.linear.scatter [tilespmem:s21], [sflag:$0x9], $0x40, $0x38;
	[tilespmem:$0xA620] =	vst v63  }
0x1d1: {  	_ =	swait.ge [sflag:s12], $0x40  }
0x1d2: {  	[sflag:s12] =	ssyncset.done $0x0  }
0x1d3: {  	[sflag:s12] =	ssyncadd.s32 $0xFFFFFFC0  }
0x1d4: {  	v21 =	vld [tilespmem:$0x1200]  }
0x1d5: {  	v22 =	vld [tilespmem:$0x1300]  }
0x1d6: {  	v23 =	vld [tilespmem:$0x1210]  }
0x1d7: {  	v35 =	vld [tilespmem:$0x1310]  }
0x1d8: {  	v36 =	vld [tilespmem:$0x1220]  }
0x1d9: {  	v37 =	vld [tilespmem:$0x1320]  }
0x1da: {  	v38 =	vld [tilespmem:$0x1230];
	v21 =	vmul.f32 $5.000000000e-01, v21  }
0x1db: {  	v39 =	vld [tilespmem:$0x1330];
	v22 =	vmul.f32 $5.000000000e-01, v22  }
0x1dc: {  	v40 =	vld [tilespmem:$0x1340];
	[tilespmem:$0x1200] =	vst v21;
	v21 =	vmul.f32 $5.000000000e-01, v23  }
0x1dd: {  	v23 =	vld [tilespmem:$0x1240];
	[tilespmem:$0x1300] =	vst v22;
	v22 =	vmul.f32 $5.000000000e-01, v35  }
0x1de: {  	v41 =	vld [tilespmem:$0x1250];
	[tilespmem:$0x1210] =	vst v21;
	v21 =	vmul.f32 $5.000000000e-01, v36  }
0x1df: {  	v42 =	vld [tilespmem:$0x1350];
	[tilespmem:$0x1310] =	vst v22;
	v22 =	vmul.f32 $5.000000000e-01, v37  }
0x1e0: {  	v43 =	vld [tilespmem:$0x1260];
	[tilespmem:$0x1220] =	vst v21;
	v21 =	vmul.f32 $5.000000000e-01, v38  }
0x1e1: {  	v44 =	vld [tilespmem:$0x1360];
	[tilespmem:$0x1320] =	vst v22;
	v22 =	vmul.f32 $5.000000000e-01, v39  }
0x1e2: {  	v45 =	vld [tilespmem:$0x1370];
	[tilespmem:$0x1230] =	vst v21;
	v21 =	vmul.f32 $5.000000000e-01, v23  }
0x1e3: {  	v23 =	vld [tilespmem:$0x1270];
	[tilespmem:$0x1330] =	vst v22;
	v22 =	vmul.f32 $5.000000000e-01, v40  }
0x1e4: {  	v46 =	vld [tilespmem:$0x1280];
	[tilespmem:$0x1240] =	vst v21;
	v21 =	vmul.f32 $5.000000000e-01, v41  }
0x1e5: {  	v47 =	vld [tilespmem:$0x1380];
	[tilespmem:$0x1340] =	vst v22;
	v22 =	vmul.f32 $5.000000000e-01, v42  }
0x1e6: {  	v48 =	vld [tilespmem:$0x1290];
	[tilespmem:$0x1250] =	vst v21;
	v21 =	vmul.f32 $5.000000000e-01, v43  }
0x1e7: {  	v49 =	vld [tilespmem:$0x1390];
	[tilespmem:$0x1350] =	vst v22;
	v22 =	vmul.f32 $5.000000000e-01, v44  }
0x1e8: {  	v50 =	vld [tilespmem:$0x13A0];
	[tilespmem:$0x1260] =	vst v21;
	v21 =	vmul.f32 $5.000000000e-01, v23  }
0x1e9: {  	v23 =	vld [tilespmem:$0x12A0];
	[tilespmem:$0x1360] =	vst v22;
	v22 =	vmul.f32 $5.000000000e-01, v45  }
0x1ea: {  	v51 =	vld [tilespmem:$0x12B0];
	[tilespmem:$0x1270] =	vst v21;
	v21 =	vmul.f32 $5.000000000e-01, v46  }
0x1eb: {  	v52 =	vld [tilespmem:$0x13B0];
	[tilespmem:$0x1370] =	vst v22;
	v22 =	vmul.f32 $5.000000000e-01, v47  }
0x1ec: {  	v53 =	vld [tilespmem:$0x12C0];
	[tilespmem:$0x1280] =	vst v21;
	v21 =	vmul.f32 $5.000000000e-01, v48  }
0x1ed: {  	v54 =	vld [tilespmem:$0x13C0];
	[tilespmem:$0x1380] =	vst v22;
	v22 =	vmul.f32 $5.000000000e-01, v49  }
0x1ee: {  	v55 =	vld [tilespmem:$0x13D0];
	[tilespmem:$0x1290] =	vst v21;
	v21 =	vmul.f32 $5.000000000e-01, v23  }
0x1ef: {  	v23 =	vld [tilespmem:$0x12D0];
	[tilespmem:$0x1390] =	vst v22;
	v22 =	vmul.f32 $5.000000000e-01, v50  }
0x1f0: {  	v56 =	vld [tilespmem:$0x12E0];
	[tilespmem:$0x12A0] =	vst v21;
	v21 =	vmul.f32 $5.000000000e-01, v51  }
0x1f1: {  	v57 =	vld [tilespmem:$0x13E0];
	[tilespmem:$0x13A0] =	vst v22;
	v22 =	vmul.f32 $5.000000000e-01, v52  }
0x1f2: {  	v58 =	vld [tilespmem:$0x12F0];
	[tilespmem:$0x12B0] =	vst v21;
	v21 =	vmul.f32 $5.000000000e-01, v53  }
0x1f3: {  	v59 =	vld [tilespmem:$0x13F0];
	[tilespmem:$0x13B0] =	vst v22;
	v22 =	vmul.f32 $5.000000000e-01, v54  }
0x1f4: {  	[tilespmem:$0x12C0] =	vst v21;
	v21 =	vmul.f32 $5.000000000e-01, v23;
	v23 =	vld [tilespmem:$0x1580]  }
0x1f5: {  	[tilespmem:$0x13C0] =	vst v22;
	v22 =	vmul.f32 $5.000000000e-01, v55  }
0x1f6: {  	[tilespmem:$0x12D0] =	vst v21;
	v21 =	vmul.f32 $5.000000000e-01, v56  }
0x1f7: {  	v60 =	vld [tilespmem:$0x1640];
	[tilespmem:$0x13D0] =	vst v22;
	v22 =	vmul.f32 $5.000000000e-01, v57  }
0x1f8: {  	[tilespmem:$0x12E0] =	vst v21;
	v21 =	vmul.f32 $5.000000000e-01, v58  }
0x1f9: {  	[tilespmem:$0x13E0] =	vst v22;
	v22 =	vmul.f32 $5.000000000e-01, v59  }
0x1fa: {  	[tilespmem:$0x12F0] =	vst v21  }
0x1fb: {  	[tilespmem:$0x13F0] =	vst v22  }
0x1fc: {  	[tilespmem:v23+s28+$0x0] =	vst.idx.add.f32.msk $0xffff, v60  }
0x1fd: {  	v21 =	vld [tilespmem:$0x1680];
	_ =	sdelay $0x4  }
0x1fe: {  	[tilespmem:v23+s23+$0x0] =	vst.idx.add.f32.msk $0xffff, v21  }
0x1ff: {  	v21 =	vld [tilespmem:$0x1590];
	_ =	sdelay $0x2  }
0x200: {  	v22 =	vld [tilespmem:$0x1650];
	_ =	sdelay $0x4  }
0x201: {  	[tilespmem:v21+s28+$0x0] =	vst.idx.add.f32.msk $0xffff, v22  }
0x202: {  	v22 =	vld [tilespmem:$0x1690];
	_ =	sdelay $0x4  }
0x203: {  	[tilespmem:v21+s23+$0x0] =	vst.idx.add.f32.msk $0xffff, v22  }
0x204: {  	v21 =	vld [tilespmem:$0x15A0];
	_ =	sdelay $0x2  }
0x205: {  	v22 =	vld [tilespmem:$0x1660];
	_ =	sdelay $0x4  }
0x206: {  	[tilespmem:v21+s28+$0x0] =	vst.idx.add.f32.msk $0xffff, v22  }
0x207: {  	v22 =	vld [tilespmem:$0x16A0];
	_ =	sdelay $0x4  }
0x208: {  	[tilespmem:v21+s23+$0x0] =	vst.idx.add.f32.msk $0xffff, v22  }
0x209: {  	v21 =	vld [tilespmem:$0x15B0];
	_ =	sdelay $0x2  }
0x20a: {  	v22 =	vld [tilespmem:$0x1670];
	_ =	sdelay $0x4  }
0x20b: {  	[tilespmem:v21+s28+$0x0] =	vst.idx.add.f32.msk $0xffff, v22  }
0x20c: {  	v22 =	vld [tilespmem:$0x16B0];
	_ =	sdelay $0x4  }
0x20d: {  	[tilespmem:v21+s23+$0x0] =	vst.idx.add.f32.msk $0xffff, v22  }
0x20e: {  	[bflag:$0x0] =	sbarrier.arrive $0xFFFF  }
0x20f: {  	s11 =	simm.s32 $0x1AC0;
	s31 =	rddreg [dreg:$0x7]  }
0x210: {  	[tilespmem:s11], [sflag:$0x9] =	stream.linear.gather [spmem:s31], $0x400, $0x38;
	[tilespmem:$0xA620] =	vst v63  }
0x211: {  	_ =	swait.ge [sflag:s12], $0x400  }
0x212: {  	[sflag:s12] =	ssyncset.done $0x0  }
0x213: {  	[sflag:s12] =	ssyncadd.s32 $0xFFFFFC00  }
0x214: {  	s31 =	simm.s32 $0x1EC0;
	s21 =	rddreg [dreg:$0x8]  }
0x215: {  	[tilespmem:s31], [sflag:$0x9] =	stream.linear.gather [spmem:s21], $0x400, $0x38;
	[tilespmem:$0xA620] =	vst v63  }
0x216: {  	_ =	swait.ge [sflag:s12], $0x400  }
0x217: {  	[sflag:s12] =	ssyncset.done $0x0  }
0x218: {  	[sflag:s12] =	ssyncadd.s32 $0xFFFFFC00  }
0x219: {  	[tilespmem:$0x23C0] =	vst v0  }
0x21a: {  	[tilespmem:$0x23D0] =	vst v0  }
0x21b: {  	[tilespmem:$0x23E0] =	vst v0  }
0x21c: {  	[tilespmem:$0x23F0] =	vst v0  }
0x21d: {  	[tilespmem:$0x2400] =	vst v0  }
0x21e: {  	[tilespmem:$0x2410] =	vst v0  }
0x21f: {  	[tilespmem:$0x2420] =	vst v0  }
0x220: {  	s21 =	simm.s32 $0x0;
	[tilespmem:$0x2430] =	vst v0  }
0x221: {  	v21 =	vld [tilespmem:s21+$0x1EC0];
	_ =	sdelay $0x4  }
0x222: {  	vm15 =	vgt.f32 v21, $0.0e+00  }
0x223: {  	v23 =	vsel vm15, $0x3F800000, v0  }
0x224: {  	(xrf2) =	vadd.scan.msk.f32 $0xffff, v23;
	_ =	sdelay $0x1  }
0x225: {  	v22 =	vsel vm15, $0x1, v1  }
0x226: {  	(xrf0) =	vadd.scan.msk.s32 $0xffff, v22  }
0x227: {  	s0 =	simm.f32 $0.0e+00;
	(xrf2) =	vadd.scan.msk.f32 $0xffff, v21  }
0x228: {  	s29 =	scvt.f32.s32 s0;
	_ =	sdelay $0x1  }
0x229: {  	v22 =	vmov s29  }
0x22a: {  	v22 =	vadd.s32 $0xFFFFFFFF, v22  }
0x22b: {  	v23 =	vld [tilespmem:s21+$0x1AC0];
	v22 =	vbroadcast v22, $0x0;
	v61, _, _ =	vpop (xrf0)  }
0x22c: {  	v62, _, _ =	vpop (xrf2)  }
0x22d: {  	v22 =	vadd.s32 v61, v22;
	(v2sf) =	vpush v62, $0xF;
	_ =	sdelay $0x2  }
0x22e: {  	v23 =	vshll.u32 v23, $0x5;
	v63, _, _ =	vpop (xrf2)  }
0x22f: {  	v23 =	vor.u32 v4, v23;
	(v2sf) =	vpush v63, $0xF  }
0x230: {  	[tilespmem:v22+s2+$0x0] =	vst.idx.msk vm15, v23  }
0x231: {  	s30 =	simm.s32 $0x10;
	s21 =	simm.s32 $0x80;
	s29 =	simm.f32 $0.0e+00;
	[tilespmem:v22+s4+$0x0] =	vst.idx.msk vm15, v21  }
.LBB2_6:
0x232: {  	p0 =	sne.s32 s21, $0xFC0;
	v21 =	vld [tilespmem:s30+$0x1EC0];
	_ =	sdelay $0x4  }
0x233: {  	vm0 =	vgt.f32 v21, $0.0e+00  }
0x234: {  	v22 =	vsel vm0, $0x1, v1;
	v23 =	vsel vm0, $0x3F800000, v0  }
0x235: {  	(xrf2) =	vadd.scan.msk.f32 $0xffff, v23  }
0x236: {  	s31 =	spop (v2sf)  }
0x237: {  	s0 =	sadd.f32 s31, s0  }
0x238: {  	(xrf0) =	vadd.scan.msk.s32 $0xffff, v22  }
0x239: {  	s31 =	scvt.f32.s32 s0;
	(xrf2) =	vadd.scan.msk.f32 $0xffff, v21  }
0x23a: {  	s11 =	spop (v2sf)  }
0x23b: {  	v22 =	vmov s31;
	s29 =	sadd.f32 s11, s29  }
0x23c: {  	v22 =	vadd.s32 $0xFFFFFFFF, v22  }
0x23d: {  	v23 =	vld [tilespmem:s30+$0x1AC0];
	v22 =	vbroadcast v22, $0x0  }
0x23e: {  	v24, _, _ =	vpop (xrf0)  }
0x23f: {  	v22 =	vadd.s32 v24, v22;
	v24, _, _ =	vpop (xrf2)  }
0x240: {  	(v2sf) =	vpush v24, $0xF;
	_ =	sdelay $0x1  }
.Ltmp2:
0x241: {  	v23 =	vshll.u32 v23, $0x5;
	(pc) =	sbr.rel @p0 .LBB2_6-.Ltmp2, $4  }
0x242: {  	v23 =	vor.u32 v4, v23;
	v24, _, _ =	vpop (xrf2)  }
0x243: {  	[tilespmem:v22+s2+$0x0] =	vst.idx.msk vm0, v23;
	(v2sf) =	vpush v24, $0xF  }
0x244: {  	[tilespmem:v22+s4+$0x0] =	vst.idx.msk vm0, v21  }
0x245: {  	s30 =	sshra.s32 s21, $0x2;
	s21 =	sadd.s32 $0x40, s21  }
0x246: {  	_ =	sdelay $0x2  }
0x247: {  	v21 =	vld [tilespmem:s30+$0x1EC0];
	_ =	sdelay $0x4  }
0x248: {  	vm0 =	vgt.f32 v21, $0.0e+00;
	s11 =	spop (v2sf)  }
0x249: {  	v22 =	vsel vm0, $0x1, v1;
	s0 =	sadd.f32 s11, s0  }
0x24a: {  	(xrf0) =	vadd.scan.msk.s32 $0xffff, v22  }
0x24b: {  	s0 =	scvt.f32.s32 s0;
	_ =	sdelay $0x1  }
0x24c: {  	v22 =	vmov s0  }
0x24d: {  	v22 =	vadd.s32 $0xFFFFFFFF, v22  }
0x24e: {  	v23 =	vld [tilespmem:s30+$0x1AC0];
	v22 =	vbroadcast v22, $0x0  }
0x24f: {  	v24, _, _ =	vpop (xrf0)  }
0x250: {  	v22 =	vadd.s32 v24, v22;
	_ =	sdelay $0x2  }
0x251: {  	v23 =	vshll.u32 v23, $0x5  }
0x252: {  	v23 =	vor.u32 v4, v23  }
0x253: {  	[tilespmem:v22+s2+$0x0] =	vst.idx.msk vm0, v23  }
0x254: {  	[tilespmem:v22+s4+$0x0] =	vst.idx.msk vm0, v21  }
0x255: {  	v22 =	vld [tilespmem:$0x22C0]  }
0x256: {  	v23 =	vld [tilespmem:$0x22D0]  }
0x257: {  	v24 =	vld [tilespmem:$0x22E0]  }
0x258: {  	v25 =	vld [tilespmem:$0x22F0]  }
0x259: {  	v26 =	vld [tilespmem:$0x2300]  }
0x25a: {  	v27 =	vld [tilespmem:$0x2310];
	v22 =	vadd.s32 $0x1, v22  }
0x25b: {  	[tilespmem:$0x2340] =	vst v22;
	v22 =	vadd.s32 $0x1, v23;
	v23 =	vld [tilespmem:$0x2320]  }
0x25c: {  	[tilespmem:$0x2350] =	vst v22;
	v22 =	vadd.s32 $0x1, v24;
	v24 =	vld [tilespmem:$0x2330]  }
0x25d: {  	[tilespmem:$0x2360] =	vst v22;
	v22 =	vadd.s32 $0x1, v25  }
0x25e: {  	[tilespmem:$0x2370] =	vst v22;
	v22 =	vadd.s32 $0x1, v26  }
0x25f: {  	[tilespmem:$0x2380] =	vst v22;
	v22 =	vadd.s32 $0x1, v27  }
0x260: {  	[tilespmem:$0x2390] =	vst v22;
	v22 =	vadd.s32 $0x1, v23  }
0x261: {  	[tilespmem:$0x23A0] =	vst v22;
	v22 =	vadd.s32 $0x1, v24  }
0x262: {  	s21 =	simm.s32 $0x2440;
	[tilespmem:$0x23B0] =	vst v22  }
0x263: {  	v22 =	vsel vm0, $0x3F800000, v0;
	[tilespmem:s21], [sflag:$0x1] =	stream.indirect.gather [hbm4b:s14+s7], $0x80, s2, s7, $0xb8;
	[tilespmem:$0xA620] =	vst v63  }
0x264: {  	s11 =	simm.s32 $0x2340;
	(xrf2) =	vadd.scan.msk.f32 $0xffff, v22;
	s21 =	simm.s32 $0x6440  }
0x265: {  	[tilespmem:s21], [sflag:$0x2] =	stream.indirect.gather [hbm4b:s14+s7], $0x80, s11, s7, $0xb8;
	[tilespmem:$0xA620] =	vst v63  }
0x266: {  	(xrf2) =	vadd.scan.msk.f32 $0xffff, v21;
	s11 =	simm.s32 $0x22E0;
	s21 =	simm.s32 $0x3440  }
0x267: {  	[tilespmem:s21], [sflag:$0x3] =	stream.indirect.gather [hbm4b:s14+s7], $0x80, s11, s7, $0xb8;
	[tilespmem:$0xA620] =	vst v63  }
0x268: {  	s11 =	simm.s32 $0x2360;
	s21 =	simm.s32 $0x7440  }
0x269: {  	[tilespmem:s21], [sflag:$0x4] =	stream.indirect.gather [hbm4b:s14+s7], $0x80, s11, s7, $0xb8;
	[tilespmem:$0xA620] =	vst v63  }
0x26a: {  	s11 =	simm.s32 $0x2300;
	s21 =	simm.s32 $0x4440  }
0x26b: {  	[tilespmem:s21], [sflag:$0x5] =	stream.indirect.gather [hbm4b:s14+s7], $0x80, s11, s7, $0xb8;
	[tilespmem:$0xA620] =	vst v63  }
0x26c: {  	s11 =	simm.s32 $0x2380;
	s21 =	simm.s32 $0x8440  }
0x26d: {  	[tilespmem:s21], [sflag:$0x6] =	stream.indirect.gather [hbm4b:s14+s7], $0x80, s11, s7, $0xb8;
	[tilespmem:$0xA620] =	vst v63  }
0x26e: {  	s11 =	simm.s32 $0x2320;
	s21 =	simm.s32 $0x5440  }
0x26f: {  	v21, _, _ =	vpop (xrf2);
	[tilespmem:s21], [sflag:$0x7] =	stream.indirect.gather [hbm4b:s14+s7], $0x80, s11, s7, $0xb8;
	[tilespmem:$0xA620] =	vst v63  }
0x270: {  	(v2sf) =	vpush v21, $0xF;
	v21, _, _ =	vpop (xrf2);
	s11 =	simm.s32 $0x23A0;
	s21 =	simm.s32 $0x9440  }
0x271: {  	(v2sf) =	vpush v21, $0xF;
	[tilespmem:s21], [sflag:$0x8] =	stream.indirect.gather [hbm4b:s14+s7], $0x80, s11, s7, $0xb8;
	[tilespmem:$0xA620] =	vst v63  }
0x272: {  	v21 =	vld [tilespmem:$0x1100]  }
0x273: {  	v22 =	vld [tilespmem:$0x1110]  }
0x274: {  	v23 =	vld [tilespmem:$0x1120]  }
0x275: {  	v24 =	vld [tilespmem:$0x1130]  }
0x276: {  	v25 =	vld [tilespmem:$0x1140]  }
0x277: {  	v26 =	vld [tilespmem:$0x1150]  }
0x278: {  	v29 =	vld [tilespmem:$0x1160]  }
0x279: {  	v30 =	vld [tilespmem:$0x1170]  }
0x27a: {  	v35 =	vld [tilespmem:$0x1180]  }
0x27b: {  	v36 =	vld [tilespmem:$0x1190]  }
0x27c: {  	v38 =	vld [tilespmem:$0x11A0]  }
0x27d: {  	v39 =	vld [tilespmem:$0x11B0]  }
0x27e: {  	s21 =	spop (v2sf);
	v40 =	vld [tilespmem:$0x11C0]  }
0x27f: {  	v41 =	vld [tilespmem:$0x11D0];
	s11 =	spop (v2sf)  }
0x280: {  	v42 =	vld [tilespmem:$0x11E0];
	s0 =	spop (v2sf)  }
0x281: {  	v43 =	vld [tilespmem:$0x11F0];
	_ =	swait.ge [sflag:s1], $0x1000  }
0x282: {  	[sflag:s1] =	ssyncset.done $0x0  }
0x283: {  	[sflag:s1] =	ssyncadd.s32 $0xFFFFF000  }
0x284: {  	_ =	swait.ge [sflag:s3], $0x1000  }
0x285: {  	[sflag:s3] =	ssyncset.done $0x0  }
0x286: {  	s30 =	simm.s32 $0x24C0;
	[sflag:s3] =	ssyncadd.s32 $0xFFFFF000  }
0x287: {  	v44 =	vld [tilespmem:s30+$0x0]  }
0x288: {  	v45 =	vld [tilespmem:s30+$0x10]  }
0x289: {  	v46 =	vld [tilespmem:s30+$0x20]  }
0x28a: {  	v47 =	vld [tilespmem:s30+$0x30]  }
0x28b: {  	s11 =	simm.s32 $0x1;
	v48 =	vld [tilespmem:s30+$0x40]  }
0x28c: {  	v32 =	vmov s11;
	v55 =	vld [tilespmem:s30+$0x50]  }
0x28d: {  	v56 =	vld [tilespmem:s30+$0x60]  }
0x28e: {  	s31 =	simm.s32 $0x64C0;
	v27 =	vmul.f32 $5.000000000e-01, v21;
	v58 =	vld [tilespmem:s30+$0x70]  }
0x28f: {  	v28 =	vmul.f32 $5.000000000e-01, v22;
	v33 =	vmul.f32 $5.000000000e-01, v23;
	v60 =	vld [tilespmem:s31+$0x0]  }
0x290: {  	v37 =	vmul.f32 $5.000000000e-01, v24;
	v34 =	vmul.f32 $5.000000000e-01, v25;
	s11 =	simm.s32 $0x0;
	v61 =	vld [tilespmem:s31+$0x10]  }
0x291: {  	v31 =	vmul.f32 $5.000000000e-01, v26;
	v29 =	vmul.f32 $5.000000000e-01, v29;
	v21 =	vmov s11;
	v24 =	vld.idx.msk [tilespmem:v32+s4+$0x0], $0xffff  }
0x292: {  	v36 =	vmul.f32 $5.000000000e-01, v36;
	v26 =	vmul.f32 $5.000000000e-01, v40;
	v21 =	vand.u32 $0xFFFFFFFE, v21;
	v62 =	vld [tilespmem:s31+$0x20]  }
0x293: {  	v25 =	vmul.f32 $5.000000000e-01, v41;
	v49 =	vbroadcast v21, $0x0;
	v63 =	vld [tilespmem:s31+$0x30]  }
0x294: {  	v23 =	vmul.f32 $5.000000000e-01, v42;
	v22 =	vmul.f32 $5.000000000e-01, v43;
	v15 =	vld [tilespmem:s31+$0x40]  }
0x295: {  	v21 =	vmul.f32 $5.000000000e-01, v35;
	v35 =	vmul.f32 $5.000000000e-01, v38;
	v5 =	vld [tilespmem:s31+$0x50]  }
0x296: {  	v32 =	vmul.f32 $5.000000000e-01, v30;
	v30 =	vmul.f32 $5.000000000e-01, v39;
	v53 =	vld [tilespmem:s30+$0xFFFFFF80]  }
0x297: {  	v54 =	vld [tilespmem:s30+$0xFFFFFF90];
	v52 =	vmul.f32 v44, v24;
	v51 =	vmul.f32 v45, v24  }
0x298: {  	v57 =	vld [tilespmem:s30+$0xFFFFFFA0];
	v50 =	vmul.f32 v46, v24;
	v38 =	vmul.f32 v47, v24  }
0x299: {  	v40 =	vld.idx.msk [tilespmem:v49+s4+$0x0], $0xffff;
	v49 =	vmul.f32 v48, v24;
	v48 =	vmul.f32 v55, v24  }
0x29a: {  	v59 =	vld [tilespmem:s30+$0xFFFFFFB0];
	v46 =	vmul.f32 v56, v24;
	v47 =	vmul.f32 v58, v24  }
0x29b: {  	s21 =	sadd.f32 s21, s29;
	v55 =	vld [tilespmem:s30+$0xFFFFFFC0];
	v45 =	vmul.f32 v60, v24;
	v44 =	vmul.f32 v61, v24  }
0x29c: {  	v56 =	vld [tilespmem:s30+$0xFFFFFFD0];
	v42 =	vmul.f32 v62, v24;
	v43 =	vmul.f32 v63, v24  }
0x29d: {  	s29 =	sadd.f32 s0, s21;
	s0 =	simm.s32 $0x2;
	v58 =	vld [tilespmem:s30+$0xFFFFFFE0];
	v41 =	vmul.f32 v15, v24;
	v39 =	vmul.f32 v5, v24  }
.LBB2_8:
0x29e: {  	p0 =	slt.u32 s0, $0x1E;
	v5 =	vmul.f32 v53, v40;
	v53 =	vmul.f32 v54, v40;
	v54 =	vld [tilespmem:s30+$0xFFFFFFF0]  }
0x29f: {  	v57 =	vmul.f32 v57, v40;
	v59 =	vmul.f32 v59, v40;
	v60 =	vld [tilespmem:s31+$0xFFFFFF80]  }
0x2a0: {  	v5 =	vadd.f32 v5, v27;
	v28 =	vadd.f32 v53, v28;
	v53 =	vmul.f32 v55, v40;
	v55 =	vld [tilespmem:s31+$0xFFFFFF90]  }
0x2a1: {  	v33 =	vadd.f32 v57, v33;
	v37 =	vadd.f32 v59, v37;
	v56 =	vmul.f32 v56, v40;
	v57 =	vld [tilespmem:s31+$0xFFFFFFA0]  }
0x2a2: {  	v58 =	vmul.f32 v58, v40;
	v59 =	vld [tilespmem:s31+$0xFFFFFFB0];
	v27 =	vadd.f32 v52, v5;
	v28 =	vadd.f32 v51, v28  }
0x2a3: {  	v33 =	vadd.f32 v50, v33;
	v5 =	vmul.f32 v54, v40;
	v51 =	vld [tilespmem:s31+$0xFFFFFFC0];
	v37 =	vadd.f32 v38, v37  }
0x2a4: {  	v34 =	vadd.f32 v53, v34;
	v31 =	vadd.f32 v56, v31;
	v38 =	vmul.f32 v60, v40;
	v50 =	vld [tilespmem:s31+$0xFFFFFFD0]  }
0x2a5: {  	v29 =	vadd.f32 v58, v29;
	v5 =	vadd.f32 v5, v32;
	v52 =	vmul.f32 v55, v40;
	v53 =	vld [tilespmem:s31+$0xFFFFFFE0]  }
0x2a6: {  	v34 =	vadd.f32 v49, v34;
	v31 =	vadd.f32 v48, v31;
	v54 =	vmul.f32 v57, v40;
	v55 =	vld [tilespmem:s31+$0xFFFFFFF0]  }
0x2a7: {  	v29 =	vadd.f32 v46, v29;
	v48 =	vmul.f32 v59, v40;
	v32 =	vadd.f32 v47, v5;
	v5 =	vld [tilespmem:s31+$0x60]  }
0x2a8: {  	s30 =	sadd.s32 $0x100, s30;
	v21 =	vadd.f32 v38, v21;
	v36 =	vadd.f32 v52, v36;
	v38 =	vmul.f32 v51, v40;
	v46 =	vld [tilespmem:s31+$0x70]  }
0x2a9: {  	v35 =	vadd.f32 v54, v35;
	v47 =	vld [tilespmem:s30+$0x0];
	v30 =	vadd.f32 v48, v30;
	v48 =	vmul.f32 v50, v40  }
0x2aa: {  	v21 =	vadd.f32 v45, v21;
	v36 =	vadd.f32 v44, v36;
	v49 =	vld [tilespmem:s30+$0x10];
	v50 =	vmul.f32 v53, v40  }
0x2ab: {  	v35 =	vadd.f32 v42, v35;
	v44 =	vld [tilespmem:s30+$0x20];
	v40 =	vmul.f32 v55, v40;
	v30 =	vadd.f32 v43, v30  }
0x2ac: {  	v26 =	vadd.f32 v38, v26;
	v25 =	vadd.f32 v48, v25;
	v42 =	vld [tilespmem:s30+$0x30];
	v5 =	vmul.f32 v5, v24  }
0x2ad: {  	s11 =	sadd.s32 $0x1, s0;
	v23 =	vadd.f32 v50, v23;
	v43 =	vld [tilespmem:s30+$0x40];
	v22 =	vadd.f32 v40, v22;
	v24 =	vmul.f32 v46, v24  }
0x2ae: {  	v38 =	vmov s11;
	v26 =	vadd.f32 v41, v26;
	v25 =	vadd.f32 v39, v25;
	v45 =	vld [tilespmem:s30+$0x50]  }
0x2af: {  	v23 =	vadd.f32 v5, v23;
	v39 =	vld [tilespmem:s30+$0x60];
	v22 =	vadd.f32 v24, v22  }
0x2b0: {  	s31 =	sadd.s32 $0x100, s31;
	v5 =	vld [tilespmem:s30+$0x70]  }
0x2b1: {  	v41 =	vld [tilespmem:s31+$0x0]  }
0x2b2: {  	v24 =	vmov s0;
	v56 =	vld [tilespmem:s31+$0x10]  }
0x2b3: {  	v40 =	vand.u32 $0xFFFFFFFE, v24;
	v24 =	vld.idx.msk [tilespmem:v38+s4+$0x0], $0xffff  }
0x2b4: {  	v38 =	vbroadcast v40, $0x0;
	v58 =	vld [tilespmem:s31+$0x20]  }
0x2b5: {  	v60 =	vld [tilespmem:s31+$0x30]  }
0x2b6: {  	v61 =	vld [tilespmem:s31+$0x40]  }
0x2b7: {  	v62 =	vld [tilespmem:s31+$0x50]  }
0x2b8: {  	v53 =	vld [tilespmem:s30+$0xFFFFFF80]  }
0x2b9: {  	v52 =	vmul.f32 v47, v24;
	v51 =	vmul.f32 v49, v24;
	v54 =	vld [tilespmem:s30+$0xFFFFFF90]  }
0x2ba: {  	v50 =	vmul.f32 v44, v24;
	v40 =	vld.idx.msk [tilespmem:v38+s4+$0x0], $0xffff;
	v38 =	vmul.f32 v42, v24  }
.Ltmp3:
0x2bb: {  	v49 =	vmul.f32 v43, v24;
	v48 =	vmul.f32 v45, v24;
	v57 =	vld [tilespmem:s30+$0xFFFFFFA0];
	(pc) =	sbr.rel @p0 .LBB2_8-.Ltmp3, $4  }
0x2bc: {  	v46 =	vmul.f32 v39, v24;
	v47 =	vmul.f32 v5, v24;
	v59 =	vld [tilespmem:s30+$0xFFFFFFB0]  }
0x2bd: {  	v45 =	vmul.f32 v41, v24;
	v44 =	vmul.f32 v56, v24;
	v55 =	vld [tilespmem:s30+$0xFFFFFFC0]  }
0x2be: {  	v42 =	vmul.f32 v58, v24;
	v43 =	vmul.f32 v60, v24;
	v56 =	vld [tilespmem:s30+$0xFFFFFFD0]  }
0x2bf: {  	s0 =	sadd.s32 $0x2, s0;
	v41 =	vmul.f32 v61, v24;
	v39 =	vmul.f32 v62, v24;
	v58 =	vld [tilespmem:s30+$0xFFFFFFE0]  }
0x2c0: {  	v5 =	vld [tilespmem:s30+$0xFFFFFFF0]  }
0x2c1: {  	v60 =	vld [tilespmem:s31+$0xFFFFFF80]  }
0x2c2: {  	v61 =	vld [tilespmem:s31+$0xFFFFFF90]  }
0x2c3: {  	v62 =	vld [tilespmem:s31+$0xFFFFFFA0]  }
0x2c4: {  	v63 =	vld [tilespmem:s31+$0xFFFFFFB0]  }
0x2c5: {  	v6 =	vld [tilespmem:s31+$0xFFFFFFC0]  }
0x2c6: {  	v7 =	vld [tilespmem:s31+$0xFFFFFFD0]  }
0x2c7: {  	v8 =	vld [tilespmem:s31+$0xFFFFFFE0]  }
0x2c8: {  	v9 =	vld [tilespmem:s31+$0xFFFFFFF0]  }
0x2c9: {  	v10 =	vld [tilespmem:s31+$0x60]  }
0x2ca: {  	v11 =	vld [tilespmem:s31+$0x70];
	_ =	swait.ge [sflag:s5], $0x1000  }
0x2cb: {  	[sflag:s5] =	ssyncset.done $0x0  }
0x2cc: {  	[sflag:s5] =	ssyncadd.s32 $0xFFFFF000  }
0x2cd: {  	_ =	swait.ge [sflag:s6], $0x1000  }
0x2ce: {  	v53 =	vmul.f32 v53, v40;
	[sflag:s6] =	ssyncset.done $0x0  }
0x2cf: {  	v54 =	vmul.f32 v54, v40;
	v57 =	vmul.f32 v57, v40;
	s30 =	simm.s32 $0x3530;
	[sflag:s6] =	ssyncadd.s32 $0xFFFFF000  }
0x2d0: {  	v27 =	vadd.f32 v53, v27;
	v53 =	vld [tilespmem:s30+$0xFFFFFF90]  }
0x2d1: {  	v59 =	vmul.f32 v59, v40;
	v28 =	vadd.f32 v54, v28;
	v33 =	vadd.f32 v57, v33;
	v57 =	vld [tilespmem:s30+$0xFFFFFFA0]  }
0x2d2: {  	v15 =	vmul.f32 v55, v40;
	v27 =	vadd.f32 v52, v27;
	v52 =	vld [tilespmem:s30+$0xFFFFFFB0]  }
0x2d3: {  	v37 =	vadd.f32 v59, v37;
	v12 =	vmul.f32 v56, v40;
	v28 =	vadd.f32 v51, v28;
	v51 =	vld [tilespmem:s30+$0xFFFFFFC0]  }
0x2d4: {  	s0 =	simm.s32 $0x21;
	v13 =	vmul.f32 v58, v40;
	v33 =	vadd.f32 v50, v33;
	v34 =	vadd.f32 v15, v34;
	v50 =	vld [tilespmem:s30+$0xFFFFFFD0]  }
0x2d5: {  	v5 =	vmul.f32 v5, v40;
	v38 =	vadd.f32 v38, v37;
	v37 =	vmov s0;
	v58 =	vld [tilespmem:s30+$0xFFFFFFE0]  }
0x2d6: {  	v31 =	vadd.f32 v12, v31;
	v15 =	vmul.f32 v60, v40;
	v12 =	vmul.f32 v61, v40;
	v56 =	vld [tilespmem:s30+$0xFFFFFFF0]  }
0x2d7: {  	v6 =	vmul.f32 v6, v40;
	v7 =	vmul.f32 v7, v40;
	v60 =	vld [tilespmem:s30+$0x0]  }
0x2d8: {  	v8 =	vmul.f32 v8, v40;
	v9 =	vmul.f32 v9, v40;
	v54 =	vld [tilespmem:s30+$0xFFFFFF10];
	v5 =	vadd.f32 v5, v32  }
0x2d9: {  	s21 =	simm.s32 $0x20;
	v14 =	vadd.f32 v13, v29;
	v29 =	vadd.f32 v49, v34;
	v13 =	vmul.f32 v62, v40;
	v55 =	vld [tilespmem:s30+$0xFFFFFF20]  }
0x2da: {  	v59 =	vld [tilespmem:s30+$0xFFFFFF40];
	v31 =	vadd.f32 v48, v31;
	v32 =	vadd.f32 v47, v5;
	v5 =	vmov s21  }
0x2db: {  	s31 =	simm.s32 $0x7530;
	v34 =	vadd.f32 v46, v14;
	v14 =	vadd.f32 v15, v21;
	v5 =	vand.u32 $0xFFFFFFFE, v5;
	v21 =	vld.idx.msk [tilespmem:v37+s4+$0x0], $0xffff  }
0x2dc: {  	v48 =	vld [tilespmem:s31+$0xFFFFFF90];
	v36 =	vadd.f32 v12, v36;
	v6 =	vadd.f32 v6, v26;
	v5 =	vbroadcast v5, $0x0  }
0x2dd: {  	v10 =	vmul.f32 v10, v24;
	v7 =	vadd.f32 v7, v25;
	v8 =	vadd.f32 v8, v23;
	v46 =	vld [tilespmem:s31+$0xFFFFFFA0]  }
0x2de: {  	v15 =	vmul.f32 v63, v40;
	v12 =	vadd.f32 v13, v35;
	v13 =	vld [tilespmem:s31+$0xFFFFFFB0];
	v36 =	vadd.f32 v44, v36  }
0x2df: {  	v11 =	vmul.f32 v11, v24;
	v41 =	vadd.f32 v41, v6;
	v35 =	vadd.f32 v45, v14;
	v14 =	vld [tilespmem:s31+$0xFFFFFFC0]  }
0x2e0: {  	v30 =	vadd.f32 v15, v30;
	v15 =	vld [tilespmem:s31+$0xFFFFFFD0];
	v53 =	vmul.f32 v53, v21;
	v24 =	vmul.f32 v57, v21  }
0x2e1: {  	v63 =	vld [tilespmem:s31+$0xFFFFFFE0];
	v37 =	vadd.f32 v42, v12;
	v52 =	vmul.f32 v52, v21;
	v51 =	vmul.f32 v51, v21  }
0x2e2: {  	v42 =	vadd.f32 v39, v7;
	v25 =	vmul.f32 v50, v21;
	v49 =	vmul.f32 v56, v21;
	v26 =	vld.idx.msk [tilespmem:v5+s4+$0x0], $0xffff  }
0x2e3: {  	v23 =	vld [tilespmem:s30+$0xFFFFFF30];
	v39 =	vadd.f32 v10, v8;
	v50 =	vmul.f32 v60, v21;
	v48 =	vmul.f32 v48, v21  }
0x2e4: {  	v56 =	vld [tilespmem:s30+$0xFFFFFF50];
	v47 =	vmul.f32 v46, v21;
	v45 =	vmul.f32 v13, v21;
	v5 =	vadd.f32 v9, v22  }
0x2e5: {  	v30 =	vadd.f32 v43, v30;
	v57 =	vld [tilespmem:s30+$0xFFFFFF60];
	v46 =	vmul.f32 v14, v21;
	v44 =	vmul.f32 v15, v21  }
0x2e6: {  	s0 =	simm.s32 $0x22;
	v43 =	vmul.f32 v63, v21;
	v22 =	vmul.f32 v58, v21;
	v58 =	vld [tilespmem:s30+$0xFFFFFF70];
	v40 =	vadd.f32 v11, v5  }
.LBB2_10:
0x2e7: {  	p0 =	slt.u32 s0, $0x3E;
	v5 =	vmul.f32 v54, v26;
	v6 =	vmul.f32 v55, v26;
	v7 =	vld [tilespmem:s30+$0xFFFFFF80]  }
0x2e8: {  	v8 =	vmul.f32 v23, v26;
	v9 =	vmul.f32 v59, v26;
	v10 =	vld [tilespmem:s31+$0xFFFFFF10]  }
0x2e9: {  	v5 =	vadd.f32 v5, v27;
	v6 =	vadd.f32 v6, v28;
	v11 =	vmul.f32 v56, v26;
	v23 =	vld [tilespmem:s31+$0xFFFFFF20]  }
0x2ea: {  	v8 =	vadd.f32 v8, v33;
	v9 =	vadd.f32 v9, v38;
	v54 =	vmul.f32 v57, v26;
	v55 =	vld [tilespmem:s31+$0xFFFFFF30]  }
0x2eb: {  	v56 =	vmul.f32 v58, v26;
	v57 =	vld [tilespmem:s31+$0xFFFFFF40];
	v27 =	vadd.f32 v53, v5;
	v28 =	vadd.f32 v24, v6  }
0x2ec: {  	v33 =	vadd.f32 v52, v8;
	v5 =	vmul.f32 v7, v26;
	v6 =	vld [tilespmem:s31+$0xFFFFFF50];
	v38 =	vadd.f32 v51, v9  }
0x2ed: {  	v7 =	vadd.f32 v11, v29;
	v8 =	vadd.f32 v54, v31;
	v9 =	vmul.f32 v10, v26;
	v10 =	vld [tilespmem:s31+$0xFFFFFF60]  }
0x2ee: {  	v11 =	vadd.f32 v56, v34;
	v5 =	vadd.f32 v5, v32;
	v23 =	vmul.f32 v23, v26;
	v24 =	vld [tilespmem:s31+$0xFFFFFF70]  }
0x2ef: {  	v29 =	vadd.f32 v25, v7;
	v31 =	vadd.f32 v22, v8;
	v51 =	vmul.f32 v55, v26;
	v52 =	vld [tilespmem:s31+$0xFFFFFF80]  }
0x2f0: {  	v34 =	vadd.f32 v49, v11;
	v7 =	vmul.f32 v57, v26;
	v32 =	vadd.f32 v50, v5;
	v5 =	vld [tilespmem:s31+$0xFFFFFFF0]  }
0x2f1: {  	s30 =	sadd.s32 $0x100, s30;
	v8 =	vadd.f32 v9, v35;
	v9 =	vadd.f32 v23, v36;
	v6 =	vmul.f32 v6, v26;
	v11 =	vld [tilespmem:s31+$0x0]  }
0x2f2: {  	v23 =	vadd.f32 v51, v37;
	v22 =	vld [tilespmem:s30+$0xFFFFFF90];
	v7 =	vadd.f32 v7, v30;
	v10 =	vmul.f32 v10, v26  }
0x2f3: {  	v35 =	vadd.f32 v48, v8;
	v36 =	vadd.f32 v47, v9;
	v25 =	vld [tilespmem:s30+$0xFFFFFFA0];
	v24 =	vmul.f32 v24, v26  }
0x2f4: {  	v37 =	vadd.f32 v45, v23;
	v8 =	vld [tilespmem:s30+$0xFFFFFFB0];
	v9 =	vmul.f32 v52, v26;
	v30 =	vadd.f32 v46, v7  }
0x2f5: {  	v6 =	vadd.f32 v6, v41;
	v10 =	vadd.f32 v10, v42;
	v7 =	vld [tilespmem:s30+$0xFFFFFFC0];
	v5 =	vmul.f32 v5, v21  }
0x2f6: {  	s11 =	sadd.s32 $0x1, s0;
	v23 =	vadd.f32 v24, v39;
	v45 =	vld [tilespmem:s30+$0xFFFFFFD0];
	v9 =	vadd.f32 v9, v40;
	v11 =	vmul.f32 v11, v21  }
0x2f7: {  	v41 =	vadd.f32 v44, v6;
	v21 =	vmov s11;
	v42 =	vadd.f32 v43, v10;
	v46 =	vld [tilespmem:s30+$0xFFFFFFE0]  }
0x2f8: {  	v39 =	vadd.f32 v5, v23;
	v6 =	vld [tilespmem:s30+$0xFFFFFFF0];
	v40 =	vadd.f32 v11, v9  }
0x2f9: {  	s31 =	sadd.s32 $0x100, s31;
	v5 =	vld [tilespmem:s30+$0x0]  }
0x2fa: {  	v9 =	vld [tilespmem:s31+$0xFFFFFF90]  }
0x2fb: {  	v10 =	vmov s0;
	v11 =	vld [tilespmem:s31+$0xFFFFFFA0]  }
0x2fc: {  	v10 =	vand.u32 $0xFFFFFFFE, v10;
	v21 =	vld.idx.msk [tilespmem:v21+s4+$0x0], $0xffff  }
0x2fd: {  	v10 =	vbroadcast v10, $0x0;
	v43 =	vld [tilespmem:s31+$0xFFFFFFB0]  }
0x2fe: {  	v44 =	vld [tilespmem:s31+$0xFFFFFFC0]  }
0x2ff: {  	v60 =	vld [tilespmem:s31+$0xFFFFFFD0]  }
0x300: {  	v61 =	vld [tilespmem:s31+$0xFFFFFFE0]  }
0x301: {  	v54 =	vld [tilespmem:s30+$0xFFFFFF10]  }
0x302: {  	v53 =	vmul.f32 v22, v21;
	v24 =	vmul.f32 v25, v21;
	v55 =	vld [tilespmem:s30+$0xFFFFFF20]  }
0x303: {  	v52 =	vmul.f32 v8, v21;
	v51 =	vmul.f32 v7, v21;
	v26 =	vld.idx.msk [tilespmem:v10+s4+$0x0], $0xffff  }
.Ltmp4:
0x304: {  	v25 =	vmul.f32 v45, v21;
	v22 =	vmul.f32 v46, v21;
	v23 =	vld [tilespmem:s30+$0xFFFFFF30];
	(pc) =	sbr.rel @p0 .LBB2_10-.Ltmp4, $4  }
0x305: {  	v49 =	vmul.f32 v6, v21;
	v50 =	vmul.f32 v5, v21;
	v59 =	vld [tilespmem:s30+$0xFFFFFF40]  }
0x306: {  	v48 =	vmul.f32 v9, v21;
	v47 =	vmul.f32 v11, v21;
	v56 =	vld [tilespmem:s30+$0xFFFFFF50]  }
0x307: {  	v45 =	vmul.f32 v43, v21;
	v46 =	vmul.f32 v44, v21;
	v57 =	vld [tilespmem:s30+$0xFFFFFF60]  }
0x308: {  	s0 =	sadd.s32 $0x2, s0;
	v44 =	vmul.f32 v60, v21;
	v43 =	vmul.f32 v61, v21;
	v58 =	vld [tilespmem:s30+$0xFFFFFF70]  }
0x309: {  	v5 =	vld [tilespmem:s30+$0xFFFFFF80]  }
0x30a: {  	v6 =	vld [tilespmem:s31+$0xFFFFFF10]  }
0x30b: {  	v7 =	vld [tilespmem:s31+$0xFFFFFF20]  }
0x30c: {  	v8 =	vld [tilespmem:s31+$0xFFFFFF30]  }
0x30d: {  	v9 =	vld [tilespmem:s31+$0xFFFFFF40]  }
0x30e: {  	v10 =	vld [tilespmem:s31+$0xFFFFFF50]  }
0x30f: {  	v11 =	vld [tilespmem:s31+$0xFFFFFF60]  }
0x310: {  	v60 =	vld [tilespmem:s31+$0xFFFFFF70]  }
0x311: {  	v61 =	vld [tilespmem:s31+$0xFFFFFF80]  }
0x312: {  	v62 =	vld [tilespmem:s31+$0xFFFFFFF0]  }
0x313: {  	v63 =	vld [tilespmem:s31+$0x0];
	_ =	swait.ge [sflag:s8], $0x1000  }
0x314: {  	[sflag:s8] =	ssyncset.done $0x0  }
0x315: {  	[sflag:s8] =	ssyncadd.s32 $0xFFFFF000  }
0x316: {  	_ =	swait.ge [sflag:s9], $0x1000  }
0x317: {  	[sflag:s9] =	ssyncset.done $0x0  }
0x318: {  	v54 =	vmul.f32 v54, v26;
	v55 =	vmul.f32 v55, v26;
	s30 =	simm.s32 $0x4530;
	[sflag:s9] =	ssyncadd.s32 $0xFFFFF000  }
0x319: {  	v23 =	vmul.f32 v23, v26;
	v59 =	vmul.f32 v59, v26;
	v12 =	vld [tilespmem:s30+$0xFFFFFF90]  }
0x31a: {  	v27 =	vadd.f32 v54, v27;
	v28 =	vadd.f32 v55, v28;
	v55 =	vld [tilespmem:s30+$0xFFFFFFA0]  }
0x31b: {  	s0 =	simm.s32 $0x41;
	v33 =	vadd.f32 v23, v33;
	v38 =	vadd.f32 v59, v38;
	v59 =	vld [tilespmem:s30+$0xFFFFFFB0]  }
0x31c: {  	v54 =	vmov s0;
	v23 =	vadd.f32 v53, v27;
	v27 =	vmul.f32 v56, v26;
	v56 =	vld [tilespmem:s30+$0xFFFFFFC0]  }
0x31d: {  	v15 =	vmul.f32 v57, v26;
	v24 =	vadd.f32 v24, v28;
	v28 =	vmul.f32 v58, v26;
	v57 =	vld [tilespmem:s30+$0xFFFFFFD0]  }
0x31e: {  	v33 =	vadd.f32 v52, v33;
	v5 =	vmul.f32 v5, v26;
	v38 =	vadd.f32 v51, v38;
	v58 =	vld [tilespmem:s30+$0xFFFFFFE0]  }
0x31f: {  	v6 =	vmul.f32 v6, v26;
	v7 =	vmul.f32 v7, v26;
	v28 =	vadd.f32 v28, v34;
	v34 =	vld [tilespmem:s30+$0xFFFFFFF0]  }
0x320: {  	s31 =	simm.s32 $0x8530;
	v8 =	vmul.f32 v8, v26;
	v27 =	vadd.f32 v27, v29;
	v29 =	vadd.f32 v15, v31;
	v13 =	vld [tilespmem:s30+$0x0]  }
0x321: {  	v9 =	vmul.f32 v9, v26;
	v10 =	vmul.f32 v10, v26;
	v14 =	vld [tilespmem:s31+$0xFFFFFF90];
	v5 =	vadd.f32 v5, v32  }
0x322: {  	s21 =	simm.s32 $0x40;
	v11 =	vmul.f32 v11, v26;
	v15 =	vld [tilespmem:s31+$0xFFFFFFA0];
	v25 =	vadd.f32 v25, v27;
	v27 =	vadd.f32 v22, v29  }
0x323: {  	v53 =	vld [tilespmem:s30+$0xFFFFFF10];
	v29 =	vadd.f32 v49, v28;
	v28 =	vadd.f32 v50, v5;
	v5 =	vmov s21  }
0x324: {  	v6 =	vadd.f32 v6, v35;
	v7 =	vadd.f32 v7, v36;
	v22 =	vld.idx.msk [tilespmem:v54+s4+$0x0], $0xffff;
	v5 =	vand.u32 $0xFFFFFFFE, v5  }
0x325: {  	v8 =	vadd.f32 v8, v37;
	v35 =	vld [tilespmem:s31+$0xFFFFFFB0];
	v9 =	vadd.f32 v9, v30;
	v5 =	vbroadcast v5, $0x0  }
0x326: {  	v36 =	vmul.f32 v60, v26;
	v60 =	vadd.f32 v10, v41;
	v11 =	vadd.f32 v11, v42;
	v54 =	vld [tilespmem:s30+$0xFFFFFF20]  }
0x327: {  	v30 =	vadd.f32 v48, v6;
	v6 =	vld [tilespmem:s31+$0xFFFFFFC0];
	v31 =	vadd.f32 v47, v7;
	v47 =	vmul.f32 v61, v26  }
0x328: {  	v7 =	vld [tilespmem:s31+$0xFFFFFFD0];
	v32 =	vadd.f32 v45, v8;
	v61 =	vmul.f32 v62, v21;
	v62 =	vmul.f32 v63, v21  }
0x329: {  	v26 =	vadd.f32 v46, v9;
	v8 =	vld [tilespmem:s31+$0xFFFFFFE0];
	v52 =	vmul.f32 v12, v22;
	v51 =	vmul.f32 v55, v22  }
0x32a: {  	v63 =	vadd.f32 v36, v39;
	v50 =	vmul.f32 v59, v22;
	v49 =	vmul.f32 v56, v22;
	v56 =	vld [tilespmem:s30+$0xFFFFFF30]  }
0x32b: {  	v36 =	vadd.f32 v44, v60;
	v48 =	vmul.f32 v57, v22;
	v21 =	vmul.f32 v58, v22;
	v39 =	vld.idx.msk [tilespmem:v5+s4+$0x0], $0xffff  }
0x32c: {  	v37 =	vadd.f32 v43, v11;
	v59 =	vld [tilespmem:s30+$0xFFFFFF40];
	v46 =	vmul.f32 v34, v22;
	v45 =	vmul.f32 v14, v22  }
0x32d: {  	v55 =	vld [tilespmem:s30+$0xFFFFFF50];
	v44 =	vmul.f32 v15, v22;
	v42 =	vmul.f32 v35, v22;
	v5 =	vadd.f32 v47, v40  }
0x32e: {  	v34 =	vadd.f32 v61, v63;
	v57 =	vld [tilespmem:s30+$0xFFFFFF60];
	v43 =	vmul.f32 v6, v22;
	v41 =	vmul.f32 v7, v22  }
0x32f: {  	s0 =	simm.s32 $0x42;
	v58 =	vld [tilespmem:s30+$0xFFFFFF70];
	v47 =	vmul.f32 v13, v22;
	v40 =	vmul.f32 v8, v22;
	v35 =	vadd.f32 v62, v5  }
.LBB2_12:
0x330: {  	p0 =	slt.u32 s0, $0x5E;
	v5 =	vmul.f32 v53, v39;
	v6 =	vmul.f32 v54, v39;
	v7 =	vld [tilespmem:s30+$0xFFFFFF80]  }
0x331: {  	v8 =	vmul.f32 v56, v39;
	v9 =	vmul.f32 v59, v39;
	v10 =	vld [tilespmem:s31+$0xFFFFFF10]  }
0x332: {  	v5 =	vadd.f32 v5, v23;
	v6 =	vadd.f32 v6, v24;
	v11 =	vmul.f32 v55, v39;
	v12 =	vld [tilespmem:s31+$0xFFFFFF20]  }
0x333: {  	v8 =	vadd.f32 v8, v33;
	v9 =	vadd.f32 v9, v38;
	v13 =	vmul.f32 v57, v39;
	v14 =	vld [tilespmem:s31+$0xFFFFFF30]  }
0x334: {  	v15 =	vmul.f32 v58, v39;
	v53 =	vld [tilespmem:s31+$0xFFFFFF40];
	v23 =	vadd.f32 v52, v5;
	v24 =	vadd.f32 v51, v6  }
0x335: {  	v33 =	vadd.f32 v50, v8;
	v5 =	vmul.f32 v7, v39;
	v6 =	vld [tilespmem:s31+$0xFFFFFF50];
	v38 =	vadd.f32 v49, v9  }
0x336: {  	v7 =	vadd.f32 v11, v25;
	v8 =	vadd.f32 v13, v27;
	v9 =	vmul.f32 v10, v39;
	v10 =	vld [tilespmem:s31+$0xFFFFFF60]  }
0x337: {  	v11 =	vadd.f32 v15, v29;
	v5 =	vadd.f32 v5, v28;
	v12 =	vmul.f32 v12, v39;
	v13 =	vld [tilespmem:s31+$0xFFFFFF70]  }
0x338: {  	v25 =	vadd.f32 v48, v7;
	v27 =	vadd.f32 v21, v8;
	v14 =	vmul.f32 v14, v39;
	v15 =	vld [tilespmem:s31+$0xFFFFFF80]  }
0x339: {  	v29 =	vadd.f32 v46, v11;
	v7 =	vmul.f32 v53, v39;
	v28 =	vadd.f32 v47, v5;
	v5 =	vld [tilespmem:s31+$0xFFFFFFF0]  }
0x33a: {  	s30 =	sadd.s32 $0x100, s30;
	v8 =	vadd.f32 v9, v30;
	v9 =	vadd.f32 v12, v31;
	v6 =	vmul.f32 v6, v39;
	v11 =	vld [tilespmem:s31+$0x0]  }
0x33b: {  	v14 =	vadd.f32 v14, v32;
	v12 =	vld [tilespmem:s30+$0xFFFFFF90];
	v7 =	vadd.f32 v7, v26;
	v10 =	vmul.f32 v10, v39  }
0x33c: {  	v30 =	vadd.f32 v45, v8;
	v31 =	vadd.f32 v44, v9;
	v21 =	vld [tilespmem:s30+$0xFFFFFFA0];
	v13 =	vmul.f32 v13, v39  }
0x33d: {  	v32 =	vadd.f32 v42, v14;
	v8 =	vld [tilespmem:s30+$0xFFFFFFB0];
	v9 =	vmul.f32 v15, v39;
	v26 =	vadd.f32 v43, v7  }
0x33e: {  	v6 =	vadd.f32 v6, v36;
	v10 =	vadd.f32 v10, v37;
	v7 =	vld [tilespmem:s30+$0xFFFFFFC0];
	v5 =	vmul.f32 v5, v22  }
0x33f: {  	s11 =	sadd.s32 $0x1, s0;
	v13 =	vadd.f32 v13, v34;
	v14 =	vld [tilespmem:s30+$0xFFFFFFD0];
	v9 =	vadd.f32 v9, v35;
	v11 =	vmul.f32 v11, v22  }
0x340: {  	v15 =	vmov s11;
	v36 =	vadd.f32 v41, v6;
	v37 =	vadd.f32 v40, v10;
	v42 =	vld [tilespmem:s30+$0xFFFFFFE0]  }
0x341: {  	v34 =	vadd.f32 v5, v13;
	v6 =	vld [tilespmem:s30+$0xFFFFFFF0];
	v35 =	vadd.f32 v11, v9  }
0x342: {  	s31 =	sadd.s32 $0x100, s31;
	v5 =	vld [tilespmem:s30+$0x0]  }
0x343: {  	v9 =	vld [tilespmem:s31+$0xFFFFFF90]  }
0x344: {  	v10 =	vmov s0;
	v11 =	vld [tilespmem:s31+$0xFFFFFFA0]  }
0x345: {  	v10 =	vand.u32 $0xFFFFFFFE, v10;
	v22 =	vld.idx.msk [tilespmem:v15+s4+$0x0], $0xffff  }
0x346: {  	v10 =	vbroadcast v10, $0x0;
	v13 =	vld [tilespmem:s31+$0xFFFFFFB0]  }
0x347: {  	v15 =	vld [tilespmem:s31+$0xFFFFFFC0]  }
0x348: {  	v40 =	vld [tilespmem:s31+$0xFFFFFFD0]  }
0x349: {  	v60 =	vld [tilespmem:s31+$0xFFFFFFE0]  }
0x34a: {  	v53 =	vld [tilespmem:s30+$0xFFFFFF10]  }
0x34b: {  	v52 =	vmul.f32 v12, v22;
	v51 =	vmul.f32 v21, v22;
	v54 =	vld [tilespmem:s30+$0xFFFFFF20]  }
0x34c: {  	v50 =	vmul.f32 v8, v22;
	v49 =	vmul.f32 v7, v22;
	v39 =	vld.idx.msk [tilespmem:v10+s4+$0x0], $0xffff  }
.Ltmp5:
0x34d: {  	v48 =	vmul.f32 v14, v22;
	v21 =	vmul.f32 v42, v22;
	v56 =	vld [tilespmem:s30+$0xFFFFFF30];
	(pc) =	sbr.rel @p0 .LBB2_12-.Ltmp5, $4  }
0x34e: {  	v46 =	vmul.f32 v6, v22;
	v47 =	vmul.f32 v5, v22;
	v59 =	vld [tilespmem:s30+$0xFFFFFF40]  }
0x34f: {  	v45 =	vmul.f32 v9, v22;
	v44 =	vmul.f32 v11, v22;
	v55 =	vld [tilespmem:s30+$0xFFFFFF50]  }
0x350: {  	v42 =	vmul.f32 v13, v22;
	v43 =	vmul.f32 v15, v22;
	v57 =	vld [tilespmem:s30+$0xFFFFFF60]  }
0x351: {  	s0 =	sadd.s32 $0x2, s0;
	v41 =	vmul.f32 v40, v22;
	v40 =	vmul.f32 v60, v22;
	v58 =	vld [tilespmem:s30+$0xFFFFFF70]  }
0x352: {  	v5 =	vld [tilespmem:s30+$0xFFFFFF80]  }
0x353: {  	v6 =	vld [tilespmem:s31+$0xFFFFFF10]  }
0x354: {  	v7 =	vld [tilespmem:s31+$0xFFFFFF20]  }
0x355: {  	v8 =	vld [tilespmem:s31+$0xFFFFFF30]  }
0x356: {  	v9 =	vld [tilespmem:s31+$0xFFFFFF40]  }
0x357: {  	v10 =	vld [tilespmem:s31+$0xFFFFFF50]  }
0x358: {  	v11 =	vld [tilespmem:s31+$0xFFFFFF60]  }
0x359: {  	v12 =	vld [tilespmem:s31+$0xFFFFFF70]  }
0x35a: {  	v13 =	vld [tilespmem:s31+$0xFFFFFF80]  }
0x35b: {  	v14 =	vld [tilespmem:s31+$0xFFFFFFF0]  }
0x35c: {  	v15 =	vld [tilespmem:s31+$0x0];
	_ =	swait.ge [sflag:s10], $0x1000  }
0x35d: {  	[sflag:s10] =	ssyncset.done $0x0  }
0x35e: {  	[sflag:s10] =	ssyncadd.s32 $0xFFFFF000  }
0x35f: {  	_ =	swait.ge [sflag:s19], $0x1000  }
0x360: {  	[sflag:s19] =	ssyncset.done $0x0  }
0x361: {  	v53 =	vmul.f32 v53, v39;
	v56 =	vmul.f32 v56, v39;
	s30 =	simm.s32 $0x5530;
	[sflag:s19] =	ssyncadd.s32 $0xFFFFF000  }
0x362: {  	v54 =	vmul.f32 v54, v39;
	v59 =	vmul.f32 v59, v39;
	v60 =	vld [tilespmem:s30+$0xFFFFFF90]  }
0x363: {  	v23 =	vadd.f32 v53, v23;
	v33 =	vadd.f32 v56, v33;
	v56 =	vld [tilespmem:s30+$0xFFFFFFA0]  }
0x364: {  	v24 =	vadd.f32 v54, v24;
	v53 =	vadd.f32 v59, v38;
	v59 =	vld [tilespmem:s30+$0xFFFFFFB0]  }
0x365: {  	v61 =	vmul.f32 v55, v39;
	v62 =	vmul.f32 v57, v39;
	v23 =	vadd.f32 v52, v23;
	v55 =	vld [tilespmem:s30+$0xFFFFFFC0]  }
0x366: {  	s0 =	simm.s32 $0x61;
	v63 =	vmul.f32 v58, v39;
	v38 =	vadd.f32 v50, v33;
	v5 =	vmul.f32 v5, v39;
	v57 =	vld [tilespmem:s30+$0xFFFFFFD0]  }
0x367: {  	v33 =	vadd.f32 v49, v53;
	v53 =	vmov s0;
	v6 =	vmul.f32 v6, v39;
	v58 =	vld [tilespmem:s30+$0xFFFFFFE0]  }
0x368: {  	v25 =	vadd.f32 v61, v25;
	v7 =	vmul.f32 v7, v39;
	v8 =	vmul.f32 v8, v39;
	v61 =	vld [tilespmem:s30+$0xFFFFFFF0]  }
0x369: {  	s31 =	simm.s32 $0x9530;
	v27 =	vadd.f32 v62, v27;
	v9 =	vmul.f32 v9, v39;
	v10 =	vmul.f32 v10, v39;
	v62 =	vld [tilespmem:s30+$0x0]  }
0x36a: {  	v11 =	vmul.f32 v11, v39;
	v54 =	vadd.f32 v63, v29;
	v63 =	vld [tilespmem:s31+$0xFFFFFF90];
	v5 =	vadd.f32 v5, v28  }
0x36b: {  	s21 =	simm.s32 $0x60;
	v12 =	vmul.f32 v12, v39;
	v16 =	vld [tilespmem:s31+$0xFFFFFFA0];
	v28 =	vadd.f32 v48, v25;
	v29 =	vadd.f32 v21, v27  }
0x36c: {  	v6 =	vadd.f32 v6, v30;
	v25 =	vadd.f32 v47, v5;
	v5 =	vmov s21;
	v21 =	vld.idx.msk [tilespmem:v53+s4+$0x0], $0xffff  }
0x36d: {  	v17 =	vld [tilespmem:s31+$0xFFFFFFB0];
	v7 =	vadd.f32 v7, v31;
	v8 =	vadd.f32 v8, v32;
	v5 =	vand.u32 $0xFFFFFFFE, v5  }
0x36e: {  	v9 =	vadd.f32 v9, v26;
	v27 =	vadd.f32 v46, v54;
	v54 =	vld [tilespmem:s30+$0xFFFFFF20];
	v5 =	vbroadcast v5, $0x0  }
0x36f: {  	v13 =	vmul.f32 v13, v39;
	v31 =	vadd.f32 v45, v6;
	v6 =	vld [tilespmem:s31+$0xFFFFFFC0];
	v32 =	vadd.f32 v44, v7  }
0x370: {  	v7 =	vld [tilespmem:s31+$0xFFFFFFD0];
	v26 =	vadd.f32 v43, v9;
	v43 =	vadd.f32 v10, v36;
	v10 =	vmul.f32 v14, v22  }
0x371: {  	v30 =	vadd.f32 v42, v8;
	v8 =	vld [tilespmem:s31+$0xFFFFFFE0];
	v14 =	vmul.f32 v15, v22;
	v52 =	vmul.f32 v60, v21  }
0x372: {  	v24 =	vadd.f32 v51, v24;
	v53 =	vld [tilespmem:s30+$0xFFFFFF10];
	v50 =	vmul.f32 v56, v21;
	v51 =	vmul.f32 v59, v21  }
0x373: {  	v11 =	vadd.f32 v11, v37;
	v49 =	vmul.f32 v55, v21;
	v55 =	vld [tilespmem:s30+$0xFFFFFF30];
	v48 =	vmul.f32 v57, v21  }
0x374: {  	v12 =	vadd.f32 v12, v34;
	v46 =	vmul.f32 v58, v21;
	v47 =	vmul.f32 v61, v21;
	v37 =	vld.idx.msk [tilespmem:v5+s4+$0x0], $0xffff  }
0x375: {  	v34 =	vadd.f32 v41, v43;
	v59 =	vld [tilespmem:s30+$0xFFFFFF40];
	v45 =	vmul.f32 v62, v21;
	v44 =	vmul.f32 v63, v21  }
0x376: {  	v58 =	vld [tilespmem:s30+$0xFFFFFF50];
	v43 =	vmul.f32 v16, v21;
	v42 =	vmul.f32 v17, v21;
	v5 =	vadd.f32 v13, v35  }
0x377: {  	v22 =	vadd.f32 v10, v12;
	v57 =	vld [tilespmem:s30+$0xFFFFFF60];
	v41 =	vmul.f32 v6, v21;
	v39 =	vmul.f32 v8, v21  }
0x378: {  	s0 =	simm.s32 $0x62;
	v56 =	vld [tilespmem:s30+$0xFFFFFF70];
	v35 =	vadd.f32 v40, v11;
	v40 =	vmul.f32 v7, v21;
	v36 =	vadd.f32 v14, v5  }
.LBB2_14:
0x379: {  	p0 =	slt.u32 s0, $0x7E;
	v5 =	vmul.f32 v53, v37;
	v6 =	vmul.f32 v54, v37;
	v7 =	vld [tilespmem:s30+$0xFFFFFF80]  }
0x37a: {  	v8 =	vmul.f32 v55, v37;
	v9 =	vmul.f32 v59, v37;
	v10 =	vld [tilespmem:s31+$0xFFFFFF10]  }
0x37b: {  	v5 =	vadd.f32 v5, v23;
	v6 =	vadd.f32 v6, v24;
	v11 =	vmul.f32 v58, v37;
	v12 =	vld [tilespmem:s31+$0xFFFFFF20]  }
0x37c: {  	v8 =	vadd.f32 v8, v38;
	v9 =	vadd.f32 v9, v33;
	v13 =	vmul.f32 v57, v37;
	v14 =	vld [tilespmem:s31+$0xFFFFFF30]  }
0x37d: {  	v15 =	vmul.f32 v56, v37;
	v16 =	vld [tilespmem:s31+$0xFFFFFF40];
	v23 =	vadd.f32 v52, v5;
	v24 =	vadd.f32 v50, v6  }
0x37e: {  	v38 =	vadd.f32 v51, v8;
	v5 =	vmul.f32 v7, v37;
	v6 =	vld [tilespmem:s31+$0xFFFFFF50];
	v33 =	vadd.f32 v49, v9  }
0x37f: {  	v7 =	vadd.f32 v11, v28;
	v8 =	vadd.f32 v13, v29;
	v9 =	vmul.f32 v10, v37;
	v10 =	vld [tilespmem:s31+$0xFFFFFF60]  }
0x380: {  	v11 =	vadd.f32 v15, v27;
	v5 =	vadd.f32 v5, v25;
	v12 =	vmul.f32 v12, v37;
	v13 =	vld [tilespmem:s31+$0xFFFFFF70]  }
0x381: {  	v28 =	vadd.f32 v48, v7;
	v29 =	vadd.f32 v46, v8;
	v14 =	vmul.f32 v14, v37;
	v15 =	vld [tilespmem:s31+$0xFFFFFF80]  }
0x382: {  	v27 =	vadd.f32 v47, v11;
	v7 =	vmul.f32 v16, v37;
	v25 =	vadd.f32 v45, v5;
	v5 =	vld [tilespmem:s31+$0xFFFFFFF0]  }
0x383: {  	s30 =	sadd.s32 $0x100, s30;
	v8 =	vadd.f32 v9, v31;
	v9 =	vadd.f32 v12, v32;
	v6 =	vmul.f32 v6, v37;
	v11 =	vld [tilespmem:s31+$0x0]  }
0x384: {  	v14 =	vadd.f32 v14, v30;
	v12 =	vld [tilespmem:s30+$0xFFFFFF90];
	v7 =	vadd.f32 v7, v26;
	v10 =	vmul.f32 v10, v37  }
0x385: {  	v31 =	vadd.f32 v44, v8;
	v32 =	vadd.f32 v43, v9;
	v16 =	vld [tilespmem:s30+$0xFFFFFFA0];
	v13 =	vmul.f32 v13, v37  }
0x386: {  	v30 =	vadd.f32 v42, v14;
	v8 =	vld [tilespmem:s30+$0xFFFFFFB0];
	v9 =	vmul.f32 v15, v37;
	v26 =	vadd.f32 v41, v7  }
0x387: {  	v6 =	vadd.f32 v6, v34;
	v10 =	vadd.f32 v10, v35;
	v7 =	vld [tilespmem:s30+$0xFFFFFFC0];
	v5 =	vmul.f32 v5, v21  }
0x388: {  	s11 =	sadd.s32 $0x1, s0;
	v13 =	vadd.f32 v13, v22;
	v14 =	vld [tilespmem:s30+$0xFFFFFFD0];
	v9 =	vadd.f32 v9, v36;
	v11 =	vmul.f32 v11, v21  }
0x389: {  	v15 =	vmov s11;
	v34 =	vadd.f32 v40, v6;
	v35 =	vadd.f32 v39, v10;
	v17 =	vld [tilespmem:s30+$0xFFFFFFE0]  }
0x38a: {  	v22 =	vadd.f32 v5, v13;
	v6 =	vld [tilespmem:s30+$0xFFFFFFF0];
	v36 =	vadd.f32 v11, v9  }
0x38b: {  	s31 =	sadd.s32 $0x100, s31;
	v5 =	vld [tilespmem:s30+$0x0]  }
0x38c: {  	v9 =	vld [tilespmem:s31+$0xFFFFFF90]  }
0x38d: {  	v10 =	vmov s0;
	v11 =	vld [tilespmem:s31+$0xFFFFFFA0]  }
0x38e: {  	v10 =	vand.u32 $0xFFFFFFFE, v10;
	v21 =	vld.idx.msk [tilespmem:v15+s4+$0x0], $0xffff  }
0x38f: {  	v10 =	vbroadcast v10, $0x0;
	v13 =	vld [tilespmem:s31+$0xFFFFFFB0]  }
0x390: {  	v15 =	vld [tilespmem:s31+$0xFFFFFFC0]  }
0x391: {  	v39 =	vld [tilespmem:s31+$0xFFFFFFD0]  }
0x392: {  	v60 =	vld [tilespmem:s31+$0xFFFFFFE0]  }
0x393: {  	v53 =	vld [tilespmem:s30+$0xFFFFFF10]  }
0x394: {  	v52 =	vmul.f32 v12, v21;
	v50 =	vmul.f32 v16, v21;
	v54 =	vld [tilespmem:s30+$0xFFFFFF20]  }
0x395: {  	v51 =	vmul.f32 v8, v21;
	v49 =	vmul.f32 v7, v21;
	v37 =	vld.idx.msk [tilespmem:v10+s4+$0x0], $0xffff  }
.Ltmp6:
0x396: {  	v48 =	vmul.f32 v14, v21;
	v46 =	vmul.f32 v17, v21;
	v55 =	vld [tilespmem:s30+$0xFFFFFF30];
	(pc) =	sbr.rel @p0 .LBB2_14-.Ltmp6, $4  }
0x397: {  	v47 =	vmul.f32 v6, v21;
	v45 =	vmul.f32 v5, v21;
	v59 =	vld [tilespmem:s30+$0xFFFFFF40]  }
0x398: {  	v44 =	vmul.f32 v9, v21;
	v43 =	vmul.f32 v11, v21;
	v58 =	vld [tilespmem:s30+$0xFFFFFF50]  }
0x399: {  	v42 =	vmul.f32 v13, v21;
	v41 =	vmul.f32 v15, v21;
	v57 =	vld [tilespmem:s30+$0xFFFFFF60]  }
0x39a: {  	s0 =	sadd.s32 $0x2, s0;
	v40 =	vmul.f32 v39, v21;
	v39 =	vmul.f32 v60, v21;
	v56 =	vld [tilespmem:s30+$0xFFFFFF70]  }
0x39b: {  	v5 =	vld [tilespmem:s30+$0xFFFFFF80]  }
0x39c: {  	v6 =	vld [tilespmem:s31+$0xFFFFFF10]  }
0x39d: {  	v7 =	vld [tilespmem:s31+$0xFFFFFF20]  }
0x39e: {  	v8 =	vld [tilespmem:s31+$0xFFFFFF30]  }
0x39f: {  	v9 =	vld [tilespmem:s31+$0xFFFFFF40];
	v10 =	vmul.f32 v53, v37  }
0x3a0: {  	v11 =	vld [tilespmem:s31+$0xFFFFFF50];
	v12 =	vmul.f32 v54, v37  }
0x3a1: {  	v13 =	vld [tilespmem:s31+$0xFFFFFF60];
	v14 =	vmul.f32 v55, v37;
	v10 =	vadd.f32 v10, v23  }
0x3a2: {  	v15 =	vld [tilespmem:s31+$0xFFFFFF70];
	v16 =	vmul.f32 v59, v37;
	v12 =	vadd.f32 v12, v24  }
0x3a3: {  	v17 =	vld [tilespmem:s31+$0xFFFFFF80];
	v14 =	vadd.f32 v14, v38;
	v23 =	vmul.f32 v58, v37;
	v10 =	vadd.f32 v52, v10  }
0x3a4: {  	v54 =	vld [tilespmem:s31+$0xFFFFFFF0];
	v16 =	vadd.f32 v16, v33;
	v55 =	vmul.f32 v57, v37;
	v12 =	vadd.f32 v50, v12  }
0x3a5: {  	v57 =	vld [tilespmem:s31+$0x0];
	v14 =	vadd.f32 v51, v14;
	v23 =	vadd.f32 v23, v28;
	v58 =	vmul.f32 v56, v37;
	[tilespmem:$0x1100] =	vst v10  }
0x3a6: {  	v5 =	vmul.f32 v5, v37;
	v16 =	vadd.f32 v49, v16;
	v59 =	vadd.f32 v55, v29;
	[tilespmem:$0x1110] =	vst v12  }
0x3a7: {  	v6 =	vmul.f32 v6, v37;
	v10 =	vadd.f32 v58, v27;
	v60 =	vadd.f32 v48, v23;
	[tilespmem:$0x1120] =	vst v14  }
0x3a8: {  	v7 =	vmul.f32 v7, v37;
	v5 =	vadd.f32 v5, v25;
	v61 =	vadd.f32 v46, v59;
	[tilespmem:$0x1130] =	vst v16  }
0x3a9: {  	v8 =	vmul.f32 v8, v37;
	v6 =	vadd.f32 v6, v31;
	v10 =	vadd.f32 v47, v10;
	[tilespmem:$0x1140] =	vst v60  }
0x3aa: {  	v9 =	vmul.f32 v9, v37;
	v7 =	vadd.f32 v7, v32;
	v5 =	vadd.f32 v45, v5;
	[tilespmem:$0x1150] =	vst v61  }
0x3ab: {  	v11 =	vmul.f32 v11, v37;
	v8 =	vadd.f32 v8, v30;
	v6 =	vadd.f32 v44, v6;
	[tilespmem:$0x1160] =	vst v10  }
0x3ac: {  	v62 =	vmul.f32 v13, v37;
	v9 =	vadd.f32 v9, v26;
	v7 =	vadd.f32 v43, v7;
	[tilespmem:$0x1170] =	vst v5  }
0x3ad: {  	v11 =	vadd.f32 v11, v34;
	v8 =	vadd.f32 v42, v8;
	v5 =	vmul.f32 v15, v37;
	[tilespmem:$0x1180] =	vst v6  }
0x3ae: {  	v9 =	vadd.f32 v41, v9;
	v10 =	vadd.f32 v62, v35;
	v6 =	vmul.f32 v17, v37;
	[tilespmem:$0x1190] =	vst v7  }
0x3af: {  	v11 =	vadd.f32 v40, v11;
	v7 =	vmul.f32 v54, v21;
	[tilespmem:$0x11A0] =	vst v8;
	v5 =	vadd.f32 v5, v22  }
0x3b0: {  	v63 =	vmul.f32 v57, v21;
	[tilespmem:$0x11B0] =	vst v9;
	v10 =	vadd.f32 v39, v10;
	v6 =	vadd.f32 v6, v36  }
0x3b1: {  	s0 =	sor.u32 s13, s25;
	[tilespmem:$0x11C0] =	vst v11;
	v5 =	vadd.f32 v7, v5  }
0x3b2: {  	s11 =	rddreg [dreg:$0x2];
	s30 =	simm.s32 $0x0;
	s24 =	sadd.s32 $0x1, s24;
	[tilespmem:$0x11D0] =	vst v10;
	v6 =	vadd.f32 v63, v6  }
0x3b3: {  	s0 =	sshrl.u32 s0, $0x3;
	p0 =	sne.s32 s24, $0x10;
	s31 =	smul.f32 $5.000000000e-01, s20;
	[tilespmem:$0x11E0] =	vst v5  }
.Ltmp7:
0x3b4: {  	s21 =	simm.s32 $0x15C0;
	s0 =	sadd.s32 s11, s0;
	[tilespmem:$0x11F0] =	vst v6;
	(pc) =	sbr.rel @p0 .LBB2_1-.Ltmp7, $4  }
0x3b5: {  	[hbm4b:s0+s30] =	stream.linear.scatter [tilespmem:s21], [sflag:$0x9], $0x40, $0x38;
	[tilespmem:$0xA620] =	vst v63  }
0x3b6: {  	_ =	swait.ge [sflag:s12], $0x40  }
0x3b7: {  	s20 =	sadd.f32 s29, s31;
	[sflag:s12] =	ssyncset.done $0x0  }
0x3b8: {  	[sflag:s12] =	ssyncadd.s32 $0xFFFFFFC0  }
0x3b9: {  	p0 =	seq.f32 s20, $0.0e+00;
	_ =	sdelay $0x1  }
0x3ba: {  	s20 =	simm.s32 @p0 $0x3F800000  }
0x3bb: {  	v0 =	vmov s20  }
0x3bc: {  	(erf) = vrcp.f32 v0;
	_ =	sdelay $0x4  }
0x3bd: {  	v40 =	vld [tilespmem:$0x1200]  }
0x3be: {  	v1 =	vld [tilespmem:$0x1210]  }
0x3bf: {  	v2 =	vld [tilespmem:$0x1220]  }
0x3c0: {  	v3 =	vld [tilespmem:$0x1230]  }
0x3c1: {  	v5 =	vld [tilespmem:$0x1240];
	v4 =	vpop (erf)  }
0x3c2: {  	v6 =	vld [tilespmem:$0x1250];
	v0 =	vmul.f32 v40, v4  }
0x3c3: {  	v7 =	vld [tilespmem:$0x1260];
	v1 =	vmul.f32 v1, v4  }
0x3c4: {  	v42 =	vld [tilespmem:$0x1270];
	v41 =	vmul.f32 v2, v4;
	[tilespmem:$0x1400] =	vst v0  }
0x3c5: {  	v44 =	vld [tilespmem:$0x1280];
	v43 =	vmul.f32 v3, v4;
	[tilespmem:$0x1410] =	vst v1  }
0x3c6: {  	v46 =	vld [tilespmem:$0x1290];
	v45 =	vmul.f32 v5, v4;
	[tilespmem:$0x1420] =	vst v41  }
0x3c7: {  	v48 =	vld [tilespmem:$0x12A0];
	v47 =	vmul.f32 v6, v4;
	[tilespmem:$0x1430] =	vst v43  }
0x3c8: {  	v50 =	vld [tilespmem:$0x12B0];
	v49 =	vmul.f32 v7, v4;
	[tilespmem:$0x1440] =	vst v45  }
0x3c9: {  	v52 =	vld [tilespmem:$0x12C0];
	v51 =	vmul.f32 v42, v4;
	[tilespmem:$0x1450] =	vst v47  }
0x3ca: {  	v54 =	vld [tilespmem:$0x12D0];
	v53 =	vmul.f32 v44, v4;
	[tilespmem:$0x1460] =	vst v49  }
0x3cb: {  	v56 =	vld [tilespmem:$0x12E0];
	v55 =	vmul.f32 v46, v4;
	[tilespmem:$0x1470] =	vst v51  }
0x3cc: {  	v58 =	vld [tilespmem:$0x12F0];
	v57 =	vmul.f32 v48, v4;
	[tilespmem:$0x1480] =	vst v53  }
0x3cd: {  	v59 =	vmul.f32 v50, v4;
	[tilespmem:$0x1490] =	vst v55  }
0x3ce: {  	v60 =	vmul.f32 v52, v4;
	[tilespmem:$0x14A0] =	vst v57  }
0x3cf: {  	v61 =	vmul.f32 v54, v4;
	[tilespmem:$0x14B0] =	vst v59  }
0x3d0: {  	v62 =	vmul.f32 v56, v4;
	[tilespmem:$0x14C0] =	vst v60  }
0x3d1: {  	s4 =	rddreg [dreg:$0xa];
	v63 =	vmul.f32 v58, v4;
	[tilespmem:$0x14D0] =	vst v61  }
0x3d2: {  	s0 =	rddreg [dreg:$0x3];
	s1 =	simm.s32 $0x0;
	[tilespmem:$0x14E0] =	vst v62  }
0x3d3: {  	s2 =	simm.s32 $0x1400;
	s26 =	simm.s32 $0x9;
	s0 =	sadd.s32 s0, s4;
	[tilespmem:$0x14F0] =	vst v63  }
0x3d4: {  	[hbm4b:s0+s1] =	stream.linear.scatter [tilespmem:s2], [sflag:$0x9], $0x100, $0x38;
	[tilespmem:$0xA620] =	vst v63  }
0x3d5: {  	_ =	swait.ge [sflag:s26], $0x100  }
0x3d6: {  	[sflag:s26] =	ssyncset.done $0x0  }
0x3d7: {  	s28 =	rddreg [dreg:$0x4]  }
0x3d8: {  	s3 =	simm.s32 $0x1300;
	[sflag:s26] =	ssyncadd.s32 $0xFFFFFF00;
	s2 =	sadd.s32 s28, s4  }
0x3d9: {  	[hbm4b:s2+s1] =	stream.linear.scatter [tilespmem:s3], [sflag:$0x9], $0x100, $0x38;
	[tilespmem:$0xA620] =	vst v63  }
0x3da: {  	_ =	swait.ge [sflag:s26], $0x100  }
0x3db: {  	[sflag:s26] =	ssyncset.done $0x0;
	s29 =	rddreg [dreg:$0xb]  }
0x3dc: {  	s30 =	simm.s32 $0x1200;
	s2 =	sadd.s32 s29, s4;
	[sflag:s26] =	ssyncadd.s32 $0xFFFFFF00  }
0x3dd: {  	[hbm4b:s2+s1] =	stream.linear.scatter [tilespmem:s30], [sflag:$0x9], $0x100, $0x38;
	[tilespmem:$0xA620] =	vst v63  }
0x3de: {  	_ =	swait.ge [sflag:s26], $0x100  }
0x3df: {  	[sflag:s26] =	ssyncset.done $0x0  }
0x3e0: {  	[sflag:s26] =	ssyncadd.s32 $0xFFFFFF00  }
0x3e1: {  	_ =	sfence.sel $0x180000  }
0x3e2: {  	[bflag:$0x0] =	sbarrier.arrive $0xFFFF  }
0x3e3: {  	_ =	strace $0x9000004D  }
0x3e4: {  	s31 =	stileid.u32;
	[bflag:$0x2] =	sbarrier.arrive $0xFFFF  }
0x3e5: {  	p0 =	sne.s32 s31, $0x0;
	s0 =	rddreg [dreg:$0x9]  }
0x3e6: {  	s0 =	sadd.s32 @!p0 $0x100000, s0  }
0x3e7: {  	[sflag:s0] =	ssyncadd.tile.s32 @!p0 $0x1;
	_ =	shalt  }
.Lfunc_end2:
_tile_overlayer_lowered:
.L_overlay_start_2:
0x3e8: {  	(tag) =	ssettag $0x2  }
0x3e9: {  	s0 =	rddreg [dreg:$0x0];
	s2 =	stileid.u32  }
0x3ea: {  	s1 =	rddreg [dreg:$0x1];
	p0 =	sne.s32 s2, $0x0  }
0x3eb: {  	s3 =	rddreg [dreg:$0x2];
	[bflag:$0x3] =	sbarrier.arrive $0xFFFF;
	s2 =	simm.s32 @!p0 $0x1C09  }
0x3ec: {  	[timem:s3], [sflag:s2] =	dma.local @!p0 [hbm:s0], s1  }
0x3ed: {  	s0 =	simm.s32 @!p0 $0x9  }
0x3ee: {  	_ =	swait.ge @!p0 [sflag:s0], s1  }
0x3ef: {  	s1 =	ssub.s32 @!p0 $0x0, s1;
	[sflag:s0] =	ssyncset.done @!p0 $0x0  }
0x3f0: {  	[sflag:s0] =	ssyncadd.s32 @!p0 s1  }
0x3f1: {  	[bflag:$0x3] =	sbarrier.arrive $0xFFFF  }
0x3f2: {  	_ =	shalt  }

// kernel: sparse-core-data-format-call.1.cloned.1.call-start
scs
called_computation.1_lowered:
.L_overlay_start_0:
0x0: {  	s2 =	sld [smem:$0x3FD9]  }
0x1: {  	s3 =	sld [smem:$0x3FFE];
	_ =	sdelay $0x1  }
0x2: {  	s1 =	srdreg.scid  }
0x3: {  	s0 =	sand.u32 $0x1, s1  }
0x4: {  	s18 =	sshll.u32 s0, $0xA;
	s2 =	sadd.s32 s3, s2  }
0x5: {  	s2 =	sadd.s32 s2, s18  }
0x6: {  	[smem:$0x3FC1] =	sst s2  }
0x7: {  	_ = 	snop  }
0x8: {  	s2 =	sld [smem:$0x3FC6];
	(tm) =	ssettm $0x1  }
0x9: {  	s19 =	sld [smem:$0x3FFB];
	_ =	sdelay $0x3  }
0xa: {  	_ =	strace s19  }
0xb: {  	s3 =	sld [smem:$0x3FFC];
	_ =	sdelay $0x3  }
0xc: {  	_ =	strace s3  }
0xd: {  	s3 =	sld [smem:$0x3FFD];
	_ =	sdelay $0x3  }
0xe: {  	_ =	strace s3  }
0xf: {  	_ =	strace $0x8FFFFFFF  }
0x10: {  	s20 =	sld [smem:$0x3FDB];
	_ =	sdelay $0x1  }
0x11: {  	s4 =	simm.s32 $_scs_section_size  }
0x12: {  	s5 =	simm.s32 $_size__tile_overlayer_lowered;
	s6 =	simm.s32 $_tile_overlayer_lowered  }
0x13: {  	s23 =	simm.s32 $0x1BFF;
	s22 =	sshll.u32 s6, $0x1;
	s3 =	sadd.s32 s4, s20  }
0x14: {  	s7 =	simm.s32 $0x0;
	s21 =	sshll.u32 s5, $0x1;
	s5 =	sadd.s32 s22, s3  }
0x15: {  	[timem:s7], [sflag:s23] =	dma.local [hbm:s5], s21  }
0x16: {  	_ =	swait.ge [sflag:s23], s21  }
0x17: {  	s4 =	ssub.s32 $0x0, s21;
	[sflag:s23] =	ssyncset.done $0x0  }
0x18: {  	[sflag:s23] =	ssyncadd.s32 s4;
	_ =	sdelay $0x1  }
0x19: {  	s24 =	simm.s32 $0x1B8B  }
0x1a: {  	_ =	swait.ge [sflag:s24], $0x1  }
0x1b: {  	[sflag:s24] =	ssyncset.done $0x0  }
0x1c: {  	s26 =	simm.s32 $0x1B8E;
	s25 =	sld [smem:$0x3FFE];
	[sflag:s24] =	ssyncadd.s32 $0xFFFFFFFF  }
0x1d: {  	s27 =	simm.s32 $execute0_lowered;
	[smem:$0x3FD2] =	sst s26  }
0x1e: {  	s5 =	sshll.u32 s27, $0x1;
	_ =	strace $0x80000046;
	[dreg:$0x1] =	wrdreg $0xFFFFFFFF  }
0x1f: {  	s28 =	simm.s32 $_size_execute0_lowered;
	s3 =	sadd.s32 s3, s5;
	[dreg:$0x0] =	wrdreg $0x0  }
0x20: {  	s5 =	sshll.u32 s28, $0x1;
	[dreg:$0x2] =	wrdreg s3  }
0x21: {  	[dreg:$0x3] =	wrdreg s5  }
0x22: {  	[dreg:$0x4] =	wrdreg $0xC0  }
0x23: {  	_ =	task [dreg:s7], $0x5FFFF  }
0x24: {  	[dreg:$0x1] =	wrdreg $0xFFFFFFFF  }
0x25: {  	[dreg:$0x0] =	wrdreg $0x60  }
0x26: {  	[dreg:$0x2] =	wrdreg s2  }
0x27: {  	[dreg:$0x3] =	wrdreg s25  }
0x28: {  	[dreg:$0x4] =	wrdreg $0x9  }
0x29: {  	_ =	task.clear_ibuf [dreg:s7], $0x5FFFF;
	_ =	strace $0x90000046  }
0x2a: {  	s29 =	simm.s32 $0x9;
	_ =	strace $0x80000048  }
0x2b: {  	_ =	swait.ge [sflag:s29], $0x1  }
0x2c: {  	[sflag:s29] =	ssyncadd.s32 $0xFFFFFFFF  }
0x2d: {  	_ =	strace $0x90000048  }
0x2e: {  	_ =	sfence  }
0x2f: {  	s30 =	sld [smem:$0x0];
	_ =	sdelay $0x2  }
0x30: {  	s31 =	sshll.u32 s1, $0xD;
	s1 =	sshrl.u32 s1, $0x2  }
0x31: {  	s3 =	sand.u32 $0x4000, s31;
	s1 =	sadd.s32 s1, s30  }
0x32: {  	s0 =	sor.u32 s3, s0;
	s1 =	sshll.u32 s1, $0x11  }
0x33: {  	s0 =	sor.u32 s1, s0  }
0x34: {  	s0 =	sadd.s32 $0x8F2B, s0  }
0x35: {  	[sflag:s0] =	ssyncadd.remote.s32 $0x1  }
0x36: {  	_ =	sfence.sel $0xFFFF  }
0x37: {  	[dreg:$0x0] =	wrdreg $0xFFFFFFFF;
	(pc) =	sbr.abs _section_cstart, $3  }
0x38: {  	[dreg:$0x1] =	wrdreg $0xFFFFFFFF  }
0x39: {  	_ =	task.clear_ibuf [dreg:s7], $0x2FFFF;
	_ =	strace $0x9FFFFFFF  }
0x3a: {  	(tm) =	ssettm $0x7FFFFFFF  }
0x3b: {  	_ =	shalt  }
tec
execute0_lowered:
.L_overlay_start_1:
0x0: {  	(tag) =	ssettag $0x1  }
0x1: {  	s0 =	srdreg.scid  }
0x2: {  	s1 =	sshll.u32 s0, $0x4  }
0x3: {  	s3 =	rddreg [dreg:$0x0];
	s0 =	stileid.u32;
	s1 =	sand.u32 $0x10, s1  }
0x4: {  	s6 =	rddreg [dreg:$0x1];
	s5 =	simm.s32 $0x1;
	s1 =	sor.u32 s0, s1  }
0x5: {  	s31 =	simm.s32 $0x2;
	s13 =	simm.s32 $0x0;
	s2 =	sshll.u32 s1, $0x7  }
0x6: {  	s8 =	simm.s32 $0x8000;
	s12 =	simm.s32 $0x0;
	s4 =	ssub.s32 $0x1000, s2  }
0x7: {  	s9 =	simm.s32 $0x0;
	s11 =	simm.s32 $0x0;
	s30 =	sand.u32 $0xF80, s4  }
.Ltmp0:
0x8: {  	s6 =	sadd.s32 $0x1A00, s6;
	p0 =	sne.s32 s30, $0x0;
	(pc) =	sbr.rel .LBB1_1-.Ltmp0, $4  }
0x9: {  	s1 =	rddreg [dreg:$0x2];
	s7 =	sshrl.u32 s4, $0xC;
	s5 =	simm.s32 @!p0 $0x0  }
0xa: {  	_ =	strace $0x80000047;
	s4 =	simm.s32 $0x1;
	s5 =	sadd.s32 s5, s7  }
0xb: {  	s10 =	smov.u32 s2;
	[sflag:s4] =	ssyncpa.u1 $0x0;
	s5 =	sshll.u32 s5, $0x5  }
0xc: {  	[sflag:s31] =	ssyncpa.u1 $0x0;
	p0 =	por $0x0, $0x0;
	s7 =	sor.u32 $0x1, s5  }
.LBB1_4:
0xd: {  	v5 =	vld [tilespmem:s16+$0xFFFFFFD0]  }
0xe: {  	[tilespmem:s17+$0x2040 ss:$0x81] =	vst.msk $0xffff, v1;
	v58 =	vld [tilespmem:s16+$0xFFFFFFE0]  }
0xf: {  	[tilespmem:s17+$0x2850 ss:$0x81] =	vst.msk $0xffff, v2;
	v59 =	vld [tilespmem:s16+$0xFFFFFFF0]  }
0x10: {  	s18 =	sshra.s32 s18, $0x2;
	[tilespmem:s17+$0x3060 ss:$0x81] =	vst.msk $0xffff, v3;
	v60 =	vld [tilespmem:s16+$0x0]  }
0x11: {  	[tilespmem:s17+$0x0 ss:$0x81] =	vst.msk $0xffff, v0;
	v61 =	vld [tilespmem:s16+$0x10];
	s15 =	sadd.s32 s18, s15  }
0x12: {  	s26 =	sshll.u32 s13, $0xC;
	v62 =	vld [tilespmem:s16+$0x20];
	[tilespmem:s15+$0x3870 ss:$0x81] =	vst.msk $0xffff, v4  }
0x13: {  	s27 =	sand.u32 $0x78, s12;
	s19 =	sshll.u32 s12, $0x3;
	v63 =	vld [tilespmem:s16+$0xFFFFFFC0];
	s29 =	sshll.u32 s13, $0x7;
	[tilespmem:s15+$0x810 ss:$0x81] =	vst.msk $0xffff, v5  }
0x14: {  	s17 =	sand.u32 $0xFF8000, s26;
	s28 =	sand.u32 $0xFFFC00, s19;
	s19 =	sand.u32 $0xC00, s19;
	[tilespmem:s15+$0x1020 ss:$0x81] =	vst.msk $0xffff, v58  }
0x15: {  	s13 =	sand.u32 $0x380, s29;
	s16 =	sadd.s32 s28, s17;
	s30 =	sor.u32 s27, s19;
	[tilespmem:s15+$0x1830 ss:$0x81] =	vst.msk $0xffff, v59  }
0x16: {  	s16 =	sand.u32 $0xFFF000, s16;
	s13 =	sor.u32 s13, s30;
	[tilespmem:s15+$0x2040 ss:$0x81] =	vst.msk $0xffff, v60  }
0x17: {  	s31 =	sand.u32 $0x7, s12;
	s13 =	sor.u32 s16, s13;
	[tilespmem:s15+$0x2850 ss:$0x81] =	vst.msk $0xffff, v61  }
0x18: {  	s12 =	sshll.u32 s31, $0x12;
	[tilespmem:s15+$0x3060 ss:$0x81] =	vst.msk $0xffff, v62;
	s13 =	sshrl.u32 s13, $0x3  }
0x19: {  	s12 =	sor.u32 $0x400, s12;
	[tilespmem:s15+$0x0 ss:$0x81] =	vst.msk $0xffff, v63;
	s13 =	sadd.s32 s6, s13  }
0x1a: {  	[hbm4b:s13+s12] =	stream.strided.scatter [tilespmem:s14], [sflag:$0x2], $0x4000, s8, s12, $0x20;
	[tilespmem:$0x10100] =	vst v63  }
.LBB1_5:
0x1b: {  	s14 =	sadd.s32 $0x80, s9  }
0x1c: {  	s12 =	sadd.s32 $0x1000, s10;
	s16 =	smov.u32 s10;
	p2 =	sgt.s32 s14, $0xFFF  }
0x1d: {  	s16 =	smov.u32 @p2 s12  }
0x1e: {  	s14 =	simm.s32 @p2 $0x0;
	p2 =	sgt.s32 s16, $0xFFF  }
0x1f: {  	s16 =	smov.u32 @p2 s2;
	p2 =	sne.s32 s11, s7  }
.Ltmp1:
0x20: {  	p1 =	slt.u32 s11, $0x2;
	(pc) =	sbr.rel @!p2 .LBB1_6-.Ltmp1, $4  }
0x21: {  	s15 =	simm.s32 @!p1 $0x2  }
0x22: {  	s13 =	smov.u32 s9;
	p0 =	por !p0, !p0;
	_ =	swait.ge @!p1 [sflag:s15], $0x4000  }
0x23: {  	s12 =	smov.u32 s10;
	[sflag:s15] =	ssyncset.done @!p1 $0x0;
	s9 =	smov.u32 s14  }
0x24: {  	s11 =	sadd.s32 $0x1, s11;
	[sflag:s15] =	ssyncadd.s32 @!p1 $0xFFFFC000;
	s10 =	smov.u32 s16  }
.LBB1_1:
0x25: {  	p1 =	sge.u32 s11, s5;
	s31 =	sadd.s32 $0xFFFFFFFF, s11  }
0x26: {  	s14 =	sand.u32 @!p1 $0x78, s9;
	s15 =	sshll.u32 @!p1 s10, $0xC;
	s16 =	sshll.u32 @!p1 s10, $0x7  }
0x27: {  	s17 =	sshll.u32 @!p1 s9, $0x3;
	s15 =	sand.u32 @!p1 $0xFF8000, s15;
	s16 =	sand.u32 @!p1 $0x380, s16  }
0x28: {  	s15 =	sadd.s32 @!p1 s15, s17;
	s17 =	sand.u32 @!p1 $0xC00, s17;
	s14 =	sor.u32 @!p1 s16, s14  }
0x29: {  	s16 =	sxor.u32 @!p1 $0xFFFFFFFF, s11;
	s15 =	sand.u32 @!p1 $0xFFF000, s15;
	s14 =	sor.u32 @!p1 s17, s14  }
0x2a: {  	s16 =	sshll.u32 @!p1 s16, $0xE;
	s14 =	sor.u32 @!p1 s15, s14;
	s15 =	sand.u32 @!p1 $0x7, s9  }
0x2b: {  	s17 =	simm.s32 @!p1 $0x8000;
	s14 =	sshrl.u32 @!p1 s14, $0x3;
	s15 =	sshll.u32 @!p1 s15, $0x12  }
0x2c: {  	s16 =	sand.u32 @!p1 $0x4000, s16;
	s14 =	sadd.s32 @!p1 s3, s14;
	s15 =	sor.u32 @!p1 $0x400, s15  }
0x2d: {  	[tilespmem:s16], [sflag:$0x1] =	stream.strided.gather @!p1 [hbm4b:s14+s15], $0x4000, s17, s15, $0x38;
	[tilespmem:$0x10100] =	vst v63  }
0x2e: {  	p1 =	sge.u32 s31, s5  }
.Ltmp2:
0x2f: {  	_ = 	snop;
	(pc) =	sbr.rel @p1 .LBB1_5-.Ltmp2, $1  }
0x30: {  	_ =	sdelay $0x3  }
0x31: {  	s14 =	simm.s32 $0x1  }
0x32: {  	_ =	swait.ge [sflag:s4], $0x4000;
	s14 =	simm.s32 @!p0 $0x0  }
0x33: {  	[sflag:s4] =	ssyncset.done $0x0;
	s15 =	sshll.u32 s14, $0xE  }
0x34: {  	[sflag:s4] =	ssyncadd.s32 $0xFFFFC000;
	s16 =	sor.u32 $0x40, s15  }
0x35: {  	s14 =	smul.u32 $0x10200, s14;
	v0 =	vld [tilespmem:s16+$0x30]  }
0x36: {  	v3 =	vld [tilespmem:s16+$0xFFFFFFD0]  }
0x37: {  	s14 =	sshrl.u32 s14, $0x2;
	v4 =	vld [tilespmem:s16+$0xFFFFFFE0]  }
0x38: {  	v5 =	vld [tilespmem:s16+$0xFFFFFFF0];
	s15 =	sor.u32 $0x8000, s14  }
0x39: {  	s31 =	sand.u32 $0x1, s11;
	v1 =	vld [tilespmem:s16+$0x0];
	s17 =	sadd.s32 $0x0, s15  }
0x3a: {  	v2 =	vld [tilespmem:s16+$0x10];
	s14 =	smul.u32 $0x10200, s31;
	[tilespmem:s17+$0x3870 ss:$0x81] =	vst.msk $0xffff, v0  }
0x3b: {  	[tilespmem:s17+$0x810 ss:$0x81] =	vst.msk $0xffff, v3;
	v3 =	vld [tilespmem:s16+$0x20]  }
0x3c: {  	s14 =	sshrl.u32 s14, $0x2;
	v0 =	vld [tilespmem:s16+$0xFFFFFFC0];
	[tilespmem:s17+$0x1020 ss:$0x81] =	vst.msk $0xffff, v4;
	s16 =	sadd.s32 $0x80, s16  }
0x3d: {  	s18 =	simm.s32 $0x4;
	s19 =	simm.s32 $0x8;
	s14 =	sor.u32 $0x8000, s14;
	[tilespmem:s17+$0x1830 ss:$0x81] =	vst.msk $0xffff, v5;
	v4 =	vld [tilespmem:s16+$0x30]  }
.LBB1_3:
0x3e: {  	p1 =	sne.s32 s19, $0x1FC;
	v5 =	vld [tilespmem:s16+$0xFFFFFFD0];
	[tilespmem:s17+$0x2040 ss:$0x81] =	vst.msk $0xffff, v1  }
0x3f: {  	v6 =	vld [tilespmem:s16+$0xFFFFFFE0];
	[tilespmem:s17+$0x2850 ss:$0x81] =	vst.msk $0xffff, v2  }
0x40: {  	s20 =	sshra.s32 s18, $0x2;
	s18 =	smov.u32 s19;
	v7 =	vld [tilespmem:s16+$0xFFFFFFF0];
	[tilespmem:s17+$0x3060 ss:$0x81] =	vst.msk $0xffff, v3  }
.Ltmp3:
0x41: {  	v1 =	vld [tilespmem:s16+$0x0];
	[tilespmem:s17+$0x0 ss:$0x81] =	vst.msk $0xffff, v0;
	s17 =	sadd.s32 s20, s15;
	(pc) =	sbr.rel @p1 .LBB1_3-.Ltmp3, $4  }
0x42: {  	v2 =	vld [tilespmem:s16+$0x10];
	[tilespmem:s17+$0x3870 ss:$0x81] =	vst.msk $0xffff, v4  }
0x43: {  	[tilespmem:s17+$0x810 ss:$0x81] =	vst.msk $0xffff, v5;
	v3 =	vld [tilespmem:s16+$0x20]  }
0x44: {  	v0 =	vld [tilespmem:s16+$0xFFFFFFC0];
	[tilespmem:s17+$0x1020 ss:$0x81] =	vst.msk $0xffff, v6;
	s16 =	sadd.s32 $0x80, s16  }
0x45: {  	s19 =	sadd.s32 $0x4, s19;
	v4 =	vld [tilespmem:s16+$0x30];
	[tilespmem:s17+$0x1830 ss:$0x81] =	vst.msk $0xffff, v7  }
.Ltmp4:
0x46: {  	_ = 	snop;
	(pc) =	sbr.rel .LBB1_4-.Ltmp4, $1  }
0x47: {  	_ =	sdelay $0x3  }
.LBB1_6:
0x48: {  	_ =	sfence.sel $0x180000  }
0x49: {  	s2 =	simm.s32 $0x1;
	[bflag:$0x0] =	sbarrier.arrive $0xFFFF  }
0x4a: {  	s31 =	simm.s32 $0x2;
	[sflag:s2] =	ssyncpa.u1 $0x1  }
0x4b: {  	[sflag:s31] =	ssyncpa.u1 $0x1  }
0x4c: {  	p0 =	sne.s32 s0, $0x0;
	_ =	strace $0x90000047  }
0x4d: {  	s0 =	sadd.s32 @!p0 $0x100000, s1;
	[bflag:$0x2] =	sbarrier.arrive $0xFFFF  }
0x4e: {  	[sflag:s0] =	ssyncadd.tile.s32 @!p0 $0x1;
	_ =	shalt  }
.Lfunc_end1:
_tile_overlayer_lowered:
.L_overlay_start_2:
0x4f: {  	(tag) =	ssettag $0x2  }
0x50: {  	s0 =	rddreg [dreg:$0x0];
	s2 =	stileid.u32  }
0x51: {  	s1 =	rddreg [dreg:$0x1];
	p0 =	sne.s32 s2, $0x0  }
0x52: {  	s3 =	rddreg [dreg:$0x2];
	[bflag:$0x3] =	sbarrier.arrive $0xFFFF;
	s2 =	simm.s32 @!p0 $0x1C01  }
0x53: {  	[timem:s3], [sflag:s2] =	dma.local @!p0 [hbm:s0], s1  }
0x54: {  	s0 =	simm.s32 @!p0 $0x1  }
0x55: {  	_ =	swait.ge @!p0 [sflag:s0], s1  }
0x56: {  	s1 =	ssub.s32 @!p0 $0x0, s1;
	[sflag:s0] =	ssyncset.done @!p0 $0x0  }
0x57: {  	[sflag:s0] =	ssyncadd.s32 @!p0 s1  }
0x58: {  	[bflag:$0x3] =	sbarrier.arrive $0xFFFF  }
0x59: {  	_ =	shalt  }

// kernel: sparse-core-data-format-call.cloned.1.call-start
scs
called_computation_lowered:
.L_overlay_start_0:
0x0: {  	s1 =	sld [smem:$0x3FD9]  }
0x1: {  	s2 =	sld [smem:$0x3FFE];
	_ =	sdelay $0x1  }
0x2: {  	s3 =	srdreg.scid  }
0x3: {  	s0 =	sand.u32 $0x1, s3  }
0x4: {  	s17 =	sshll.u32 s0, $0xA;
	s1 =	sadd.s32 s2, s1  }
0x5: {  	s1 =	sadd.s32 s1, s17  }
0x6: {  	[smem:$0x3FC1] =	sst s1  }
0x7: {  	_ = 	snop  }
0x8: {  	(tm) =	ssettm $0x1  }
0x9: {  	s18 =	sld [smem:$0x3FFB];
	_ =	sdelay $0x3  }
0xa: {  	_ =	strace s18  }
0xb: {  	s1 =	sld [smem:$0x3FFC];
	_ =	sdelay $0x3  }
0xc: {  	_ =	strace s1  }
0xd: {  	s1 =	sld [smem:$0x3FFD];
	_ =	sdelay $0x3  }
0xe: {  	_ =	strace s1  }
0xf: {  	_ =	strace $0x8FFFFFFF  }
0x10: {  	s19 =	sld [smem:$0x3FDB];
	_ =	sdelay $0x1  }
0x11: {  	s20 =	simm.s32 $_scs_section_size  }
0x12: {  	s4 =	simm.s32 $_size__tile_overlayer_lowered;
	s5 =	simm.s32 $_tile_overlayer_lowered  }
0x13: {  	s23 =	simm.s32 $0x1BFF;
	s22 =	sshll.u32 s5, $0x1;
	s1 =	sadd.s32 s20, s19  }
0x14: {  	s6 =	simm.s32 $0x0;
	s21 =	sshll.u32 s4, $0x1;
	s4 =	sadd.s32 s22, s1  }
0x15: {  	[timem:s6], [sflag:s23] =	dma.local [hbm:s4], s21  }
0x16: {  	_ =	swait.ge [sflag:s23], s21  }
0x17: {  	s2 =	ssub.s32 $0x0, s21;
	[sflag:s23] =	ssyncset.done $0x0  }
0x18: {  	[sflag:s23] =	ssyncadd.s32 s2;
	_ =	sdelay $0x1  }
0x19: {  	s24 =	simm.s32 $0x1B8B  }
0x1a: {  	_ =	swait.ge [sflag:s24], $0x1  }
0x1b: {  	[sflag:s24] =	ssyncset.done $0x0  }
0x1c: {  	s26 =	simm.s32 $0x1B8E;
	s25 =	sld [smem:$0x3FFE];
	[sflag:s24] =	ssyncadd.s32 $0xFFFFFFFF  }
0x1d: {  	s27 =	simm.s32 $execute0_lowered;
	[smem:$0x3FD2] =	sst s26  }
0x1e: {  	s4 =	sshll.u32 s27, $0x1;
	_ =	strace $0x80000049;
	[dreg:$0x1] =	wrdreg $0xFFFFFFFF  }
0x1f: {  	s28 =	simm.s32 $_size_execute0_lowered;
	s1 =	sadd.s32 s1, s4;
	[dreg:$0x0] =	wrdreg $0x0  }
0x20: {  	s4 =	sshll.u32 s28, $0x1;
	[dreg:$0x2] =	wrdreg s1  }
0x21: {  	[dreg:$0x3] =	wrdreg s4  }
0x22: {  	[dreg:$0x4] =	wrdreg $0xC0  }
0x23: {  	_ =	task [dreg:s6], $0x5FFFF  }
0x24: {  	[dreg:$0x1] =	wrdreg $0xFFFFFFFF  }
0x25: {  	[dreg:$0x0] =	wrdreg $0x60  }
0x26: {  	[dreg:$0x2] =	wrdreg s25  }
0x27: {  	[dreg:$0x3] =	wrdreg $0x9  }
0x28: {  	_ =	task.clear_ibuf [dreg:s6], $0x4FFFF;
	_ =	strace $0x90000049  }
0x29: {  	s29 =	simm.s32 $0x9;
	_ =	strace $0x8000004B  }
0x2a: {  	_ =	swait.ge [sflag:s29], $0x1  }
0x2b: {  	[sflag:s29] =	ssyncadd.s32 $0xFFFFFFFF  }
0x2c: {  	_ =	strace $0x9000004B  }
0x2d: {  	_ =	sfence  }
0x2e: {  	s30 =	sld [smem:$0x0];
	_ =	sdelay $0x2  }
0x2f: {  	s31 =	sshll.u32 s3, $0xD;
	s3 =	sshrl.u32 s3, $0x2  }
0x30: {  	s2 =	sand.u32 $0x4000, s31;
	s1 =	sadd.s32 s3, s30  }
0x31: {  	s0 =	sor.u32 s2, s0;
	s1 =	sshll.u32 s1, $0x11  }
0x32: {  	s0 =	sor.u32 s1, s0  }
0x33: {  	s0 =	sadd.s32 $0x8F2B, s0  }
0x34: {  	[sflag:s0] =	ssyncadd.remote.s32 $0x1  }
0x35: {  	_ =	sfence.sel $0xFFFF  }
0x36: {  	[dreg:$0x0] =	wrdreg $0xFFFFFFFF;
	(pc) =	sbr.abs _section_cstart, $3  }
0x37: {  	[dreg:$0x1] =	wrdreg $0xFFFFFFFF  }
0x38: {  	_ =	task.clear_ibuf [dreg:s6], $0x2FFFF;
	_ =	strace $0x9FFFFFFF  }
0x39: {  	(tm) =	ssettm $0x7FFFFFFF  }
tec
execute0_lowered:
.L_overlay_start_1:
0x0: {  	(tag) =	ssettag $0x1  }
0x1: {  	s1 =	rddreg [dreg:$0x0]  }
0x2: {  	s0 =	rddreg [dreg:$0x1]  }
0x3: {  	_ =	strace $0x8000004A;
	s4 =	srdreg.scid;
	s6 =	simm.s32 $0x2  }
0x4: {  	s11 =	simm.s32 $0x0;
	p0 =	por $0x0, $0x0;
	s7 =	simm.s32 $0x1000  }
.Ltmp0:
0x5: {  	s12 =	simm.s32 $0x0;
	s9 =	simm.s32 $0x0;
	(pc) =	sbr.rel .LBB1_1-.Ltmp0, $4  }
0x6: {  	s2 =	sadd.s32 $0x1A00, s1;
	s3 =	sadd.s32 $0x201A00, s1;
	s5 =	sshll.u32 s4, $0x4  }
0x7: {  	s1 =	stileid.u32;
	s4 =	simm.s32 $0x1;
	s5 =	sand.u32 $0x10, s5  }
0x8: {  	s8 =	simm.s32 $0x0;
	[sflag:s4] =	ssyncpa.u1 $0x0;
	s5 =	sor.u32 s1, s5  }
0x9: {  	[sflag:s6] =	ssyncpa.u1 $0x0;
	s6 =	simm.s32 $0x800;
	s10 =	smov.u32 s5  }
.LBB1_7:
0xa: {  	s13 =	sadd.s32 $0x10, s9  }
0xb: {  	s11 =	sadd.s32 $0x20, s10;
	s15 =	smov.u32 s10;
	p2 =	sgt.s32 s13, $0x1F  }
0xc: {  	p1 =	slt.u32 s8, $0x2;
	s15 =	smov.u32 @p2 s11  }
0xd: {  	s8 =	sadd.s32 $0x1, s8;
	s13 =	simm.s32 @p2 $0x0;
	p2 =	sgt.s32 s15, $0x1FF  }
0xe: {  	s15 =	smov.u32 @p2 s5;
	p2 =	sne.s32 s8, $0x22  }
.Ltmp1:
0xf: {  	_ = 	snop;
	(pc) =	sbr.rel @!p2 .LBB1_8-.Ltmp1, $4  }
0x10: {  	s14 =	simm.s32 @!p1 $0x2  }
0x11: {  	s12 =	smov.u32 s10;
	_ =	swait.ge @!p1 [sflag:s14], $0x4000  }
0x12: {  	p0 =	por !p0, !p0;
	s11 =	smov.u32 s9;
	[sflag:s14] =	ssyncset.done @!p1 $0x0  }
0x13: {  	s9 =	smov.u32 s13;
	[sflag:s14] =	ssyncadd.s32 @!p1 $0xFFFFC000;
	s10 =	smov.u32 s15  }
.LBB1_1:
0x14: {  	p1 =	sgt.u32 s8, $0x1F  }
0x15: {  	s13 =	sxor.u32 @!p1 $0xFFFFFFFF, s8;
	s14 =	sshll.u32 @!p1 s10, $0xC  }
0x16: {  	s15 =	sshll.u32 @!p1 s9, $0x7;
	s13 =	sshll.u32 @!p1 s13, $0xE;
	s14 =	sadd.s32 @!p1 s2, s14  }
0x17: {  	s13 =	sand.u32 @!p1 $0x4000, s13;
	s14 =	sadd.s32 @!p1 s15, s14;
	s15 =	simm.s32 @!p1 $0x0  }
0x18: {  	[tilespmem:s13], [sflag:$0x1] =	stream.linear.gather @!p1 [hbm4b:s14+s15], $0x4000, $0x38;
	[tilespmem:$0x10000] =	vst v63  }
0x19: {  	p1 =	seq.s32 s8, $0x0  }
0x1a: {  	p2 =	seq.s32 @!p1 s8, $0x21  }
0x1b: {  	p1 =	por p1, p2  }
.Ltmp2:
0x1c: {  	_ = 	snop;
	(pc) =	sbr.rel @p1 .LBB1_7-.Ltmp2, $1  }
0x1d: {  	_ =	sdelay $0x3  }
0x1e: {  	s13 =	simm.s32 $0x1;
	_ =	swait.ge [sflag:s4], $0x4000;
	s16 =	sshll.u32 s8, $0xE  }
0x1f: {  	s13 =	simm.s32 @!p0 $0x0;
	[sflag:s4] =	ssyncset.done $0x0;
	s31 =	sand.u32 $0x4000, s16  }
0x20: {  	s16 =	simm.s32 $0x0;
	s14 =	sshll.u32 s13, $0xE;
	[sflag:s4] =	ssyncadd.s32 $0xFFFFC000  }
0x21: {  	s13 =	sor.u32 $0x8040, s14;
	s15 =	sor.u32 $0x40, s14;
	s14 =	sor.u32 $0x8000, s31  }
.LBB1_3:
0x22: {  	v0 =	vmov s15;
	_ =	sdelay $0x3  }
0x23: {  	s18 =	simm.s32 $0x0  }
0x24: {  	v6 =	vld.idx.msk [tilespmem:v0+s18+$0x30 ss:$0x1], $0xffff  }
0x25: {  	v7 =	vld.idx.msk [tilespmem:v0+s18+$0xFFFFFFC0 ss:$0x1], $0xffff  }
0x26: {  	v5 =	vld.idx.msk [tilespmem:v0+s18+$0xFFFFFFD0 ss:$0x1], $0xffff  }
0x27: {  	v4 =	vld.idx.msk [tilespmem:v0+s18+$0xFFFFFFE0 ss:$0x1], $0xffff  }
0x28: {  	v3 =	vld.idx.msk [tilespmem:v0+s18+$0xFFFFFFF0 ss:$0x1], $0xffff  }
0x29: {  	v1 =	vld.idx.msk [tilespmem:v0+s18+$0x0 ss:$0x1], $0xffff  }
0x2a: {  	v2 =	vld.idx.msk [tilespmem:v0+s18+$0x10 ss:$0x1], $0xffff;
	[tilespmem:s13+$0x30] =	vst v6  }
0x2b: {  	s17 =	simm.s32 $0x80;
	s19 =	simm.s32 $0x400;
	[tilespmem:s13+$0xFFFFFFC0] =	vst v7;
	v6 =	vld.idx.msk [tilespmem:v0+s18+$0x20 ss:$0x1], $0xffff;
	s18 =	smov.u32 s13  }
.LBB1_4:
0x2c: {  	p1 =	sne.s32 s19, $0xE00;
	v7 =	vld.idx.msk [tilespmem:v0+s17+$0x30 ss:$0x1], $0xffff;
	[tilespmem:s18+$0xFFFFFFD0] =	vst v5  }
0x2d: {  	v8 =	vld.idx.msk [tilespmem:v0+s17+$0xFFFFFFC0 ss:$0x1], $0xffff;
	[tilespmem:s18+$0xFFFFFFE0] =	vst v4  }
0x2e: {  	v5 =	vld.idx.msk [tilespmem:v0+s17+$0xFFFFFFD0 ss:$0x1], $0xffff;
	[tilespmem:s18+$0xFFFFFFF0] =	vst v3  }
.Ltmp3:
0x2f: {  	v4 =	vld.idx.msk [tilespmem:v0+s17+$0xFFFFFFE0 ss:$0x1], $0xffff;
	[tilespmem:s18+$0x0] =	vst v1;
	(pc) =	sbr.rel @p1 .LBB1_4-.Ltmp3, $4  }
0x30: {  	v3 =	vld.idx.msk [tilespmem:v0+s17+$0xFFFFFFF0 ss:$0x1], $0xffff;
	[tilespmem:s18+$0x10] =	vst v2  }
0x31: {  	v1 =	vld.idx.msk [tilespmem:v0+s17+$0x0 ss:$0x1], $0xffff;
	[tilespmem:s18+$0x20] =	vst v6;
	s18 =	sadd.s32 $0x800, s18  }
0x32: {  	v2 =	vld.idx.msk [tilespmem:v0+s17+$0x10 ss:$0x1], $0xffff;
	[tilespmem:s18+$0x30] =	vst v7  }
0x33: {  	[tilespmem:s18+$0xFFFFFFC0] =	vst v8;
	v6 =	vld.idx.msk [tilespmem:v0+s17+$0x20 ss:$0x1], $0xffff;
	s17 =	sshra.s32 s19, $0x2;
	s19 =	sadd.s32 $0x200, s19  }
0x34: {  	_ =	sdelay $0x2  }
0x35: {  	[tilespmem:s18+$0xFFFFFFD0] =	vst v5  }
0x36: {  	v56 =	vld.idx.msk [tilespmem:v0+s17+$0x30 ss:$0x1], $0xffff;
	[tilespmem:s18+$0xFFFFFFE0] =	vst v4  }
0x37: {  	v57 =	vld.idx.msk [tilespmem:v0+s17+$0xFFFFFFC0 ss:$0x1], $0xffff;
	[tilespmem:s18+$0xFFFFFFF0] =	vst v3  }
0x38: {  	v58 =	vld.idx.msk [tilespmem:v0+s17+$0xFFFFFFD0 ss:$0x1], $0xffff;
	[tilespmem:s18+$0x0] =	vst v1  }
0x39: {  	v59 =	vld.idx.msk [tilespmem:v0+s17+$0xFFFFFFE0 ss:$0x1], $0xffff;
	[tilespmem:s18+$0x10] =	vst v2  }
0x3a: {  	v60 =	vld.idx.msk [tilespmem:v0+s17+$0xFFFFFFF0 ss:$0x1], $0xffff;
	s31 =	sadd.s32 $0x800, s18;
	[tilespmem:s18+$0x20] =	vst v6  }
0x3b: {  	v61 =	vld.idx.msk [tilespmem:v0+s17+$0x0 ss:$0x1], $0xffff;
	[tilespmem:s31+$0x30] =	vst v56  }
0x3c: {  	v62 =	vld.idx.msk [tilespmem:v0+s17+$0x10 ss:$0x1], $0xffff;
	s16 =	sadd.s32 $0x1, s16;
	[tilespmem:s31+$0xFFFFFFC0] =	vst v57  }
0x3d: {  	v63 =	vld.idx.msk [tilespmem:v0+s17+$0x20 ss:$0x1], $0xffff;
	p1 =	sne.s32 s16, $0x10;
	[tilespmem:s31+$0xFFFFFFD0] =	vst v58  }
.Ltmp4:
0x3e: {  	[tilespmem:s31+$0xFFFFFFE0] =	vst v59;
	(pc) =	sbr.rel @p1 .LBB1_3-.Ltmp4, $4  }
0x3f: {  	[tilespmem:s31+$0xFFFFFFF0] =	vst v60  }
0x40: {  	[tilespmem:s31+$0x0] =	vst v61  }
0x41: {  	[tilespmem:s31+$0x10] =	vst v62  }
0x42: {  	s13 =	sadd.s32 $0x80, s13;
	s15 =	sadd.s32 $0x400, s15;
	[tilespmem:s31+$0x20] =	vst v63  }
.Ltmp5:
0x43: {  	(pc) =	sbr.rel .LBB1_7-.Ltmp5, $4  }
0x44: {  	s12 =	sshll.u32 s12, $0xC;
	s11 =	sshll.u32 s11, $0x4  }
0x45: {  	s11 =	sand.u32 $0x1F0, s11;
	s12 =	sadd.s32 s3, s12  }
0x46: {  	s11 =	sadd.s32 s11, s12  }
0x47: {  	[hbm4b:s11+s6] =	stream.strided.scatter [tilespmem:s14], [sflag:$0x2], $0x4000, s7, s6, $0x38;
	[tilespmem:$0x10000] =	vst v63  }
.LBB1_8:
0x48: {  	_ =	sfence.sel $0x180000  }
0x49: {  	s2 =	simm.s32 $0x1;
	[bflag:$0x0] =	sbarrier.arrive $0xFFFF  }
0x4a: {  	s31 =	simm.s32 $0x2;
	[sflag:s2] =	ssyncpa.u1 $0x1  }
0x4b: {  	[sflag:s31] =	ssyncpa.u1 $0x1  }
0x4c: {  	p0 =	sne.s32 s1, $0x0;
	_ =	strace $0x9000004A  }
0x4d: {  	s0 =	sadd.s32 @!p0 $0x100000, s0;
	[bflag:$0x2] =	sbarrier.arrive $0xFFFF  }
0x4e: {  	[sflag:s0] =	ssyncadd.tile.s32 @!p0 $0x1;
	_ =	shalt  }
.Lfunc_end1:
_tile_overlayer_lowered:
.L_overlay_start_2:
0x4f: {  	(tag) =	ssettag $0x2  }
0x50: {  	s0 =	rddreg [dreg:$0x0];
	s2 =	stileid.u32  }
0x51: {  	s1 =	rddreg [dreg:$0x1];
	p0 =	sne.s32 s2, $0x0  }
0x52: {  	s3 =	rddreg [dreg:$0x2];
	[bflag:$0x3] =	sbarrier.arrive $0xFFFF;
	s2 =	simm.s32 @!p0 $0x1C01  }
0x53: {  	[timem:s3], [sflag:s2] =	dma.local @!p0 [hbm:s0], s1  }
0x54: {  	s0 =	simm.s32 @!p0 $0x1  }
0x55: {  	_ =	swait.ge @!p0 [sflag:s0], s1  }
0x56: {  	s1 =	ssub.s32 @!p0 $0x0, s1;
	[sflag:s0] =	ssyncset.done @!p0 $0x0  }
0x57: {  	[sflag:s0] =	ssyncadd.s32 @!p0 s1  }
0x58: {  	[bflag:$0x3] =	sbarrier.arrive $0xFFFF  }
0x59: {  	_ =	shalt  }

</sc_bundles>
